<compile_context>
chip_gen: v7x
topology: tpu7x:2x2x1
jax: 0.10.2.dev20260603
libtpu: 0.0.44.dev20260713+nightly
codegen_flags: <defaults>
</compile_context>

<pallas_src>
import functools

import jax
import jax.numpy as jnp
from jax import lax
from jax.experimental import pallas as pl
from jax.experimental.pallas import tpu as pltpu
from jax.experimental.pallas import tpu_sc as plsc


def _sc_gather(ids_flat, word_table, n_tokens, d):
    info = plsc.get_sparse_core_info()
    nc, ns = info.num_cores, info.num_subcores
    nw = nc * ns
    chunk = 64
    tok_per_w = n_tokens // nw
    n_pairs = tok_per_w // (2 * chunk)
    assert tok_per_w * nw == n_tokens and n_pairs * 2 * chunk == tok_per_w

    mesh = plsc.VectorSubcoreMesh(core_axis_name="c", subcore_axis_name="s")

    @functools.partial(
        pl.kernel,
        mesh=mesh,
        out_type=jax.ShapeDtypeStruct((n_tokens, d), jnp.float32),
        scratch_types=[
            pltpu.VMEM((chunk,), jnp.int32),
            pltpu.VMEM((chunk,), jnp.int32),
            pltpu.VMEM((chunk, d), jnp.float32),
            pltpu.VMEM((chunk, d), jnp.float32),
            pltpu.SemaphoreType.DMA,
            pltpu.SemaphoreType.DMA,
            pltpu.SemaphoreType.DMA,
            pltpu.SemaphoreType.DMA,
        ],
    )
    def gather_kernel(ids_hbm, table_hbm, out_hbm, idx_a, idx_b, rows_a,
                      rows_b, sem_ga, sem_gb, sem_wa, sem_wb):
        wid = lax.axis_index("s") * nc + lax.axis_index("c")
        base0 = wid * tok_per_w

        def out_at(tok):
            return out_hbm.at[pl.ds(tok, chunk)]

        pltpu.sync_copy(ids_hbm.at[pl.ds(base0, chunk)], idx_a)
        pltpu.async_copy(table_hbm.at[idx_a], rows_a, sem_ga)

        def body(g, carry):
            tok_a = base0 + (2 * g) * chunk
            tok_b = tok_a + chunk
            pltpu.make_async_copy(table_hbm.at[idx_a], rows_a, sem_ga).wait()

            @pl.when(g > 0)
            def _():
                pltpu.make_async_copy(rows_b, out_at(tok_b - 2 * chunk),
                                      sem_wb).wait()

            wr_a = pltpu.async_copy(rows_a, out_at(tok_a), sem_wa)
            pltpu.sync_copy(ids_hbm.at[pl.ds(tok_b, chunk)], idx_b)
            pltpu.async_copy(table_hbm.at[idx_b], rows_b, sem_gb)
            pltpu.make_async_copy(table_hbm.at[idx_b], rows_b, sem_gb).wait()
            wr_a.wait()
            pltpu.async_copy(rows_b, out_at(tok_b), sem_wb)

            @pl.when(g < n_pairs - 1)
            def _():
                tok_n = tok_b + chunk
                pltpu.sync_copy(ids_hbm.at[pl.ds(tok_n, chunk)], idx_a)
                pltpu.async_copy(table_hbm.at[idx_a], rows_a, sem_ga)

            return carry

        lax.fori_loop(0, n_pairs, body, 0)
        pltpu.make_async_copy(
            rows_b, out_at(base0 + tok_per_w - chunk), sem_wb).wait()

    return gather_kernel(ids_flat, word_table)


def _tc_epilogue(word_rows, type_ids, type_table, pos_emb, gamma, beta,
                 b_total, b_base, out_prev):
    b, s, d = word_rows.shape
    t = type_table.shape[0]

    def body(*refs):
        ids_ref, x_ref, ttab_ref, pos_ref, gamma_ref, beta_ref = refs[:6]
        out_ref, buf, sem = refs[-3], refs[-2], refs[-1]
        i = pl.program_id(0)
        slot = lax.rem(i, 2)

        def wr_copy(step, s_slot):
            return pltpu.make_async_copy(
                buf.at[s_slot], out_ref.at[pl.ds(b_base + step, 1)],
                sem.at[s_slot])

        @pl.when(i >= 2)
        def _():
            wr_copy(i - 2, slot).wait()

        x = x_ref[0]
        ids = ids_ref[0, 0]
        iota_t = lax.broadcasted_iota(jnp.int32, (1, t), 1)
        onehot = (ids[:, None] == iota_t).astype(jnp.float32)
        type_rows = jnp.dot(onehot, ttab_ref[...],
                            preferred_element_type=jnp.float32)
        y = x + type_rows + pos_ref[...]
        mean = jnp.mean(y, axis=-1, keepdims=True)
        c = y - mean
        var = jnp.mean(c * c, axis=-1, keepdims=True)
        norm = c * lax.rsqrt(var + 1e-12)
        res = (norm * gamma_ref[...] + beta_ref[...])[None]

        @pl.when(slot == 0)
        def _():
            buf[0] = res

        @pl.when(slot == 1)
        def _():
            buf[1] = res

        wr_copy(i, slot).start()

        @pl.when(i == b - 1)
        def _():
            @pl.when(jnp.int32(b) >= 2)
            def _():
                wr_copy(i - 1, 1 - slot).wait()
            wr_copy(i, slot).wait()

    in_specs = [
        pl.BlockSpec((1, 1, s), lambda i: (i, 0, 0)),
        pl.BlockSpec((1, s, d), lambda i: (i, 0, 0)),
        pl.BlockSpec((t, d), lambda i: (0, 0)),
        pl.BlockSpec((s, d), lambda i: (0, 0)),
        pl.BlockSpec((1, d), lambda i: (0, 0)),
        pl.BlockSpec((1, d), lambda i: (0, 0)),
    ]
    args = [type_ids.reshape(b, 1, s).astype(jnp.int32), word_rows,
            type_table, pos_emb, gamma.reshape(1, d), beta.reshape(1, d)]
    aliases = {}
    if out_prev is not None:
        in_specs.append(pl.BlockSpec(memory_space=pl.ANY))
        args.append(out_prev)
        aliases = {6: 0}
    return pl.pallas_call(
        body,
        grid=(b,),
        in_specs=in_specs,
        out_specs=pl.BlockSpec(memory_space=pl.ANY),
        out_shape=jax.ShapeDtypeStruct((b_total, s, d), jnp.float32),
        input_output_aliases=aliases,
        scratch_shapes=[
            pltpu.VMEM((2, 1, s, d), jnp.float32),
            pltpu.SemaphoreType.DMA((2,)),
        ],
    )(*args)


def kernel(input_word_ids, input_type_ids, word_table, type_table, pos_emb,
           gamma, beta):
    b, s = input_word_ids.shape
    v, d = word_table.shape
    sizes = [16] * 8
    assert sum(sizes) == b
    ids32 = input_word_ids.astype(jnp.int32)
    type32 = input_type_ids.astype(jnp.int32)
    starts = [sum(sizes[:k]) for k in range(len(sizes))]
    rows = [
        _sc_gather(ids32[b0:b0 + bs].reshape(-1), word_table,
                   bs * s, d).reshape(bs, s, d)
        for b0, bs in zip(starts, sizes)
    ]
    out = None
    for k, (b0, bs) in enumerate(zip(starts, sizes)):
        out = _tc_epilogue(rows[k], type32[b0:b0 + bs], type_table,
                           pos_emb, gamma, beta, b, b0, out)
    return out

# --- scband reference (transcript-rebuilt; emitter-appended) ---
"""Pipeline reference for scband-embedding-processor-55387898249283 (READ-ONLY COPY).

The authoritative reference and input builder live on the scoring server;
editing this copy changes nothing except your own understanding.
"""

import jax, jax.numpy as jnp
import numpy as np

B, S, V, T, D = 128, 512, 100000, 16, 768

def setup_inputs(seed: int = 0) -> dict:
    key = jax.random.key(seed)
    k1, k2, k3, k4, k5 = jax.random.split(key, 5)
    input_word_ids = jax.random.randint(k1, (B, S), 0, V, dtype=jnp.int64) if jax.config.read('jax_enable_x64') else jax.random.randint(k1, (B, S), 0, V)
    input_type_ids = jax.random.randint(k2, (B, S), 0, T)
    word_table = (jax.random.normal(k3, (V, D), dtype=jnp.float32) * 0.02)
    type_table = (jax.random.normal(k4, (T, D), dtype=jnp.float32) * 0.02)
    pos_emb = (jax.random.normal(k5, (S, D), dtype=jnp.float32) * 0.02)
    gamma = jnp.ones((D,), dtype=jnp.float32)
    beta = jnp.zeros((D,), dtype=jnp.float32)
    return {
        'input_word_ids': input_word_ids,
        'input_type_ids': input_type_ids,
        'word_table': word_table,
        'type_table': type_table,
        'pos_emb': pos_emb,
        'gamma': gamma,
        'beta': beta,
    }

def reference(input_word_ids, input_type_ids, word_table, type_table, pos_emb, gamma, beta):
    # embedding lookups (SparseCore gathers)
    token_word_embeddings = jnp.take(word_table, input_word_ids, axis=0)   # [B, S, D]
    token_type_embeddings = jnp.take(type_table, input_type_ids, axis=0)   # [B, S, D]
    token_pos_embeddings = pos_emb[None, :, :]                             # [1, S, D]
    output = token_word_embeddings + token_type_embeddings + token_pos_embeddings
    # LayerNormalization(axis=-1, epsilon=1e-12)
    mean = jnp.mean(output, axis=-1, keepdims=True)
    var = jnp.mean(jnp.square(output - mean), axis=-1, keepdims=True)
    output = (output - mean) / jnp.sqrt(var + 1e-12) * gamma + beta
    # dropout rate = 0.0 -> identity
    return output

if __name__ == "__main__":
    import jax
    _d = setup_inputs()
    print(jax.jit(kernel)(*tuple(_d.values())))

</pallas_src>

<mosaic_0001>
#map = affine_map<(d0, d1) -> (0)>
#map1 = affine_map<(d0, d1) -> (0, 0)>
module attributes {stable_mosaic.version = 14 : i64} {
  func.func @gather_kernel(%arg0: i32, %arg1: i32, %arg2: memref<8192xi32, #tpu.memory_space<hbm>>, %arg3: memref<100000x768xf32, #tpu.memory_space<hbm>>, %arg4: memref<8192x768xf32, #tpu.memory_space<hbm>>, %arg5: memref<64xi32, #tpu.memory_space<vmem>>, %arg6: memref<64xi32, #tpu.memory_space<vmem>>, %arg7: memref<64x768xf32, #tpu.memory_space<vmem>>, %arg8: memref<64x768xf32, #tpu.memory_space<vmem>>, %arg9: memref<!tpu.dma_semaphore, #tpu.memory_space<semaphore_mem>>, %arg10: memref<!tpu.dma_semaphore, #tpu.memory_space<semaphore_mem>>, %arg11: memref<!tpu.dma_semaphore, #tpu.memory_space<semaphore_mem>>, %arg12: memref<!tpu.dma_semaphore, #tpu.memory_space<semaphore_mem>>) attributes {dimension_semantics = [#tpu.dimension_semantics<core_parallel>, #tpu.dimension_semantics<subcore_parallel>], iteration_bounds = array<i64: 2, 16>, scalar_prefetch = 0 : i64, scratch_operands = 8 : i64, tpu.core_type = #tpu.core_type<sc_vector_subcore>, window_params = [{transform_indices = #map}, {transform_indices = #map1}, {transform_indices = #map1}]} {
    %mul3A = arith.constant 2 : i32
    %mul3A_0 = arith.muli %arg1, %mul3A : i32
    %add3A = arith.addi %mul3A_0, %arg0 : i32
    %mul3A_1 = arith.constant 256 : i32
    %mul3A_2 = arith.muli %add3A, %mul3A_1 : i32
    "tpu.region"() ({
      %run_scoped3A = tpu.sem_alloc : memref<!tpu.dma_semaphore, #tpu.memory_space<semaphore_mem>>
      %dma_start3A_16 = tpu.memref_slice %arg2[%mul3A_2] : memref<8192xi32, #tpu.memory_space<hbm>> -> memref<64xi32, #tpu.memory_space<hbm>>
      %dma_start3A_17 = tpu.memref_slice %arg2[%mul3A_2] : memref<8192xi32, #tpu.memory_space<hbm>> -> memref<64xi32, #tpu.memory_space<hbm>>
      tpu.enqueue_dma source(%dma_start3A_17 : memref<64xi32, #tpu.memory_space<hbm>>) target(%arg5 : memref<64xi32, #tpu.memory_space<vmem>>) target_semaphore(%run_scoped3A : memref<!tpu.dma_semaphore, #tpu.memory_space<semaphore_mem>>)
      %dma_wait3A_18 = tpu.memref_slice %arg2[%mul3A_2] : memref<8192xi32, #tpu.memory_space<hbm>> -> memref<64xi32, #tpu.memory_space<hbm>>
      %dma_wait3A_19 = tpu.memref_slice %arg2[%mul3A_2] : memref<8192xi32, #tpu.memory_space<hbm>> -> memref<64xi32, #tpu.memory_space<hbm>>
      tpu.wait_dma2 semaphore(%run_scoped3A : memref<!tpu.dma_semaphore, #tpu.memory_space<semaphore_mem>>) src(%dma_wait3A_19 : memref<64xi32, #tpu.memory_space<hbm>>) dst(%arg5 : memref<64xi32, #tpu.memory_space<vmem>>)
      tpu.yield
    }) : () -> ()
    %dma_start3A = arith.constant 0 : i32
    %dma_start3A_3 = arith.constant 0 : i32
    %dma_start3A_4 = tpu.memref_slice %arg3[%dma_start3A, %dma_start3A_3] : memref<100000x768xf32, #tpu.memory_space<hbm>> -> memref<100000x768xf32, #tpu.memory_space<hbm>>
    tpu.enqueue_indirect_dma source(%dma_start3A_4 : memref<100000x768xf32, #tpu.memory_space<hbm>>) target(%arg7 : memref<64x768xf32, #tpu.memory_space<vmem>>) offsets(%arg5 : memref<64xi32, #tpu.memory_space<vmem>>) semaphore(%arg9 : memref<!tpu.dma_semaphore, #tpu.memory_space<semaphore_mem>>)
    %scan3A = arith.constant 0 : i32
    %scan3A_5 = arith.constant 0 : i32
    %scan3A_6 = arith.constant 2 : i32
    %scan3A_7 = arith.addi %scan3A_5, %scan3A_6 : i32
    %scan3A_8 = arith.constant 1 : i32
    scf.for %scan3A_16 = %scan3A_5 to %scan3A_7 step %scan3A_8  : i32 {
      %mul3A_17 = arith.constant 2 : i32
      %mul3A_18 = arith.muli %mul3A_17, %scan3A_16 : i32
      %mul3A_19 = arith.constant 64 : i32
      %mul3A_20 = arith.muli %mul3A_18, %mul3A_19 : i32
      %add3A_21 = arith.addi %mul3A_2, %mul3A_20 : i32
      %add3A_22 = arith.constant 64 : i32
      %add3A_23 = arith.addi %add3A_21, %add3A_22 : i32
      %dma_wait3A_24 = arith.constant 0 : i32
      %dma_wait3A_25 = arith.constant 0 : i32
      %dma_wait3A_26 = tpu.memref_slice %arg3[%dma_wait3A_24, %dma_wait3A_25] : memref<100000x768xf32, #tpu.memory_space<hbm>> -> memref<100000x768xf32, #tpu.memory_space<hbm>>
      tpu.wait_indirect_dma semaphore(%arg9 : memref<!tpu.dma_semaphore, #tpu.memory_space<semaphore_mem>>) src(%dma_wait3A_26 : memref<100000x768xf32, #tpu.memory_space<hbm>>) dst(%arg7 : memref<64x768xf32, #tpu.memory_space<vmem>>)
      %gt3A = arith.constant 0 : i32
      %gt3A_27 = arith.cmpi sgt, %scan3A_16, %gt3A : i32
      %convert_element_type3A = arith.extui %gt3A_27 : i1 to i32
      %cond3A = arith.constant 0 : i32
      %cond3A_28 = arith.cmpi ne, %convert_element_type3A, %cond3A : i32
      scf.if %cond3A_28 {
        %sub3A_51 = arith.constant 128 : i32
        %sub3A_52 = arith.subi %add3A_23, %sub3A_51 : i32
        %dma_wait3A_53 = arith.constant 0 : i32
        %dma_wait3A_54 = tpu.memref_slice %arg4[%sub3A_52, %dma_wait3A_53] : memref<8192x768xf32, #tpu.memory_space<hbm>> -> memref<64x768xf32, #tpu.memory_space<hbm>>
        %dma_wait3A_55 = arith.constant 0 : i32
        %dma_wait3A_56 = tpu.memref_slice %arg4[%sub3A_52, %dma_wait3A_55] : memref<8192x768xf32, #tpu.memory_space<hbm>> -> memref<64x768xf32, #tpu.memory_space<hbm>>
        tpu.wait_dma2 semaphore(%arg12 : memref<!tpu.dma_semaphore, #tpu.memory_space<semaphore_mem>>) src(%arg8 : memref<64x768xf32, #tpu.memory_space<vmem>>) dst(%dma_wait3A_56 : memref<64x768xf32, #tpu.memory_space<hbm>>)
      } else {
      }
      %dma_start3A_29 = arith.constant 0 : i32
      %dma_start3A_30 = tpu.memref_slice %arg4[%add3A_21, %dma_start3A_29] : memref<8192x768xf32, #tpu.memory_space<hbm>> -> memref<64x768xf32, #tpu.memory_space<hbm>>
      %dma_start3A_31 = arith.constant 0 : i32
      %dma_start3A_32 = tpu.memref_slice %arg4[%add3A_21, %dma_start3A_31] : memref<8192x768xf32, #tpu.memory_space<hbm>> -> memref<64x768xf32, #tpu.memory_space<hbm>>
      tpu.enqueue_dma source(%arg7 : memref<64x768xf32, #tpu.memory_space<vmem>>) target(%dma_start3A_32 : memref<64x768xf32, #tpu.memory_space<hbm>>) target_semaphore(%arg11 : memref<!tpu.dma_semaphore, #tpu.memory_space<semaphore_mem>>)
      "tpu.region"() ({
        %run_scoped3A = tpu.sem_alloc : memref<!tpu.dma_semaphore, #tpu.memory_space<semaphore_mem>>
        %dma_start3A_51 = tpu.memref_slice %arg2[%add3A_23] : memref<8192xi32, #tpu.memory_space<hbm>> -> memref<64xi32, #tpu.memory_space<hbm>>
        %dma_start3A_52 = tpu.memref_slice %arg2[%add3A_23] : memref<8192xi32, #tpu.memory_space<hbm>> -> memref<64xi32, #tpu.memory_space<hbm>>
        tpu.enqueue_dma source(%dma_start3A_52 : memref<64xi32, #tpu.memory_space<hbm>>) target(%arg6 : memref<64xi32, #tpu.memory_space<vmem>>) target_semaphore(%run_scoped3A : memref<!tpu.dma_semaphore, #tpu.memory_space<semaphore_mem>>)
        %dma_wait3A_53 = tpu.memref_slice %arg2[%add3A_23] : memref<8192xi32, #tpu.memory_space<hbm>> -> memref<64xi32, #tpu.memory_space<hbm>>
        %dma_wait3A_54 = tpu.memref_slice %arg2[%add3A_23] : memref<8192xi32, #tpu.memory_space<hbm>> -> memref<64xi32, #tpu.memory_space<hbm>>
        tpu.wait_dma2 semaphore(%run_scoped3A : memref<!tpu.dma_semaphore, #tpu.memory_space<semaphore_mem>>) src(%dma_wait3A_54 : memref<64xi32, #tpu.memory_space<hbm>>) dst(%arg6 : memref<64xi32, #tpu.memory_space<vmem>>)
        tpu.yield
      }) : () -> ()
      %dma_start3A_33 = arith.constant 0 : i32
      %dma_start3A_34 = arith.constant 0 : i32
      %dma_start3A_35 = tpu.memref_slice %arg3[%dma_start3A_33, %dma_start3A_34] : memref<100000x768xf32, #tpu.memory_space<hbm>> -> memref<100000x768xf32, #tpu.memory_space<hbm>>
      tpu.enqueue_indirect_dma source(%dma_start3A_35 : memref<100000x768xf32, #tpu.memory_space<hbm>>) target(%arg8 : memref<64x768xf32, #tpu.memory_space<vmem>>) offsets(%arg6 : memref<64xi32, #tpu.memory_space<vmem>>) semaphore(%arg10 : memref<!tpu.dma_semaphore, #tpu.memory_space<semaphore_mem>>)
      %dma_wait3A_36 = arith.constant 0 : i32
      %dma_wait3A_37 = arith.constant 0 : i32
      %dma_wait3A_38 = tpu.memref_slice %arg3[%dma_wait3A_36, %dma_wait3A_37] : memref<100000x768xf32, #tpu.memory_space<hbm>> -> memref<100000x768xf32, #tpu.memory_space<hbm>>
      tpu.wait_indirect_dma semaphore(%arg10 : memref<!tpu.dma_semaphore, #tpu.memory_space<semaphore_mem>>) src(%dma_wait3A_38 : memref<100000x768xf32, #tpu.memory_space<hbm>>) dst(%arg8 : memref<64x768xf32, #tpu.memory_space<vmem>>)
      %dma_wait3A_39 = arith.constant 0 : i32
      %dma_wait3A_40 = tpu.memref_slice %arg4[%add3A_21, %dma_wait3A_39] : memref<8192x768xf32, #tpu.memory_space<hbm>> -> memref<64x768xf32, #tpu.memory_space<hbm>>
      %dma_wait3A_41 = arith.constant 0 : i32
      %dma_wait3A_42 = tpu.memref_slice %arg4[%add3A_21, %dma_wait3A_41] : memref<8192x768xf32, #tpu.memory_space<hbm>> -> memref<64x768xf32, #tpu.memory_space<hbm>>
      tpu.wait_dma2 semaphore(%arg11 : memref<!tpu.dma_semaphore, #tpu.memory_space<semaphore_mem>>) src(%arg7 : memref<64x768xf32, #tpu.memory_space<vmem>>) dst(%dma_wait3A_42 : memref<64x768xf32, #tpu.memory_space<hbm>>)
      %dma_start3A_43 = arith.constant 0 : i32
      %dma_start3A_44 = tpu.memref_slice %arg4[%add3A_23, %dma_start3A_43] : memref<8192x768xf32, #tpu.memory_space<hbm>> -> memref<64x768xf32, #tpu.memory_space<hbm>>
      %dma_start3A_45 = arith.constant 0 : i32
      %dma_start3A_46 = tpu.memref_slice %arg4[%add3A_23, %dma_start3A_45] : memref<8192x768xf32, #tpu.memory_space<hbm>> -> memref<64x768xf32, #tpu.memory_space<hbm>>
      tpu.enqueue_dma source(%arg8 : memref<64x768xf32, #tpu.memory_space<vmem>>) target(%dma_start3A_46 : memref<64x768xf32, #tpu.memory_space<hbm>>) target_semaphore(%arg12 : memref<!tpu.dma_semaphore, #tpu.memory_space<semaphore_mem>>)
      %lt3A = arith.constant 1 : i32
      %lt3A_47 = arith.cmpi slt, %scan3A_16, %lt3A : i32
      %convert_element_type3A_48 = arith.extui %lt3A_47 : i1 to i32
      %cond3A_49 = arith.constant 0 : i32
      %cond3A_50 = arith.cmpi ne, %convert_element_type3A_48, %cond3A_49 : i32
      scf.if %cond3A_50 {
        %add3A_51 = arith.constant 64 : i32
        %add3A_52 = arith.addi %add3A_23, %add3A_51 : i32
        "tpu.region"() ({
          %run_scoped3A = tpu.sem_alloc : memref<!tpu.dma_semaphore, #tpu.memory_space<semaphore_mem>>
          %dma_start3A_56 = tpu.memref_slice %arg2[%add3A_52] : memref<8192xi32, #tpu.memory_space<hbm>> -> memref<64xi32, #tpu.memory_space<hbm>>
          %dma_start3A_57 = tpu.memref_slice %arg2[%add3A_52] : memref<8192xi32, #tpu.memory_space<hbm>> -> memref<64xi32, #tpu.memory_space<hbm>>
          tpu.enqueue_dma source(%dma_start3A_57 : memref<64xi32, #tpu.memory_space<hbm>>) target(%arg5 : memref<64xi32, #tpu.memory_space<vmem>>) target_semaphore(%run_scoped3A : memref<!tpu.dma_semaphore, #tpu.memory_space<semaphore_mem>>)
          %dma_wait3A_58 = tpu.memref_slice %arg2[%add3A_52] : memref<8192xi32, #tpu.memory_space<hbm>> -> memref<64xi32, #tpu.memory_space<hbm>>
          %dma_wait3A_59 = tpu.memref_slice %arg2[%add3A_52] : memref<8192xi32, #tpu.memory_space<hbm>> -> memref<64xi32, #tpu.memory_space<hbm>>
          tpu.wait_dma2 semaphore(%run_scoped3A : memref<!tpu.dma_semaphore, #tpu.memory_space<semaphore_mem>>) src(%dma_wait3A_59 : memref<64xi32, #tpu.memory_space<hbm>>) dst(%arg5 : memref<64xi32, #tpu.memory_space<vmem>>)
          tpu.yield
        }) : () -> ()
        %dma_start3A_53 = arith.constant 0 : i32
        %dma_start3A_54 = arith.constant 0 : i32
        %dma_start3A_55 = tpu.memref_slice %arg3[%dma_start3A_53, %dma_start3A_54] : memref<100000x768xf32, #tpu.memory_space<hbm>> -> memref<100000x768xf32, #tpu.memory_space<hbm>>
        tpu.enqueue_indirect_dma source(%dma_start3A_55 : memref<100000x768xf32, #tpu.memory_space<hbm>>) target(%arg7 : memref<64x768xf32, #tpu.memory_space<vmem>>) offsets(%arg5 : memref<64xi32, #tpu.memory_space<vmem>>) semaphore(%arg9 : memref<!tpu.dma_semaphore, #tpu.memory_space<semaphore_mem>>)
      } else {
      }
    }
    %scan3A_9 = arith.constant 2 : i32
    %add3A_10 = arith.constant 256 : i32
    %add3A_11 = arith.addi %mul3A_2, %add3A_10 : i32
    %sub3A = arith.constant 64 : i32
    %sub3A_12 = arith.subi %add3A_11, %sub3A : i32
    %dma_wait3A = arith.constant 0 : i32
    %dma_wait3A_13 = tpu.memref_slice %arg4[%sub3A_12, %dma_wait3A] : memref<8192x768xf32, #tpu.memory_space<hbm>> -> memref<64x768xf32, #tpu.memory_space<hbm>>
    %dma_wait3A_14 = arith.constant 0 : i32
    %dma_wait3A_15 = tpu.memref_slice %arg4[%sub3A_12, %dma_wait3A_14] : memref<8192x768xf32, #tpu.memory_space<hbm>> -> memref<64x768xf32, #tpu.memory_space<hbm>>
    tpu.wait_dma2 semaphore(%arg12 : memref<!tpu.dma_semaphore, #tpu.memory_space<semaphore_mem>>) src(%arg8 : memref<64x768xf32, #tpu.memory_space<vmem>>) dst(%dma_wait3A_15 : memref<64x768xf32, #tpu.memory_space<hbm>>)
    return
  }
}

#map = affine_map<(d0, d1) -> (0)>
#map1 = affine_map<(d0, d1) -> (0, 0)>
module attributes {stable_mosaic.version = 14 : i64} {
  func.func @gather_kernel(%arg0: i32, %arg1: i32, %arg2: memref<8192xi32, #tpu.memory_space<hbm>>, %arg3: memref<100000x768xf32, #tpu.memory_space<hbm>>, %arg4: memref<8192x768xf32, #tpu.memory_space<hbm>>, %arg5: memref<64xi32, #tpu.memory_space<vmem>>, %arg6: memref<64xi32, #tpu.memory_space<vmem>>, %arg7: memref<64x768xf32, #tpu.memory_space<vmem>>, %arg8: memref<64x768xf32, #tpu.memory_space<vmem>>, %arg9: memref<!tpu.dma_semaphore, #tpu.memory_space<semaphore_mem>>, %arg10: memref<!tpu.dma_semaphore, #tpu.memory_space<semaphore_mem>>, %arg11: memref<!tpu.dma_semaphore, #tpu.memory_space<semaphore_mem>>, %arg12: memref<!tpu.dma_semaphore, #tpu.memory_space<semaphore_mem>>) attributes {dimension_semantics = [#tpu.dimension_semantics<core_parallel>, #tpu.dimension_semantics<subcore_parallel>], iteration_bounds = array<i64: 2, 16>, scalar_prefetch = 0 : i64, scratch_operands = 8 : i64, tpu.core_type = #tpu.core_type<sc_vector_subcore>, window_params = [{transform_indices = #map}, {transform_indices = #map1}, {transform_indices = #map1}]} {
    %mul3A = arith.constant 2 : i32
    %mul3A_0 = arith.muli %arg1, %mul3A : i32
    %add3A = arith.addi %mul3A_0, %arg0 : i32
    %mul3A_1 = arith.constant 256 : i32
    %mul3A_2 = arith.muli %add3A, %mul3A_1 : i32
    "tpu.region"() ({
      %run_scoped3A = tpu.sem_alloc : memref<!tpu.dma_semaphore, #tpu.memory_space<semaphore_mem>>
      %dma_start3A_16 = tpu.memref_slice %arg2[%mul3A_2] : memref<8192xi32, #tpu.memory_space<hbm>> -> memref<64xi32, #tpu.memory_space<hbm>>
      %dma_start3A_17 = tpu.memref_slice %arg2[%mul3A_2] : memref<8192xi32, #tpu.memory_space<hbm>> -> memref<64xi32, #tpu.memory_space<hbm>>
      tpu.enqueue_dma source(%dma_start3A_17 : memref<64xi32, #tpu.memory_space<hbm>>) target(%arg5 : memref<64xi32, #tpu.memory_space<vmem>>) target_semaphore(%run_scoped3A : memref<!tpu.dma_semaphore, #tpu.memory_space<semaphore_mem>>)
      %dma_wait3A_18 = tpu.memref_slice %arg2[%mul3A_2] : memref<8192xi32, #tpu.memory_space<hbm>> -> memref<64xi32, #tpu.memory_space<hbm>>
      %dma_wait3A_19 = tpu.memref_slice %arg2[%mul3A_2] : memref<8192xi32, #tpu.memory_space<hbm>> -> memref<64xi32, #tpu.memory_space<hbm>>
      tpu.wait_dma2 semaphore(%run_scoped3A : memref<!tpu.dma_semaphore, #tpu.memory_space<semaphore_mem>>) src(%dma_wait3A_19 : memref<64xi32, #tpu.memory_space<hbm>>) dst(%arg5 : memref<64xi32, #tpu.memory_space<vmem>>)
      tpu.yield
    }) : () -> ()
    %dma_start3A = arith.constant 0 : i32
    %dma_start3A_3 = arith.constant 0 : i32
    %dma_start3A_4 = tpu.memref_slice %arg3[%dma_start3A, %dma_start3A_3] : memref<100000x768xf32, #tpu.memory_space<hbm>> -> memref<100000x768xf32, #tpu.memory_space<hbm>>
    tpu.enqueue_indirect_dma source(%dma_start3A_4 : memref<100000x768xf32, #tpu.memory_space<hbm>>) target(%arg7 : memref<64x768xf32, #tpu.memory_space<vmem>>) offsets(%arg5 : memref<64xi32, #tpu.memory_space<vmem>>) semaphore(%arg9 : memref<!tpu.dma_semaphore, #tpu.memory_space<semaphore_mem>>)
    %scan3A = arith.constant 0 : i32
    %scan3A_5 = arith.constant 0 : i32
    %scan3A_6 = arith.constant 2 : i32
    %scan3A_7 = arith.addi %scan3A_5, %scan3A_6 : i32
    %scan3A_8 = arith.constant 1 : i32
    scf.for %scan3A_16 = %scan3A_5 to %scan3A_7 step %scan3A_8  : i32 {
      %mul3A_17 = arith.constant 2 : i32
      %mul3A_18 = arith.muli %mul3A_17, %scan3A_16 : i32
      %mul3A_19 = arith.constant 64 : i32
      %mul3A_20 = arith.muli %mul3A_18, %mul3A_19 : i32
      %add3A_21 = arith.addi %mul3A_2, %mul3A_20 : i32
      %add3A_22 = arith.constant 64 : i32
      %add3A_23 = arith.addi %add3A_21, %add3A_22 : i32
      %dma_wait3A_24 = arith.constant 0 : i32
      %dma_wait3A_25 = arith.constant 0 : i32
      %dma_wait3A_26 = tpu.memref_slice %arg3[%dma_wait3A_24, %dma_wait3A_25] : memref<100000x768xf32, #tpu.memory_space<hbm>> -> memref<100000x768xf32, #tpu.memory_space<hbm>>
      tpu.wait_indirect_dma semaphore(%arg9 : memref<!tpu.dma_semaphore, #tpu.memory_space<semaphore_mem>>) src(%dma_wait3A_26 : memref<100000x768xf32, #tpu.memory_space<hbm>>) dst(%arg7 : memref<64x768xf32, #tpu.memory_space<vmem>>)
      %gt3A = arith.constant 0 : i32
      %gt3A_27 = arith.cmpi sgt, %scan3A_16, %gt3A : i32
      %convert_element_type3A = arith.extui %gt3A_27 : i1 to i32
      %cond3A = arith.constant 0 : i32
      %cond3A_28 = arith.cmpi ne, %convert_element_type3A, %cond3A : i32
      scf.if %cond3A_28 {
        %sub3A_51 = arith.constant 128 : i32
        %sub3A_52 = arith.subi %add3A_23, %sub3A_51 : i32
        %dma_wait3A_53 = arith.constant 0 : i32
        %dma_wait3A_54 = tpu.memref_slice %arg4[%sub3A_52, %dma_wait3A_53] : memref<8192x768xf32, #tpu.memory_space<hbm>> -> memref<64x768xf32, #tpu.memory_space<hbm>>
        %dma_wait3A_55 = arith.constant 0 : i32
        %dma_wait3A_56 = tpu.memref_slice %arg4[%sub3A_52, %dma_wait3A_55] : memref<8192x768xf32, #tpu.memory_space<hbm>> -> memref<64x768xf32, #tpu.memory_space<hbm>>
        tpu.wait_dma2 semaphore(%arg12 : memref<!tpu.dma_semaphore, #tpu.memory_space<semaphore_mem>>) src(%arg8 : memref<64x768xf32, #tpu.memory_space<vmem>>) dst(%dma_wait3A_56 : memref<64x768xf32, #tpu.memory_space<hbm>>)
      } else {
      }
      %dma_start3A_29 = arith.constant 0 : i32
      %dma_start3A_30 = tpu.memref_slice %arg4[%add3A_21, %dma_start3A_29] : memref<8192x768xf32, #tpu.memory_space<hbm>> -> memref<64x768xf32, #tpu.memory_space<hbm>>
      %dma_start3A_31 = arith.constant 0 : i32
      %dma_start3A_32 = tpu.memref_slice %arg4[%add3A_21, %dma_start3A_31] : memref<8192x768xf32, #tpu.memory_space<hbm>> -> memref<64x768xf32, #tpu.memory_space<hbm>>
      tpu.enqueue_dma source(%arg7 : memref<64x768xf32, #tpu.memory_space<vmem>>) target(%dma_start3A_32 : memref<64x768xf32, #tpu.memory_space<hbm>>) target_semaphore(%arg11 : memref<!tpu.dma_semaphore, #tpu.memory_space<semaphore_mem>>)
      "tpu.region"() ({
        %run_scoped3A = tpu.sem_alloc : memref<!tpu.dma_semaphore, #tpu.memory_space<semaphore_mem>>
        %dma_start3A_51 = tpu.memref_slice %arg2[%add3A_23] : memref<8192xi32, #tpu.memory_space<hbm>> -> memref<64xi32, #tpu.memory_space<hbm>>
        %dma_start3A_52 = tpu.memref_slice %arg2[%add3A_23] : memref<8192xi32, #tpu.memory_space<hbm>> -> memref<64xi32, #tpu.memory_space<hbm>>
        tpu.enqueue_dma source(%dma_start3A_52 : memref<64xi32, #tpu.memory_space<hbm>>) target(%arg6 : memref<64xi32, #tpu.memory_space<vmem>>) target_semaphore(%run_scoped3A : memref<!tpu.dma_semaphore, #tpu.memory_space<semaphore_mem>>)
        %dma_wait3A_53 = tpu.memref_slice %arg2[%add3A_23] : memref<8192xi32, #tpu.memory_space<hbm>> -> memref<64xi32, #tpu.memory_space<hbm>>
        %dma_wait3A_54 = tpu.memref_slice %arg2[%add3A_23] : memref<8192xi32, #tpu.memory_space<hbm>> -> memref<64xi32, #tpu.memory_space<hbm>>
        tpu.wait_dma2 semaphore(%run_scoped3A : memref<!tpu.dma_semaphore, #tpu.memory_space<semaphore_mem>>) src(%dma_wait3A_54 : memref<64xi32, #tpu.memory_space<hbm>>) dst(%arg6 : memref<64xi32, #tpu.memory_space<vmem>>)
        tpu.yield
      }) : () -> ()
      %dma_start3A_33 = arith.constant 0 : i32
      %dma_start3A_34 = arith.constant 0 : i32
      %dma_start3A_35 = tpu.memref_slice %arg3[%dma_start3A_33, %dma_start3A_34] : memref<100000x768xf32, #tpu.memory_space<hbm>> -> memref<100000x768xf32, #tpu.memory_space<hbm>>
      tpu.enqueue_indirect_dma source(%dma_start3A_35 : memref<100000x768xf32, #tpu.memory_space<hbm>>) target(%arg8 : memref<64x768xf32, #tpu.memory_space<vmem>>) offsets(%arg6 : memref<64xi32, #tpu.memory_space<vmem>>) semaphore(%arg10 : memref<!tpu.dma_semaphore, #tpu.memory_space<semaphore_mem>>)
      %dma_wait3A_36 = arith.constant 0 : i32
      %dma_wait3A_37 = arith.constant 0 : i32
      %dma_wait3A_38 = tpu.memref_slice %arg3[%dma_wait3A_36, %dma_wait3A_37] : memref<100000x768xf32, #tpu.memory_space<hbm>> -> memref<100000x768xf32, #tpu.memory_space<hbm>>
      tpu.wait_indirect_dma semaphore(%arg10 : memref<!tpu.dma_semaphore, #tpu.memory_space<semaphore_mem>>) src(%dma_wait3A_38 : memref<100000x768xf32, #tpu.memory_space<hbm>>) dst(%arg8 : memref<64x768xf32, #tpu.memory_space<vmem>>)
      %dma_wait3A_39 = arith.constant 0 : i32
      %dma_wait3A_40 = tpu.memref_slice %arg4[%add3A_21, %dma_wait3A_39] : memref<8192x768xf32, #tpu.memory_space<hbm>> -> memref<64x768xf32, #tpu.memory_space<hbm>>
      %dma_wait3A_41 = arith.constant 0 : i32
      %dma_wait3A_42 = tpu.memref_slice %arg4[%add3A_21, %dma_wait3A_41] : memref<8192x768xf32, #tpu.memory_space<hbm>> -> memref<64x768xf32, #tpu.memory_space<hbm>>
      tpu.wait_dma2 semaphore(%arg11 : memref<!tpu.dma_semaphore, #tpu.memory_space<semaphore_mem>>) src(%arg7 : memref<64x768xf32, #tpu.memory_space<vmem>>) dst(%dma_wait3A_42 : memref<64x768xf32, #tpu.memory_space<hbm>>)
      %dma_start3A_43 = arith.constant 0 : i32
      %dma_start3A_44 = tpu.memref_slice %arg4[%add3A_23, %dma_start3A_43] : memref<8192x768xf32, #tpu.memory_space<hbm>> -> memref<64x768xf32, #tpu.memory_space<hbm>>
      %dma_start3A_45 = arith.constant 0 : i32
      %dma_start3A_46 = tpu.memref_slice %arg4[%add3A_23, %dma_start3A_45] : memref<8192x768xf32, #tpu.memory_space<hbm>> -> memref<64x768xf32, #tpu.memory_space<hbm>>
      tpu.enqueue_dma source(%arg8 : memref<64x768xf32, #tpu.memory_space<vmem>>) target(%dma_start3A_46 : memref<64x768xf32, #tpu.memory_space<hbm>>) target_semaphore(%arg12 : memref<!tpu.dma_semaphore, #tpu.memory_space<semaphore_mem>>)
      %lt3A = arith.constant 1 : i32
      %lt3A_47 = arith.cmpi slt, %scan3A_16, %lt3A : i32
      %convert_element_type3A_48 = arith.extui %lt3A_47 : i1 to i32
      %cond3A_49 = arith.constant 0 : i32
      %cond3A_50 = arith.cmpi ne, %convert_element_type3A_48, %cond3A_49 : i32
      scf.if %cond3A_50 {
        %add3A_51 = arith.constant 64 : i32
        %add3A_52 = arith.addi %add3A_23, %add3A_51 : i32
        "tpu.region"() ({
          %run_scoped3A = tpu.sem_alloc : memref<!tpu.dma_semaphore, #tpu.memory_space<semaphore_mem>>
          %dma_start3A_56 = tpu.memref_slice %arg2[%add3A_52] : memref<8192xi32, #tpu.memory_space<hbm>> -> memref<64xi32, #tpu.memory_space<hbm>>
          %dma_start3A_57 = tpu.memref_slice %arg2[%add3A_52] : memref<8192xi32, #tpu.memory_space<hbm>> -> memref<64xi32, #tpu.memory_space<hbm>>
          tpu.enqueue_dma source(%dma_start3A_57 : memref<64xi32, #tpu.memory_space<hbm>>) target(%arg5 : memref<64xi32, #tpu.memory_space<vmem>>) target_semaphore(%run_scoped3A : memref<!tpu.dma_semaphore, #tpu.memory_space<semaphore_mem>>)
          %dma_wait3A_58 = tpu.memref_slice %arg2[%add3A_52] : memref<8192xi32, #tpu.memory_space<hbm>> -> memref<64xi32, #tpu.memory_space<hbm>>
          %dma_wait3A_59 = tpu.memref_slice %arg2[%add3A_52] : memref<8192xi32, #tpu.memory_space<hbm>> -> memref<64xi32, #tpu.memory_space<hbm>>
          tpu.wait_dma2 semaphore(%run_scoped3A : memref<!tpu.dma_semaphore, #tpu.memory_space<semaphore_mem>>) src(%dma_wait3A_59 : memref<64xi32, #tpu.memory_space<hbm>>) dst(%arg5 : memref<64xi32, #tpu.memory_space<vmem>>)
          tpu.yield
        }) : () -> ()
        %dma_start3A_53 = arith.constant 0 : i32
        %dma_start3A_54 = arith.constant 0 : i32
        %dma_start3A_55 = tpu.memref_slice %arg3[%dma_start3A_53, %dma_start3A_54] : memref<100000x768xf32, #tpu.memory_space<hbm>> -> memref<100000x768xf32, #tpu.memory_space<hbm>>
        tpu.enqueue_indirect_dma source(%dma_start3A_55 : memref<100000x768xf32, #tpu.memory_space<hbm>>) target(%arg7 : memref<64x768xf32, #tpu.memory_space<vmem>>) offsets(%arg5 : memref<64xi32, #tpu.memory_space<vmem>>) semaphore(%arg9 : memref<!tpu.dma_semaphore, #tpu.memory_space<semaphore_mem>>)
      } else {
      }
    }
    %scan3A_9 = arith.constant 2 : i32
    %add3A_10 = arith.constant 256 : i32
    %add3A_11 = arith.addi %mul3A_2, %add3A_10 : i32
    %sub3A = arith.constant 64 : i32
    %sub3A_12 = arith.subi %add3A_11, %sub3A : i32
    %dma_wait3A = arith.constant 0 : i32
    %dma_wait3A_13 = tpu.memref_slice %arg4[%sub3A_12, %dma_wait3A] : memref<8192x768xf32, #tpu.memory_space<hbm>> -> memref<64x768xf32, #tpu.memory_space<hbm>>
    %dma_wait3A_14 = arith.constant 0 : i32
    %dma_wait3A_15 = tpu.memref_slice %arg4[%sub3A_12, %dma_wait3A_14] : memref<8192x768xf32, #tpu.memory_space<hbm>> -> memref<64x768xf32, #tpu.memory_space<hbm>>
    tpu.wait_dma2 semaphore(%arg12 : memref<!tpu.dma_semaphore, #tpu.memory_space<semaphore_mem>>) src(%arg8 : memref<64x768xf32, #tpu.memory_space<vmem>>) dst(%dma_wait3A_15 : memref<64x768xf32, #tpu.memory_space<hbm>>)
    return
  }
}

#map = affine_map<(d0, d1) -> (0)>
#map1 = affine_map<(d0, d1) -> (0, 0)>
module attributes {stable_mosaic.version = 14 : i64} {
  func.func @gather_kernel(%arg0: i32, %arg1: i32, %arg2: memref<8192xi32, #tpu.memory_space<hbm>>, %arg3: memref<100000x768xf32, #tpu.memory_space<hbm>>, %arg4: memref<8192x768xf32, #tpu.memory_space<hbm>>, %arg5: memref<64xi32, #tpu.memory_space<vmem>>, %arg6: memref<64xi32, #tpu.memory_space<vmem>>, %arg7: memref<64x768xf32, #tpu.memory_space<vmem>>, %arg8: memref<64x768xf32, #tpu.memory_space<vmem>>, %arg9: memref<!tpu.dma_semaphore, #tpu.memory_space<semaphore_mem>>, %arg10: memref<!tpu.dma_semaphore, #tpu.memory_space<semaphore_mem>>, %arg11: memref<!tpu.dma_semaphore, #tpu.memory_space<semaphore_mem>>, %arg12: memref<!tpu.dma_semaphore, #tpu.memory_space<semaphore_mem>>) attributes {dimension_semantics = [#tpu.dimension_semantics<core_parallel>, #tpu.dimension_semantics<subcore_parallel>], iteration_bounds = array<i64: 2, 16>, scalar_prefetch = 0 : i64, scratch_operands = 8 : i64, tpu.core_type = #tpu.core_type<sc_vector_subcore>, window_params = [{transform_indices = #map}, {transform_indices = #map1}, {transform_indices = #map1}]} {
    %mul3A = arith.constant 2 : i32
    %mul3A_0 = arith.muli %arg1, %mul3A : i32
    %add3A = arith.addi %mul3A_0, %arg0 : i32
    %mul3A_1 = arith.constant 256 : i32
    %mul3A_2 = arith.muli %add3A, %mul3A_1 : i32
    "tpu.region"() ({
      %run_scoped3A = tpu.sem_alloc : memref<!tpu.dma_semaphore, #tpu.memory_space<semaphore_mem>>
      %dma_start3A_16 = tpu.memref_slice %arg2[%mul3A_2] : memref<8192xi32, #tpu.memory_space<hbm>> -> memref<64xi32, #tpu.memory_space<hbm>>
      %dma_start3A_17 = tpu.memref_slice %arg2[%mul3A_2] : memref<8192xi32, #tpu.memory_space<hbm>> -> memref<64xi32, #tpu.memory_space<hbm>>
      tpu.enqueue_dma source(%dma_start3A_17 : memref<64xi32, #tpu.memory_space<hbm>>) target(%arg5 : memref<64xi32, #tpu.memory_space<vmem>>) target_semaphore(%run_scoped3A : memref<!tpu.dma_semaphore, #tpu.memory_space<semaphore_mem>>)
      %dma_wait3A_18 = tpu.memref_slice %arg2[%mul3A_2] : memref<8192xi32, #tpu.memory_space<hbm>> -> memref<64xi32, #tpu.memory_space<hbm>>
      %dma_wait3A_19 = tpu.memref_slice %arg2[%mul3A_2] : memref<8192xi32, #tpu.memory_space<hbm>> -> memref<64xi32, #tpu.memory_space<hbm>>
      tpu.wait_dma2 semaphore(%run_scoped3A : memref<!tpu.dma_semaphore, #tpu.memory_space<semaphore_mem>>) src(%dma_wait3A_19 : memref<64xi32, #tpu.memory_space<hbm>>) dst(%arg5 : memref<64xi32, #tpu.memory_space<vmem>>)
      tpu.yield
    }) : () -> ()
    %dma_start3A = arith.constant 0 : i32
    %dma_start3A_3 = arith.constant 0 : i32
    %dma_start3A_4 = tpu.memref_slice %arg3[%dma_start3A, %dma_start3A_3] : memref<100000x768xf32, #tpu.memory_space<hbm>> -> memref<100000x768xf32, #tpu.memory_space<hbm>>
    tpu.enqueue_indirect_dma source(%dma_start3A_4 : memref<100000x768xf32, #tpu.memory_space<hbm>>) target(%arg7 : memref<64x768xf32, #tpu.memory_space<vmem>>) offsets(%arg5 : memref<64xi32, #tpu.memory_space<vmem>>) semaphore(%arg9 : memref<!tpu.dma_semaphore, #tpu.memory_space<semaphore_mem>>)
    %scan3A = arith.constant 0 : i32
    %scan3A_5 = arith.constant 0 : i32
    %scan3A_6 = arith.constant 2 : i32
    %scan3A_7 = arith.addi %scan3A_5, %scan3A_6 : i32
    %scan3A_8 = arith.constant 1 : i32
    scf.for %scan3A_16 = %scan3A_5 to %scan3A_7 step %scan3A_8  : i32 {
      %mul3A_17 = arith.constant 2 : i32
      %mul3A_18 = arith.muli %mul3A_17, %scan3A_16 : i32
      %mul3A_19 = arith.constant 64 : i32
      %mul3A_20 = arith.muli %mul3A_18, %mul3A_19 : i32
      %add3A_21 = arith.addi %mul3A_2, %mul3A_20 : i32
      %add3A_22 = arith.constant 64 : i32
      %add3A_23 = arith.addi %add3A_21, %add3A_22 : i32
      %dma_wait3A_24 = arith.constant 0 : i32
      %dma_wait3A_25 = arith.constant 0 : i32
      %dma_wait3A_26 = tpu.memref_slice %arg3[%dma_wait3A_24, %dma_wait3A_25] : memref<100000x768xf32, #tpu.memory_space<hbm>> -> memref<100000x768xf32, #tpu.memory_space<hbm>>
      tpu.wait_indirect_dma semaphore(%arg9 : memref<!tpu.dma_semaphore, #tpu.memory_space<semaphore_mem>>) src(%dma_wait3A_26 : memref<100000x768xf32, #tpu.memory_space<hbm>>) dst(%arg7 : memref<64x768xf32, #tpu.memory_space<vmem>>)
      %gt3A = arith.constant 0 : i32
      %gt3A_27 = arith.cmpi sgt, %scan3A_16, %gt3A : i32
      %convert_element_type3A = arith.extui %gt3A_27 : i1 to i32
      %cond3A = arith.constant 0 : i32
      %cond3A_28 = arith.cmpi ne, %convert_element_type3A, %cond3A : i32
      scf.if %cond3A_28 {
        %sub3A_51 = arith.constant 128 : i32
        %sub3A_52 = arith.subi %add3A_23, %sub3A_51 : i32
        %dma_wait3A_53 = arith.constant 0 : i32
        %dma_wait3A_54 = tpu.memref_slice %arg4[%sub3A_52, %dma_wait3A_53] : memref<8192x768xf32, #tpu.memory_space<hbm>> -> memref<64x768xf32, #tpu.memory_space<hbm>>
        %dma_wait3A_55 = arith.constant 0 : i32
        %dma_wait3A_56 = tpu.memref_slice %arg4[%sub3A_52, %dma_wait3A_55] : memref<8192x768xf32, #tpu.memory_space<hbm>> -> memref<64x768xf32, #tpu.memory_space<hbm>>
        tpu.wait_dma2 semaphore(%arg12 : memref<!tpu.dma_semaphore, #tpu.memory_space<semaphore_mem>>) src(%arg8 : memref<64x768xf32, #tpu.memory_space<vmem>>) dst(%dma_wait3A_56 : memref<64x768xf32, #tpu.memory_space<hbm>>)
      } else {
      }
      %dma_start3A_29 = arith.constant 0 : i32
      %dma_start3A_30 = tpu.memref_slice %arg4[%add3A_21, %dma_start3A_29] : memref<8192x768xf32, #tpu.memory_space<hbm>> -> memref<64x768xf32, #tpu.memory_space<hbm>>
      %dma_start3A_31 = arith.constant 0 : i32
      %dma_start3A_32 = tpu.memref_slice %arg4[%add3A_21, %dma_start3A_31] : memref<8192x768xf32, #tpu.memory_space<hbm>> -> memref<64x768xf32, #tpu.memory_space<hbm>>
      tpu.enqueue_dma source(%arg7 : memref<64x768xf32, #tpu.memory_space<vmem>>) target(%dma_start3A_32 : memref<64x768xf32, #tpu.memory_space<hbm>>) target_semaphore(%arg11 : memref<!tpu.dma_semaphore, #tpu.memory_space<semaphore_mem>>)
      "tpu.region"() ({
        %run_scoped3A = tpu.sem_alloc : memref<!tpu.dma_semaphore, #tpu.memory_space<semaphore_mem>>
        %dma_start3A_51 = tpu.memref_slice %arg2[%add3A_23] : memref<8192xi32, #tpu.memory_space<hbm>> -> memref<64xi32, #tpu.memory_space<hbm>>
        %dma_start3A_52 = tpu.memref_slice %arg2[%add3A_23] : memref<8192xi32, #tpu.memory_space<hbm>> -> memref<64xi32, #tpu.memory_space<hbm>>
        tpu.enqueue_dma source(%dma_start3A_52 : memref<64xi32, #tpu.memory_space<hbm>>) target(%arg6 : memref<64xi32, #tpu.memory_space<vmem>>) target_semaphore(%run_scoped3A : memref<!tpu.dma_semaphore, #tpu.memory_space<semaphore_mem>>)
        %dma_wait3A_53 = tpu.memref_slice %arg2[%add3A_23] : memref<8192xi32, #tpu.memory_space<hbm>> -> memref<64xi32, #tpu.memory_space<hbm>>
        %dma_wait3A_54 = tpu.memref_slice %arg2[%add3A_23] : memref<8192xi32, #tpu.memory_space<hbm>> -> memref<64xi32, #tpu.memory_space<hbm>>
        tpu.wait_dma2 semaphore(%run_scoped3A : memref<!tpu.dma_semaphore, #tpu.memory_space<semaphore_mem>>) src(%dma_wait3A_54 : memref<64xi32, #tpu.memory_space<hbm>>) dst(%arg6 : memref<64xi32, #tpu.memory_space<vmem>>)
        tpu.yield
      }) : () -> ()
      %dma_start3A_33 = arith.constant 0 : i32
      %dma_start3A_34 = arith.constant 0 : i32
      %dma_start3A_35 = tpu.memref_slice %arg3[%dma_start3A_33, %dma_start3A_34] : memref<100000x768xf32, #tpu.memory_space<hbm>> -> memref<100000x768xf32, #tpu.memory_space<hbm>>
      tpu.enqueue_indirect_dma source(%dma_start3A_35 : memref<100000x768xf32, #tpu.memory_space<hbm>>) target(%arg8 : memref<64x768xf32, #tpu.memory_space<vmem>>) offsets(%arg6 : memref<64xi32, #tpu.memory_space<vmem>>) semaphore(%arg10 : memref<!tpu.dma_semaphore, #tpu.memory_space<semaphore_mem>>)
      %dma_wait3A_36 = arith.constant 0 : i32
      %dma_wait3A_37 = arith.constant 0 : i32
      %dma_wait3A_38 = tpu.memref_slice %arg3[%dma_wait3A_36, %dma_wait3A_37] : memref<100000x768xf32, #tpu.memory_space<hbm>> -> memref<100000x768xf32, #tpu.memory_space<hbm>>
      tpu.wait_indirect_dma semaphore(%arg10 : memref<!tpu.dma_semaphore, #tpu.memory_space<semaphore_mem>>) src(%dma_wait3A_38 : memref<100000x768xf32, #tpu.memory_space<hbm>>) dst(%arg8 : memref<64x768xf32, #tpu.memory_space<vmem>>)
      %dma_wait3A_39 = arith.constant 0 : i32
      %dma_wait3A_40 = tpu.memref_slice %arg4[%add3A_21, %dma_wait3A_39] : memref<8192x768xf32, #tpu.memory_space<hbm>> -> memref<64x768xf32, #tpu.memory_space<hbm>>
      %dma_wait3A_41 = arith.constant 0 : i32
      %dma_wait3A_42 = tpu.memref_slice %arg4[%add3A_21, %dma_wait3A_41] : memref<8192x768xf32, #tpu.memory_space<hbm>> -> memref<64x768xf32, #tpu.memory_space<hbm>>
      tpu.wait_dma2 semaphore(%arg11 : memref<!tpu.dma_semaphore, #tpu.memory_space<semaphore_mem>>) src(%arg7 : memref<64x768xf32, #tpu.memory_space<vmem>>) dst(%dma_wait3A_42 : memref<64x768xf32, #tpu.memory_space<hbm>>)
      %dma_start3A_43 = arith.constant 0 : i32
      %dma_start3A_44 = tpu.memref_slice %arg4[%add3A_23, %dma_start3A_43] : memref<8192x768xf32, #tpu.memory_space<hbm>> -> memref<64x768xf32, #tpu.memory_space<hbm>>
      %dma_start3A_45 = arith.constant 0 : i32
      %dma_start3A_46 = tpu.memref_slice %arg4[%add3A_23, %dma_start3A_45] : memref<8192x768xf32, #tpu.memory_space<hbm>> -> memref<64x768xf32, #tpu.memory_space<hbm>>
      tpu.enqueue_dma source(%arg8 : memref<64x768xf32, #tpu.memory_space<vmem>>) target(%dma_start3A_46 : memref<64x768xf32, #tpu.memory_space<hbm>>) target_semaphore(%arg12 : memref<!tpu.dma_semaphore, #tpu.memory_space<semaphore_mem>>)
      %lt3A = arith.constant 1 : i32
      %lt3A_47 = arith.cmpi slt, %scan3A_16, %lt3A : i32
      %convert_element_type3A_48 = arith.extui %lt3A_47 : i1 to i32
      %cond3A_49 = arith.constant 0 : i32
      %cond3A_50 = arith.cmpi ne, %convert_element_type3A_48, %cond3A_49 : i32
      scf.if %cond3A_50 {
        %add3A_51 = arith.constant 64 : i32
        %add3A_52 = arith.addi %add3A_23, %add3A_51 : i32
        "tpu.region"() ({
          %run_scoped3A = tpu.sem_alloc : memref<!tpu.dma_semaphore, #tpu.memory_space<semaphore_mem>>
          %dma_start3A_56 = tpu.memref_slice %arg2[%add3A_52] : memref<8192xi32, #tpu.memory_space<hbm>> -> memref<64xi32, #tpu.memory_space<hbm>>
          %dma_start3A_57 = tpu.memref_slice %arg2[%add3A_52] : memref<8192xi32, #tpu.memory_space<hbm>> -> memref<64xi32, #tpu.memory_space<hbm>>
          tpu.enqueue_dma source(%dma_start3A_57 : memref<64xi32, #tpu.memory_space<hbm>>) target(%arg5 : memref<64xi32, #tpu.memory_space<vmem>>) target_semaphore(%run_scoped3A : memref<!tpu.dma_semaphore, #tpu.memory_space<semaphore_mem>>)
          %dma_wait3A_58 = tpu.memref_slice %arg2[%add3A_52] : memref<8192xi32, #tpu.memory_space<hbm>> -> memref<64xi32, #tpu.memory_space<hbm>>
          %dma_wait3A_59 = tpu.memref_slice %arg2[%add3A_52] : memref<8192xi32, #tpu.memory_space<hbm>> -> memref<64xi32, #tpu.memory_space<hbm>>
          tpu.wait_dma2 semaphore(%run_scoped3A : memref<!tpu.dma_semaphore, #tpu.memory_space<semaphore_mem>>) src(%dma_wait3A_59 : memref<64xi32, #tpu.memory_space<hbm>>) dst(%arg5 : memref<64xi32, #tpu.memory_space<vmem>>)
          tpu.yield
        }) : () -> ()
        %dma_start3A_53 = arith.constant 0 : i32
        %dma_start3A_54 = arith.constant 0 : i32
        %dma_start3A_55 = tpu.memref_slice %arg3[%dma_start3A_53, %dma_start3A_54] : memref<100000x768xf32, #tpu.memory_space<hbm>> -> memref<100000x768xf32, #tpu.memory_space<hbm>>
        tpu.enqueue_indirect_dma source(%dma_start3A_55 : memref<100000x768xf32, #tpu.memory_space<hbm>>) target(%arg7 : memref<64x768xf32, #tpu.memory_space<vmem>>) offsets(%arg5 : memref<64xi32, #tpu.memory_space<vmem>>) semaphore(%arg9 : memref<!tpu.dma_semaphore, #tpu.memory_space<semaphore_mem>>)
      } else {
      }
    }
    %scan3A_9 = arith.constant 2 : i32
    %add3A_10 = arith.constant 256 : i32
    %add3A_11 = arith.addi %mul3A_2, %add3A_10 : i32
    %sub3A = arith.constant 64 : i32
    %sub3A_12 = arith.subi %add3A_11, %sub3A : i32
    %dma_wait3A = arith.constant 0 : i32
    %dma_wait3A_13 = tpu.memref_slice %arg4[%sub3A_12, %dma_wait3A] : memref<8192x768xf32, #tpu.memory_space<hbm>> -> memref<64x768xf32, #tpu.memory_space<hbm>>
    %dma_wait3A_14 = arith.constant 0 : i32
    %dma_wait3A_15 = tpu.memref_slice %arg4[%sub3A_12, %dma_wait3A_14] : memref<8192x768xf32, #tpu.memory_space<hbm>> -> memref<64x768xf32, #tpu.memory_space<hbm>>
    tpu.wait_dma2 semaphore(%arg12 : memref<!tpu.dma_semaphore, #tpu.memory_space<semaphore_mem>>) src(%arg8 : memref<64x768xf32, #tpu.memory_space<vmem>>) dst(%dma_wait3A_15 : memref<64x768xf32, #tpu.memory_space<hbm>>)
    return
  }
}

#map = affine_map<(d0, d1) -> (0)>
#map1 = affine_map<(d0, d1) -> (0, 0)>
module attributes {stable_mosaic.version = 14 : i64} {
  func.func @gather_kernel(%arg0: i32, %arg1: i32, %arg2: memref<8192xi32, #tpu.memory_space<hbm>>, %arg3: memref<100000x768xf32, #tpu.memory_space<hbm>>, %arg4: memref<8192x768xf32, #tpu.memory_space<hbm>>, %arg5: memref<64xi32, #tpu.memory_space<vmem>>, %arg6: memref<64xi32, #tpu.memory_space<vmem>>, %arg7: memref<64x768xf32, #tpu.memory_space<vmem>>, %arg8: memref<64x768xf32, #tpu.memory_space<vmem>>, %arg9: memref<!tpu.dma_semaphore, #tpu.memory_space<semaphore_mem>>, %arg10: memref<!tpu.dma_semaphore, #tpu.memory_space<semaphore_mem>>, %arg11: memref<!tpu.dma_semaphore, #tpu.memory_space<semaphore_mem>>, %arg12: memref<!tpu.dma_semaphore, #tpu.memory_space<semaphore_mem>>) attributes {dimension_semantics = [#tpu.dimension_semantics<core_parallel>, #tpu.dimension_semantics<subcore_parallel>], iteration_bounds = array<i64: 2, 16>, scalar_prefetch = 0 : i64, scratch_operands = 8 : i64, tpu.core_type = #tpu.core_type<sc_vector_subcore>, window_params = [{transform_indices = #map}, {transform_indices = #map1}, {transform_indices = #map1}]} {
    %mul3A = arith.constant 2 : i32
    %mul3A_0 = arith.muli %arg1, %mul3A : i32
    %add3A = arith.addi %mul3A_0, %arg0 : i32
    %mul3A_1 = arith.constant 256 : i32
    %mul3A_2 = arith.muli %add3A, %mul3A_1 : i32
    "tpu.region"() ({
      %run_scoped3A = tpu.sem_alloc : memref<!tpu.dma_semaphore, #tpu.memory_space<semaphore_mem>>
      %dma_start3A_16 = tpu.memref_slice %arg2[%mul3A_2] : memref<8192xi32, #tpu.memory_space<hbm>> -> memref<64xi32, #tpu.memory_space<hbm>>
      %dma_start3A_17 = tpu.memref_slice %arg2[%mul3A_2] : memref<8192xi32, #tpu.memory_space<hbm>> -> memref<64xi32, #tpu.memory_space<hbm>>
      tpu.enqueue_dma source(%dma_start3A_17 : memref<64xi32, #tpu.memory_space<hbm>>) target(%arg5 : memref<64xi32, #tpu.memory_space<vmem>>) target_semaphore(%run_scoped3A : memref<!tpu.dma_semaphore, #tpu.memory_space<semaphore_mem>>)
      %dma_wait3A_18 = tpu.memref_slice %arg2[%mul3A_2] : memref<8192xi32, #tpu.memory_space<hbm>> -> memref<64xi32, #tpu.memory_space<hbm>>
      %dma_wait3A_19 = tpu.memref_slice %arg2[%mul3A_2] : memref<8192xi32, #tpu.memory_space<hbm>> -> memref<64xi32, #tpu.memory_space<hbm>>
      tpu.wait_dma2 semaphore(%run_scoped3A : memref<!tpu.dma_semaphore, #tpu.memory_space<semaphore_mem>>) src(%dma_wait3A_19 : memref<64xi32, #tpu.memory_space<hbm>>) dst(%arg5 : memref<64xi32, #tpu.memory_space<vmem>>)
      tpu.yield
    }) : () -> ()
    %dma_start3A = arith.constant 0 : i32
    %dma_start3A_3 = arith.constant 0 : i32
    %dma_start3A_4 = tpu.memref_slice %arg3[%dma_start3A, %dma_start3A_3] : memref<100000x768xf32, #tpu.memory_space<hbm>> -> memref<100000x768xf32, #tpu.memory_space<hbm>>
    tpu.enqueue_indirect_dma source(%dma_start3A_4 : memref<100000x768xf32, #tpu.memory_space<hbm>>) target(%arg7 : memref<64x768xf32, #tpu.memory_space<vmem>>) offsets(%arg5 : memref<64xi32, #tpu.memory_space<vmem>>) semaphore(%arg9 : memref<!tpu.dma_semaphore, #tpu.memory_space<semaphore_mem>>)
    %scan3A = arith.constant 0 : i32
    %scan3A_5 = arith.constant 0 : i32
    %scan3A_6 = arith.constant 2 : i32
    %scan3A_7 = arith.addi %scan3A_5, %scan3A_6 : i32
    %scan3A_8 = arith.constant 1 : i32
    scf.for %scan3A_16 = %scan3A_5 to %scan3A_7 step %scan3A_8  : i32 {
      %mul3A_17 = arith.constant 2 : i32
      %mul3A_18 = arith.muli %mul3A_17, %scan3A_16 : i32
      %mul3A_19 = arith.constant 64 : i32
      %mul3A_20 = arith.muli %mul3A_18, %mul3A_19 : i32
      %add3A_21 = arith.addi %mul3A_2, %mul3A_20 : i32
      %add3A_22 = arith.constant 64 : i32
      %add3A_23 = arith.addi %add3A_21, %add3A_22 : i32
      %dma_wait3A_24 = arith.constant 0 : i32
      %dma_wait3A_25 = arith.constant 0 : i32
      %dma_wait3A_26 = tpu.memref_slice %arg3[%dma_wait3A_24, %dma_wait3A_25] : memref<100000x768xf32, #tpu.memory_space<hbm>> -> memref<100000x768xf32, #tpu.memory_space<hbm>>
      tpu.wait_indirect_dma semaphore(%arg9 : memref<!tpu.dma_semaphore, #tpu.memory_space<semaphore_mem>>) src(%dma_wait3A_26 : memref<100000x768xf32, #tpu.memory_space<hbm>>) dst(%arg7 : memref<64x768xf32, #tpu.memory_space<vmem>>)
      %gt3A = arith.constant 0 : i32
      %gt3A_27 = arith.cmpi sgt, %scan3A_16, %gt3A : i32
      %convert_element_type3A = arith.extui %gt3A_27 : i1 to i32
      %cond3A = arith.constant 0 : i32
      %cond3A_28 = arith.cmpi ne, %convert_element_type3A, %cond3A : i32
      scf.if %cond3A_28 {
        %sub3A_51 = arith.constant 128 : i32
        %sub3A_52 = arith.subi %add3A_23, %sub3A_51 : i32
        %dma_wait3A_53 = arith.constant 0 : i32
        %dma_wait3A_54 = tpu.memref_slice %arg4[%sub3A_52, %dma_wait3A_53] : memref<8192x768xf32, #tpu.memory_space<hbm>> -> memref<64x768xf32, #tpu.memory_space<hbm>>
        %dma_wait3A_55 = arith.constant 0 : i32
        %dma_wait3A_56 = tpu.memref_slice %arg4[%sub3A_52, %dma_wait3A_55] : memref<8192x768xf32, #tpu.memory_space<hbm>> -> memref<64x768xf32, #tpu.memory_space<hbm>>
        tpu.wait_dma2 semaphore(%arg12 : memref<!tpu.dma_semaphore, #tpu.memory_space<semaphore_mem>>) src(%arg8 : memref<64x768xf32, #tpu.memory_space<vmem>>) dst(%dma_wait3A_56 : memref<64x768xf32, #tpu.memory_space<hbm>>)
      } else {
      }
      %dma_start3A_29 = arith.constant 0 : i32
      %dma_start3A_30 = tpu.memref_slice %arg4[%add3A_21, %dma_start3A_29] : memref<8192x768xf32, #tpu.memory_space<hbm>> -> memref<64x768xf32, #tpu.memory_space<hbm>>
      %dma_start3A_31 = arith.constant 0 : i32
      %dma_start3A_32 = tpu.memref_slice %arg4[%add3A_21, %dma_start3A_31] : memref<8192x768xf32, #tpu.memory_space<hbm>> -> memref<64x768xf32, #tpu.memory_space<hbm>>
      tpu.enqueue_dma source(%arg7 : memref<64x768xf32, #tpu.memory_space<vmem>>) target(%dma_start3A_32 : memref<64x768xf32, #tpu.memory_space<hbm>>) target_semaphore(%arg11 : memref<!tpu.dma_semaphore, #tpu.memory_space<semaphore_mem>>)
      "tpu.region"() ({
        %run_scoped3A = tpu.sem_alloc : memref<!tpu.dma_semaphore, #tpu.memory_space<semaphore_mem>>
        %dma_start3A_51 = tpu.memref_slice %arg2[%add3A_23] : memref<8192xi32, #tpu.memory_space<hbm>> -> memref<64xi32, #tpu.memory_space<hbm>>
        %dma_start3A_52 = tpu.memref_slice %arg2[%add3A_23] : memref<8192xi32, #tpu.memory_space<hbm>> -> memref<64xi32, #tpu.memory_space<hbm>>
        tpu.enqueue_dma source(%dma_start3A_52 : memref<64xi32, #tpu.memory_space<hbm>>) target(%arg6 : memref<64xi32, #tpu.memory_space<vmem>>) target_semaphore(%run_scoped3A : memref<!tpu.dma_semaphore, #tpu.memory_space<semaphore_mem>>)
        %dma_wait3A_53 = tpu.memref_slice %arg2[%add3A_23] : memref<8192xi32, #tpu.memory_space<hbm>> -> memref<64xi32, #tpu.memory_space<hbm>>
        %dma_wait3A_54 = tpu.memref_slice %arg2[%add3A_23] : memref<8192xi32, #tpu.memory_space<hbm>> -> memref<64xi32, #tpu.memory_space<hbm>>
        tpu.wait_dma2 semaphore(%run_scoped3A : memref<!tpu.dma_semaphore, #tpu.memory_space<semaphore_mem>>) src(%dma_wait3A_54 : memref<64xi32, #tpu.memory_space<hbm>>) dst(%arg6 : memref<64xi32, #tpu.memory_space<vmem>>)
        tpu.yield
      }) : () -> ()
      %dma_start3A_33 = arith.constant 0 : i32
      %dma_start3A_34 = arith.constant 0 : i32
      %dma_start3A_35 = tpu.memref_slice %arg3[%dma_start3A_33, %dma_start3A_34] : memref<100000x768xf32, #tpu.memory_space<hbm>> -> memref<100000x768xf32, #tpu.memory_space<hbm>>
      tpu.enqueue_indirect_dma source(%dma_start3A_35 : memref<100000x768xf32, #tpu.memory_space<hbm>>) target(%arg8 : memref<64x768xf32, #tpu.memory_space<vmem>>) offsets(%arg6 : memref<64xi32, #tpu.memory_space<vmem>>) semaphore(%arg10 : memref<!tpu.dma_semaphore, #tpu.memory_space<semaphore_mem>>)
      %dma_wait3A_36 = arith.constant 0 : i32
      %dma_wait3A_37 = arith.constant 0 : i32
      %dma_wait3A_38 = tpu.memref_slice %arg3[%dma_wait3A_36, %dma_wait3A_37] : memref<100000x768xf32, #tpu.memory_space<hbm>> -> memref<100000x768xf32, #tpu.memory_space<hbm>>
      tpu.wait_indirect_dma semaphore(%arg10 : memref<!tpu.dma_semaphore, #tpu.memory_space<semaphore_mem>>) src(%dma_wait3A_38 : memref<100000x768xf32, #tpu.memory_space<hbm>>) dst(%arg8 : memref<64x768xf32, #tpu.memory_space<vmem>>)
      %dma_wait3A_39 = arith.constant 0 : i32
      %dma_wait3A_40 = tpu.memref_slice %arg4[%add3A_21, %dma_wait3A_39] : memref<8192x768xf32, #tpu.memory_space<hbm>> -> memref<64x768xf32, #tpu.memory_space<hbm>>
      %dma_wait3A_41 = arith.constant 0 : i32
      %dma_wait3A_42 = tpu.memref_slice %arg4[%add3A_21, %dma_wait3A_41] : memref<8192x768xf32, #tpu.memory_space<hbm>> -> memref<64x768xf32, #tpu.memory_space<hbm>>
      tpu.wait_dma2 semaphore(%arg11 : memref<!tpu.dma_semaphore, #tpu.memory_space<semaphore_mem>>) src(%arg7 : memref<64x768xf32, #tpu.memory_space<vmem>>) dst(%dma_wait3A_42 : memref<64x768xf32, #tpu.memory_space<hbm>>)
      %dma_start3A_43 = arith.constant 0 : i32
      %dma_start3A_44 = tpu.memref_slice %arg4[%add3A_23, %dma_start3A_43] : memref<8192x768xf32, #tpu.memory_space<hbm>> -> memref<64x768xf32, #tpu.memory_space<hbm>>
      %dma_start3A_45 = arith.constant 0 : i32
      %dma_start3A_46 = tpu.memref_slice %arg4[%add3A_23, %dma_start3A_45] : memref<8192x768xf32, #tpu.memory_space<hbm>> -> memref<64x768xf32, #tpu.memory_space<hbm>>
      tpu.enqueue_dma source(%arg8 : memref<64x768xf32, #tpu.memory_space<vmem>>) target(%dma_start3A_46 : memref<64x768xf32, #tpu.memory_space<hbm>>) target_semaphore(%arg12 : memref<!tpu.dma_semaphore, #tpu.memory_space<semaphore_mem>>)
      %lt3A = arith.constant 1 : i32
      %lt3A_47 = arith.cmpi slt, %scan3A_16, %lt3A : i32
      %convert_element_type3A_48 = arith.extui %lt3A_47 : i1 to i32
      %cond3A_49 = arith.constant 0 : i32
      %cond3A_50 = arith.cmpi ne, %convert_element_type3A_48, %cond3A_49 : i32
      scf.if %cond3A_50 {
        %add3A_51 = arith.constant 64 : i32
        %add3A_52 = arith.addi %add3A_23, %add3A_51 : i32
        "tpu.region"() ({
          %run_scoped3A = tpu.sem_alloc : memref<!tpu.dma_semaphore, #tpu.memory_space<semaphore_mem>>
          %dma_start3A_56 = tpu.memref_slice %arg2[%add3A_52] : memref<8192xi32, #tpu.memory_space<hbm>> -> memref<64xi32, #tpu.memory_space<hbm>>
          %dma_start3A_57 = tpu.memref_slice %arg2[%add3A_52] : memref<8192xi32, #tpu.memory_space<hbm>> -> memref<64xi32, #tpu.memory_space<hbm>>
          tpu.enqueue_dma source(%dma_start3A_57 : memref<64xi32, #tpu.memory_space<hbm>>) target(%arg5 : memref<64xi32, #tpu.memory_space<vmem>>) target_semaphore(%run_scoped3A : memref<!tpu.dma_semaphore, #tpu.memory_space<semaphore_mem>>)
          %dma_wait3A_58 = tpu.memref_slice %arg2[%add3A_52] : memref<8192xi32, #tpu.memory_space<hbm>> -> memref<64xi32, #tpu.memory_space<hbm>>
          %dma_wait3A_59 = tpu.memref_slice %arg2[%add3A_52] : memref<8192xi32, #tpu.memory_space<hbm>> -> memref<64xi32, #tpu.memory_space<hbm>>
          tpu.wait_dma2 semaphore(%run_scoped3A : memref<!tpu.dma_semaphore, #tpu.memory_space<semaphore_mem>>) src(%dma_wait3A_59 : memref<64xi32, #tpu.memory_space<hbm>>) dst(%arg5 : memref<64xi32, #tpu.memory_space<vmem>>)
          tpu.yield
        }) : () -> ()
        %dma_start3A_53 = arith.constant 0 : i32
        %dma_start3A_54 = arith.constant 0 : i32
        %dma_start3A_55 = tpu.memref_slice %arg3[%dma_start3A_53, %dma_start3A_54] : memref<100000x768xf32, #tpu.memory_space<hbm>> -> memref<100000x768xf32, #tpu.memory_space<hbm>>
        tpu.enqueue_indirect_dma source(%dma_start3A_55 : memref<100000x768xf32, #tpu.memory_space<hbm>>) target(%arg7 : memref<64x768xf32, #tpu.memory_space<vmem>>) offsets(%arg5 : memref<64xi32, #tpu.memory_space<vmem>>) semaphore(%arg9 : memref<!tpu.dma_semaphore, #tpu.memory_space<semaphore_mem>>)
      } else {
      }
    }
    %scan3A_9 = arith.constant 2 : i32
    %add3A_10 = arith.constant 256 : i32
    %add3A_11 = arith.addi %mul3A_2, %add3A_10 : i32
    %sub3A = arith.constant 64 : i32
    %sub3A_12 = arith.subi %add3A_11, %sub3A : i32
    %dma_wait3A = arith.constant 0 : i32
    %dma_wait3A_13 = tpu.memref_slice %arg4[%sub3A_12, %dma_wait3A] : memref<8192x768xf32, #tpu.memory_space<hbm>> -> memref<64x768xf32, #tpu.memory_space<hbm>>
    %dma_wait3A_14 = arith.constant 0 : i32
    %dma_wait3A_15 = tpu.memref_slice %arg4[%sub3A_12, %dma_wait3A_14] : memref<8192x768xf32, #tpu.memory_space<hbm>> -> memref<64x768xf32, #tpu.memory_space<hbm>>
    tpu.wait_dma2 semaphore(%arg12 : memref<!tpu.dma_semaphore, #tpu.memory_space<semaphore_mem>>) src(%arg8 : memref<64x768xf32, #tpu.memory_space<vmem>>) dst(%dma_wait3A_15 : memref<64x768xf32, #tpu.memory_space<hbm>>)
    return
  }
}

#map = affine_map<(d0, d1) -> (0)>
#map1 = affine_map<(d0, d1) -> (0, 0)>
module attributes {stable_mosaic.version = 14 : i64} {
  func.func @gather_kernel(%arg0: i32, %arg1: i32, %arg2: memref<8192xi32, #tpu.memory_space<hbm>>, %arg3: memref<100000x768xf32, #tpu.memory_space<hbm>>, %arg4: memref<8192x768xf32, #tpu.memory_space<hbm>>, %arg5: memref<64xi32, #tpu.memory_space<vmem>>, %arg6: memref<64xi32, #tpu.memory_space<vmem>>, %arg7: memref<64x768xf32, #tpu.memory_space<vmem>>, %arg8: memref<64x768xf32, #tpu.memory_space<vmem>>, %arg9: memref<!tpu.dma_semaphore, #tpu.memory_space<semaphore_mem>>, %arg10: memref<!tpu.dma_semaphore, #tpu.memory_space<semaphore_mem>>, %arg11: memref<!tpu.dma_semaphore, #tpu.memory_space<semaphore_mem>>, %arg12: memref<!tpu.dma_semaphore, #tpu.memory_space<semaphore_mem>>) attributes {dimension_semantics = [#tpu.dimension_semantics<core_parallel>, #tpu.dimension_semantics<subcore_parallel>], iteration_bounds = array<i64: 2, 16>, scalar_prefetch = 0 : i64, scratch_operands = 8 : i64, tpu.core_type = #tpu.core_type<sc_vector_subcore>, window_params = [{transform_indices = #map}, {transform_indices = #map1}, {transform_indices = #map1}]} {
    %mul3A = arith.constant 2 : i32
    %mul3A_0 = arith.muli %arg1, %mul3A : i32
    %add3A = arith.addi %mul3A_0, %arg0 : i32
    %mul3A_1 = arith.constant 256 : i32
    %mul3A_2 = arith.muli %add3A, %mul3A_1 : i32
    "tpu.region"() ({
      %run_scoped3A = tpu.sem_alloc : memref<!tpu.dma_semaphore, #tpu.memory_space<semaphore_mem>>
      %dma_start3A_16 = tpu.memref_slice %arg2[%mul3A_2] : memref<8192xi32, #tpu.memory_space<hbm>> -> memref<64xi32, #tpu.memory_space<hbm>>
      %dma_start3A_17 = tpu.memref_slice %arg2[%mul3A_2] : memref<8192xi32, #tpu.memory_space<hbm>> -> memref<64xi32, #tpu.memory_space<hbm>>
      tpu.enqueue_dma source(%dma_start3A_17 : memref<64xi32, #tpu.memory_space<hbm>>) target(%arg5 : memref<64xi32, #tpu.memory_space<vmem>>) target_semaphore(%run_scoped3A : memref<!tpu.dma_semaphore, #tpu.memory_space<semaphore_mem>>)
      %dma_wait3A_18 = tpu.memref_slice %arg2[%mul3A_2] : memref<8192xi32, #tpu.memory_space<hbm>> -> memref<64xi32, #tpu.memory_space<hbm>>
      %dma_wait3A_19 = tpu.memref_slice %arg2[%mul3A_2] : memref<8192xi32, #tpu.memory_space<hbm>> -> memref<64xi32, #tpu.memory_space<hbm>>
      tpu.wait_dma2 semaphore(%run_scoped3A : memref<!tpu.dma_semaphore, #tpu.memory_space<semaphore_mem>>) src(%dma_wait3A_19 : memref<64xi32, #tpu.memory_space<hbm>>) dst(%arg5 : memref<64xi32, #tpu.memory_space<vmem>>)
      tpu.yield
    }) : () -> ()
    %dma_start3A = arith.constant 0 : i32
    %dma_start3A_3 = arith.constant 0 : i32
    %dma_start3A_4 = tpu.memref_slice %arg3[%dma_start3A, %dma_start3A_3] : memref<100000x768xf32, #tpu.memory_space<hbm>> -> memref<100000x768xf32, #tpu.memory_space<hbm>>
    tpu.enqueue_indirect_dma source(%dma_start3A_4 : memref<100000x768xf32, #tpu.memory_space<hbm>>) target(%arg7 : memref<64x768xf32, #tpu.memory_space<vmem>>) offsets(%arg5 : memref<64xi32, #tpu.memory_space<vmem>>) semaphore(%arg9 : memref<!tpu.dma_semaphore, #tpu.memory_space<semaphore_mem>>)
    %scan3A = arith.constant 0 : i32
    %scan3A_5 = arith.constant 0 : i32
    %scan3A_6 = arith.constant 2 : i32
    %scan3A_7 = arith.addi %scan3A_5, %scan3A_6 : i32
    %scan3A_8 = arith.constant 1 : i32
    scf.for %scan3A_16 = %scan3A_5 to %scan3A_7 step %scan3A_8  : i32 {
      %mul3A_17 = arith.constant 2 : i32
      %mul3A_18 = arith.muli %mul3A_17, %scan3A_16 : i32
      %mul3A_19 = arith.constant 64 : i32
      %mul3A_20 = arith.muli %mul3A_18, %mul3A_19 : i32
      %add3A_21 = arith.addi %mul3A_2, %mul3A_20 : i32
      %add3A_22 = arith.constant 64 : i32
      %add3A_23 = arith.addi %add3A_21, %add3A_22 : i32
      %dma_wait3A_24 = arith.constant 0 : i32
      %dma_wait3A_25 = arith.constant 0 : i32
      %dma_wait3A_26 = tpu.memref_slice %arg3[%dma_wait3A_24, %dma_wait3A_25] : memref<100000x768xf32, #tpu.memory_space<hbm>> -> memref<100000x768xf32, #tpu.memory_space<hbm>>
      tpu.wait_indirect_dma semaphore(%arg9 : memref<!tpu.dma_semaphore, #tpu.memory_space<semaphore_mem>>) src(%dma_wait3A_26 : memref<100000x768xf32, #tpu.memory_space<hbm>>) dst(%arg7 : memref<64x768xf32, #tpu.memory_space<vmem>>)
      %gt3A = arith.constant 0 : i32
      %gt3A_27 = arith.cmpi sgt, %scan3A_16, %gt3A : i32
      %convert_element_type3A = arith.extui %gt3A_27 : i1 to i32
      %cond3A = arith.constant 0 : i32
      %cond3A_28 = arith.cmpi ne, %convert_element_type3A, %cond3A : i32
      scf.if %cond3A_28 {
        %sub3A_51 = arith.constant 128 : i32
        %sub3A_52 = arith.subi %add3A_23, %sub3A_51 : i32
        %dma_wait3A_53 = arith.constant 0 : i32
        %dma_wait3A_54 = tpu.memref_slice %arg4[%sub3A_52, %dma_wait3A_53] : memref<8192x768xf32, #tpu.memory_space<hbm>> -> memref<64x768xf32, #tpu.memory_space<hbm>>
        %dma_wait3A_55 = arith.constant 0 : i32
        %dma_wait3A_56 = tpu.memref_slice %arg4[%sub3A_52, %dma_wait3A_55] : memref<8192x768xf32, #tpu.memory_space<hbm>> -> memref<64x768xf32, #tpu.memory_space<hbm>>
        tpu.wait_dma2 semaphore(%arg12 : memref<!tpu.dma_semaphore, #tpu.memory_space<semaphore_mem>>) src(%arg8 : memref<64x768xf32, #tpu.memory_space<vmem>>) dst(%dma_wait3A_56 : memref<64x768xf32, #tpu.memory_space<hbm>>)
      } else {
      }
      %dma_start3A_29 = arith.constant 0 : i32
      %dma_start3A_30 = tpu.memref_slice %arg4[%add3A_21, %dma_start3A_29] : memref<8192x768xf32, #tpu.memory_space<hbm>> -> memref<64x768xf32, #tpu.memory_space<hbm>>
      %dma_start3A_31 = arith.constant 0 : i32
      %dma_start3A_32 = tpu.memref_slice %arg4[%add3A_21, %dma_start3A_31] : memref<8192x768xf32, #tpu.memory_space<hbm>> -> memref<64x768xf32, #tpu.memory_space<hbm>>
      tpu.enqueue_dma source(%arg7 : memref<64x768xf32, #tpu.memory_space<vmem>>) target(%dma_start3A_32 : memref<64x768xf32, #tpu.memory_space<hbm>>) target_semaphore(%arg11 : memref<!tpu.dma_semaphore, #tpu.memory_space<semaphore_mem>>)
      "tpu.region"() ({
        %run_scoped3A = tpu.sem_alloc : memref<!tpu.dma_semaphore, #tpu.memory_space<semaphore_mem>>
        %dma_start3A_51 = tpu.memref_slice %arg2[%add3A_23] : memref<8192xi32, #tpu.memory_space<hbm>> -> memref<64xi32, #tpu.memory_space<hbm>>
        %dma_start3A_52 = tpu.memref_slice %arg2[%add3A_23] : memref<8192xi32, #tpu.memory_space<hbm>> -> memref<64xi32, #tpu.memory_space<hbm>>
        tpu.enqueue_dma source(%dma_start3A_52 : memref<64xi32, #tpu.memory_space<hbm>>) target(%arg6 : memref<64xi32, #tpu.memory_space<vmem>>) target_semaphore(%run_scoped3A : memref<!tpu.dma_semaphore, #tpu.memory_space<semaphore_mem>>)
        %dma_wait3A_53 = tpu.memref_slice %arg2[%add3A_23] : memref<8192xi32, #tpu.memory_space<hbm>> -> memref<64xi32, #tpu.memory_space<hbm>>
        %dma_wait3A_54 = tpu.memref_slice %arg2[%add3A_23] : memref<8192xi32, #tpu.memory_space<hbm>> -> memref<64xi32, #tpu.memory_space<hbm>>
        tpu.wait_dma2 semaphore(%run_scoped3A : memref<!tpu.dma_semaphore, #tpu.memory_space<semaphore_mem>>) src(%dma_wait3A_54 : memref<64xi32, #tpu.memory_space<hbm>>) dst(%arg6 : memref<64xi32, #tpu.memory_space<vmem>>)
        tpu.yield
      }) : () -> ()
      %dma_start3A_33 = arith.constant 0 : i32
      %dma_start3A_34 = arith.constant 0 : i32
      %dma_start3A_35 = tpu.memref_slice %arg3[%dma_start3A_33, %dma_start3A_34] : memref<100000x768xf32, #tpu.memory_space<hbm>> -> memref<100000x768xf32, #tpu.memory_space<hbm>>
      tpu.enqueue_indirect_dma source(%dma_start3A_35 : memref<100000x768xf32, #tpu.memory_space<hbm>>) target(%arg8 : memref<64x768xf32, #tpu.memory_space<vmem>>) offsets(%arg6 : memref<64xi32, #tpu.memory_space<vmem>>) semaphore(%arg10 : memref<!tpu.dma_semaphore, #tpu.memory_space<semaphore_mem>>)
      %dma_wait3A_36 = arith.constant 0 : i32
      %dma_wait3A_37 = arith.constant 0 : i32
      %dma_wait3A_38 = tpu.memref_slice %arg3[%dma_wait3A_36, %dma_wait3A_37] : memref<100000x768xf32, #tpu.memory_space<hbm>> -> memref<100000x768xf32, #tpu.memory_space<hbm>>
      tpu.wait_indirect_dma semaphore(%arg10 : memref<!tpu.dma_semaphore, #tpu.memory_space<semaphore_mem>>) src(%dma_wait3A_38 : memref<100000x768xf32, #tpu.memory_space<hbm>>) dst(%arg8 : memref<64x768xf32, #tpu.memory_space<vmem>>)
      %dma_wait3A_39 = arith.constant 0 : i32
      %dma_wait3A_40 = tpu.memref_slice %arg4[%add3A_21, %dma_wait3A_39] : memref<8192x768xf32, #tpu.memory_space<hbm>> -> memref<64x768xf32, #tpu.memory_space<hbm>>
      %dma_wait3A_41 = arith.constant 0 : i32
      %dma_wait3A_42 = tpu.memref_slice %arg4[%add3A_21, %dma_wait3A_41] : memref<8192x768xf32, #tpu.memory_space<hbm>> -> memref<64x768xf32, #tpu.memory_space<hbm>>
      tpu.wait_dma2 semaphore(%arg11 : memref<!tpu.dma_semaphore, #tpu.memory_space<semaphore_mem>>) src(%arg7 : memref<64x768xf32, #tpu.memory_space<vmem>>) dst(%dma_wait3A_42 : memref<64x768xf32, #tpu.memory_space<hbm>>)
      %dma_start3A_43 = arith.constant 0 : i32
      %dma_start3A_44 = tpu.memref_slice %arg4[%add3A_23, %dma_start3A_43] : memref<8192x768xf32, #tpu.memory_space<hbm>> -> memref<64x768xf32, #tpu.memory_space<hbm>>
      %dma_start3A_45 = arith.constant 0 : i32
      %dma_start3A_46 = tpu.memref_slice %arg4[%add3A_23, %dma_start3A_45] : memref<8192x768xf32, #tpu.memory_space<hbm>> -> memref<64x768xf32, #tpu.memory_space<hbm>>
      tpu.enqueue_dma source(%arg8 : memref<64x768xf32, #tpu.memory_space<vmem>>) target(%dma_start3A_46 : memref<64x768xf32, #tpu.memory_space<hbm>>) target_semaphore(%arg12 : memref<!tpu.dma_semaphore, #tpu.memory_space<semaphore_mem>>)
      %lt3A = arith.constant 1 : i32
      %lt3A_47 = arith.cmpi slt, %scan3A_16, %lt3A : i32
      %convert_element_type3A_48 = arith.extui %lt3A_47 : i1 to i32
      %cond3A_49 = arith.constant 0 : i32
      %cond3A_50 = arith.cmpi ne, %convert_element_type3A_48, %cond3A_49 : i32
      scf.if %cond3A_50 {
        %add3A_51 = arith.constant 64 : i32
        %add3A_52 = arith.addi %add3A_23, %add3A_51 : i32
        "tpu.region"() ({
          %run_scoped3A = tpu.sem_alloc : memref<!tpu.dma_semaphore, #tpu.memory_space<semaphore_mem>>
          %dma_start3A_56 = tpu.memref_slice %arg2[%add3A_52] : memref<8192xi32, #tpu.memory_space<hbm>> -> memref<64xi32, #tpu.memory_space<hbm>>
          %dma_start3A_57 = tpu.memref_slice %arg2[%add3A_52] : memref<8192xi32, #tpu.memory_space<hbm>> -> memref<64xi32, #tpu.memory_space<hbm>>
          tpu.enqueue_dma source(%dma_start3A_57 : memref<64xi32, #tpu.memory_space<hbm>>) target(%arg5 : memref<64xi32, #tpu.memory_space<vmem>>) target_semaphore(%run_scoped3A : memref<!tpu.dma_semaphore, #tpu.memory_space<semaphore_mem>>)
          %dma_wait3A_58 = tpu.memref_slice %arg2[%add3A_52] : memref<8192xi32, #tpu.memory_space<hbm>> -> memref<64xi32, #tpu.memory_space<hbm>>
          %dma_wait3A_59 = tpu.memref_slice %arg2[%add3A_52] : memref<8192xi32, #tpu.memory_space<hbm>> -> memref<64xi32, #tpu.memory_space<hbm>>
          tpu.wait_dma2 semaphore(%run_scoped3A : memref<!tpu.dma_semaphore, #tpu.memory_space<semaphore_mem>>) src(%dma_wait3A_59 : memref<64xi32, #tpu.memory_space<hbm>>) dst(%arg5 : memref<64xi32, #tpu.memory_space<vmem>>)
          tpu.yield
        }) : () -> ()
        %dma_start3A_53 = arith.constant 0 : i32
        %dma_start3A_54 = arith.constant 0 : i32
        %dma_start3A_55 = tpu.memref_slice %arg3[%dma_start3A_53, %dma_start3A_54] : memref<100000x768xf32, #tpu.memory_space<hbm>> -> memref<100000x768xf32, #tpu.memory_space<hbm>>
        tpu.enqueue_indirect_dma source(%dma_start3A_55 : memref<100000x768xf32, #tpu.memory_space<hbm>>) target(%arg7 : memref<64x768xf32, #tpu.memory_space<vmem>>) offsets(%arg5 : memref<64xi32, #tpu.memory_space<vmem>>) semaphore(%arg9 : memref<!tpu.dma_semaphore, #tpu.memory_space<semaphore_mem>>)
      } else {
      }
    }
    %scan3A_9 = arith.constant 2 : i32
    %add3A_10 = arith.constant 256 : i32
    %add3A_11 = arith.addi %mul3A_2, %add3A_10 : i32
    %sub3A = arith.constant 64 : i32
    %sub3A_12 = arith.subi %add3A_11, %sub3A : i32
    %dma_wait3A = arith.constant 0 : i32
    %dma_wait3A_13 = tpu.memref_slice %arg4[%sub3A_12, %dma_wait3A] : memref<8192x768xf32, #tpu.memory_space<hbm>> -> memref<64x768xf32, #tpu.memory_space<hbm>>
    %dma_wait3A_14 = arith.constant 0 : i32
    %dma_wait3A_15 = tpu.memref_slice %arg4[%sub3A_12, %dma_wait3A_14] : memref<8192x768xf32, #tpu.memory_space<hbm>> -> memref<64x768xf32, #tpu.memory_space<hbm>>
    tpu.wait_dma2 semaphore(%arg12 : memref<!tpu.dma_semaphore, #tpu.memory_space<semaphore_mem>>) src(%arg8 : memref<64x768xf32, #tpu.memory_space<vmem>>) dst(%dma_wait3A_15 : memref<64x768xf32, #tpu.memory_space<hbm>>)
    return
  }
}

#map = affine_map<(d0, d1) -> (0)>
#map1 = affine_map<(d0, d1) -> (0, 0)>
module attributes {stable_mosaic.version = 14 : i64} {
  func.func @gather_kernel(%arg0: i32, %arg1: i32, %arg2: memref<8192xi32, #tpu.memory_space<hbm>>, %arg3: memref<100000x768xf32, #tpu.memory_space<hbm>>, %arg4: memref<8192x768xf32, #tpu.memory_space<hbm>>, %arg5: memref<64xi32, #tpu.memory_space<vmem>>, %arg6: memref<64xi32, #tpu.memory_space<vmem>>, %arg7: memref<64x768xf32, #tpu.memory_space<vmem>>, %arg8: memref<64x768xf32, #tpu.memory_space<vmem>>, %arg9: memref<!tpu.dma_semaphore, #tpu.memory_space<semaphore_mem>>, %arg10: memref<!tpu.dma_semaphore, #tpu.memory_space<semaphore_mem>>, %arg11: memref<!tpu.dma_semaphore, #tpu.memory_space<semaphore_mem>>, %arg12: memref<!tpu.dma_semaphore, #tpu.memory_space<semaphore_mem>>) attributes {dimension_semantics = [#tpu.dimension_semantics<core_parallel>, #tpu.dimension_semantics<subcore_parallel>], iteration_bounds = array<i64: 2, 16>, scalar_prefetch = 0 : i64, scratch_operands = 8 : i64, tpu.core_type = #tpu.core_type<sc_vector_subcore>, window_params = [{transform_indices = #map}, {transform_indices = #map1}, {transform_indices = #map1}]} {
    %mul3A = arith.constant 2 : i32
    %mul3A_0 = arith.muli %arg1, %mul3A : i32
    %add3A = arith.addi %mul3A_0, %arg0 : i32
    %mul3A_1 = arith.constant 256 : i32
    %mul3A_2 = arith.muli %add3A, %mul3A_1 : i32
    "tpu.region"() ({
      %run_scoped3A = tpu.sem_alloc : memref<!tpu.dma_semaphore, #tpu.memory_space<semaphore_mem>>
      %dma_start3A_16 = tpu.memref_slice %arg2[%mul3A_2] : memref<8192xi32, #tpu.memory_space<hbm>> -> memref<64xi32, #tpu.memory_space<hbm>>
      %dma_start3A_17 = tpu.memref_slice %arg2[%mul3A_2] : memref<8192xi32, #tpu.memory_space<hbm>> -> memref<64xi32, #tpu.memory_space<hbm>>
      tpu.enqueue_dma source(%dma_start3A_17 : memref<64xi32, #tpu.memory_space<hbm>>) target(%arg5 : memref<64xi32, #tpu.memory_space<vmem>>) target_semaphore(%run_scoped3A : memref<!tpu.dma_semaphore, #tpu.memory_space<semaphore_mem>>)
      %dma_wait3A_18 = tpu.memref_slice %arg2[%mul3A_2] : memref<8192xi32, #tpu.memory_space<hbm>> -> memref<64xi32, #tpu.memory_space<hbm>>
      %dma_wait3A_19 = tpu.memref_slice %arg2[%mul3A_2] : memref<8192xi32, #tpu.memory_space<hbm>> -> memref<64xi32, #tpu.memory_space<hbm>>
      tpu.wait_dma2 semaphore(%run_scoped3A : memref<!tpu.dma_semaphore, #tpu.memory_space<semaphore_mem>>) src(%dma_wait3A_19 : memref<64xi32, #tpu.memory_space<hbm>>) dst(%arg5 : memref<64xi32, #tpu.memory_space<vmem>>)
      tpu.yield
    }) : () -> ()
    %dma_start3A = arith.constant 0 : i32
    %dma_start3A_3 = arith.constant 0 : i32
    %dma_start3A_4 = tpu.memref_slice %arg3[%dma_start3A, %dma_start3A_3] : memref<100000x768xf32, #tpu.memory_space<hbm>> -> memref<100000x768xf32, #tpu.memory_space<hbm>>
    tpu.enqueue_indirect_dma source(%dma_start3A_4 : memref<100000x768xf32, #tpu.memory_space<hbm>>) target(%arg7 : memref<64x768xf32, #tpu.memory_space<vmem>>) offsets(%arg5 : memref<64xi32, #tpu.memory_space<vmem>>) semaphore(%arg9 : memref<!tpu.dma_semaphore, #tpu.memory_space<semaphore_mem>>)
    %scan3A = arith.constant 0 : i32
    %scan3A_5 = arith.constant 0 : i32
    %scan3A_6 = arith.constant 2 : i32
    %scan3A_7 = arith.addi %scan3A_5, %scan3A_6 : i32
    %scan3A_8 = arith.constant 1 : i32
    scf.for %scan3A_16 = %scan3A_5 to %scan3A_7 step %scan3A_8  : i32 {
      %mul3A_17 = arith.constant 2 : i32
      %mul3A_18 = arith.muli %mul3A_17, %scan3A_16 : i32
      %mul3A_19 = arith.constant 64 : i32
      %mul3A_20 = arith.muli %mul3A_18, %mul3A_19 : i32
      %add3A_21 = arith.addi %mul3A_2, %mul3A_20 : i32
      %add3A_22 = arith.constant 64 : i32
      %add3A_23 = arith.addi %add3A_21, %add3A_22 : i32
      %dma_wait3A_24 = arith.constant 0 : i32
      %dma_wait3A_25 = arith.constant 0 : i32
      %dma_wait3A_26 = tpu.memref_slice %arg3[%dma_wait3A_24, %dma_wait3A_25] : memref<100000x768xf32, #tpu.memory_space<hbm>> -> memref<100000x768xf32, #tpu.memory_space<hbm>>
      tpu.wait_indirect_dma semaphore(%arg9 : memref<!tpu.dma_semaphore, #tpu.memory_space<semaphore_mem>>) src(%dma_wait3A_26 : memref<100000x768xf32, #tpu.memory_space<hbm>>) dst(%arg7 : memref<64x768xf32, #tpu.memory_space<vmem>>)
      %gt3A = arith.constant 0 : i32
      %gt3A_27 = arith.cmpi sgt, %scan3A_16, %gt3A : i32
      %convert_element_type3A = arith.extui %gt3A_27 : i1 to i32
      %cond3A = arith.constant 0 : i32
      %cond3A_28 = arith.cmpi ne, %convert_element_type3A, %cond3A : i32
      scf.if %cond3A_28 {
        %sub3A_51 = arith.constant 128 : i32
        %sub3A_52 = arith.subi %add3A_23, %sub3A_51 : i32
        %dma_wait3A_53 = arith.constant 0 : i32
        %dma_wait3A_54 = tpu.memref_slice %arg4[%sub3A_52, %dma_wait3A_53] : memref<8192x768xf32, #tpu.memory_space<hbm>> -> memref<64x768xf32, #tpu.memory_space<hbm>>
        %dma_wait3A_55 = arith.constant 0 : i32
        %dma_wait3A_56 = tpu.memref_slice %arg4[%sub3A_52, %dma_wait3A_55] : memref<8192x768xf32, #tpu.memory_space<hbm>> -> memref<64x768xf32, #tpu.memory_space<hbm>>
        tpu.wait_dma2 semaphore(%arg12 : memref<!tpu.dma_semaphore, #tpu.memory_space<semaphore_mem>>) src(%arg8 : memref<64x768xf32, #tpu.memory_space<vmem>>) dst(%dma_wait3A_56 : memref<64x768xf32, #tpu.memory_space<hbm>>)
      } else {
      }
      %dma_start3A_29 = arith.constant 0 : i32
      %dma_start3A_30 = tpu.memref_slice %arg4[%add3A_21, %dma_start3A_29] : memref<8192x768xf32, #tpu.memory_space<hbm>> -> memref<64x768xf32, #tpu.memory_space<hbm>>
      %dma_start3A_31 = arith.constant 0 : i32
      %dma_start3A_32 = tpu.memref_slice %arg4[%add3A_21, %dma_start3A_31] : memref<8192x768xf32, #tpu.memory_space<hbm>> -> memref<64x768xf32, #tpu.memory_space<hbm>>
      tpu.enqueue_dma source(%arg7 : memref<64x768xf32, #tpu.memory_space<vmem>>) target(%dma_start3A_32 : memref<64x768xf32, #tpu.memory_space<hbm>>) target_semaphore(%arg11 : memref<!tpu.dma_semaphore, #tpu.memory_space<semaphore_mem>>)
      "tpu.region"() ({
        %run_scoped3A = tpu.sem_alloc : memref<!tpu.dma_semaphore, #tpu.memory_space<semaphore_mem>>
        %dma_start3A_51 = tpu.memref_slice %arg2[%add3A_23] : memref<8192xi32, #tpu.memory_space<hbm>> -> memref<64xi32, #tpu.memory_space<hbm>>
        %dma_start3A_52 = tpu.memref_slice %arg2[%add3A_23] : memref<8192xi32, #tpu.memory_space<hbm>> -> memref<64xi32, #tpu.memory_space<hbm>>
        tpu.enqueue_dma source(%dma_start3A_52 : memref<64xi32, #tpu.memory_space<hbm>>) target(%arg6 : memref<64xi32, #tpu.memory_space<vmem>>) target_semaphore(%run_scoped3A : memref<!tpu.dma_semaphore, #tpu.memory_space<semaphore_mem>>)
        %dma_wait3A_53 = tpu.memref_slice %arg2[%add3A_23] : memref<8192xi32, #tpu.memory_space<hbm>> -> memref<64xi32, #tpu.memory_space<hbm>>
        %dma_wait3A_54 = tpu.memref_slice %arg2[%add3A_23] : memref<8192xi32, #tpu.memory_space<hbm>> -> memref<64xi32, #tpu.memory_space<hbm>>
        tpu.wait_dma2 semaphore(%run_scoped3A : memref<!tpu.dma_semaphore, #tpu.memory_space<semaphore_mem>>) src(%dma_wait3A_54 : memref<64xi32, #tpu.memory_space<hbm>>) dst(%arg6 : memref<64xi32, #tpu.memory_space<vmem>>)
        tpu.yield
      }) : () -> ()
      %dma_start3A_33 = arith.constant 0 : i32
      %dma_start3A_34 = arith.constant 0 : i32
      %dma_start3A_35 = tpu.memref_slice %arg3[%dma_start3A_33, %dma_start3A_34] : memref<100000x768xf32, #tpu.memory_space<hbm>> -> memref<100000x768xf32, #tpu.memory_space<hbm>>
      tpu.enqueue_indirect_dma source(%dma_start3A_35 : memref<100000x768xf32, #tpu.memory_space<hbm>>) target(%arg8 : memref<64x768xf32, #tpu.memory_space<vmem>>) offsets(%arg6 : memref<64xi32, #tpu.memory_space<vmem>>) semaphore(%arg10 : memref<!tpu.dma_semaphore, #tpu.memory_space<semaphore_mem>>)
      %dma_wait3A_36 = arith.constant 0 : i32
      %dma_wait3A_37 = arith.constant 0 : i32
      %dma_wait3A_38 = tpu.memref_slice %arg3[%dma_wait3A_36, %dma_wait3A_37] : memref<100000x768xf32, #tpu.memory_space<hbm>> -> memref<100000x768xf32, #tpu.memory_space<hbm>>
      tpu.wait_indirect_dma semaphore(%arg10 : memref<!tpu.dma_semaphore, #tpu.memory_space<semaphore_mem>>) src(%dma_wait3A_38 : memref<100000x768xf32, #tpu.memory_space<hbm>>) dst(%arg8 : memref<64x768xf32, #tpu.memory_space<vmem>>)
      %dma_wait3A_39 = arith.constant 0 : i32
      %dma_wait3A_40 = tpu.memref_slice %arg4[%add3A_21, %dma_wait3A_39] : memref<8192x768xf32, #tpu.memory_space<hbm>> -> memref<64x768xf32, #tpu.memory_space<hbm>>
      %dma_wait3A_41 = arith.constant 0 : i32
      %dma_wait3A_42 = tpu.memref_slice %arg4[%add3A_21, %dma_wait3A_41] : memref<8192x768xf32, #tpu.memory_space<hbm>> -> memref<64x768xf32, #tpu.memory_space<hbm>>
      tpu.wait_dma2 semaphore(%arg11 : memref<!tpu.dma_semaphore, #tpu.memory_space<semaphore_mem>>) src(%arg7 : memref<64x768xf32, #tpu.memory_space<vmem>>) dst(%dma_wait3A_42 : memref<64x768xf32, #tpu.memory_space<hbm>>)
      %dma_start3A_43 = arith.constant 0 : i32
      %dma_start3A_44 = tpu.memref_slice %arg4[%add3A_23, %dma_start3A_43] : memref<8192x768xf32, #tpu.memory_space<hbm>> -> memref<64x768xf32, #tpu.memory_space<hbm>>
      %dma_start3A_45 = arith.constant 0 : i32
      %dma_start3A_46 = tpu.memref_slice %arg4[%add3A_23, %dma_start3A_45] : memref<8192x768xf32, #tpu.memory_space<hbm>> -> memref<64x768xf32, #tpu.memory_space<hbm>>
      tpu.enqueue_dma source(%arg8 : memref<64x768xf32, #tpu.memory_space<vmem>>) target(%dma_start3A_46 : memref<64x768xf32, #tpu.memory_space<hbm>>) target_semaphore(%arg12 : memref<!tpu.dma_semaphore, #tpu.memory_space<semaphore_mem>>)
      %lt3A = arith.constant 1 : i32
      %lt3A_47 = arith.cmpi slt, %scan3A_16, %lt3A : i32
      %convert_element_type3A_48 = arith.extui %lt3A_47 : i1 to i32
      %cond3A_49 = arith.constant 0 : i32
      %cond3A_50 = arith.cmpi ne, %convert_element_type3A_48, %cond3A_49 : i32
      scf.if %cond3A_50 {
        %add3A_51 = arith.constant 64 : i32
        %add3A_52 = arith.addi %add3A_23, %add3A_51 : i32
        "tpu.region"() ({
          %run_scoped3A = tpu.sem_alloc : memref<!tpu.dma_semaphore, #tpu.memory_space<semaphore_mem>>
          %dma_start3A_56 = tpu.memref_slice %arg2[%add3A_52] : memref<8192xi32, #tpu.memory_space<hbm>> -> memref<64xi32, #tpu.memory_space<hbm>>
          %dma_start3A_57 = tpu.memref_slice %arg2[%add3A_52] : memref<8192xi32, #tpu.memory_space<hbm>> -> memref<64xi32, #tpu.memory_space<hbm>>
          tpu.enqueue_dma source(%dma_start3A_57 : memref<64xi32, #tpu.memory_space<hbm>>) target(%arg5 : memref<64xi32, #tpu.memory_space<vmem>>) target_semaphore(%run_scoped3A : memref<!tpu.dma_semaphore, #tpu.memory_space<semaphore_mem>>)
          %dma_wait3A_58 = tpu.memref_slice %arg2[%add3A_52] : memref<8192xi32, #tpu.memory_space<hbm>> -> memref<64xi32, #tpu.memory_space<hbm>>
          %dma_wait3A_59 = tpu.memref_slice %arg2[%add3A_52] : memref<8192xi32, #tpu.memory_space<hbm>> -> memref<64xi32, #tpu.memory_space<hbm>>
          tpu.wait_dma2 semaphore(%run_scoped3A : memref<!tpu.dma_semaphore, #tpu.memory_space<semaphore_mem>>) src(%dma_wait3A_59 : memref<64xi32, #tpu.memory_space<hbm>>) dst(%arg5 : memref<64xi32, #tpu.memory_space<vmem>>)
          tpu.yield
        }) : () -> ()
        %dma_start3A_53 = arith.constant 0 : i32
        %dma_start3A_54 = arith.constant 0 : i32
        %dma_start3A_55 = tpu.memref_slice %arg3[%dma_start3A_53, %dma_start3A_54] : memref<100000x768xf32, #tpu.memory_space<hbm>> -> memref<100000x768xf32, #tpu.memory_space<hbm>>
        tpu.enqueue_indirect_dma source(%dma_start3A_55 : memref<100000x768xf32, #tpu.memory_space<hbm>>) target(%arg7 : memref<64x768xf32, #tpu.memory_space<vmem>>) offsets(%arg5 : memref<64xi32, #tpu.memory_space<vmem>>) semaphore(%arg9 : memref<!tpu.dma_semaphore, #tpu.memory_space<semaphore_mem>>)
      } else {
      }
    }
    %scan3A_9 = arith.constant 2 : i32
    %add3A_10 = arith.constant 256 : i32
    %add3A_11 = arith.addi %mul3A_2, %add3A_10 : i32
    %sub3A = arith.constant 64 : i32
    %sub3A_12 = arith.subi %add3A_11, %sub3A : i32
    %dma_wait3A = arith.constant 0 : i32
    %dma_wait3A_13 = tpu.memref_slice %arg4[%sub3A_12, %dma_wait3A] : memref<8192x768xf32, #tpu.memory_space<hbm>> -> memref<64x768xf32, #tpu.memory_space<hbm>>
    %dma_wait3A_14 = arith.constant 0 : i32
    %dma_wait3A_15 = tpu.memref_slice %arg4[%sub3A_12, %dma_wait3A_14] : memref<8192x768xf32, #tpu.memory_space<hbm>> -> memref<64x768xf32, #tpu.memory_space<hbm>>
    tpu.wait_dma2 semaphore(%arg12 : memref<!tpu.dma_semaphore, #tpu.memory_space<semaphore_mem>>) src(%arg8 : memref<64x768xf32, #tpu.memory_space<vmem>>) dst(%dma_wait3A_15 : memref<64x768xf32, #tpu.memory_space<hbm>>)
    return
  }
}

#map = affine_map<(d0, d1) -> (0)>
#map1 = affine_map<(d0, d1) -> (0, 0)>
module attributes {stable_mosaic.version = 14 : i64} {
  func.func @gather_kernel(%arg0: i32, %arg1: i32, %arg2: memref<8192xi32, #tpu.memory_space<hbm>>, %arg3: memref<100000x768xf32, #tpu.memory_space<hbm>>, %arg4: memref<8192x768xf32, #tpu.memory_space<hbm>>, %arg5: memref<64xi32, #tpu.memory_space<vmem>>, %arg6: memref<64xi32, #tpu.memory_space<vmem>>, %arg7: memref<64x768xf32, #tpu.memory_space<vmem>>, %arg8: memref<64x768xf32, #tpu.memory_space<vmem>>, %arg9: memref<!tpu.dma_semaphore, #tpu.memory_space<semaphore_mem>>, %arg10: memref<!tpu.dma_semaphore, #tpu.memory_space<semaphore_mem>>, %arg11: memref<!tpu.dma_semaphore, #tpu.memory_space<semaphore_mem>>, %arg12: memref<!tpu.dma_semaphore, #tpu.memory_space<semaphore_mem>>) attributes {dimension_semantics = [#tpu.dimension_semantics<core_parallel>, #tpu.dimension_semantics<subcore_parallel>], iteration_bounds = array<i64: 2, 16>, scalar_prefetch = 0 : i64, scratch_operands = 8 : i64, tpu.core_type = #tpu.core_type<sc_vector_subcore>, window_params = [{transform_indices = #map}, {transform_indices = #map1}, {transform_indices = #map1}]} {
    %mul3A = arith.constant 2 : i32
    %mul3A_0 = arith.muli %arg1, %mul3A : i32
    %add3A = arith.addi %mul3A_0, %arg0 : i32
    %mul3A_1 = arith.constant 256 : i32
    %mul3A_2 = arith.muli %add3A, %mul3A_1 : i32
    "tpu.region"() ({
      %run_scoped3A = tpu.sem_alloc : memref<!tpu.dma_semaphore, #tpu.memory_space<semaphore_mem>>
      %dma_start3A_16 = tpu.memref_slice %arg2[%mul3A_2] : memref<8192xi32, #tpu.memory_space<hbm>> -> memref<64xi32, #tpu.memory_space<hbm>>
      %dma_start3A_17 = tpu.memref_slice %arg2[%mul3A_2] : memref<8192xi32, #tpu.memory_space<hbm>> -> memref<64xi32, #tpu.memory_space<hbm>>
      tpu.enqueue_dma source(%dma_start3A_17 : memref<64xi32, #tpu.memory_space<hbm>>) target(%arg5 : memref<64xi32, #tpu.memory_space<vmem>>) target_semaphore(%run_scoped3A : memref<!tpu.dma_semaphore, #tpu.memory_space<semaphore_mem>>)
      %dma_wait3A_18 = tpu.memref_slice %arg2[%mul3A_2] : memref<8192xi32, #tpu.memory_space<hbm>> -> memref<64xi32, #tpu.memory_space<hbm>>
      %dma_wait3A_19 = tpu.memref_slice %arg2[%mul3A_2] : memref<8192xi32, #tpu.memory_space<hbm>> -> memref<64xi32, #tpu.memory_space<hbm>>
      tpu.wait_dma2 semaphore(%run_scoped3A : memref<!tpu.dma_semaphore, #tpu.memory_space<semaphore_mem>>) src(%dma_wait3A_19 : memref<64xi32, #tpu.memory_space<hbm>>) dst(%arg5 : memref<64xi32, #tpu.memory_space<vmem>>)
      tpu.yield
    }) : () -> ()
    %dma_start3A = arith.constant 0 : i32
    %dma_start3A_3 = arith.constant 0 : i32
    %dma_start3A_4 = tpu.memref_slice %arg3[%dma_start3A, %dma_start3A_3] : memref<100000x768xf32, #tpu.memory_space<hbm>> -> memref<100000x768xf32, #tpu.memory_space<hbm>>
    tpu.enqueue_indirect_dma source(%dma_start3A_4 : memref<100000x768xf32, #tpu.memory_space<hbm>>) target(%arg7 : memref<64x768xf32, #tpu.memory_space<vmem>>) offsets(%arg5 : memref<64xi32, #tpu.memory_space<vmem>>) semaphore(%arg9 : memref<!tpu.dma_semaphore, #tpu.memory_space<semaphore_mem>>)
    %scan3A = arith.constant 0 : i32
    %scan3A_5 = arith.constant 0 : i32
    %scan3A_6 = arith.constant 2 : i32
    %scan3A_7 = arith.addi %scan3A_5, %scan3A_6 : i32
    %scan3A_8 = arith.constant 1 : i32
    scf.for %scan3A_16 = %scan3A_5 to %scan3A_7 step %scan3A_8  : i32 {
      %mul3A_17 = arith.constant 2 : i32
      %mul3A_18 = arith.muli %mul3A_17, %scan3A_16 : i32
      %mul3A_19 = arith.constant 64 : i32
      %mul3A_20 = arith.muli %mul3A_18, %mul3A_19 : i32
      %add3A_21 = arith.addi %mul3A_2, %mul3A_20 : i32
      %add3A_22 = arith.constant 64 : i32
      %add3A_23 = arith.addi %add3A_21, %add3A_22 : i32
      %dma_wait3A_24 = arith.constant 0 : i32
      %dma_wait3A_25 = arith.constant 0 : i32
      %dma_wait3A_26 = tpu.memref_slice %arg3[%dma_wait3A_24, %dma_wait3A_25] : memref<100000x768xf32, #tpu.memory_space<hbm>> -> memref<100000x768xf32, #tpu.memory_space<hbm>>
      tpu.wait_indirect_dma semaphore(%arg9 : memref<!tpu.dma_semaphore, #tpu.memory_space<semaphore_mem>>) src(%dma_wait3A_26 : memref<100000x768xf32, #tpu.memory_space<hbm>>) dst(%arg7 : memref<64x768xf32, #tpu.memory_space<vmem>>)
      %gt3A = arith.constant 0 : i32
      %gt3A_27 = arith.cmpi sgt, %scan3A_16, %gt3A : i32
      %convert_element_type3A = arith.extui %gt3A_27 : i1 to i32
      %cond3A = arith.constant 0 : i32
      %cond3A_28 = arith.cmpi ne, %convert_element_type3A, %cond3A : i32
      scf.if %cond3A_28 {
        %sub3A_51 = arith.constant 128 : i32
        %sub3A_52 = arith.subi %add3A_23, %sub3A_51 : i32
        %dma_wait3A_53 = arith.constant 0 : i32
        %dma_wait3A_54 = tpu.memref_slice %arg4[%sub3A_52, %dma_wait3A_53] : memref<8192x768xf32, #tpu.memory_space<hbm>> -> memref<64x768xf32, #tpu.memory_space<hbm>>
        %dma_wait3A_55 = arith.constant 0 : i32
        %dma_wait3A_56 = tpu.memref_slice %arg4[%sub3A_52, %dma_wait3A_55] : memref<8192x768xf32, #tpu.memory_space<hbm>> -> memref<64x768xf32, #tpu.memory_space<hbm>>
        tpu.wait_dma2 semaphore(%arg12 : memref<!tpu.dma_semaphore, #tpu.memory_space<semaphore_mem>>) src(%arg8 : memref<64x768xf32, #tpu.memory_space<vmem>>) dst(%dma_wait3A_56 : memref<64x768xf32, #tpu.memory_space<hbm>>)
      } else {
      }
      %dma_start3A_29 = arith.constant 0 : i32
      %dma_start3A_30 = tpu.memref_slice %arg4[%add3A_21, %dma_start3A_29] : memref<8192x768xf32, #tpu.memory_space<hbm>> -> memref<64x768xf32, #tpu.memory_space<hbm>>
      %dma_start3A_31 = arith.constant 0 : i32
      %dma_start3A_32 = tpu.memref_slice %arg4[%add3A_21, %dma_start3A_31] : memref<8192x768xf32, #tpu.memory_space<hbm>> -> memref<64x768xf32, #tpu.memory_space<hbm>>
      tpu.enqueue_dma source(%arg7 : memref<64x768xf32, #tpu.memory_space<vmem>>) target(%dma_start3A_32 : memref<64x768xf32, #tpu.memory_space<hbm>>) target_semaphore(%arg11 : memref<!tpu.dma_semaphore, #tpu.memory_space<semaphore_mem>>)
      "tpu.region"() ({
        %run_scoped3A = tpu.sem_alloc : memref<!tpu.dma_semaphore, #tpu.memory_space<semaphore_mem>>
        %dma_start3A_51 = tpu.memref_slice %arg2[%add3A_23] : memref<8192xi32, #tpu.memory_space<hbm>> -> memref<64xi32, #tpu.memory_space<hbm>>
        %dma_start3A_52 = tpu.memref_slice %arg2[%add3A_23] : memref<8192xi32, #tpu.memory_space<hbm>> -> memref<64xi32, #tpu.memory_space<hbm>>
        tpu.enqueue_dma source(%dma_start3A_52 : memref<64xi32, #tpu.memory_space<hbm>>) target(%arg6 : memref<64xi32, #tpu.memory_space<vmem>>) target_semaphore(%run_scoped3A : memref<!tpu.dma_semaphore, #tpu.memory_space<semaphore_mem>>)
        %dma_wait3A_53 = tpu.memref_slice %arg2[%add3A_23] : memref<8192xi32, #tpu.memory_space<hbm>> -> memref<64xi32, #tpu.memory_space<hbm>>
        %dma_wait3A_54 = tpu.memref_slice %arg2[%add3A_23] : memref<8192xi32, #tpu.memory_space<hbm>> -> memref<64xi32, #tpu.memory_space<hbm>>
        tpu.wait_dma2 semaphore(%run_scoped3A : memref<!tpu.dma_semaphore, #tpu.memory_space<semaphore_mem>>) src(%dma_wait3A_54 : memref<64xi32, #tpu.memory_space<hbm>>) dst(%arg6 : memref<64xi32, #tpu.memory_space<vmem>>)
        tpu.yield
      }) : () -> ()
      %dma_start3A_33 = arith.constant 0 : i32
      %dma_start3A_34 = arith.constant 0 : i32
      %dma_start3A_35 = tpu.memref_slice %arg3[%dma_start3A_33, %dma_start3A_34] : memref<100000x768xf32, #tpu.memory_space<hbm>> -> memref<100000x768xf32, #tpu.memory_space<hbm>>
      tpu.enqueue_indirect_dma source(%dma_start3A_35 : memref<100000x768xf32, #tpu.memory_space<hbm>>) target(%arg8 : memref<64x768xf32, #tpu.memory_space<vmem>>) offsets(%arg6 : memref<64xi32, #tpu.memory_space<vmem>>) semaphore(%arg10 : memref<!tpu.dma_semaphore, #tpu.memory_space<semaphore_mem>>)
      %dma_wait3A_36 = arith.constant 0 : i32
      %dma_wait3A_37 = arith.constant 0 : i32
      %dma_wait3A_38 = tpu.memref_slice %arg3[%dma_wait3A_36, %dma_wait3A_37] : memref<100000x768xf32, #tpu.memory_space<hbm>> -> memref<100000x768xf32, #tpu.memory_space<hbm>>
      tpu.wait_indirect_dma semaphore(%arg10 : memref<!tpu.dma_semaphore, #tpu.memory_space<semaphore_mem>>) src(%dma_wait3A_38 : memref<100000x768xf32, #tpu.memory_space<hbm>>) dst(%arg8 : memref<64x768xf32, #tpu.memory_space<vmem>>)
      %dma_wait3A_39 = arith.constant 0 : i32
      %dma_wait3A_40 = tpu.memref_slice %arg4[%add3A_21, %dma_wait3A_39] : memref<8192x768xf32, #tpu.memory_space<hbm>> -> memref<64x768xf32, #tpu.memory_space<hbm>>
      %dma_wait3A_41 = arith.constant 0 : i32
      %dma_wait3A_42 = tpu.memref_slice %arg4[%add3A_21, %dma_wait3A_41] : memref<8192x768xf32, #tpu.memory_space<hbm>> -> memref<64x768xf32, #tpu.memory_space<hbm>>
      tpu.wait_dma2 semaphore(%arg11 : memref<!tpu.dma_semaphore, #tpu.memory_space<semaphore_mem>>) src(%arg7 : memref<64x768xf32, #tpu.memory_space<vmem>>) dst(%dma_wait3A_42 : memref<64x768xf32, #tpu.memory_space<hbm>>)
      %dma_start3A_43 = arith.constant 0 : i32
      %dma_start3A_44 = tpu.memref_slice %arg4[%add3A_23, %dma_start3A_43] : memref<8192x768xf32, #tpu.memory_space<hbm>> -> memref<64x768xf32, #tpu.memory_space<hbm>>
      %dma_start3A_45 = arith.constant 0 : i32
      %dma_start3A_46 = tpu.memref_slice %arg4[%add3A_23, %dma_start3A_45] : memref<8192x768xf32, #tpu.memory_space<hbm>> -> memref<64x768xf32, #tpu.memory_space<hbm>>
      tpu.enqueue_dma source(%arg8 : memref<64x768xf32, #tpu.memory_space<vmem>>) target(%dma_start3A_46 : memref<64x768xf32, #tpu.memory_space<hbm>>) target_semaphore(%arg12 : memref<!tpu.dma_semaphore, #tpu.memory_space<semaphore_mem>>)
      %lt3A = arith.constant 1 : i32
      %lt3A_47 = arith.cmpi slt, %scan3A_16, %lt3A : i32
      %convert_element_type3A_48 = arith.extui %lt3A_47 : i1 to i32
      %cond3A_49 = arith.constant 0 : i32
      %cond3A_50 = arith.cmpi ne, %convert_element_type3A_48, %cond3A_49 : i32
      scf.if %cond3A_50 {
        %add3A_51 = arith.constant 64 : i32
        %add3A_52 = arith.addi %add3A_23, %add3A_51 : i32
        "tpu.region"() ({
          %run_scoped3A = tpu.sem_alloc : memref<!tpu.dma_semaphore, #tpu.memory_space<semaphore_mem>>
          %dma_start3A_56 = tpu.memref_slice %arg2[%add3A_52] : memref<8192xi32, #tpu.memory_space<hbm>> -> memref<64xi32, #tpu.memory_space<hbm>>
          %dma_start3A_57 = tpu.memref_slice %arg2[%add3A_52] : memref<8192xi32, #tpu.memory_space<hbm>> -> memref<64xi32, #tpu.memory_space<hbm>>
          tpu.enqueue_dma source(%dma_start3A_57 : memref<64xi32, #tpu.memory_space<hbm>>) target(%arg5 : memref<64xi32, #tpu.memory_space<vmem>>) target_semaphore(%run_scoped3A : memref<!tpu.dma_semaphore, #tpu.memory_space<semaphore_mem>>)
          %dma_wait3A_58 = tpu.memref_slice %arg2[%add3A_52] : memref<8192xi32, #tpu.memory_space<hbm>> -> memref<64xi32, #tpu.memory_space<hbm>>
          %dma_wait3A_59 = tpu.memref_slice %arg2[%add3A_52] : memref<8192xi32, #tpu.memory_space<hbm>> -> memref<64xi32, #tpu.memory_space<hbm>>
          tpu.wait_dma2 semaphore(%run_scoped3A : memref<!tpu.dma_semaphore, #tpu.memory_space<semaphore_mem>>) src(%dma_wait3A_59 : memref<64xi32, #tpu.memory_space<hbm>>) dst(%arg5 : memref<64xi32, #tpu.memory_space<vmem>>)
          tpu.yield
        }) : () -> ()
        %dma_start3A_53 = arith.constant 0 : i32
        %dma_start3A_54 = arith.constant 0 : i32
        %dma_start3A_55 = tpu.memref_slice %arg3[%dma_start3A_53, %dma_start3A_54] : memref<100000x768xf32, #tpu.memory_space<hbm>> -> memref<100000x768xf32, #tpu.memory_space<hbm>>
        tpu.enqueue_indirect_dma source(%dma_start3A_55 : memref<100000x768xf32, #tpu.memory_space<hbm>>) target(%arg7 : memref<64x768xf32, #tpu.memory_space<vmem>>) offsets(%arg5 : memref<64xi32, #tpu.memory_space<vmem>>) semaphore(%arg9 : memref<!tpu.dma_semaphore, #tpu.memory_space<semaphore_mem>>)
      } else {
      }
    }
    %scan3A_9 = arith.constant 2 : i32
    %add3A_10 = arith.constant 256 : i32
    %add3A_11 = arith.addi %mul3A_2, %add3A_10 : i32
    %sub3A = arith.constant 64 : i32
    %sub3A_12 = arith.subi %add3A_11, %sub3A : i32
    %dma_wait3A = arith.constant 0 : i32
    %dma_wait3A_13 = tpu.memref_slice %arg4[%sub3A_12, %dma_wait3A] : memref<8192x768xf32, #tpu.memory_space<hbm>> -> memref<64x768xf32, #tpu.memory_space<hbm>>
    %dma_wait3A_14 = arith.constant 0 : i32
    %dma_wait3A_15 = tpu.memref_slice %arg4[%sub3A_12, %dma_wait3A_14] : memref<8192x768xf32, #tpu.memory_space<hbm>> -> memref<64x768xf32, #tpu.memory_space<hbm>>
    tpu.wait_dma2 semaphore(%arg12 : memref<!tpu.dma_semaphore, #tpu.memory_space<semaphore_mem>>) src(%arg8 : memref<64x768xf32, #tpu.memory_space<vmem>>) dst(%dma_wait3A_15 : memref<64x768xf32, #tpu.memory_space<hbm>>)
    return
  }
}

#map = affine_map<(d0, d1) -> (0)>
#map1 = affine_map<(d0, d1) -> (0, 0)>
module attributes {stable_mosaic.version = 14 : i64} {
  func.func @gather_kernel(%arg0: i32, %arg1: i32, %arg2: memref<8192xi32, #tpu.memory_space<hbm>>, %arg3: memref<100000x768xf32, #tpu.memory_space<hbm>>, %arg4: memref<8192x768xf32, #tpu.memory_space<hbm>>, %arg5: memref<64xi32, #tpu.memory_space<vmem>>, %arg6: memref<64xi32, #tpu.memory_space<vmem>>, %arg7: memref<64x768xf32, #tpu.memory_space<vmem>>, %arg8: memref<64x768xf32, #tpu.memory_space<vmem>>, %arg9: memref<!tpu.dma_semaphore, #tpu.memory_space<semaphore_mem>>, %arg10: memref<!tpu.dma_semaphore, #tpu.memory_space<semaphore_mem>>, %arg11: memref<!tpu.dma_semaphore, #tpu.memory_space<semaphore_mem>>, %arg12: memref<!tpu.dma_semaphore, #tpu.memory_space<semaphore_mem>>) attributes {dimension_semantics = [#tpu.dimension_semantics<core_parallel>, #tpu.dimension_semantics<subcore_parallel>], iteration_bounds = array<i64: 2, 16>, scalar_prefetch = 0 : i64, scratch_operands = 8 : i64, tpu.core_type = #tpu.core_type<sc_vector_subcore>, window_params = [{transform_indices = #map}, {transform_indices = #map1}, {transform_indices = #map1}]} {
    %mul3A = arith.constant 2 : i32
    %mul3A_0 = arith.muli %arg1, %mul3A : i32
    %add3A = arith.addi %mul3A_0, %arg0 : i32
    %mul3A_1 = arith.constant 256 : i32
    %mul3A_2 = arith.muli %add3A, %mul3A_1 : i32
    "tpu.region"() ({
      %run_scoped3A = tpu.sem_alloc : memref<!tpu.dma_semaphore, #tpu.memory_space<semaphore_mem>>
      %dma_start3A_16 = tpu.memref_slice %arg2[%mul3A_2] : memref<8192xi32, #tpu.memory_space<hbm>> -> memref<64xi32, #tpu.memory_space<hbm>>
      %dma_start3A_17 = tpu.memref_slice %arg2[%mul3A_2] : memref<8192xi32, #tpu.memory_space<hbm>> -> memref<64xi32, #tpu.memory_space<hbm>>
      tpu.enqueue_dma source(%dma_start3A_17 : memref<64xi32, #tpu.memory_space<hbm>>) target(%arg5 : memref<64xi32, #tpu.memory_space<vmem>>) target_semaphore(%run_scoped3A : memref<!tpu.dma_semaphore, #tpu.memory_space<semaphore_mem>>)
      %dma_wait3A_18 = tpu.memref_slice %arg2[%mul3A_2] : memref<8192xi32, #tpu.memory_space<hbm>> -> memref<64xi32, #tpu.memory_space<hbm>>
      %dma_wait3A_19 = tpu.memref_slice %arg2[%mul3A_2] : memref<8192xi32, #tpu.memory_space<hbm>> -> memref<64xi32, #tpu.memory_space<hbm>>
      tpu.wait_dma2 semaphore(%run_scoped3A : memref<!tpu.dma_semaphore, #tpu.memory_space<semaphore_mem>>) src(%dma_wait3A_19 : memref<64xi32, #tpu.memory_space<hbm>>) dst(%arg5 : memref<64xi32, #tpu.memory_space<vmem>>)
      tpu.yield
    }) : () -> ()
    %dma_start3A = arith.constant 0 : i32
    %dma_start3A_3 = arith.constant 0 : i32
    %dma_start3A_4 = tpu.memref_slice %arg3[%dma_start3A, %dma_start3A_3] : memref<100000x768xf32, #tpu.memory_space<hbm>> -> memref<100000x768xf32, #tpu.memory_space<hbm>>
    tpu.enqueue_indirect_dma source(%dma_start3A_4 : memref<100000x768xf32, #tpu.memory_space<hbm>>) target(%arg7 : memref<64x768xf32, #tpu.memory_space<vmem>>) offsets(%arg5 : memref<64xi32, #tpu.memory_space<vmem>>) semaphore(%arg9 : memref<!tpu.dma_semaphore, #tpu.memory_space<semaphore_mem>>)
    %scan3A = arith.constant 0 : i32
    %scan3A_5 = arith.constant 0 : i32
    %scan3A_6 = arith.constant 2 : i32
    %scan3A_7 = arith.addi %scan3A_5, %scan3A_6 : i32
    %scan3A_8 = arith.constant 1 : i32
    scf.for %scan3A_16 = %scan3A_5 to %scan3A_7 step %scan3A_8  : i32 {
      %mul3A_17 = arith.constant 2 : i32
      %mul3A_18 = arith.muli %mul3A_17, %scan3A_16 : i32
      %mul3A_19 = arith.constant 64 : i32
      %mul3A_20 = arith.muli %mul3A_18, %mul3A_19 : i32
      %add3A_21 = arith.addi %mul3A_2, %mul3A_20 : i32
      %add3A_22 = arith.constant 64 : i32
      %add3A_23 = arith.addi %add3A_21, %add3A_22 : i32
      %dma_wait3A_24 = arith.constant 0 : i32
      %dma_wait3A_25 = arith.constant 0 : i32
      %dma_wait3A_26 = tpu.memref_slice %arg3[%dma_wait3A_24, %dma_wait3A_25] : memref<100000x768xf32, #tpu.memory_space<hbm>> -> memref<100000x768xf32, #tpu.memory_space<hbm>>
      tpu.wait_indirect_dma semaphore(%arg9 : memref<!tpu.dma_semaphore, #tpu.memory_space<semaphore_mem>>) src(%dma_wait3A_26 : memref<100000x768xf32, #tpu.memory_space<hbm>>) dst(%arg7 : memref<64x768xf32, #tpu.memory_space<vmem>>)
      %gt3A = arith.constant 0 : i32
      %gt3A_27 = arith.cmpi sgt, %scan3A_16, %gt3A : i32
      %convert_element_type3A = arith.extui %gt3A_27 : i1 to i32
      %cond3A = arith.constant 0 : i32
      %cond3A_28 = arith.cmpi ne, %convert_element_type3A, %cond3A : i32
      scf.if %cond3A_28 {
        %sub3A_51 = arith.constant 128 : i32
        %sub3A_52 = arith.subi %add3A_23, %sub3A_51 : i32
        %dma_wait3A_53 = arith.constant 0 : i32
        %dma_wait3A_54 = tpu.memref_slice %arg4[%sub3A_52, %dma_wait3A_53] : memref<8192x768xf32, #tpu.memory_space<hbm>> -> memref<64x768xf32, #tpu.memory_space<hbm>>
        %dma_wait3A_55 = arith.constant 0 : i32
        %dma_wait3A_56 = tpu.memref_slice %arg4[%sub3A_52, %dma_wait3A_55] : memref<8192x768xf32, #tpu.memory_space<hbm>> -> memref<64x768xf32, #tpu.memory_space<hbm>>
        tpu.wait_dma2 semaphore(%arg12 : memref<!tpu.dma_semaphore, #tpu.memory_space<semaphore_mem>>) src(%arg8 : memref<64x768xf32, #tpu.memory_space<vmem>>) dst(%dma_wait3A_56 : memref<64x768xf32, #tpu.memory_space<hbm>>)
      } else {
      }
      %dma_start3A_29 = arith.constant 0 : i32
      %dma_start3A_30 = tpu.memref_slice %arg4[%add3A_21, %dma_start3A_29] : memref<8192x768xf32, #tpu.memory_space<hbm>> -> memref<64x768xf32, #tpu.memory_space<hbm>>
      %dma_start3A_31 = arith.constant 0 : i32
      %dma_start3A_32 = tpu.memref_slice %arg4[%add3A_21, %dma_start3A_31] : memref<8192x768xf32, #tpu.memory_space<hbm>> -> memref<64x768xf32, #tpu.memory_space<hbm>>
      tpu.enqueue_dma source(%arg7 : memref<64x768xf32, #tpu.memory_space<vmem>>) target(%dma_start3A_32 : memref<64x768xf32, #tpu.memory_space<hbm>>) target_semaphore(%arg11 : memref<!tpu.dma_semaphore, #tpu.memory_space<semaphore_mem>>)
      "tpu.region"() ({
        %run_scoped3A = tpu.sem_alloc : memref<!tpu.dma_semaphore, #tpu.memory_space<semaphore_mem>>
        %dma_start3A_51 = tpu.memref_slice %arg2[%add3A_23] : memref<8192xi32, #tpu.memory_space<hbm>> -> memref<64xi32, #tpu.memory_space<hbm>>
        %dma_start3A_52 = tpu.memref_slice %arg2[%add3A_23] : memref<8192xi32, #tpu.memory_space<hbm>> -> memref<64xi32, #tpu.memory_space<hbm>>
        tpu.enqueue_dma source(%dma_start3A_52 : memref<64xi32, #tpu.memory_space<hbm>>) target(%arg6 : memref<64xi32, #tpu.memory_space<vmem>>) target_semaphore(%run_scoped3A : memref<!tpu.dma_semaphore, #tpu.memory_space<semaphore_mem>>)
        %dma_wait3A_53 = tpu.memref_slice %arg2[%add3A_23] : memref<8192xi32, #tpu.memory_space<hbm>> -> memref<64xi32, #tpu.memory_space<hbm>>
        %dma_wait3A_54 = tpu.memref_slice %arg2[%add3A_23] : memref<8192xi32, #tpu.memory_space<hbm>> -> memref<64xi32, #tpu.memory_space<hbm>>
        tpu.wait_dma2 semaphore(%run_scoped3A : memref<!tpu.dma_semaphore, #tpu.memory_space<semaphore_mem>>) src(%dma_wait3A_54 : memref<64xi32, #tpu.memory_space<hbm>>) dst(%arg6 : memref<64xi32, #tpu.memory_space<vmem>>)
        tpu.yield
      }) : () -> ()
      %dma_start3A_33 = arith.constant 0 : i32
      %dma_start3A_34 = arith.constant 0 : i32
      %dma_start3A_35 = tpu.memref_slice %arg3[%dma_start3A_33, %dma_start3A_34] : memref<100000x768xf32, #tpu.memory_space<hbm>> -> memref<100000x768xf32, #tpu.memory_space<hbm>>
      tpu.enqueue_indirect_dma source(%dma_start3A_35 : memref<100000x768xf32, #tpu.memory_space<hbm>>) target(%arg8 : memref<64x768xf32, #tpu.memory_space<vmem>>) offsets(%arg6 : memref<64xi32, #tpu.memory_space<vmem>>) semaphore(%arg10 : memref<!tpu.dma_semaphore, #tpu.memory_space<semaphore_mem>>)
      %dma_wait3A_36 = arith.constant 0 : i32
      %dma_wait3A_37 = arith.constant 0 : i32
      %dma_wait3A_38 = tpu.memref_slice %arg3[%dma_wait3A_36, %dma_wait3A_37] : memref<100000x768xf32, #tpu.memory_space<hbm>> -> memref<100000x768xf32, #tpu.memory_space<hbm>>
      tpu.wait_indirect_dma semaphore(%arg10 : memref<!tpu.dma_semaphore, #tpu.memory_space<semaphore_mem>>) src(%dma_wait3A_38 : memref<100000x768xf32, #tpu.memory_space<hbm>>) dst(%arg8 : memref<64x768xf32, #tpu.memory_space<vmem>>)
      %dma_wait3A_39 = arith.constant 0 : i32
      %dma_wait3A_40 = tpu.memref_slice %arg4[%add3A_21, %dma_wait3A_39] : memref<8192x768xf32, #tpu.memory_space<hbm>> -> memref<64x768xf32, #tpu.memory_space<hbm>>
      %dma_wait3A_41 = arith.constant 0 : i32
      %dma_wait3A_42 = tpu.memref_slice %arg4[%add3A_21, %dma_wait3A_41] : memref<8192x768xf32, #tpu.memory_space<hbm>> -> memref<64x768xf32, #tpu.memory_space<hbm>>
      tpu.wait_dma2 semaphore(%arg11 : memref<!tpu.dma_semaphore, #tpu.memory_space<semaphore_mem>>) src(%arg7 : memref<64x768xf32, #tpu.memory_space<vmem>>) dst(%dma_wait3A_42 : memref<64x768xf32, #tpu.memory_space<hbm>>)
      %dma_start3A_43 = arith.constant 0 : i32
      %dma_start3A_44 = tpu.memref_slice %arg4[%add3A_23, %dma_start3A_43] : memref<8192x768xf32, #tpu.memory_space<hbm>> -> memref<64x768xf32, #tpu.memory_space<hbm>>
      %dma_start3A_45 = arith.constant 0 : i32
      %dma_start3A_46 = tpu.memref_slice %arg4[%add3A_23, %dma_start3A_45] : memref<8192x768xf32, #tpu.memory_space<hbm>> -> memref<64x768xf32, #tpu.memory_space<hbm>>
      tpu.enqueue_dma source(%arg8 : memref<64x768xf32, #tpu.memory_space<vmem>>) target(%dma_start3A_46 : memref<64x768xf32, #tpu.memory_space<hbm>>) target_semaphore(%arg12 : memref<!tpu.dma_semaphore, #tpu.memory_space<semaphore_mem>>)
      %lt3A = arith.constant 1 : i32
      %lt3A_47 = arith.cmpi slt, %scan3A_16, %lt3A : i32
      %convert_element_type3A_48 = arith.extui %lt3A_47 : i1 to i32
      %cond3A_49 = arith.constant 0 : i32
      %cond3A_50 = arith.cmpi ne, %convert_element_type3A_48, %cond3A_49 : i32
      scf.if %cond3A_50 {
        %add3A_51 = arith.constant 64 : i32
        %add3A_52 = arith.addi %add3A_23, %add3A_51 : i32
        "tpu.region"() ({
          %run_scoped3A = tpu.sem_alloc : memref<!tpu.dma_semaphore, #tpu.memory_space<semaphore_mem>>
          %dma_start3A_56 = tpu.memref_slice %arg2[%add3A_52] : memref<8192xi32, #tpu.memory_space<hbm>> -> memref<64xi32, #tpu.memory_space<hbm>>
          %dma_start3A_57 = tpu.memref_slice %arg2[%add3A_52] : memref<8192xi32, #tpu.memory_space<hbm>> -> memref<64xi32, #tpu.memory_space<hbm>>
          tpu.enqueue_dma source(%dma_start3A_57 : memref<64xi32, #tpu.memory_space<hbm>>) target(%arg5 : memref<64xi32, #tpu.memory_space<vmem>>) target_semaphore(%run_scoped3A : memref<!tpu.dma_semaphore, #tpu.memory_space<semaphore_mem>>)
          %dma_wait3A_58 = tpu.memref_slice %arg2[%add3A_52] : memref<8192xi32, #tpu.memory_space<hbm>> -> memref<64xi32, #tpu.memory_space<hbm>>
          %dma_wait3A_59 = tpu.memref_slice %arg2[%add3A_52] : memref<8192xi32, #tpu.memory_space<hbm>> -> memref<64xi32, #tpu.memory_space<hbm>>
          tpu.wait_dma2 semaphore(%run_scoped3A : memref<!tpu.dma_semaphore, #tpu.memory_space<semaphore_mem>>) src(%dma_wait3A_59 : memref<64xi32, #tpu.memory_space<hbm>>) dst(%arg5 : memref<64xi32, #tpu.memory_space<vmem>>)
          tpu.yield
        }) : () -> ()
        %dma_start3A_53 = arith.constant 0 : i32
        %dma_start3A_54 = arith.constant 0 : i32
        %dma_start3A_55 = tpu.memref_slice %arg3[%dma_start3A_53, %dma_start3A_54] : memref<100000x768xf32, #tpu.memory_space<hbm>> -> memref<100000x768xf32, #tpu.memory_space<hbm>>
        tpu.enqueue_indirect_dma source(%dma_start3A_55 : memref<100000x768xf32, #tpu.memory_space<hbm>>) target(%arg7 : memref<64x768xf32, #tpu.memory_space<vmem>>) offsets(%arg5 : memref<64xi32, #tpu.memory_space<vmem>>) semaphore(%arg9 : memref<!tpu.dma_semaphore, #tpu.memory_space<semaphore_mem>>)
      } else {
      }
    }
    %scan3A_9 = arith.constant 2 : i32
    %add3A_10 = arith.constant 256 : i32
    %add3A_11 = arith.addi %mul3A_2, %add3A_10 : i32
    %sub3A = arith.constant 64 : i32
    %sub3A_12 = arith.subi %add3A_11, %sub3A : i32
    %dma_wait3A = arith.constant 0 : i32
    %dma_wait3A_13 = tpu.memref_slice %arg4[%sub3A_12, %dma_wait3A] : memref<8192x768xf32, #tpu.memory_space<hbm>> -> memref<64x768xf32, #tpu.memory_space<hbm>>
    %dma_wait3A_14 = arith.constant 0 : i32
    %dma_wait3A_15 = tpu.memref_slice %arg4[%sub3A_12, %dma_wait3A_14] : memref<8192x768xf32, #tpu.memory_space<hbm>> -> memref<64x768xf32, #tpu.memory_space<hbm>>
    tpu.wait_dma2 semaphore(%arg12 : memref<!tpu.dma_semaphore, #tpu.memory_space<semaphore_mem>>) src(%arg8 : memref<64x768xf32, #tpu.memory_space<vmem>>) dst(%dma_wait3A_15 : memref<64x768xf32, #tpu.memory_space<hbm>>)
    return
  }
}

module attributes {stable_mosaic.version = 14 : i64} {
  func.func @body(%arg0: i32, %arg1: memref<1x1x512xi32, #tpu.memory_space<vmem>>, %arg2: memref<1x512x768xf32, #tpu.memory_space<vmem>>, %arg3: memref<16x768xf32, #tpu.memory_space<vmem>>, %arg4: memref<512x768xf32, #tpu.memory_space<vmem>>, %arg5: memref<1x768xf32, #tpu.memory_space<vmem>>, %arg6: memref<1x768xf32, #tpu.memory_space<vmem>>, %arg7: memref<128x512x768xf32, #tpu.memory_space<any>>, %arg8: memref<2x1x512x768xf32, #tpu.memory_space<vmem>>, %arg9: memref<2x!tpu.dma_semaphore, #tpu.memory_space<semaphore_mem>>) attributes {dimension_semantics = [#tpu.dimension_semantics<arbitrary>], iteration_bounds = array<i64: 16>, scalar_prefetch = 0 : i64, scratch_operands = 2 : i64, tpu.core_type = #tpu.core_type<tc>, window_params = [{transform_indices = @transform_0, window_bounds = array<i64: 1, 1, 512>}, {transform_indices = @transform_1, window_bounds = array<i64: 1, 512, 768>}, {pipeline_mode = #tpu.pipeline_mode<synchronous>, transform_indices = @transform_2, window_bounds = array<i64: 16, 768>}, {pipeline_mode = #tpu.pipeline_mode<synchronous>, transform_indices = @transform_3, window_bounds = array<i64: 512, 768>}, {pipeline_mode = #tpu.pipeline_mode<synchronous>, transform_indices = @transform_4, window_bounds = array<i64: 1, 768>}, {pipeline_mode = #tpu.pipeline_mode<synchronous>, transform_indices = @transform_5, window_bounds = array<i64: 1, 768>}, {}]} {
    %rem3A = arith.constant 2 : i32
    %rem3A_0 = arith.remsi %arg0, %rem3A : i32
    %ge3A = arith.constant 2 : i32
    %ge3A_1 = arith.cmpi sge, %arg0, %ge3A : i32
    %convert_element_type3A = arith.extui %ge3A_1 : i1 to i32
    %cond3A = arith.constant 0 : i32
    %cond3A_2 = arith.cmpi ne, %convert_element_type3A, %cond3A : i32
    scf.if %cond3A_2 {
      %sub3A_77 = arith.constant 2 : i32
      %sub3A_78 = arith.subi %arg0, %sub3A_77 : i32
      %add3A_79 = arith.constant 0 : i32
      %add3A_80 = arith.addi %add3A_79, %sub3A_78 : i32
      %dma_wait3A = tpu.memref_slice %arg9[%rem3A_0] : memref<2x!tpu.dma_semaphore, #tpu.memory_space<semaphore_mem>> -> memref<1x!tpu.dma_semaphore, #tpu.memory_space<semaphore_mem>>
      %dma_wait3A_81 = tpu.memref_squeeze %dma_wait3A : memref<1x!tpu.dma_semaphore, #tpu.memory_space<semaphore_mem>> -> memref<!tpu.dma_semaphore, #tpu.memory_space<semaphore_mem>>
      %dma_wait3A_82 = arith.constant 0 : i32
      %dma_wait3A_83 = arith.constant 0 : i32
      %dma_wait3A_84 = tpu.memref_slice %arg7[%add3A_80, %dma_wait3A_82, %dma_wait3A_83] : memref<128x512x768xf32, #tpu.memory_space<any>> -> memref<1x512x768xf32, #tpu.memory_space<any>>
      %dma_wait3A_85 = arith.constant 0 : i32
      %dma_wait3A_86 = arith.constant 0 : i32
      %dma_wait3A_87 = arith.constant 0 : i32
      %dma_wait3A_88 = tpu.memref_slice %arg8[%rem3A_0, %dma_wait3A_85, %dma_wait3A_86, %dma_wait3A_87] : memref<2x1x512x768xf32, #tpu.memory_space<vmem>> -> memref<1x1x512x768xf32, #tpu.memory_space<vmem>>
      %dma_wait3A_89 = tpu.memref_squeeze %dma_wait3A_88 : memref<1x1x512x768xf32, #tpu.memory_space<vmem>> -> memref<1x512x768xf32, #tpu.memory_space<vmem>>
      tpu.wait_dma2 semaphore(%dma_wait3A_81 : memref<!tpu.dma_semaphore, #tpu.memory_space<semaphore_mem>>) src(%dma_wait3A_89 : memref<1x512x768xf32, #tpu.memory_space<vmem>>) dst(%dma_wait3A_84 : memref<1x512x768xf32, #tpu.memory_space<any>>)
    } else {
    }
    %get3A = arith.constant 0 : index
    %get3A_3 = arith.constant 0 : index
    %get3A_4 = arith.constant 0 : index
    %get3A_5 = vector.load %arg2[%get3A, %get3A_3, %get3A_4] : memref<1x512x768xf32, #tpu.memory_space<vmem>>, vector<1x512x768xf32>
    %get3A_6 = vector.shape_cast %get3A_5 : vector<1x512x768xf32> to vector<512x768xf32>
    %get3A_7 = arith.constant 0 : index
    %get3A_8 = arith.constant 0 : index
    %get3A_9 = arith.constant 0 : index
    %get3A_10 = vector.load %arg1[%get3A_7, %get3A_8, %get3A_9] : memref<1x1x512xi32, #tpu.memory_space<vmem>>, vector<1x1x512xi32>
    %get3A_11 = vector.shape_cast %get3A_10 : vector<1x1x512xi32> to vector<512xi32>
    %iota3A = tpu.iota {dimensions = array<i32: 1>} : vector<1x16xi32>
    %broadcast_in_dim3A = vector.shape_cast %get3A_11 : vector<512xi32> to vector<512x1xi32>
    %eq3A = vector.broadcast %broadcast_in_dim3A : vector<512x1xi32> to vector<512x16xi32>
    %eq3A_12 = vector.broadcast %iota3A : vector<1x16xi32> to vector<512x16xi32>
    %eq3A_13 = arith.cmpi eq, %eq3A, %eq3A_12 : vector<512x16xi32>
    %convert_element_type3A_14 = arith.extui %eq3A_13 : vector<512x16xi1> to vector<512x16xi32>
    %convert_element_type3A_15 = arith.sitofp %convert_element_type3A_14 : vector<512x16xi32> to vector<512x16xf32>
    %get3A_16 = arith.constant 0 : index
    %get3A_17 = arith.constant 0 : index
    %get3A_18 = vector.load %arg3[%get3A_16, %get3A_17] : memref<16x768xf32, #tpu.memory_space<vmem>>, vector<16x768xf32>
    %dot_general3A = arith.constant dense<0.000000e+00> : vector<512x768xf32>
    %dot_general3A_19 = tpu.matmul %convert_element_type3A_15, %get3A_18, %dot_general3A {dimension_numbers = #tpu.dot_dimension_numbers<[1], [0], [0], [1], [0, 0, 1, 1], [], []>, transpose_lhs_hint = false} : vector<512x16xf32>, vector<16x768xf32>, vector<512x768xf32> -> vector<512x768xf32>
    %add3A = arith.addf %get3A_6, %dot_general3A_19 : vector<512x768xf32>
    %get3A_20 = arith.constant 0 : index
    %get3A_21 = arith.constant 0 : index
    %get3A_22 = vector.load %arg4[%get3A_20, %get3A_21] : memref<512x768xf32, #tpu.memory_space<vmem>>, vector<512x768xf32>
    %add3A_23 = arith.addf %add3A, %get3A_22 : vector<512x768xf32>
    %reduce_sum3A = arith.constant dense<0.000000e+00> : vector<512xf32>
    %reduce_sum3A_24 = vector.multi_reduction <add>, %add3A_23, %reduce_sum3A [1] : vector<512x768xf32> to vector<512xf32>
    %broadcast_in_dim3A_25 = vector.shape_cast %reduce_sum3A_24 : vector<512xf32> to vector<512x1xf32>
    %div3A = arith.constant 7.680000e+02 : f32
    %div3A_26 = vector.broadcast %div3A : f32 to vector<512x1xf32>
    %div3A_27 = arith.divf %broadcast_in_dim3A_25, %div3A_26 : vector<512x1xf32>
    %sub3A = vector.broadcast %div3A_27 : vector<512x1xf32> to vector<512x768xf32>
    %sub3A_28 = arith.subf %add3A_23, %sub3A : vector<512x768xf32>
    %mul3A = arith.mulf %sub3A_28, %sub3A_28 : vector<512x768xf32>
    %reduce_sum3A_29 = arith.constant dense<0.000000e+00> : vector<512xf32>
    %reduce_sum3A_30 = vector.multi_reduction <add>, %mul3A, %reduce_sum3A_29 [1] : vector<512x768xf32> to vector<512xf32>
    %broadcast_in_dim3A_31 = vector.shape_cast %reduce_sum3A_30 : vector<512xf32> to vector<512x1xf32>
    %div3A_32 = arith.constant 7.680000e+02 : f32
    %div3A_33 = vector.broadcast %div3A_32 : f32 to vector<512x1xf32>
    %div3A_34 = arith.divf %broadcast_in_dim3A_31, %div3A_33 : vector<512x1xf32>
    %add3A_35 = arith.constant 9.99999996E-13 : f32
    %add3A_36 = vector.broadcast %add3A_35 : f32 to vector<512x1xf32>
    %add3A_37 = arith.addf %div3A_34, %add3A_36 : vector<512x1xf32>
    %rsqrt3A = math.rsqrt %add3A_37 : vector<512x1xf32>
    %mul3A_38 = vector.broadcast %rsqrt3A : vector<512x1xf32> to vector<512x768xf32>
    %mul3A_39 = arith.mulf %sub3A_28, %mul3A_38 : vector<512x768xf32>
    %get3A_40 = arith.constant 0 : index
    %get3A_41 = arith.constant 0 : index
    %get3A_42 = vector.load %arg5[%get3A_40, %get3A_41] : memref<1x768xf32, #tpu.memory_space<vmem>>, vector<1x768xf32>
    %mul3A_43 = vector.broadcast %get3A_42 : vector<1x768xf32> to vector<512x768xf32>
    %mul3A_44 = arith.mulf %mul3A_39, %mul3A_43 : vector<512x768xf32>
    %get3A_45 = arith.constant 0 : index
    %get3A_46 = arith.constant 0 : index
    %get3A_47 = vector.load %arg6[%get3A_45, %get3A_46] : memref<1x768xf32, #tpu.memory_space<vmem>>, vector<1x768xf32>
    %add3A_48 = vector.broadcast %get3A_47 : vector<1x768xf32> to vector<512x768xf32>
    %add3A_49 = arith.addf %mul3A_44, %add3A_48 : vector<512x768xf32>
    %broadcast_in_dim3A_50 = vector.shape_cast %add3A_49 : vector<512x768xf32> to vector<1x512x768xf32>
    %eq3A_51 = arith.constant 0 : i32
    %eq3A_52 = arith.cmpi eq, %rem3A_0, %eq3A_51 : i32
    %convert_element_type3A_53 = arith.extui %eq3A_52 : i1 to i32
    %cond3A_54 = arith.constant 0 : i32
    %cond3A_55 = arith.cmpi ne, %convert_element_type3A_53, %cond3A_54 : i32
    scf.if %cond3A_55 {
      %swap3A = arith.constant 0 : index
      %swap3A_77 = arith.constant 0 : index
      %swap3A_78 = arith.constant 0 : index
      %swap3A_79 = arith.constant 0 : index
      %swap3A_80 = vector.load %arg8[%swap3A, %swap3A_77, %swap3A_78, %swap3A_79] : memref<2x1x512x768xf32, #tpu.memory_space<vmem>>, vector<1x1x512x768xf32>
      %swap3A_81 = vector.shape_cast %swap3A_80 : vector<1x1x512x768xf32> to vector<1x512x768xf32>
      %swap3A_82 = vector.shape_cast %broadcast_in_dim3A_50 : vector<1x512x768xf32> to vector<1x1x512x768xf32>
      tpu.vector_store %arg8[%swap3A, %swap3A_77, %swap3A_78, %swap3A_79], %swap3A_82 {strides = array<i32>} : memref<2x1x512x768xf32, #tpu.memory_space<vmem>>, vector<1x1x512x768xf32>,
    } else {
    }
    %eq3A_56 = arith.constant 1 : i32
    %eq3A_57 = arith.cmpi eq, %rem3A_0, %eq3A_56 : i32
    %convert_element_type3A_58 = arith.extui %eq3A_57 : i1 to i32
    %cond3A_59 = arith.constant 0 : i32
    %cond3A_60 = arith.cmpi ne, %convert_element_type3A_58, %cond3A_59 : i32
    scf.if %cond3A_60 {
      %swap3A = arith.constant 1 : index
      %swap3A_77 = arith.constant 0 : index
      %swap3A_78 = arith.constant 0 : index
      %swap3A_79 = arith.constant 0 : index
      %swap3A_80 = vector.load %arg8[%swap3A, %swap3A_77, %swap3A_78, %swap3A_79] : memref<2x1x512x768xf32, #tpu.memory_space<vmem>>, vector<1x1x512x768xf32>
      %swap3A_81 = vector.shape_cast %swap3A_80 : vector<1x1x512x768xf32> to vector<1x512x768xf32>
      %swap3A_82 = vector.shape_cast %broadcast_in_dim3A_50 : vector<1x512x768xf32> to vector<1x1x512x768xf32>
      tpu.vector_store %arg8[%swap3A, %swap3A_77, %swap3A_78, %swap3A_79], %swap3A_82 {strides = array<i32>} : memref<2x1x512x768xf32, #tpu.memory_space<vmem>>, vector<1x1x512x768xf32>,
    } else {
    }
    %add3A_61 = arith.constant 0 : i32
    %add3A_62 = arith.addi %add3A_61, %arg0 : i32
    %dma_start3A = tpu.memref_slice %arg9[%rem3A_0] : memref<2x!tpu.dma_semaphore, #tpu.memory_space<semaphore_mem>> -> memref<1x!tpu.dma_semaphore, #tpu.memory_space<semaphore_mem>>
    %dma_start3A_63 = tpu.memref_squeeze %dma_start3A : memref<1x!tpu.dma_semaphore, #tpu.memory_space<semaphore_mem>> -> memref<!tpu.dma_semaphore, #tpu.memory_space<semaphore_mem>>
    %dma_start3A_64 = arith.constant 0 : i32
    %dma_start3A_65 = arith.constant 0 : i32
    %dma_start3A_66 = tpu.memref_slice %arg7[%add3A_62, %dma_start3A_64, %dma_start3A_65] : memref<128x512x768xf32, #tpu.memory_space<any>> -> memref<1x512x768xf32, #tpu.memory_space<any>>
    %dma_start3A_67 = arith.constant 0 : i32
    %dma_start3A_68 = arith.constant 0 : i32
    %dma_start3A_69 = arith.constant 0 : i32
    %dma_start3A_70 = tpu.memref_slice %arg8[%rem3A_0, %dma_start3A_67, %dma_start3A_68, %dma_start3A_69] : memref<2x1x512x768xf32, #tpu.memory_space<vmem>> -> memref<1x1x512x768xf32, #tpu.memory_space<vmem>>
    %dma_start3A_71 = tpu.memref_squeeze %dma_start3A_70 : memref<1x1x512x768xf32, #tpu.memory_space<vmem>> -> memref<1x512x768xf32, #tpu.memory_space<vmem>>
    tpu.enqueue_dma source(%dma_start3A_71 : memref<1x512x768xf32, #tpu.memory_space<vmem>>) target(%dma_start3A_66 : memref<1x512x768xf32, #tpu.memory_space<any>>) target_semaphore(%dma_start3A_63 : memref<!tpu.dma_semaphore, #tpu.memory_space<semaphore_mem>>)
    %eq3A_72 = arith.constant 15 : i32
    %eq3A_73 = arith.cmpi eq, %arg0, %eq3A_72 : i32
    %convert_element_type3A_74 = arith.extui %eq3A_73 : i1 to i32
    %cond3A_75 = arith.constant 0 : i32
    %cond3A_76 = arith.cmpi ne, %convert_element_type3A_74, %cond3A_75 : i32
    scf.if %cond3A_76 {
      %ge3A_77 = arith.constant 16 : i32
      %ge3A_78 = arith.constant 2 : i32
      %ge3A_79 = arith.cmpi sge, %ge3A_77, %ge3A_78 : i32
      %convert_element_type3A_80 = arith.extui %ge3A_79 : i1 to i32
      %cond3A_81 = arith.constant 0 : i32
      %cond3A_82 = arith.cmpi ne, %convert_element_type3A_80, %cond3A_81 : i32
      scf.if %cond3A_82 {
        %sub3A_94 = arith.constant 1 : i32
        %sub3A_95 = arith.subi %arg0, %sub3A_94 : i32
        %sub3A_96 = arith.constant 1 : i32
        %sub3A_97 = arith.subi %sub3A_96, %rem3A_0 : i32
        %add3A_98 = arith.constant 0 : i32
        %add3A_99 = arith.addi %add3A_98, %sub3A_95 : i32
        %dma_wait3A_100 = tpu.memref_slice %arg9[%sub3A_97] : memref<2x!tpu.dma_semaphore, #tpu.memory_space<semaphore_mem>> -> memref<1x!tpu.dma_semaphore, #tpu.memory_space<semaphore_mem>>
        %dma_wait3A_101 = tpu.memref_squeeze %dma_wait3A_100 : memref<1x!tpu.dma_semaphore, #tpu.memory_space<semaphore_mem>> -> memref<!tpu.dma_semaphore, #tpu.memory_space<semaphore_mem>>
        %dma_wait3A_102 = arith.constant 0 : i32
        %dma_wait3A_103 = arith.constant 0 : i32
        %dma_wait3A_104 = tpu.memref_slice %arg7[%add3A_99, %dma_wait3A_102, %dma_wait3A_103] : memref<128x512x768xf32, #tpu.memory_space<any>> -> memref<1x512x768xf32, #tpu.memory_space<any>>
        %dma_wait3A_105 = arith.constant 0 : i32
        %dma_wait3A_106 = arith.constant 0 : i32
        %dma_wait3A_107 = arith.constant 0 : i32
        %dma_wait3A_108 = tpu.memref_slice %arg8[%sub3A_97, %dma_wait3A_105, %dma_wait3A_106, %dma_wait3A_107] : memref<2x1x512x768xf32, #tpu.memory_space<vmem>> -> memref<1x1x512x768xf32, #tpu.memory_space<vmem>>
        %dma_wait3A_109 = tpu.memref_squeeze %dma_wait3A_108 : memref<1x1x512x768xf32, #tpu.memory_space<vmem>> -> memref<1x512x768xf32, #tpu.memory_space<vmem>>
        tpu.wait_dma2 semaphore(%dma_wait3A_101 : memref<!tpu.dma_semaphore, #tpu.memory_space<semaphore_mem>>) src(%dma_wait3A_109 : memref<1x512x768xf32, #tpu.memory_space<vmem>>) dst(%dma_wait3A_104 : memref<1x512x768xf32, #tpu.memory_space<any>>)
      } else {
      }
      %add3A_83 = arith.constant 0 : i32
      %add3A_84 = arith.addi %add3A_83, %arg0 : i32
      %dma_wait3A = tpu.memref_slice %arg9[%rem3A_0] : memref<2x!tpu.dma_semaphore, #tpu.memory_space<semaphore_mem>> -> memref<1x!tpu.dma_semaphore, #tpu.memory_space<semaphore_mem>>
      %dma_wait3A_85 = tpu.memref_squeeze %dma_wait3A : memref<1x!tpu.dma_semaphore, #tpu.memory_space<semaphore_mem>> -> memref<!tpu.dma_semaphore, #tpu.memory_space<semaphore_mem>>
      %dma_wait3A_86 = arith.constant 0 : i32
      %dma_wait3A_87 = arith.constant 0 : i32
      %dma_wait3A_88 = tpu.memref_slice %arg7[%add3A_84, %dma_wait3A_86, %dma_wait3A_87] : memref<128x512x768xf32, #tpu.memory_space<any>> -> memref<1x512x768xf32, #tpu.memory_space<any>>
      %dma_wait3A_89 = arith.constant 0 : i32
      %dma_wait3A_90 = arith.constant 0 : i32
      %dma_wait3A_91 = arith.constant 0 : i32
      %dma_wait3A_92 = tpu.memref_slice %arg8[%rem3A_0, %dma_wait3A_89, %dma_wait3A_90, %dma_wait3A_91] : memref<2x1x512x768xf32, #tpu.memory_space<vmem>> -> memref<1x1x512x768xf32, #tpu.memory_space<vmem>>
      %dma_wait3A_93 = tpu.memref_squeeze %dma_wait3A_92 : memref<1x1x512x768xf32, #tpu.memory_space<vmem>> -> memref<1x512x768xf32, #tpu.memory_space<vmem>>
      tpu.wait_dma2 semaphore(%dma_wait3A_85 : memref<!tpu.dma_semaphore, #tpu.memory_space<semaphore_mem>>) src(%dma_wait3A_93 : memref<1x512x768xf32, #tpu.memory_space<vmem>>) dst(%dma_wait3A_88 : memref<1x512x768xf32, #tpu.memory_space<any>>)
    } else {
    }
    return
  }
  func.func @transform_0(%arg0: i32) -> (i32, i32, i32) {
    %c0_i32 = arith.constant 0 : i32
    %c0_i32_0 = arith.constant 0 : i32
    %c0_i32_1 = arith.constant 0 : i32
    return %arg0, %c0_i32, %c0_i32_0 : i32, i32, i32
  }
  func.func @transform_1(%arg0: i32) -> (i32, i32, i32) {
    %c0_i32 = arith.constant 0 : i32
    %c0_i32_0 = arith.constant 0 : i32
    %c0_i32_1 = arith.constant 0 : i32
    return %arg0, %c0_i32, %c0_i32_0 : i32, i32, i32
  }
  func.func @transform_2(%arg0: i32) -> (i32, i32) {
    %c0_i32 = arith.constant 0 : i32
    %c0_i32_0 = arith.constant 0 : i32
    %c0_i32_1 = arith.constant 0 : i32
    return %c0_i32, %c0_i32_0 : i32, i32
  }
  func.func @transform_3(%arg0: i32) -> (i32, i32) {
    %c0_i32 = arith.constant 0 : i32
    %c0_i32_0 = arith.constant 0 : i32
    %c0_i32_1 = arith.constant 0 : i32
    return %c0_i32, %c0_i32_0 : i32, i32
  }
  func.func @transform_4(%arg0: i32) -> (i32, i32) {
    %c0_i32 = arith.constant 0 : i32
    %c0_i32_0 = arith.constant 0 : i32
    %c0_i32_1 = arith.constant 0 : i32
    return %c0_i32, %c0_i32_0 : i32, i32
  }
  func.func @transform_5(%arg0: i32) -> (i32, i32) {
    %c0_i32 = arith.constant 0 : i32
    %c0_i32_0 = arith.constant 0 : i32
    %c0_i32_1 = arith.constant 0 : i32
    return %c0_i32, %c0_i32_0 : i32, i32
  }
}

module attributes {stable_mosaic.version = 14 : i64} {
  func.func @body(%arg0: i32, %arg1: memref<1x1x512xi32, #tpu.memory_space<vmem>>, %arg2: memref<1x512x768xf32, #tpu.memory_space<vmem>>, %arg3: memref<16x768xf32, #tpu.memory_space<vmem>>, %arg4: memref<512x768xf32, #tpu.memory_space<vmem>>, %arg5: memref<1x768xf32, #tpu.memory_space<vmem>>, %arg6: memref<1x768xf32, #tpu.memory_space<vmem>>, %arg7: memref<128x512x768xf32, #tpu.memory_space<any>>, %arg8: memref<128x512x768xf32, #tpu.memory_space<any>>, %arg9: memref<2x1x512x768xf32, #tpu.memory_space<vmem>>, %arg10: memref<2x!tpu.dma_semaphore, #tpu.memory_space<semaphore_mem>>) attributes {dimension_semantics = [#tpu.dimension_semantics<arbitrary>], iteration_bounds = array<i64: 16>, scalar_prefetch = 0 : i64, scratch_operands = 2 : i64, tpu.core_type = #tpu.core_type<tc>, window_params = [{transform_indices = @transform_0, window_bounds = array<i64: 1, 1, 512>}, {transform_indices = @transform_1, window_bounds = array<i64: 1, 512, 768>}, {pipeline_mode = #tpu.pipeline_mode<synchronous>, transform_indices = @transform_2, window_bounds = array<i64: 16, 768>}, {pipeline_mode = #tpu.pipeline_mode<synchronous>, transform_indices = @transform_3, window_bounds = array<i64: 512, 768>}, {pipeline_mode = #tpu.pipeline_mode<synchronous>, transform_indices = @transform_4, window_bounds = array<i64: 1, 768>}, {pipeline_mode = #tpu.pipeline_mode<synchronous>, transform_indices = @transform_5, window_bounds = array<i64: 1, 768>}, {}, {}]} {
    %rem3A = arith.constant 2 : i32
    %rem3A_0 = arith.remsi %arg0, %rem3A : i32
    %ge3A = arith.constant 2 : i32
    %ge3A_1 = arith.cmpi sge, %arg0, %ge3A : i32
    %convert_element_type3A = arith.extui %ge3A_1 : i1 to i32
    %cond3A = arith.constant 0 : i32
    %cond3A_2 = arith.cmpi ne, %convert_element_type3A, %cond3A : i32
    scf.if %cond3A_2 {
      %sub3A_77 = arith.constant 2 : i32
      %sub3A_78 = arith.subi %arg0, %sub3A_77 : i32
      %add3A_79 = arith.constant 16 : i32
      %add3A_80 = arith.addi %add3A_79, %sub3A_78 : i32
      %dma_wait3A = tpu.memref_slice %arg10[%rem3A_0] : memref<2x!tpu.dma_semaphore, #tpu.memory_space<semaphore_mem>> -> memref<1x!tpu.dma_semaphore, #tpu.memory_space<semaphore_mem>>
      %dma_wait3A_81 = tpu.memref_squeeze %dma_wait3A : memref<1x!tpu.dma_semaphore, #tpu.memory_space<semaphore_mem>> -> memref<!tpu.dma_semaphore, #tpu.memory_space<semaphore_mem>>
      %dma_wait3A_82 = arith.constant 0 : i32
      %dma_wait3A_83 = arith.constant 0 : i32
      %dma_wait3A_84 = tpu.memref_slice %arg8[%add3A_80, %dma_wait3A_82, %dma_wait3A_83] : memref<128x512x768xf32, #tpu.memory_space<any>> -> memref<1x512x768xf32, #tpu.memory_space<any>>
      %dma_wait3A_85 = arith.constant 0 : i32
      %dma_wait3A_86 = arith.constant 0 : i32
      %dma_wait3A_87 = arith.constant 0 : i32
      %dma_wait3A_88 = tpu.memref_slice %arg9[%rem3A_0, %dma_wait3A_85, %dma_wait3A_86, %dma_wait3A_87] : memref<2x1x512x768xf32, #tpu.memory_space<vmem>> -> memref<1x1x512x768xf32, #tpu.memory_space<vmem>>
      %dma_wait3A_89 = tpu.memref_squeeze %dma_wait3A_88 : memref<1x1x512x768xf32, #tpu.memory_space<vmem>> -> memref<1x512x768xf32, #tpu.memory_space<vmem>>
      tpu.wait_dma2 semaphore(%dma_wait3A_81 : memref<!tpu.dma_semaphore, #tpu.memory_space<semaphore_mem>>) src(%dma_wait3A_89 : memref<1x512x768xf32, #tpu.memory_space<vmem>>) dst(%dma_wait3A_84 : memref<1x512x768xf32, #tpu.memory_space<any>>)
    } else {
    }
    %get3A = arith.constant 0 : index
    %get3A_3 = arith.constant 0 : index
    %get3A_4 = arith.constant 0 : index
    %get3A_5 = vector.load %arg2[%get3A, %get3A_3, %get3A_4] : memref<1x512x768xf32, #tpu.memory_space<vmem>>, vector<1x512x768xf32>
    %get3A_6 = vector.shape_cast %get3A_5 : vector<1x512x768xf32> to vector<512x768xf32>
    %get3A_7 = arith.constant 0 : index
    %get3A_8 = arith.constant 0 : index
    %get3A_9 = arith.constant 0 : index
    %get3A_10 = vector.load %arg1[%get3A_7, %get3A_8, %get3A_9] : memref<1x1x512xi32, #tpu.memory_space<vmem>>, vector<1x1x512xi32>
    %get3A_11 = vector.shape_cast %get3A_10 : vector<1x1x512xi32> to vector<512xi32>
    %iota3A = tpu.iota {dimensions = array<i32: 1>} : vector<1x16xi32>
    %broadcast_in_dim3A = vector.shape_cast %get3A_11 : vector<512xi32> to vector<512x1xi32>
    %eq3A = vector.broadcast %broadcast_in_dim3A : vector<512x1xi32> to vector<512x16xi32>
    %eq3A_12 = vector.broadcast %iota3A : vector<1x16xi32> to vector<512x16xi32>
    %eq3A_13 = arith.cmpi eq, %eq3A, %eq3A_12 : vector<512x16xi32>
    %convert_element_type3A_14 = arith.extui %eq3A_13 : vector<512x16xi1> to vector<512x16xi32>
    %convert_element_type3A_15 = arith.sitofp %convert_element_type3A_14 : vector<512x16xi32> to vector<512x16xf32>
    %get3A_16 = arith.constant 0 : index
    %get3A_17 = arith.constant 0 : index
    %get3A_18 = vector.load %arg3[%get3A_16, %get3A_17] : memref<16x768xf32, #tpu.memory_space<vmem>>, vector<16x768xf32>
    %dot_general3A = arith.constant dense<0.000000e+00> : vector<512x768xf32>
    %dot_general3A_19 = tpu.matmul %convert_element_type3A_15, %get3A_18, %dot_general3A {dimension_numbers = #tpu.dot_dimension_numbers<[1], [0], [0], [1], [0, 0, 1, 1], [], []>, transpose_lhs_hint = false} : vector<512x16xf32>, vector<16x768xf32>, vector<512x768xf32> -> vector<512x768xf32>
    %add3A = arith.addf %get3A_6, %dot_general3A_19 : vector<512x768xf32>
    %get3A_20 = arith.constant 0 : index
    %get3A_21 = arith.constant 0 : index
    %get3A_22 = vector.load %arg4[%get3A_20, %get3A_21] : memref<512x768xf32, #tpu.memory_space<vmem>>, vector<512x768xf32>
    %add3A_23 = arith.addf %add3A, %get3A_22 : vector<512x768xf32>
    %reduce_sum3A = arith.constant dense<0.000000e+00> : vector<512xf32>
    %reduce_sum3A_24 = vector.multi_reduction <add>, %add3A_23, %reduce_sum3A [1] : vector<512x768xf32> to vector<512xf32>
    %broadcast_in_dim3A_25 = vector.shape_cast %reduce_sum3A_24 : vector<512xf32> to vector<512x1xf32>
    %div3A = arith.constant 7.680000e+02 : f32
    %div3A_26 = vector.broadcast %div3A : f32 to vector<512x1xf32>
    %div3A_27 = arith.divf %broadcast_in_dim3A_25, %div3A_26 : vector<512x1xf32>
    %sub3A = vector.broadcast %div3A_27 : vector<512x1xf32> to vector<512x768xf32>
    %sub3A_28 = arith.subf %add3A_23, %sub3A : vector<512x768xf32>
    %mul3A = arith.mulf %sub3A_28, %sub3A_28 : vector<512x768xf32>
    %reduce_sum3A_29 = arith.constant dense<0.000000e+00> : vector<512xf32>
    %reduce_sum3A_30 = vector.multi_reduction <add>, %mul3A, %reduce_sum3A_29 [1] : vector<512x768xf32> to vector<512xf32>
    %broadcast_in_dim3A_31 = vector.shape_cast %reduce_sum3A_30 : vector<512xf32> to vector<512x1xf32>
    %div3A_32 = arith.constant 7.680000e+02 : f32
    %div3A_33 = vector.broadcast %div3A_32 : f32 to vector<512x1xf32>
    %div3A_34 = arith.divf %broadcast_in_dim3A_31, %div3A_33 : vector<512x1xf32>
    %add3A_35 = arith.constant 9.99999996E-13 : f32
    %add3A_36 = vector.broadcast %add3A_35 : f32 to vector<512x1xf32>
    %add3A_37 = arith.addf %div3A_34, %add3A_36 : vector<512x1xf32>
    %rsqrt3A = math.rsqrt %add3A_37 : vector<512x1xf32>
    %mul3A_38 = vector.broadcast %rsqrt3A : vector<512x1xf32> to vector<512x768xf32>
    %mul3A_39 = arith.mulf %sub3A_28, %mul3A_38 : vector<512x768xf32>
    %get3A_40 = arith.constant 0 : index
    %get3A_41 = arith.constant 0 : index
    %get3A_42 = vector.load %arg5[%get3A_40, %get3A_41] : memref<1x768xf32, #tpu.memory_space<vmem>>, vector<1x768xf32>
    %mul3A_43 = vector.broadcast %get3A_42 : vector<1x768xf32> to vector<512x768xf32>
    %mul3A_44 = arith.mulf %mul3A_39, %mul3A_43 : vector<512x768xf32>
    %get3A_45 = arith.constant 0 : index
    %get3A_46 = arith.constant 0 : index
    %get3A_47 = vector.load %arg6[%get3A_45, %get3A_46] : memref<1x768xf32, #tpu.memory_space<vmem>>, vector<1x768xf32>
    %add3A_48 = vector.broadcast %get3A_47 : vector<1x768xf32> to vector<512x768xf32>
    %add3A_49 = arith.addf %mul3A_44, %add3A_48 : vector<512x768xf32>
    %broadcast_in_dim3A_50 = vector.shape_cast %add3A_49 : vector<512x768xf32> to vector<1x512x768xf32>
    %eq3A_51 = arith.constant 0 : i32
    %eq3A_52 = arith.cmpi eq, %rem3A_0, %eq3A_51 : i32
    %convert_element_type3A_53 = arith.extui %eq3A_52 : i1 to i32
    %cond3A_54 = arith.constant 0 : i32
    %cond3A_55 = arith.cmpi ne, %convert_element_type3A_53, %cond3A_54 : i32
    scf.if %cond3A_55 {
      %swap3A = arith.constant 0 : index
      %swap3A_77 = arith.constant 0 : index
      %swap3A_78 = arith.constant 0 : index
      %swap3A_79 = arith.constant 0 : index
      %swap3A_80 = vector.load %arg9[%swap3A, %swap3A_77, %swap3A_78, %swap3A_79] : memref<2x1x512x768xf32, #tpu.memory_space<vmem>>, vector<1x1x512x768xf32>
      %swap3A_81 = vector.shape_cast %swap3A_80 : vector<1x1x512x768xf32> to vector<1x512x768xf32>
      %swap3A_82 = vector.shape_cast %broadcast_in_dim3A_50 : vector<1x512x768xf32> to vector<1x1x512x768xf32>
      tpu.vector_store %arg9[%swap3A, %swap3A_77, %swap3A_78, %swap3A_79], %swap3A_82 {strides = array<i32>} : memref<2x1x512x768xf32, #tpu.memory_space<vmem>>, vector<1x1x512x768xf32>,
    } else {
    }
    %eq3A_56 = arith.constant 1 : i32
    %eq3A_57 = arith.cmpi eq, %rem3A_0, %eq3A_56 : i32
    %convert_element_type3A_58 = arith.extui %eq3A_57 : i1 to i32
    %cond3A_59 = arith.constant 0 : i32
    %cond3A_60 = arith.cmpi ne, %convert_element_type3A_58, %cond3A_59 : i32
    scf.if %cond3A_60 {
      %swap3A = arith.constant 1 : index
      %swap3A_77 = arith.constant 0 : index
      %swap3A_78 = arith.constant 0 : index
      %swap3A_79 = arith.constant 0 : index
      %swap3A_80 = vector.load %arg9[%swap3A, %swap3A_77, %swap3A_78, %swap3A_79] : memref<2x1x512x768xf32, #tpu.memory_space<vmem>>, vector<1x1x512x768xf32>
      %swap3A_81 = vector.shape_cast %swap3A_80 : vector<1x1x512x768xf32> to vector<1x512x768xf32>
      %swap3A_82 = vector.shape_cast %broadcast_in_dim3A_50 : vector<1x512x768xf32> to vector<1x1x512x768xf32>
      tpu.vector_store %arg9[%swap3A, %swap3A_77, %swap3A_78, %swap3A_79], %swap3A_82 {strides = array<i32>} : memref<2x1x512x768xf32, #tpu.memory_space<vmem>>, vector<1x1x512x768xf32>,
    } else {
    }
    %add3A_61 = arith.constant 16 : i32
    %add3A_62 = arith.addi %add3A_61, %arg0 : i32
    %dma_start3A = tpu.memref_slice %arg10[%rem3A_0] : memref<2x!tpu.dma_semaphore, #tpu.memory_space<semaphore_mem>> -> memref<1x!tpu.dma_semaphore, #tpu.memory_space<semaphore_mem>>
    %dma_start3A_63 = tpu.memref_squeeze %dma_start3A : memref<1x!tpu.dma_semaphore, #tpu.memory_space<semaphore_mem>> -> memref<!tpu.dma_semaphore, #tpu.memory_space<semaphore_mem>>
    %dma_start3A_64 = arith.constant 0 : i32
    %dma_start3A_65 = arith.constant 0 : i32
    %dma_start3A_66 = tpu.memref_slice %arg8[%add3A_62, %dma_start3A_64, %dma_start3A_65] : memref<128x512x768xf32, #tpu.memory_space<any>> -> memref<1x512x768xf32, #tpu.memory_space<any>>
    %dma_start3A_67 = arith.constant 0 : i32
    %dma_start3A_68 = arith.constant 0 : i32
    %dma_start3A_69 = arith.constant 0 : i32
    %dma_start3A_70 = tpu.memref_slice %arg9[%rem3A_0, %dma_start3A_67, %dma_start3A_68, %dma_start3A_69] : memref<2x1x512x768xf32, #tpu.memory_space<vmem>> -> memref<1x1x512x768xf32, #tpu.memory_space<vmem>>
    %dma_start3A_71 = tpu.memref_squeeze %dma_start3A_70 : memref<1x1x512x768xf32, #tpu.memory_space<vmem>> -> memref<1x512x768xf32, #tpu.memory_space<vmem>>
    tpu.enqueue_dma source(%dma_start3A_71 : memref<1x512x768xf32, #tpu.memory_space<vmem>>) target(%dma_start3A_66 : memref<1x512x768xf32, #tpu.memory_space<any>>) target_semaphore(%dma_start3A_63 : memref<!tpu.dma_semaphore, #tpu.memory_space<semaphore_mem>>)
    %eq3A_72 = arith.constant 15 : i32
    %eq3A_73 = arith.cmpi eq, %arg0, %eq3A_72 : i32
    %convert_element_type3A_74 = arith.extui %eq3A_73 : i1 to i32
    %cond3A_75 = arith.constant 0 : i32
    %cond3A_76 = arith.cmpi ne, %convert_element_type3A_74, %cond3A_75 : i32
    scf.if %cond3A_76 {
      %ge3A_77 = arith.constant 16 : i32
      %ge3A_78 = arith.constant 2 : i32
      %ge3A_79 = arith.cmpi sge, %ge3A_77, %ge3A_78 : i32
      %convert_element_type3A_80 = arith.extui %ge3A_79 : i1 to i32
      %cond3A_81 = arith.constant 0 : i32
      %cond3A_82 = arith.cmpi ne, %convert_element_type3A_80, %cond3A_81 : i32
      scf.if %cond3A_82 {
        %sub3A_94 = arith.constant 1 : i32
        %sub3A_95 = arith.subi %arg0, %sub3A_94 : i32
        %sub3A_96 = arith.constant 1 : i32
        %sub3A_97 = arith.subi %sub3A_96, %rem3A_0 : i32
        %add3A_98 = arith.constant 16 : i32
        %add3A_99 = arith.addi %add3A_98, %sub3A_95 : i32
        %dma_wait3A_100 = tpu.memref_slice %arg10[%sub3A_97] : memref<2x!tpu.dma_semaphore, #tpu.memory_space<semaphore_mem>> -> memref<1x!tpu.dma_semaphore, #tpu.memory_space<semaphore_mem>>
        %dma_wait3A_101 = tpu.memref_squeeze %dma_wait3A_100 : memref<1x!tpu.dma_semaphore, #tpu.memory_space<semaphore_mem>> -> memref<!tpu.dma_semaphore, #tpu.memory_space<semaphore_mem>>
        %dma_wait3A_102 = arith.constant 0 : i32
        %dma_wait3A_103 = arith.constant 0 : i32
        %dma_wait3A_104 = tpu.memref_slice %arg8[%add3A_99, %dma_wait3A_102, %dma_wait3A_103] : memref<128x512x768xf32, #tpu.memory_space<any>> -> memref<1x512x768xf32, #tpu.memory_space<any>>
        %dma_wait3A_105 = arith.constant 0 : i32
        %dma_wait3A_106 = arith.constant 0 : i32
        %dma_wait3A_107 = arith.constant 0 : i32
        %dma_wait3A_108 = tpu.memref_slice %arg9[%sub3A_97, %dma_wait3A_105, %dma_wait3A_106, %dma_wait3A_107] : memref<2x1x512x768xf32, #tpu.memory_space<vmem>> -> memref<1x1x512x768xf32, #tpu.memory_space<vmem>>
        %dma_wait3A_109 = tpu.memref_squeeze %dma_wait3A_108 : memref<1x1x512x768xf32, #tpu.memory_space<vmem>> -> memref<1x512x768xf32, #tpu.memory_space<vmem>>
        tpu.wait_dma2 semaphore(%dma_wait3A_101 : memref<!tpu.dma_semaphore, #tpu.memory_space<semaphore_mem>>) src(%dma_wait3A_109 : memref<1x512x768xf32, #tpu.memory_space<vmem>>) dst(%dma_wait3A_104 : memref<1x512x768xf32, #tpu.memory_space<any>>)
      } else {
      }
      %add3A_83 = arith.constant 16 : i32
      %add3A_84 = arith.addi %add3A_83, %arg0 : i32
      %dma_wait3A = tpu.memref_slice %arg10[%rem3A_0] : memref<2x!tpu.dma_semaphore, #tpu.memory_space<semaphore_mem>> -> memref<1x!tpu.dma_semaphore, #tpu.memory_space<semaphore_mem>>
      %dma_wait3A_85 = tpu.memref_squeeze %dma_wait3A : memref<1x!tpu.dma_semaphore, #tpu.memory_space<semaphore_mem>> -> memref<!tpu.dma_semaphore, #tpu.memory_space<semaphore_mem>>
      %dma_wait3A_86 = arith.constant 0 : i32
      %dma_wait3A_87 = arith.constant 0 : i32
      %dma_wait3A_88 = tpu.memref_slice %arg8[%add3A_84, %dma_wait3A_86, %dma_wait3A_87] : memref<128x512x768xf32, #tpu.memory_space<any>> -> memref<1x512x768xf32, #tpu.memory_space<any>>
      %dma_wait3A_89 = arith.constant 0 : i32
      %dma_wait3A_90 = arith.constant 0 : i32
      %dma_wait3A_91 = arith.constant 0 : i32
      %dma_wait3A_92 = tpu.memref_slice %arg9[%rem3A_0, %dma_wait3A_89, %dma_wait3A_90, %dma_wait3A_91] : memref<2x1x512x768xf32, #tpu.memory_space<vmem>> -> memref<1x1x512x768xf32, #tpu.memory_space<vmem>>
      %dma_wait3A_93 = tpu.memref_squeeze %dma_wait3A_92 : memref<1x1x512x768xf32, #tpu.memory_space<vmem>> -> memref<1x512x768xf32, #tpu.memory_space<vmem>>
      tpu.wait_dma2 semaphore(%dma_wait3A_85 : memref<!tpu.dma_semaphore, #tpu.memory_space<semaphore_mem>>) src(%dma_wait3A_93 : memref<1x512x768xf32, #tpu.memory_space<vmem>>) dst(%dma_wait3A_88 : memref<1x512x768xf32, #tpu.memory_space<any>>)
    } else {
    }
    return
  }
  func.func @transform_0(%arg0: i32) -> (i32, i32, i32) {
    %c0_i32 = arith.constant 0 : i32
    %c0_i32_0 = arith.constant 0 : i32
    %c0_i32_1 = arith.constant 0 : i32
    return %arg0, %c0_i32, %c0_i32_0 : i32, i32, i32
  }
  func.func @transform_1(%arg0: i32) -> (i32, i32, i32) {
    %c0_i32 = arith.constant 0 : i32
    %c0_i32_0 = arith.constant 0 : i32
    %c0_i32_1 = arith.constant 0 : i32
    return %arg0, %c0_i32, %c0_i32_0 : i32, i32, i32
  }
  func.func @transform_2(%arg0: i32) -> (i32, i32) {
    %c0_i32 = arith.constant 0 : i32
    %c0_i32_0 = arith.constant 0 : i32
    %c0_i32_1 = arith.constant 0 : i32
    return %c0_i32, %c0_i32_0 : i32, i32
  }
  func.func @transform_3(%arg0: i32) -> (i32, i32) {
    %c0_i32 = arith.constant 0 : i32
    %c0_i32_0 = arith.constant 0 : i32
    %c0_i32_1 = arith.constant 0 : i32
    return %c0_i32, %c0_i32_0 : i32, i32
  }
  func.func @transform_4(%arg0: i32) -> (i32, i32) {
    %c0_i32 = arith.constant 0 : i32
    %c0_i32_0 = arith.constant 0 : i32
    %c0_i32_1 = arith.constant 0 : i32
    return %c0_i32, %c0_i32_0 : i32, i32
  }
  func.func @transform_5(%arg0: i32) -> (i32, i32) {
    %c0_i32 = arith.constant 0 : i32
    %c0_i32_0 = arith.constant 0 : i32
    %c0_i32_1 = arith.constant 0 : i32
    return %c0_i32, %c0_i32_0 : i32, i32
  }
}

module attributes {stable_mosaic.version = 14 : i64} {
  func.func @body(%arg0: i32, %arg1: memref<1x1x512xi32, #tpu.memory_space<vmem>>, %arg2: memref<1x512x768xf32, #tpu.memory_space<vmem>>, %arg3: memref<16x768xf32, #tpu.memory_space<vmem>>, %arg4: memref<512x768xf32, #tpu.memory_space<vmem>>, %arg5: memref<1x768xf32, #tpu.memory_space<vmem>>, %arg6: memref<1x768xf32, #tpu.memory_space<vmem>>, %arg7: memref<128x512x768xf32, #tpu.memory_space<any>>, %arg8: memref<128x512x768xf32, #tpu.memory_space<any>>, %arg9: memref<2x1x512x768xf32, #tpu.memory_space<vmem>>, %arg10: memref<2x!tpu.dma_semaphore, #tpu.memory_space<semaphore_mem>>) attributes {dimension_semantics = [#tpu.dimension_semantics<arbitrary>], iteration_bounds = array<i64: 16>, scalar_prefetch = 0 : i64, scratch_operands = 2 : i64, tpu.core_type = #tpu.core_type<tc>, window_params = [{transform_indices = @transform_0, window_bounds = array<i64: 1, 1, 512>}, {transform_indices = @transform_1, window_bounds = array<i64: 1, 512, 768>}, {pipeline_mode = #tpu.pipeline_mode<synchronous>, transform_indices = @transform_2, window_bounds = array<i64: 16, 768>}, {pipeline_mode = #tpu.pipeline_mode<synchronous>, transform_indices = @transform_3, window_bounds = array<i64: 512, 768>}, {pipeline_mode = #tpu.pipeline_mode<synchronous>, transform_indices = @transform_4, window_bounds = array<i64: 1, 768>}, {pipeline_mode = #tpu.pipeline_mode<synchronous>, transform_indices = @transform_5, window_bounds = array<i64: 1, 768>}, {}, {}]} {
    %rem3A = arith.constant 2 : i32
    %rem3A_0 = arith.remsi %arg0, %rem3A : i32
    %ge3A = arith.constant 2 : i32
    %ge3A_1 = arith.cmpi sge, %arg0, %ge3A : i32
    %convert_element_type3A = arith.extui %ge3A_1 : i1 to i32
    %cond3A = arith.constant 0 : i32
    %cond3A_2 = arith.cmpi ne, %convert_element_type3A, %cond3A : i32
    scf.if %cond3A_2 {
      %sub3A_77 = arith.constant 2 : i32
      %sub3A_78 = arith.subi %arg0, %sub3A_77 : i32
      %add3A_79 = arith.constant 48 : i32
      %add3A_80 = arith.addi %add3A_79, %sub3A_78 : i32
      %dma_wait3A = tpu.memref_slice %arg10[%rem3A_0] : memref<2x!tpu.dma_semaphore, #tpu.memory_space<semaphore_mem>> -> memref<1x!tpu.dma_semaphore, #tpu.memory_space<semaphore_mem>>
      %dma_wait3A_81 = tpu.memref_squeeze %dma_wait3A : memref<1x!tpu.dma_semaphore, #tpu.memory_space<semaphore_mem>> -> memref<!tpu.dma_semaphore, #tpu.memory_space<semaphore_mem>>
      %dma_wait3A_82 = arith.constant 0 : i32
      %dma_wait3A_83 = arith.constant 0 : i32
      %dma_wait3A_84 = tpu.memref_slice %arg8[%add3A_80, %dma_wait3A_82, %dma_wait3A_83] : memref<128x512x768xf32, #tpu.memory_space<any>> -> memref<1x512x768xf32, #tpu.memory_space<any>>
      %dma_wait3A_85 = arith.constant 0 : i32
      %dma_wait3A_86 = arith.constant 0 : i32
      %dma_wait3A_87 = arith.constant 0 : i32
      %dma_wait3A_88 = tpu.memref_slice %arg9[%rem3A_0, %dma_wait3A_85, %dma_wait3A_86, %dma_wait3A_87] : memref<2x1x512x768xf32, #tpu.memory_space<vmem>> -> memref<1x1x512x768xf32, #tpu.memory_space<vmem>>
      %dma_wait3A_89 = tpu.memref_squeeze %dma_wait3A_88 : memref<1x1x512x768xf32, #tpu.memory_space<vmem>> -> memref<1x512x768xf32, #tpu.memory_space<vmem>>
      tpu.wait_dma2 semaphore(%dma_wait3A_81 : memref<!tpu.dma_semaphore, #tpu.memory_space<semaphore_mem>>) src(%dma_wait3A_89 : memref<1x512x768xf32, #tpu.memory_space<vmem>>) dst(%dma_wait3A_84 : memref<1x512x768xf32, #tpu.memory_space<any>>)
    } else {
    }
    %get3A = arith.constant 0 : index
    %get3A_3 = arith.constant 0 : index
    %get3A_4 = arith.constant 0 : index
    %get3A_5 = vector.load %arg2[%get3A, %get3A_3, %get3A_4] : memref<1x512x768xf32, #tpu.memory_space<vmem>>, vector<1x512x768xf32>
    %get3A_6 = vector.shape_cast %get3A_5 : vector<1x512x768xf32> to vector<512x768xf32>
    %get3A_7 = arith.constant 0 : index
    %get3A_8 = arith.constant 0 : index
    %get3A_9 = arith.constant 0 : index
    %get3A_10 = vector.load %arg1[%get3A_7, %get3A_8, %get3A_9] : memref<1x1x512xi32, #tpu.memory_space<vmem>>, vector<1x1x512xi32>
    %get3A_11 = vector.shape_cast %get3A_10 : vector<1x1x512xi32> to vector<512xi32>
    %iota3A = tpu.iota {dimensions = array<i32: 1>} : vector<1x16xi32>
    %broadcast_in_dim3A = vector.shape_cast %get3A_11 : vector<512xi32> to vector<512x1xi32>
    %eq3A = vector.broadcast %broadcast_in_dim3A : vector<512x1xi32> to vector<512x16xi32>
    %eq3A_12 = vector.broadcast %iota3A : vector<1x16xi32> to vector<512x16xi32>
    %eq3A_13 = arith.cmpi eq, %eq3A, %eq3A_12 : vector<512x16xi32>
    %convert_element_type3A_14 = arith.extui %eq3A_13 : vector<512x16xi1> to vector<512x16xi32>
    %convert_element_type3A_15 = arith.sitofp %convert_element_type3A_14 : vector<512x16xi32> to vector<512x16xf32>
    %get3A_16 = arith.constant 0 : index
    %get3A_17 = arith.constant 0 : index
    %get3A_18 = vector.load %arg3[%get3A_16, %get3A_17] : memref<16x768xf32, #tpu.memory_space<vmem>>, vector<16x768xf32>
    %dot_general3A = arith.constant dense<0.000000e+00> : vector<512x768xf32>
    %dot_general3A_19 = tpu.matmul %convert_element_type3A_15, %get3A_18, %dot_general3A {dimension_numbers = #tpu.dot_dimension_numbers<[1], [0], [0], [1], [0, 0, 1, 1], [], []>, transpose_lhs_hint = false} : vector<512x16xf32>, vector<16x768xf32>, vector<512x768xf32> -> vector<512x768xf32>
    %add3A = arith.addf %get3A_6, %dot_general3A_19 : vector<512x768xf32>
    %get3A_20 = arith.constant 0 : index
    %get3A_21 = arith.constant 0 : index
    %get3A_22 = vector.load %arg4[%get3A_20, %get3A_21] : memref<512x768xf32, #tpu.memory_space<vmem>>, vector<512x768xf32>
    %add3A_23 = arith.addf %add3A, %get3A_22 : vector<512x768xf32>
    %reduce_sum3A = arith.constant dense<0.000000e+00> : vector<512xf32>
    %reduce_sum3A_24 = vector.multi_reduction <add>, %add3A_23, %reduce_sum3A [1] : vector<512x768xf32> to vector<512xf32>
    %broadcast_in_dim3A_25 = vector.shape_cast %reduce_sum3A_24 : vector<512xf32> to vector<512x1xf32>
    %div3A = arith.constant 7.680000e+02 : f32
    %div3A_26 = vector.broadcast %div3A : f32 to vector<512x1xf32>
    %div3A_27 = arith.divf %broadcast_in_dim3A_25, %div3A_26 : vector<512x1xf32>
    %sub3A = vector.broadcast %div3A_27 : vector<512x1xf32> to vector<512x768xf32>
    %sub3A_28 = arith.subf %add3A_23, %sub3A : vector<512x768xf32>
    %mul3A = arith.mulf %sub3A_28, %sub3A_28 : vector<512x768xf32>
    %reduce_sum3A_29 = arith.constant dense<0.000000e+00> : vector<512xf32>
    %reduce_sum3A_30 = vector.multi_reduction <add>, %mul3A, %reduce_sum3A_29 [1] : vector<512x768xf32> to vector<512xf32>
    %broadcast_in_dim3A_31 = vector.shape_cast %reduce_sum3A_30 : vector<512xf32> to vector<512x1xf32>
    %div3A_32 = arith.constant 7.680000e+02 : f32
    %div3A_33 = vector.broadcast %div3A_32 : f32 to vector<512x1xf32>
    %div3A_34 = arith.divf %broadcast_in_dim3A_31, %div3A_33 : vector<512x1xf32>
    %add3A_35 = arith.constant 9.99999996E-13 : f32
    %add3A_36 = vector.broadcast %add3A_35 : f32 to vector<512x1xf32>
    %add3A_37 = arith.addf %div3A_34, %add3A_36 : vector<512x1xf32>
    %rsqrt3A = math.rsqrt %add3A_37 : vector<512x1xf32>
    %mul3A_38 = vector.broadcast %rsqrt3A : vector<512x1xf32> to vector<512x768xf32>
    %mul3A_39 = arith.mulf %sub3A_28, %mul3A_38 : vector<512x768xf32>
    %get3A_40 = arith.constant 0 : index
    %get3A_41 = arith.constant 0 : index
    %get3A_42 = vector.load %arg5[%get3A_40, %get3A_41] : memref<1x768xf32, #tpu.memory_space<vmem>>, vector<1x768xf32>
    %mul3A_43 = vector.broadcast %get3A_42 : vector<1x768xf32> to vector<512x768xf32>
    %mul3A_44 = arith.mulf %mul3A_39, %mul3A_43 : vector<512x768xf32>
    %get3A_45 = arith.constant 0 : index
    %get3A_46 = arith.constant 0 : index
    %get3A_47 = vector.load %arg6[%get3A_45, %get3A_46] : memref<1x768xf32, #tpu.memory_space<vmem>>, vector<1x768xf32>
    %add3A_48 = vector.broadcast %get3A_47 : vector<1x768xf32> to vector<512x768xf32>
    %add3A_49 = arith.addf %mul3A_44, %add3A_48 : vector<512x768xf32>
    %broadcast_in_dim3A_50 = vector.shape_cast %add3A_49 : vector<512x768xf32> to vector<1x512x768xf32>
    %eq3A_51 = arith.constant 0 : i32
    %eq3A_52 = arith.cmpi eq, %rem3A_0, %eq3A_51 : i32
    %convert_element_type3A_53 = arith.extui %eq3A_52 : i1 to i32
    %cond3A_54 = arith.constant 0 : i32
    %cond3A_55 = arith.cmpi ne, %convert_element_type3A_53, %cond3A_54 : i32
    scf.if %cond3A_55 {
      %swap3A = arith.constant 0 : index
      %swap3A_77 = arith.constant 0 : index
      %swap3A_78 = arith.constant 0 : index
      %swap3A_79 = arith.constant 0 : index
      %swap3A_80 = vector.load %arg9[%swap3A, %swap3A_77, %swap3A_78, %swap3A_79] : memref<2x1x512x768xf32, #tpu.memory_space<vmem>>, vector<1x1x512x768xf32>
      %swap3A_81 = vector.shape_cast %swap3A_80 : vector<1x1x512x768xf32> to vector<1x512x768xf32>
      %swap3A_82 = vector.shape_cast %broadcast_in_dim3A_50 : vector<1x512x768xf32> to vector<1x1x512x768xf32>
      tpu.vector_store %arg9[%swap3A, %swap3A_77, %swap3A_78, %swap3A_79], %swap3A_82 {strides = array<i32>} : memref<2x1x512x768xf32, #tpu.memory_space<vmem>>, vector<1x1x512x768xf32>,
    } else {
    }
    %eq3A_56 = arith.constant 1 : i32
    %eq3A_57 = arith.cmpi eq, %rem3A_0, %eq3A_56 : i32
    %convert_element_type3A_58 = arith.extui %eq3A_57 : i1 to i32
    %cond3A_59 = arith.constant 0 : i32
    %cond3A_60 = arith.cmpi ne, %convert_element_type3A_58, %cond3A_59 : i32
    scf.if %cond3A_60 {
      %swap3A = arith.constant 1 : index
      %swap3A_77 = arith.constant 0 : index
      %swap3A_78 = arith.constant 0 : index
      %swap3A_79 = arith.constant 0 : index
      %swap3A_80 = vector.load %arg9[%swap3A, %swap3A_77, %swap3A_78, %swap3A_79] : memref<2x1x512x768xf32, #tpu.memory_space<vmem>>, vector<1x1x512x768xf32>
      %swap3A_81 = vector.shape_cast %swap3A_80 : vector<1x1x512x768xf32> to vector<1x512x768xf32>
      %swap3A_82 = vector.shape_cast %broadcast_in_dim3A_50 : vector<1x512x768xf32> to vector<1x1x512x768xf32>
      tpu.vector_store %arg9[%swap3A, %swap3A_77, %swap3A_78, %swap3A_79], %swap3A_82 {strides = array<i32>} : memref<2x1x512x768xf32, #tpu.memory_space<vmem>>, vector<1x1x512x768xf32>,
    } else {
    }
    %add3A_61 = arith.constant 48 : i32
    %add3A_62 = arith.addi %add3A_61, %arg0 : i32
    %dma_start3A = tpu.memref_slice %arg10[%rem3A_0] : memref<2x!tpu.dma_semaphore, #tpu.memory_space<semaphore_mem>> -> memref<1x!tpu.dma_semaphore, #tpu.memory_space<semaphore_mem>>
    %dma_start3A_63 = tpu.memref_squeeze %dma_start3A : memref<1x!tpu.dma_semaphore, #tpu.memory_space<semaphore_mem>> -> memref<!tpu.dma_semaphore, #tpu.memory_space<semaphore_mem>>
    %dma_start3A_64 = arith.constant 0 : i32
    %dma_start3A_65 = arith.constant 0 : i32
    %dma_start3A_66 = tpu.memref_slice %arg8[%add3A_62, %dma_start3A_64, %dma_start3A_65] : memref<128x512x768xf32, #tpu.memory_space<any>> -> memref<1x512x768xf32, #tpu.memory_space<any>>
    %dma_start3A_67 = arith.constant 0 : i32
    %dma_start3A_68 = arith.constant 0 : i32
    %dma_start3A_69 = arith.constant 0 : i32
    %dma_start3A_70 = tpu.memref_slice %arg9[%rem3A_0, %dma_start3A_67, %dma_start3A_68, %dma_start3A_69] : memref<2x1x512x768xf32, #tpu.memory_space<vmem>> -> memref<1x1x512x768xf32, #tpu.memory_space<vmem>>
    %dma_start3A_71 = tpu.memref_squeeze %dma_start3A_70 : memref<1x1x512x768xf32, #tpu.memory_space<vmem>> -> memref<1x512x768xf32, #tpu.memory_space<vmem>>
    tpu.enqueue_dma source(%dma_start3A_71 : memref<1x512x768xf32, #tpu.memory_space<vmem>>) target(%dma_start3A_66 : memref<1x512x768xf32, #tpu.memory_space<any>>) target_semaphore(%dma_start3A_63 : memref<!tpu.dma_semaphore, #tpu.memory_space<semaphore_mem>>)
    %eq3A_72 = arith.constant 15 : i32
    %eq3A_73 = arith.cmpi eq, %arg0, %eq3A_72 : i32
    %convert_element_type3A_74 = arith.extui %eq3A_73 : i1 to i32
    %cond3A_75 = arith.constant 0 : i32
    %cond3A_76 = arith.cmpi ne, %convert_element_type3A_74, %cond3A_75 : i32
    scf.if %cond3A_76 {
      %ge3A_77 = arith.constant 16 : i32
      %ge3A_78 = arith.constant 2 : i32
      %ge3A_79 = arith.cmpi sge, %ge3A_77, %ge3A_78 : i32
      %convert_element_type3A_80 = arith.extui %ge3A_79 : i1 to i32
      %cond3A_81 = arith.constant 0 : i32
      %cond3A_82 = arith.cmpi ne, %convert_element_type3A_80, %cond3A_81 : i32
      scf.if %cond3A_82 {
        %sub3A_94 = arith.constant 1 : i32
        %sub3A_95 = arith.subi %arg0, %sub3A_94 : i32
        %sub3A_96 = arith.constant 1 : i32
        %sub3A_97 = arith.subi %sub3A_96, %rem3A_0 : i32
        %add3A_98 = arith.constant 48 : i32
        %add3A_99 = arith.addi %add3A_98, %sub3A_95 : i32
        %dma_wait3A_100 = tpu.memref_slice %arg10[%sub3A_97] : memref<2x!tpu.dma_semaphore, #tpu.memory_space<semaphore_mem>> -> memref<1x!tpu.dma_semaphore, #tpu.memory_space<semaphore_mem>>
        %dma_wait3A_101 = tpu.memref_squeeze %dma_wait3A_100 : memref<1x!tpu.dma_semaphore, #tpu.memory_space<semaphore_mem>> -> memref<!tpu.dma_semaphore, #tpu.memory_space<semaphore_mem>>
        %dma_wait3A_102 = arith.constant 0 : i32
        %dma_wait3A_103 = arith.constant 0 : i32
        %dma_wait3A_104 = tpu.memref_slice %arg8[%add3A_99, %dma_wait3A_102, %dma_wait3A_103] : memref<128x512x768xf32, #tpu.memory_space<any>> -> memref<1x512x768xf32, #tpu.memory_space<any>>
        %dma_wait3A_105 = arith.constant 0 : i32
        %dma_wait3A_106 = arith.constant 0 : i32
        %dma_wait3A_107 = arith.constant 0 : i32
        %dma_wait3A_108 = tpu.memref_slice %arg9[%sub3A_97, %dma_wait3A_105, %dma_wait3A_106, %dma_wait3A_107] : memref<2x1x512x768xf32, #tpu.memory_space<vmem>> -> memref<1x1x512x768xf32, #tpu.memory_space<vmem>>
        %dma_wait3A_109 = tpu.memref_squeeze %dma_wait3A_108 : memref<1x1x512x768xf32, #tpu.memory_space<vmem>> -> memref<1x512x768xf32, #tpu.memory_space<vmem>>
        tpu.wait_dma2 semaphore(%dma_wait3A_101 : memref<!tpu.dma_semaphore, #tpu.memory_space<semaphore_mem>>) src(%dma_wait3A_109 : memref<1x512x768xf32, #tpu.memory_space<vmem>>) dst(%dma_wait3A_104 : memref<1x512x768xf32, #tpu.memory_space<any>>)
      } else {
      }
      %add3A_83 = arith.constant 48 : i32
      %add3A_84 = arith.addi %add3A_83, %arg0 : i32
      %dma_wait3A = tpu.memref_slice %arg10[%rem3A_0] : memref<2x!tpu.dma_semaphore, #tpu.memory_space<semaphore_mem>> -> memref<1x!tpu.dma_semaphore, #tpu.memory_space<semaphore_mem>>
      %dma_wait3A_85 = tpu.memref_squeeze %dma_wait3A : memref<1x!tpu.dma_semaphore, #tpu.memory_space<semaphore_mem>> -> memref<!tpu.dma_semaphore, #tpu.memory_space<semaphore_mem>>
      %dma_wait3A_86 = arith.constant 0 : i32
      %dma_wait3A_87 = arith.constant 0 : i32
      %dma_wait3A_88 = tpu.memref_slice %arg8[%add3A_84, %dma_wait3A_86, %dma_wait3A_87] : memref<128x512x768xf32, #tpu.memory_space<any>> -> memref<1x512x768xf32, #tpu.memory_space<any>>
      %dma_wait3A_89 = arith.constant 0 : i32
      %dma_wait3A_90 = arith.constant 0 : i32
      %dma_wait3A_91 = arith.constant 0 : i32
      %dma_wait3A_92 = tpu.memref_slice %arg9[%rem3A_0, %dma_wait3A_89, %dma_wait3A_90, %dma_wait3A_91] : memref<2x1x512x768xf32, #tpu.memory_space<vmem>> -> memref<1x1x512x768xf32, #tpu.memory_space<vmem>>
      %dma_wait3A_93 = tpu.memref_squeeze %dma_wait3A_92 : memref<1x1x512x768xf32, #tpu.memory_space<vmem>> -> memref<1x512x768xf32, #tpu.memory_space<vmem>>
      tpu.wait_dma2 semaphore(%dma_wait3A_85 : memref<!tpu.dma_semaphore, #tpu.memory_space<semaphore_mem>>) src(%dma_wait3A_93 : memref<1x512x768xf32, #tpu.memory_space<vmem>>) dst(%dma_wait3A_88 : memref<1x512x768xf32, #tpu.memory_space<any>>)
    } else {
    }
    return
  }
  func.func @transform_0(%arg0: i32) -> (i32, i32, i32) {
    %c0_i32 = arith.constant 0 : i32
    %c0_i32_0 = arith.constant 0 : i32
    %c0_i32_1 = arith.constant 0 : i32
    return %arg0, %c0_i32, %c0_i32_0 : i32, i32, i32
  }
  func.func @transform_1(%arg0: i32) -> (i32, i32, i32) {
    %c0_i32 = arith.constant 0 : i32
    %c0_i32_0 = arith.constant 0 : i32
    %c0_i32_1 = arith.constant 0 : i32
    return %arg0, %c0_i32, %c0_i32_0 : i32, i32, i32
  }
  func.func @transform_2(%arg0: i32) -> (i32, i32) {
    %c0_i32 = arith.constant 0 : i32
    %c0_i32_0 = arith.constant 0 : i32
    %c0_i32_1 = arith.constant 0 : i32
    return %c0_i32, %c0_i32_0 : i32, i32
  }
  func.func @transform_3(%arg0: i32) -> (i32, i32) {
    %c0_i32 = arith.constant 0 : i32
    %c0_i32_0 = arith.constant 0 : i32
    %c0_i32_1 = arith.constant 0 : i32
    return %c0_i32, %c0_i32_0 : i32, i32
  }
  func.func @transform_4(%arg0: i32) -> (i32, i32) {
    %c0_i32 = arith.constant 0 : i32
    %c0_i32_0 = arith.constant 0 : i32
    %c0_i32_1 = arith.constant 0 : i32
    return %c0_i32, %c0_i32_0 : i32, i32
  }
  func.func @transform_5(%arg0: i32) -> (i32, i32) {
    %c0_i32 = arith.constant 0 : i32
    %c0_i32_0 = arith.constant 0 : i32
    %c0_i32_1 = arith.constant 0 : i32
    return %c0_i32, %c0_i32_0 : i32, i32
  }
}

module attributes {stable_mosaic.version = 14 : i64} {
  func.func @body(%arg0: i32, %arg1: memref<1x1x512xi32, #tpu.memory_space<vmem>>, %arg2: memref<1x512x768xf32, #tpu.memory_space<vmem>>, %arg3: memref<16x768xf32, #tpu.memory_space<vmem>>, %arg4: memref<512x768xf32, #tpu.memory_space<vmem>>, %arg5: memref<1x768xf32, #tpu.memory_space<vmem>>, %arg6: memref<1x768xf32, #tpu.memory_space<vmem>>, %arg7: memref<128x512x768xf32, #tpu.memory_space<any>>, %arg8: memref<128x512x768xf32, #tpu.memory_space<any>>, %arg9: memref<2x1x512x768xf32, #tpu.memory_space<vmem>>, %arg10: memref<2x!tpu.dma_semaphore, #tpu.memory_space<semaphore_mem>>) attributes {dimension_semantics = [#tpu.dimension_semantics<arbitrary>], iteration_bounds = array<i64: 16>, scalar_prefetch = 0 : i64, scratch_operands = 2 : i64, tpu.core_type = #tpu.core_type<tc>, window_params = [{transform_indices = @transform_0, window_bounds = array<i64: 1, 1, 512>}, {transform_indices = @transform_1, window_bounds = array<i64: 1, 512, 768>}, {pipeline_mode = #tpu.pipeline_mode<synchronous>, transform_indices = @transform_2, window_bounds = array<i64: 16, 768>}, {pipeline_mode = #tpu.pipeline_mode<synchronous>, transform_indices = @transform_3, window_bounds = array<i64: 512, 768>}, {pipeline_mode = #tpu.pipeline_mode<synchronous>, transform_indices = @transform_4, window_bounds = array<i64: 1, 768>}, {pipeline_mode = #tpu.pipeline_mode<synchronous>, transform_indices = @transform_5, window_bounds = array<i64: 1, 768>}, {}, {}]} {
    %rem3A = arith.constant 2 : i32
    %rem3A_0 = arith.remsi %arg0, %rem3A : i32
    %ge3A = arith.constant 2 : i32
    %ge3A_1 = arith.cmpi sge, %arg0, %ge3A : i32
    %convert_element_type3A = arith.extui %ge3A_1 : i1 to i32
    %cond3A = arith.constant 0 : i32
    %cond3A_2 = arith.cmpi ne, %convert_element_type3A, %cond3A : i32
    scf.if %cond3A_2 {
      %sub3A_77 = arith.constant 2 : i32
      %sub3A_78 = arith.subi %arg0, %sub3A_77 : i32
      %add3A_79 = arith.constant 32 : i32
      %add3A_80 = arith.addi %add3A_79, %sub3A_78 : i32
      %dma_wait3A = tpu.memref_slice %arg10[%rem3A_0] : memref<2x!tpu.dma_semaphore, #tpu.memory_space<semaphore_mem>> -> memref<1x!tpu.dma_semaphore, #tpu.memory_space<semaphore_mem>>
      %dma_wait3A_81 = tpu.memref_squeeze %dma_wait3A : memref<1x!tpu.dma_semaphore, #tpu.memory_space<semaphore_mem>> -> memref<!tpu.dma_semaphore, #tpu.memory_space<semaphore_mem>>
      %dma_wait3A_82 = arith.constant 0 : i32
      %dma_wait3A_83 = arith.constant 0 : i32
      %dma_wait3A_84 = tpu.memref_slice %arg8[%add3A_80, %dma_wait3A_82, %dma_wait3A_83] : memref<128x512x768xf32, #tpu.memory_space<any>> -> memref<1x512x768xf32, #tpu.memory_space<any>>
      %dma_wait3A_85 = arith.constant 0 : i32
      %dma_wait3A_86 = arith.constant 0 : i32
      %dma_wait3A_87 = arith.constant 0 : i32
      %dma_wait3A_88 = tpu.memref_slice %arg9[%rem3A_0, %dma_wait3A_85, %dma_wait3A_86, %dma_wait3A_87] : memref<2x1x512x768xf32, #tpu.memory_space<vmem>> -> memref<1x1x512x768xf32, #tpu.memory_space<vmem>>
      %dma_wait3A_89 = tpu.memref_squeeze %dma_wait3A_88 : memref<1x1x512x768xf32, #tpu.memory_space<vmem>> -> memref<1x512x768xf32, #tpu.memory_space<vmem>>
      tpu.wait_dma2 semaphore(%dma_wait3A_81 : memref<!tpu.dma_semaphore, #tpu.memory_space<semaphore_mem>>) src(%dma_wait3A_89 : memref<1x512x768xf32, #tpu.memory_space<vmem>>) dst(%dma_wait3A_84 : memref<1x512x768xf32, #tpu.memory_space<any>>)
    } else {
    }
    %get3A = arith.constant 0 : index
    %get3A_3 = arith.constant 0 : index
    %get3A_4 = arith.constant 0 : index
    %get3A_5 = vector.load %arg2[%get3A, %get3A_3, %get3A_4] : memref<1x512x768xf32, #tpu.memory_space<vmem>>, vector<1x512x768xf32>
    %get3A_6 = vector.shape_cast %get3A_5 : vector<1x512x768xf32> to vector<512x768xf32>
    %get3A_7 = arith.constant 0 : index
    %get3A_8 = arith.constant 0 : index
    %get3A_9 = arith.constant 0 : index
    %get3A_10 = vector.load %arg1[%get3A_7, %get3A_8, %get3A_9] : memref<1x1x512xi32, #tpu.memory_space<vmem>>, vector<1x1x512xi32>
    %get3A_11 = vector.shape_cast %get3A_10 : vector<1x1x512xi32> to vector<512xi32>
    %iota3A = tpu.iota {dimensions = array<i32: 1>} : vector<1x16xi32>
    %broadcast_in_dim3A = vector.shape_cast %get3A_11 : vector<512xi32> to vector<512x1xi32>
    %eq3A = vector.broadcast %broadcast_in_dim3A : vector<512x1xi32> to vector<512x16xi32>
    %eq3A_12 = vector.broadcast %iota3A : vector<1x16xi32> to vector<512x16xi32>
    %eq3A_13 = arith.cmpi eq, %eq3A, %eq3A_12 : vector<512x16xi32>
    %convert_element_type3A_14 = arith.extui %eq3A_13 : vector<512x16xi1> to vector<512x16xi32>
    %convert_element_type3A_15 = arith.sitofp %convert_element_type3A_14 : vector<512x16xi32> to vector<512x16xf32>
    %get3A_16 = arith.constant 0 : index
    %get3A_17 = arith.constant 0 : index
    %get3A_18 = vector.load %arg3[%get3A_16, %get3A_17] : memref<16x768xf32, #tpu.memory_space<vmem>>, vector<16x768xf32>
    %dot_general3A = arith.constant dense<0.000000e+00> : vector<512x768xf32>
    %dot_general3A_19 = tpu.matmul %convert_element_type3A_15, %get3A_18, %dot_general3A {dimension_numbers = #tpu.dot_dimension_numbers<[1], [0], [0], [1], [0, 0, 1, 1], [], []>, transpose_lhs_hint = false} : vector<512x16xf32>, vector<16x768xf32>, vector<512x768xf32> -> vector<512x768xf32>
    %add3A = arith.addf %get3A_6, %dot_general3A_19 : vector<512x768xf32>
    %get3A_20 = arith.constant 0 : index
    %get3A_21 = arith.constant 0 : index
    %get3A_22 = vector.load %arg4[%get3A_20, %get3A_21] : memref<512x768xf32, #tpu.memory_space<vmem>>, vector<512x768xf32>
    %add3A_23 = arith.addf %add3A, %get3A_22 : vector<512x768xf32>
    %reduce_sum3A = arith.constant dense<0.000000e+00> : vector<512xf32>
    %reduce_sum3A_24 = vector.multi_reduction <add>, %add3A_23, %reduce_sum3A [1] : vector<512x768xf32> to vector<512xf32>
    %broadcast_in_dim3A_25 = vector.shape_cast %reduce_sum3A_24 : vector<512xf32> to vector<512x1xf32>
    %div3A = arith.constant 7.680000e+02 : f32
    %div3A_26 = vector.broadcast %div3A : f32 to vector<512x1xf32>
    %div3A_27 = arith.divf %broadcast_in_dim3A_25, %div3A_26 : vector<512x1xf32>
    %sub3A = vector.broadcast %div3A_27 : vector<512x1xf32> to vector<512x768xf32>
    %sub3A_28 = arith.subf %add3A_23, %sub3A : vector<512x768xf32>
    %mul3A = arith.mulf %sub3A_28, %sub3A_28 : vector<512x768xf32>
    %reduce_sum3A_29 = arith.constant dense<0.000000e+00> : vector<512xf32>
    %reduce_sum3A_30 = vector.multi_reduction <add>, %mul3A, %reduce_sum3A_29 [1] : vector<512x768xf32> to vector<512xf32>
    %broadcast_in_dim3A_31 = vector.shape_cast %reduce_sum3A_30 : vector<512xf32> to vector<512x1xf32>
    %div3A_32 = arith.constant 7.680000e+02 : f32
    %div3A_33 = vector.broadcast %div3A_32 : f32 to vector<512x1xf32>
    %div3A_34 = arith.divf %broadcast_in_dim3A_31, %div3A_33 : vector<512x1xf32>
    %add3A_35 = arith.constant 9.99999996E-13 : f32
    %add3A_36 = vector.broadcast %add3A_35 : f32 to vector<512x1xf32>
    %add3A_37 = arith.addf %div3A_34, %add3A_36 : vector<512x1xf32>
    %rsqrt3A = math.rsqrt %add3A_37 : vector<512x1xf32>
    %mul3A_38 = vector.broadcast %rsqrt3A : vector<512x1xf32> to vector<512x768xf32>
    %mul3A_39 = arith.mulf %sub3A_28, %mul3A_38 : vector<512x768xf32>
    %get3A_40 = arith.constant 0 : index
    %get3A_41 = arith.constant 0 : index
    %get3A_42 = vector.load %arg5[%get3A_40, %get3A_41] : memref<1x768xf32, #tpu.memory_space<vmem>>, vector<1x768xf32>
    %mul3A_43 = vector.broadcast %get3A_42 : vector<1x768xf32> to vector<512x768xf32>
    %mul3A_44 = arith.mulf %mul3A_39, %mul3A_43 : vector<512x768xf32>
    %get3A_45 = arith.constant 0 : index
    %get3A_46 = arith.constant 0 : index
    %get3A_47 = vector.load %arg6[%get3A_45, %get3A_46] : memref<1x768xf32, #tpu.memory_space<vmem>>, vector<1x768xf32>
    %add3A_48 = vector.broadcast %get3A_47 : vector<1x768xf32> to vector<512x768xf32>
    %add3A_49 = arith.addf %mul3A_44, %add3A_48 : vector<512x768xf32>
    %broadcast_in_dim3A_50 = vector.shape_cast %add3A_49 : vector<512x768xf32> to vector<1x512x768xf32>
    %eq3A_51 = arith.constant 0 : i32
    %eq3A_52 = arith.cmpi eq, %rem3A_0, %eq3A_51 : i32
    %convert_element_type3A_53 = arith.extui %eq3A_52 : i1 to i32
    %cond3A_54 = arith.constant 0 : i32
    %cond3A_55 = arith.cmpi ne, %convert_element_type3A_53, %cond3A_54 : i32
    scf.if %cond3A_55 {
      %swap3A = arith.constant 0 : index
      %swap3A_77 = arith.constant 0 : index
      %swap3A_78 = arith.constant 0 : index
      %swap3A_79 = arith.constant 0 : index
      %swap3A_80 = vector.load %arg9[%swap3A, %swap3A_77, %swap3A_78, %swap3A_79] : memref<2x1x512x768xf32, #tpu.memory_space<vmem>>, vector<1x1x512x768xf32>
      %swap3A_81 = vector.shape_cast %swap3A_80 : vector<1x1x512x768xf32> to vector<1x512x768xf32>
      %swap3A_82 = vector.shape_cast %broadcast_in_dim3A_50 : vector<1x512x768xf32> to vector<1x1x512x768xf32>
      tpu.vector_store %arg9[%swap3A, %swap3A_77, %swap3A_78, %swap3A_79], %swap3A_82 {strides = array<i32>} : memref<2x1x512x768xf32, #tpu.memory_space<vmem>>, vector<1x1x512x768xf32>,
    } else {
    }
    %eq3A_56 = arith.constant 1 : i32
    %eq3A_57 = arith.cmpi eq, %rem3A_0, %eq3A_56 : i32
    %convert_element_type3A_58 = arith.extui %eq3A_57 : i1 to i32
    %cond3A_59 = arith.constant 0 : i32
    %cond3A_60 = arith.cmpi ne, %convert_element_type3A_58, %cond3A_59 : i32
    scf.if %cond3A_60 {
      %swap3A = arith.constant 1 : index
      %swap3A_77 = arith.constant 0 : index
      %swap3A_78 = arith.constant 0 : index
      %swap3A_79 = arith.constant 0 : index
      %swap3A_80 = vector.load %arg9[%swap3A, %swap3A_77, %swap3A_78, %swap3A_79] : memref<2x1x512x768xf32, #tpu.memory_space<vmem>>, vector<1x1x512x768xf32>
      %swap3A_81 = vector.shape_cast %swap3A_80 : vector<1x1x512x768xf32> to vector<1x512x768xf32>
      %swap3A_82 = vector.shape_cast %broadcast_in_dim3A_50 : vector<1x512x768xf32> to vector<1x1x512x768xf32>
      tpu.vector_store %arg9[%swap3A, %swap3A_77, %swap3A_78, %swap3A_79], %swap3A_82 {strides = array<i32>} : memref<2x1x512x768xf32, #tpu.memory_space<vmem>>, vector<1x1x512x768xf32>,
    } else {
    }
    %add3A_61 = arith.constant 32 : i32
    %add3A_62 = arith.addi %add3A_61, %arg0 : i32
    %dma_start3A = tpu.memref_slice %arg10[%rem3A_0] : memref<2x!tpu.dma_semaphore, #tpu.memory_space<semaphore_mem>> -> memref<1x!tpu.dma_semaphore, #tpu.memory_space<semaphore_mem>>
    %dma_start3A_63 = tpu.memref_squeeze %dma_start3A : memref<1x!tpu.dma_semaphore, #tpu.memory_space<semaphore_mem>> -> memref<!tpu.dma_semaphore, #tpu.memory_space<semaphore_mem>>
    %dma_start3A_64 = arith.constant 0 : i32
    %dma_start3A_65 = arith.constant 0 : i32
    %dma_start3A_66 = tpu.memref_slice %arg8[%add3A_62, %dma_start3A_64, %dma_start3A_65] : memref<128x512x768xf32, #tpu.memory_space<any>> -> memref<1x512x768xf32, #tpu.memory_space<any>>
    %dma_start3A_67 = arith.constant 0 : i32
    %dma_start3A_68 = arith.constant 0 : i32
    %dma_start3A_69 = arith.constant 0 : i32
    %dma_start3A_70 = tpu.memref_slice %arg9[%rem3A_0, %dma_start3A_67, %dma_start3A_68, %dma_start3A_69] : memref<2x1x512x768xf32, #tpu.memory_space<vmem>> -> memref<1x1x512x768xf32, #tpu.memory_space<vmem>>
    %dma_start3A_71 = tpu.memref_squeeze %dma_start3A_70 : memref<1x1x512x768xf32, #tpu.memory_space<vmem>> -> memref<1x512x768xf32, #tpu.memory_space<vmem>>
    tpu.enqueue_dma source(%dma_start3A_71 : memref<1x512x768xf32, #tpu.memory_space<vmem>>) target(%dma_start3A_66 : memref<1x512x768xf32, #tpu.memory_space<any>>) target_semaphore(%dma_start3A_63 : memref<!tpu.dma_semaphore, #tpu.memory_space<semaphore_mem>>)
    %eq3A_72 = arith.constant 15 : i32
    %eq3A_73 = arith.cmpi eq, %arg0, %eq3A_72 : i32
    %convert_element_type3A_74 = arith.extui %eq3A_73 : i1 to i32
    %cond3A_75 = arith.constant 0 : i32
    %cond3A_76 = arith.cmpi ne, %convert_element_type3A_74, %cond3A_75 : i32
    scf.if %cond3A_76 {
      %ge3A_77 = arith.constant 16 : i32
      %ge3A_78 = arith.constant 2 : i32
      %ge3A_79 = arith.cmpi sge, %ge3A_77, %ge3A_78 : i32
      %convert_element_type3A_80 = arith.extui %ge3A_79 : i1 to i32
      %cond3A_81 = arith.constant 0 : i32
      %cond3A_82 = arith.cmpi ne, %convert_element_type3A_80, %cond3A_81 : i32
      scf.if %cond3A_82 {
        %sub3A_94 = arith.constant 1 : i32
        %sub3A_95 = arith.subi %arg0, %sub3A_94 : i32
        %sub3A_96 = arith.constant 1 : i32
        %sub3A_97 = arith.subi %sub3A_96, %rem3A_0 : i32
        %add3A_98 = arith.constant 32 : i32
        %add3A_99 = arith.addi %add3A_98, %sub3A_95 : i32
        %dma_wait3A_100 = tpu.memref_slice %arg10[%sub3A_97] : memref<2x!tpu.dma_semaphore, #tpu.memory_space<semaphore_mem>> -> memref<1x!tpu.dma_semaphore, #tpu.memory_space<semaphore_mem>>
        %dma_wait3A_101 = tpu.memref_squeeze %dma_wait3A_100 : memref<1x!tpu.dma_semaphore, #tpu.memory_space<semaphore_mem>> -> memref<!tpu.dma_semaphore, #tpu.memory_space<semaphore_mem>>
        %dma_wait3A_102 = arith.constant 0 : i32
        %dma_wait3A_103 = arith.constant 0 : i32
        %dma_wait3A_104 = tpu.memref_slice %arg8[%add3A_99, %dma_wait3A_102, %dma_wait3A_103] : memref<128x512x768xf32, #tpu.memory_space<any>> -> memref<1x512x768xf32, #tpu.memory_space<any>>
        %dma_wait3A_105 = arith.constant 0 : i32
        %dma_wait3A_106 = arith.constant 0 : i32
        %dma_wait3A_107 = arith.constant 0 : i32
        %dma_wait3A_108 = tpu.memref_slice %arg9[%sub3A_97, %dma_wait3A_105, %dma_wait3A_106, %dma_wait3A_107] : memref<2x1x512x768xf32, #tpu.memory_space<vmem>> -> memref<1x1x512x768xf32, #tpu.memory_space<vmem>>
        %dma_wait3A_109 = tpu.memref_squeeze %dma_wait3A_108 : memref<1x1x512x768xf32, #tpu.memory_space<vmem>> -> memref<1x512x768xf32, #tpu.memory_space<vmem>>
        tpu.wait_dma2 semaphore(%dma_wait3A_101 : memref<!tpu.dma_semaphore, #tpu.memory_space<semaphore_mem>>) src(%dma_wait3A_109 : memref<1x512x768xf32, #tpu.memory_space<vmem>>) dst(%dma_wait3A_104 : memref<1x512x768xf32, #tpu.memory_space<any>>)
      } else {
      }
      %add3A_83 = arith.constant 32 : i32
      %add3A_84 = arith.addi %add3A_83, %arg0 : i32
      %dma_wait3A = tpu.memref_slice %arg10[%rem3A_0] : memref<2x!tpu.dma_semaphore, #tpu.memory_space<semaphore_mem>> -> memref<1x!tpu.dma_semaphore, #tpu.memory_space<semaphore_mem>>
      %dma_wait3A_85 = tpu.memref_squeeze %dma_wait3A : memref<1x!tpu.dma_semaphore, #tpu.memory_space<semaphore_mem>> -> memref<!tpu.dma_semaphore, #tpu.memory_space<semaphore_mem>>
      %dma_wait3A_86 = arith.constant 0 : i32
      %dma_wait3A_87 = arith.constant 0 : i32
      %dma_wait3A_88 = tpu.memref_slice %arg8[%add3A_84, %dma_wait3A_86, %dma_wait3A_87] : memref<128x512x768xf32, #tpu.memory_space<any>> -> memref<1x512x768xf32, #tpu.memory_space<any>>
      %dma_wait3A_89 = arith.constant 0 : i32
      %dma_wait3A_90 = arith.constant 0 : i32
      %dma_wait3A_91 = arith.constant 0 : i32
      %dma_wait3A_92 = tpu.memref_slice %arg9[%rem3A_0, %dma_wait3A_89, %dma_wait3A_90, %dma_wait3A_91] : memref<2x1x512x768xf32, #tpu.memory_space<vmem>> -> memref<1x1x512x768xf32, #tpu.memory_space<vmem>>
      %dma_wait3A_93 = tpu.memref_squeeze %dma_wait3A_92 : memref<1x1x512x768xf32, #tpu.memory_space<vmem>> -> memref<1x512x768xf32, #tpu.memory_space<vmem>>
      tpu.wait_dma2 semaphore(%dma_wait3A_85 : memref<!tpu.dma_semaphore, #tpu.memory_space<semaphore_mem>>) src(%dma_wait3A_93 : memref<1x512x768xf32, #tpu.memory_space<vmem>>) dst(%dma_wait3A_88 : memref<1x512x768xf32, #tpu.memory_space<any>>)
    } else {
    }
    return
  }
  func.func @transform_0(%arg0: i32) -> (i32, i32, i32) {
    %c0_i32 = arith.constant 0 : i32
    %c0_i32_0 = arith.constant 0 : i32
    %c0_i32_1 = arith.constant 0 : i32
    return %arg0, %c0_i32, %c0_i32_0 : i32, i32, i32
  }
  func.func @transform_1(%arg0: i32) -> (i32, i32, i32) {
    %c0_i32 = arith.constant 0 : i32
    %c0_i32_0 = arith.constant 0 : i32
    %c0_i32_1 = arith.constant 0 : i32
    return %arg0, %c0_i32, %c0_i32_0 : i32, i32, i32
  }
  func.func @transform_2(%arg0: i32) -> (i32, i32) {
    %c0_i32 = arith.constant 0 : i32
    %c0_i32_0 = arith.constant 0 : i32
    %c0_i32_1 = arith.constant 0 : i32
    return %c0_i32, %c0_i32_0 : i32, i32
  }
  func.func @transform_3(%arg0: i32) -> (i32, i32) {
    %c0_i32 = arith.constant 0 : i32
    %c0_i32_0 = arith.constant 0 : i32
    %c0_i32_1 = arith.constant 0 : i32
    return %c0_i32, %c0_i32_0 : i32, i32
  }
  func.func @transform_4(%arg0: i32) -> (i32, i32) {
    %c0_i32 = arith.constant 0 : i32
    %c0_i32_0 = arith.constant 0 : i32
    %c0_i32_1 = arith.constant 0 : i32
    return %c0_i32, %c0_i32_0 : i32, i32
  }
  func.func @transform_5(%arg0: i32) -> (i32, i32) {
    %c0_i32 = arith.constant 0 : i32
    %c0_i32_0 = arith.constant 0 : i32
    %c0_i32_1 = arith.constant 0 : i32
    return %c0_i32, %c0_i32_0 : i32, i32
  }
}

module attributes {stable_mosaic.version = 14 : i64} {
  func.func @body(%arg0: i32, %arg1: memref<1x1x512xi32, #tpu.memory_space<vmem>>, %arg2: memref<1x512x768xf32, #tpu.memory_space<vmem>>, %arg3: memref<16x768xf32, #tpu.memory_space<vmem>>, %arg4: memref<512x768xf32, #tpu.memory_space<vmem>>, %arg5: memref<1x768xf32, #tpu.memory_space<vmem>>, %arg6: memref<1x768xf32, #tpu.memory_space<vmem>>, %arg7: memref<128x512x768xf32, #tpu.memory_space<any>>, %arg8: memref<128x512x768xf32, #tpu.memory_space<any>>, %arg9: memref<2x1x512x768xf32, #tpu.memory_space<vmem>>, %arg10: memref<2x!tpu.dma_semaphore, #tpu.memory_space<semaphore_mem>>) attributes {dimension_semantics = [#tpu.dimension_semantics<arbitrary>], iteration_bounds = array<i64: 16>, scalar_prefetch = 0 : i64, scratch_operands = 2 : i64, tpu.core_type = #tpu.core_type<tc>, window_params = [{transform_indices = @transform_0, window_bounds = array<i64: 1, 1, 512>}, {transform_indices = @transform_1, window_bounds = array<i64: 1, 512, 768>}, {pipeline_mode = #tpu.pipeline_mode<synchronous>, transform_indices = @transform_2, window_bounds = array<i64: 16, 768>}, {pipeline_mode = #tpu.pipeline_mode<synchronous>, transform_indices = @transform_3, window_bounds = array<i64: 512, 768>}, {pipeline_mode = #tpu.pipeline_mode<synchronous>, transform_indices = @transform_4, window_bounds = array<i64: 1, 768>}, {pipeline_mode = #tpu.pipeline_mode<synchronous>, transform_indices = @transform_5, window_bounds = array<i64: 1, 768>}, {}, {}]} {
    %rem3A = arith.constant 2 : i32
    %rem3A_0 = arith.remsi %arg0, %rem3A : i32
    %ge3A = arith.constant 2 : i32
    %ge3A_1 = arith.cmpi sge, %arg0, %ge3A : i32
    %convert_element_type3A = arith.extui %ge3A_1 : i1 to i32
    %cond3A = arith.constant 0 : i32
    %cond3A_2 = arith.cmpi ne, %convert_element_type3A, %cond3A : i32
    scf.if %cond3A_2 {
      %sub3A_77 = arith.constant 2 : i32
      %sub3A_78 = arith.subi %arg0, %sub3A_77 : i32
      %add3A_79 = arith.constant 64 : i32
      %add3A_80 = arith.addi %add3A_79, %sub3A_78 : i32
      %dma_wait3A = tpu.memref_slice %arg10[%rem3A_0] : memref<2x!tpu.dma_semaphore, #tpu.memory_space<semaphore_mem>> -> memref<1x!tpu.dma_semaphore, #tpu.memory_space<semaphore_mem>>
      %dma_wait3A_81 = tpu.memref_squeeze %dma_wait3A : memref<1x!tpu.dma_semaphore, #tpu.memory_space<semaphore_mem>> -> memref<!tpu.dma_semaphore, #tpu.memory_space<semaphore_mem>>
      %dma_wait3A_82 = arith.constant 0 : i32
      %dma_wait3A_83 = arith.constant 0 : i32
      %dma_wait3A_84 = tpu.memref_slice %arg8[%add3A_80, %dma_wait3A_82, %dma_wait3A_83] : memref<128x512x768xf32, #tpu.memory_space<any>> -> memref<1x512x768xf32, #tpu.memory_space<any>>
      %dma_wait3A_85 = arith.constant 0 : i32
      %dma_wait3A_86 = arith.constant 0 : i32
      %dma_wait3A_87 = arith.constant 0 : i32
      %dma_wait3A_88 = tpu.memref_slice %arg9[%rem3A_0, %dma_wait3A_85, %dma_wait3A_86, %dma_wait3A_87] : memref<2x1x512x768xf32, #tpu.memory_space<vmem>> -> memref<1x1x512x768xf32, #tpu.memory_space<vmem>>
      %dma_wait3A_89 = tpu.memref_squeeze %dma_wait3A_88 : memref<1x1x512x768xf32, #tpu.memory_space<vmem>> -> memref<1x512x768xf32, #tpu.memory_space<vmem>>
      tpu.wait_dma2 semaphore(%dma_wait3A_81 : memref<!tpu.dma_semaphore, #tpu.memory_space<semaphore_mem>>) src(%dma_wait3A_89 : memref<1x512x768xf32, #tpu.memory_space<vmem>>) dst(%dma_wait3A_84 : memref<1x512x768xf32, #tpu.memory_space<any>>)
    } else {
    }
    %get3A = arith.constant 0 : index
    %get3A_3 = arith.constant 0 : index
    %get3A_4 = arith.constant 0 : index
    %get3A_5 = vector.load %arg2[%get3A, %get3A_3, %get3A_4] : memref<1x512x768xf32, #tpu.memory_space<vmem>>, vector<1x512x768xf32>
    %get3A_6 = vector.shape_cast %get3A_5 : vector<1x512x768xf32> to vector<512x768xf32>
    %get3A_7 = arith.constant 0 : index
    %get3A_8 = arith.constant 0 : index
    %get3A_9 = arith.constant 0 : index
    %get3A_10 = vector.load %arg1[%get3A_7, %get3A_8, %get3A_9] : memref<1x1x512xi32, #tpu.memory_space<vmem>>, vector<1x1x512xi32>
    %get3A_11 = vector.shape_cast %get3A_10 : vector<1x1x512xi32> to vector<512xi32>
    %iota3A = tpu.iota {dimensions = array<i32: 1>} : vector<1x16xi32>
    %broadcast_in_dim3A = vector.shape_cast %get3A_11 : vector<512xi32> to vector<512x1xi32>
    %eq3A = vector.broadcast %broadcast_in_dim3A : vector<512x1xi32> to vector<512x16xi32>
    %eq3A_12 = vector.broadcast %iota3A : vector<1x16xi32> to vector<512x16xi32>
    %eq3A_13 = arith.cmpi eq, %eq3A, %eq3A_12 : vector<512x16xi32>
    %convert_element_type3A_14 = arith.extui %eq3A_13 : vector<512x16xi1> to vector<512x16xi32>
    %convert_element_type3A_15 = arith.sitofp %convert_element_type3A_14 : vector<512x16xi32> to vector<512x16xf32>
    %get3A_16 = arith.constant 0 : index
    %get3A_17 = arith.constant 0 : index
    %get3A_18 = vector.load %arg3[%get3A_16, %get3A_17] : memref<16x768xf32, #tpu.memory_space<vmem>>, vector<16x768xf32>
    %dot_general3A = arith.constant dense<0.000000e+00> : vector<512x768xf32>
    %dot_general3A_19 = tpu.matmul %convert_element_type3A_15, %get3A_18, %dot_general3A {dimension_numbers = #tpu.dot_dimension_numbers<[1], [0], [0], [1], [0, 0, 1, 1], [], []>, transpose_lhs_hint = false} : vector<512x16xf32>, vector<16x768xf32>, vector<512x768xf32> -> vector<512x768xf32>
    %add3A = arith.addf %get3A_6, %dot_general3A_19 : vector<512x768xf32>
    %get3A_20 = arith.constant 0 : index
    %get3A_21 = arith.constant 0 : index
    %get3A_22 = vector.load %arg4[%get3A_20, %get3A_21] : memref<512x768xf32, #tpu.memory_space<vmem>>, vector<512x768xf32>
    %add3A_23 = arith.addf %add3A, %get3A_22 : vector<512x768xf32>
    %reduce_sum3A = arith.constant dense<0.000000e+00> : vector<512xf32>
    %reduce_sum3A_24 = vector.multi_reduction <add>, %add3A_23, %reduce_sum3A [1] : vector<512x768xf32> to vector<512xf32>
    %broadcast_in_dim3A_25 = vector.shape_cast %reduce_sum3A_24 : vector<512xf32> to vector<512x1xf32>
    %div3A = arith.constant 7.680000e+02 : f32
    %div3A_26 = vector.broadcast %div3A : f32 to vector<512x1xf32>
    %div3A_27 = arith.divf %broadcast_in_dim3A_25, %div3A_26 : vector<512x1xf32>
    %sub3A = vector.broadcast %div3A_27 : vector<512x1xf32> to vector<512x768xf32>
    %sub3A_28 = arith.subf %add3A_23, %sub3A : vector<512x768xf32>
    %mul3A = arith.mulf %sub3A_28, %sub3A_28 : vector<512x768xf32>
    %reduce_sum3A_29 = arith.constant dense<0.000000e+00> : vector<512xf32>
    %reduce_sum3A_30 = vector.multi_reduction <add>, %mul3A, %reduce_sum3A_29 [1] : vector<512x768xf32> to vector<512xf32>
    %broadcast_in_dim3A_31 = vector.shape_cast %reduce_sum3A_30 : vector<512xf32> to vector<512x1xf32>
    %div3A_32 = arith.constant 7.680000e+02 : f32
    %div3A_33 = vector.broadcast %div3A_32 : f32 to vector<512x1xf32>
    %div3A_34 = arith.divf %broadcast_in_dim3A_31, %div3A_33 : vector<512x1xf32>
    %add3A_35 = arith.constant 9.99999996E-13 : f32
    %add3A_36 = vector.broadcast %add3A_35 : f32 to vector<512x1xf32>
    %add3A_37 = arith.addf %div3A_34, %add3A_36 : vector<512x1xf32>
    %rsqrt3A = math.rsqrt %add3A_37 : vector<512x1xf32>
    %mul3A_38 = vector.broadcast %rsqrt3A : vector<512x1xf32> to vector<512x768xf32>
    %mul3A_39 = arith.mulf %sub3A_28, %mul3A_38 : vector<512x768xf32>
    %get3A_40 = arith.constant 0 : index
    %get3A_41 = arith.constant 0 : index
    %get3A_42 = vector.load %arg5[%get3A_40, %get3A_41] : memref<1x768xf32, #tpu.memory_space<vmem>>, vector<1x768xf32>
    %mul3A_43 = vector.broadcast %get3A_42 : vector<1x768xf32> to vector<512x768xf32>
    %mul3A_44 = arith.mulf %mul3A_39, %mul3A_43 : vector<512x768xf32>
    %get3A_45 = arith.constant 0 : index
    %get3A_46 = arith.constant 0 : index
    %get3A_47 = vector.load %arg6[%get3A_45, %get3A_46] : memref<1x768xf32, #tpu.memory_space<vmem>>, vector<1x768xf32>
    %add3A_48 = vector.broadcast %get3A_47 : vector<1x768xf32> to vector<512x768xf32>
    %add3A_49 = arith.addf %mul3A_44, %add3A_48 : vector<512x768xf32>
    %broadcast_in_dim3A_50 = vector.shape_cast %add3A_49 : vector<512x768xf32> to vector<1x512x768xf32>
    %eq3A_51 = arith.constant 0 : i32
    %eq3A_52 = arith.cmpi eq, %rem3A_0, %eq3A_51 : i32
    %convert_element_type3A_53 = arith.extui %eq3A_52 : i1 to i32
    %cond3A_54 = arith.constant 0 : i32
    %cond3A_55 = arith.cmpi ne, %convert_element_type3A_53, %cond3A_54 : i32
    scf.if %cond3A_55 {
      %swap3A = arith.constant 0 : index
      %swap3A_77 = arith.constant 0 : index
      %swap3A_78 = arith.constant 0 : index
      %swap3A_79 = arith.constant 0 : index
      %swap3A_80 = vector.load %arg9[%swap3A, %swap3A_77, %swap3A_78, %swap3A_79] : memref<2x1x512x768xf32, #tpu.memory_space<vmem>>, vector<1x1x512x768xf32>
      %swap3A_81 = vector.shape_cast %swap3A_80 : vector<1x1x512x768xf32> to vector<1x512x768xf32>
      %swap3A_82 = vector.shape_cast %broadcast_in_dim3A_50 : vector<1x512x768xf32> to vector<1x1x512x768xf32>
      tpu.vector_store %arg9[%swap3A, %swap3A_77, %swap3A_78, %swap3A_79], %swap3A_82 {strides = array<i32>} : memref<2x1x512x768xf32, #tpu.memory_space<vmem>>, vector<1x1x512x768xf32>,
    } else {
    }
    %eq3A_56 = arith.constant 1 : i32
    %eq3A_57 = arith.cmpi eq, %rem3A_0, %eq3A_56 : i32
    %convert_element_type3A_58 = arith.extui %eq3A_57 : i1 to i32
    %cond3A_59 = arith.constant 0 : i32
    %cond3A_60 = arith.cmpi ne, %convert_element_type3A_58, %cond3A_59 : i32
    scf.if %cond3A_60 {
      %swap3A = arith.constant 1 : index
      %swap3A_77 = arith.constant 0 : index
      %swap3A_78 = arith.constant 0 : index
      %swap3A_79 = arith.constant 0 : index
      %swap3A_80 = vector.load %arg9[%swap3A, %swap3A_77, %swap3A_78, %swap3A_79] : memref<2x1x512x768xf32, #tpu.memory_space<vmem>>, vector<1x1x512x768xf32>
      %swap3A_81 = vector.shape_cast %swap3A_80 : vector<1x1x512x768xf32> to vector<1x512x768xf32>
      %swap3A_82 = vector.shape_cast %broadcast_in_dim3A_50 : vector<1x512x768xf32> to vector<1x1x512x768xf32>
      tpu.vector_store %arg9[%swap3A, %swap3A_77, %swap3A_78, %swap3A_79], %swap3A_82 {strides = array<i32>} : memref<2x1x512x768xf32, #tpu.memory_space<vmem>>, vector<1x1x512x768xf32>,
    } else {
    }
    %add3A_61 = arith.constant 64 : i32
    %add3A_62 = arith.addi %add3A_61, %arg0 : i32
    %dma_start3A = tpu.memref_slice %arg10[%rem3A_0] : memref<2x!tpu.dma_semaphore, #tpu.memory_space<semaphore_mem>> -> memref<1x!tpu.dma_semaphore, #tpu.memory_space<semaphore_mem>>
    %dma_start3A_63 = tpu.memref_squeeze %dma_start3A : memref<1x!tpu.dma_semaphore, #tpu.memory_space<semaphore_mem>> -> memref<!tpu.dma_semaphore, #tpu.memory_space<semaphore_mem>>
    %dma_start3A_64 = arith.constant 0 : i32
    %dma_start3A_65 = arith.constant 0 : i32
    %dma_start3A_66 = tpu.memref_slice %arg8[%add3A_62, %dma_start3A_64, %dma_start3A_65] : memref<128x512x768xf32, #tpu.memory_space<any>> -> memref<1x512x768xf32, #tpu.memory_space<any>>
    %dma_start3A_67 = arith.constant 0 : i32
    %dma_start3A_68 = arith.constant 0 : i32
    %dma_start3A_69 = arith.constant 0 : i32
    %dma_start3A_70 = tpu.memref_slice %arg9[%rem3A_0, %dma_start3A_67, %dma_start3A_68, %dma_start3A_69] : memref<2x1x512x768xf32, #tpu.memory_space<vmem>> -> memref<1x1x512x768xf32, #tpu.memory_space<vmem>>
    %dma_start3A_71 = tpu.memref_squeeze %dma_start3A_70 : memref<1x1x512x768xf32, #tpu.memory_space<vmem>> -> memref<1x512x768xf32, #tpu.memory_space<vmem>>
    tpu.enqueue_dma source(%dma_start3A_71 : memref<1x512x768xf32, #tpu.memory_space<vmem>>) target(%dma_start3A_66 : memref<1x512x768xf32, #tpu.memory_space<any>>) target_semaphore(%dma_start3A_63 : memref<!tpu.dma_semaphore, #tpu.memory_space<semaphore_mem>>)
    %eq3A_72 = arith.constant 15 : i32
    %eq3A_73 = arith.cmpi eq, %arg0, %eq3A_72 : i32
    %convert_element_type3A_74 = arith.extui %eq3A_73 : i1 to i32
    %cond3A_75 = arith.constant 0 : i32
    %cond3A_76 = arith.cmpi ne, %convert_element_type3A_74, %cond3A_75 : i32
    scf.if %cond3A_76 {
      %ge3A_77 = arith.constant 16 : i32
      %ge3A_78 = arith.constant 2 : i32
      %ge3A_79 = arith.cmpi sge, %ge3A_77, %ge3A_78 : i32
      %convert_element_type3A_80 = arith.extui %ge3A_79 : i1 to i32
      %cond3A_81 = arith.constant 0 : i32
      %cond3A_82 = arith.cmpi ne, %convert_element_type3A_80, %cond3A_81 : i32
      scf.if %cond3A_82 {
        %sub3A_94 = arith.constant 1 : i32
        %sub3A_95 = arith.subi %arg0, %sub3A_94 : i32
        %sub3A_96 = arith.constant 1 : i32
        %sub3A_97 = arith.subi %sub3A_96, %rem3A_0 : i32
        %add3A_98 = arith.constant 64 : i32
        %add3A_99 = arith.addi %add3A_98, %sub3A_95 : i32
        %dma_wait3A_100 = tpu.memref_slice %arg10[%sub3A_97] : memref<2x!tpu.dma_semaphore, #tpu.memory_space<semaphore_mem>> -> memref<1x!tpu.dma_semaphore, #tpu.memory_space<semaphore_mem>>
        %dma_wait3A_101 = tpu.memref_squeeze %dma_wait3A_100 : memref<1x!tpu.dma_semaphore, #tpu.memory_space<semaphore_mem>> -> memref<!tpu.dma_semaphore, #tpu.memory_space<semaphore_mem>>
        %dma_wait3A_102 = arith.constant 0 : i32
        %dma_wait3A_103 = arith.constant 0 : i32
        %dma_wait3A_104 = tpu.memref_slice %arg8[%add3A_99, %dma_wait3A_102, %dma_wait3A_103] : memref<128x512x768xf32, #tpu.memory_space<any>> -> memref<1x512x768xf32, #tpu.memory_space<any>>
        %dma_wait3A_105 = arith.constant 0 : i32
        %dma_wait3A_106 = arith.constant 0 : i32
        %dma_wait3A_107 = arith.constant 0 : i32
        %dma_wait3A_108 = tpu.memref_slice %arg9[%sub3A_97, %dma_wait3A_105, %dma_wait3A_106, %dma_wait3A_107] : memref<2x1x512x768xf32, #tpu.memory_space<vmem>> -> memref<1x1x512x768xf32, #tpu.memory_space<vmem>>
        %dma_wait3A_109 = tpu.memref_squeeze %dma_wait3A_108 : memref<1x1x512x768xf32, #tpu.memory_space<vmem>> -> memref<1x512x768xf32, #tpu.memory_space<vmem>>
        tpu.wait_dma2 semaphore(%dma_wait3A_101 : memref<!tpu.dma_semaphore, #tpu.memory_space<semaphore_mem>>) src(%dma_wait3A_109 : memref<1x512x768xf32, #tpu.memory_space<vmem>>) dst(%dma_wait3A_104 : memref<1x512x768xf32, #tpu.memory_space<any>>)
      } else {
      }
      %add3A_83 = arith.constant 64 : i32
      %add3A_84 = arith.addi %add3A_83, %arg0 : i32
      %dma_wait3A = tpu.memref_slice %arg10[%rem3A_0] : memref<2x!tpu.dma_semaphore, #tpu.memory_space<semaphore_mem>> -> memref<1x!tpu.dma_semaphore, #tpu.memory_space<semaphore_mem>>
      %dma_wait3A_85 = tpu.memref_squeeze %dma_wait3A : memref<1x!tpu.dma_semaphore, #tpu.memory_space<semaphore_mem>> -> memref<!tpu.dma_semaphore, #tpu.memory_space<semaphore_mem>>
      %dma_wait3A_86 = arith.constant 0 : i32
      %dma_wait3A_87 = arith.constant 0 : i32
      %dma_wait3A_88 = tpu.memref_slice %arg8[%add3A_84, %dma_wait3A_86, %dma_wait3A_87] : memref<128x512x768xf32, #tpu.memory_space<any>> -> memref<1x512x768xf32, #tpu.memory_space<any>>
      %dma_wait3A_89 = arith.constant 0 : i32
      %dma_wait3A_90 = arith.constant 0 : i32
      %dma_wait3A_91 = arith.constant 0 : i32
      %dma_wait3A_92 = tpu.memref_slice %arg9[%rem3A_0, %dma_wait3A_89, %dma_wait3A_90, %dma_wait3A_91] : memref<2x1x512x768xf32, #tpu.memory_space<vmem>> -> memref<1x1x512x768xf32, #tpu.memory_space<vmem>>
      %dma_wait3A_93 = tpu.memref_squeeze %dma_wait3A_92 : memref<1x1x512x768xf32, #tpu.memory_space<vmem>> -> memref<1x512x768xf32, #tpu.memory_space<vmem>>
      tpu.wait_dma2 semaphore(%dma_wait3A_85 : memref<!tpu.dma_semaphore, #tpu.memory_space<semaphore_mem>>) src(%dma_wait3A_93 : memref<1x512x768xf32, #tpu.memory_space<vmem>>) dst(%dma_wait3A_88 : memref<1x512x768xf32, #tpu.memory_space<any>>)
    } else {
    }
    return
  }
  func.func @transform_0(%arg0: i32) -> (i32, i32, i32) {
    %c0_i32 = arith.constant 0 : i32
    %c0_i32_0 = arith.constant 0 : i32
    %c0_i32_1 = arith.constant 0 : i32
    return %arg0, %c0_i32, %c0_i32_0 : i32, i32, i32
  }
  func.func @transform_1(%arg0: i32) -> (i32, i32, i32) {
    %c0_i32 = arith.constant 0 : i32
    %c0_i32_0 = arith.constant 0 : i32
    %c0_i32_1 = arith.constant 0 : i32
    return %arg0, %c0_i32, %c0_i32_0 : i32, i32, i32
  }
  func.func @transform_2(%arg0: i32) -> (i32, i32) {
    %c0_i32 = arith.constant 0 : i32
    %c0_i32_0 = arith.constant 0 : i32
    %c0_i32_1 = arith.constant 0 : i32
    return %c0_i32, %c0_i32_0 : i32, i32
  }
  func.func @transform_3(%arg0: i32) -> (i32, i32) {
    %c0_i32 = arith.constant 0 : i32
    %c0_i32_0 = arith.constant 0 : i32
    %c0_i32_1 = arith.constant 0 : i32
    return %c0_i32, %c0_i32_0 : i32, i32
  }
  func.func @transform_4(%arg0: i32) -> (i32, i32) {
    %c0_i32 = arith.constant 0 : i32
    %c0_i32_0 = arith.constant 0 : i32
    %c0_i32_1 = arith.constant 0 : i32
    return %c0_i32, %c0_i32_0 : i32, i32
  }
  func.func @transform_5(%arg0: i32) -> (i32, i32) {
    %c0_i32 = arith.constant 0 : i32
    %c0_i32_0 = arith.constant 0 : i32
    %c0_i32_1 = arith.constant 0 : i32
    return %c0_i32, %c0_i32_0 : i32, i32
  }
}

module attributes {stable_mosaic.version = 14 : i64} {
  func.func @body(%arg0: i32, %arg1: memref<1x1x512xi32, #tpu.memory_space<vmem>>, %arg2: memref<1x512x768xf32, #tpu.memory_space<vmem>>, %arg3: memref<16x768xf32, #tpu.memory_space<vmem>>, %arg4: memref<512x768xf32, #tpu.memory_space<vmem>>, %arg5: memref<1x768xf32, #tpu.memory_space<vmem>>, %arg6: memref<1x768xf32, #tpu.memory_space<vmem>>, %arg7: memref<128x512x768xf32, #tpu.memory_space<any>>, %arg8: memref<128x512x768xf32, #tpu.memory_space<any>>, %arg9: memref<2x1x512x768xf32, #tpu.memory_space<vmem>>, %arg10: memref<2x!tpu.dma_semaphore, #tpu.memory_space<semaphore_mem>>) attributes {dimension_semantics = [#tpu.dimension_semantics<arbitrary>], iteration_bounds = array<i64: 16>, scalar_prefetch = 0 : i64, scratch_operands = 2 : i64, tpu.core_type = #tpu.core_type<tc>, window_params = [{transform_indices = @transform_0, window_bounds = array<i64: 1, 1, 512>}, {transform_indices = @transform_1, window_bounds = array<i64: 1, 512, 768>}, {pipeline_mode = #tpu.pipeline_mode<synchronous>, transform_indices = @transform_2, window_bounds = array<i64: 16, 768>}, {pipeline_mode = #tpu.pipeline_mode<synchronous>, transform_indices = @transform_3, window_bounds = array<i64: 512, 768>}, {pipeline_mode = #tpu.pipeline_mode<synchronous>, transform_indices = @transform_4, window_bounds = array<i64: 1, 768>}, {pipeline_mode = #tpu.pipeline_mode<synchronous>, transform_indices = @transform_5, window_bounds = array<i64: 1, 768>}, {}, {}]} {
    %rem3A = arith.constant 2 : i32
    %rem3A_0 = arith.remsi %arg0, %rem3A : i32
    %ge3A = arith.constant 2 : i32
    %ge3A_1 = arith.cmpi sge, %arg0, %ge3A : i32
    %convert_element_type3A = arith.extui %ge3A_1 : i1 to i32
    %cond3A = arith.constant 0 : i32
    %cond3A_2 = arith.cmpi ne, %convert_element_type3A, %cond3A : i32
    scf.if %cond3A_2 {
      %sub3A_77 = arith.constant 2 : i32
      %sub3A_78 = arith.subi %arg0, %sub3A_77 : i32
      %add3A_79 = arith.constant 80 : i32
      %add3A_80 = arith.addi %add3A_79, %sub3A_78 : i32
      %dma_wait3A = tpu.memref_slice %arg10[%rem3A_0] : memref<2x!tpu.dma_semaphore, #tpu.memory_space<semaphore_mem>> -> memref<1x!tpu.dma_semaphore, #tpu.memory_space<semaphore_mem>>
      %dma_wait3A_81 = tpu.memref_squeeze %dma_wait3A : memref<1x!tpu.dma_semaphore, #tpu.memory_space<semaphore_mem>> -> memref<!tpu.dma_semaphore, #tpu.memory_space<semaphore_mem>>
      %dma_wait3A_82 = arith.constant 0 : i32
      %dma_wait3A_83 = arith.constant 0 : i32
      %dma_wait3A_84 = tpu.memref_slice %arg8[%add3A_80, %dma_wait3A_82, %dma_wait3A_83] : memref<128x512x768xf32, #tpu.memory_space<any>> -> memref<1x512x768xf32, #tpu.memory_space<any>>
      %dma_wait3A_85 = arith.constant 0 : i32
      %dma_wait3A_86 = arith.constant 0 : i32
      %dma_wait3A_87 = arith.constant 0 : i32
      %dma_wait3A_88 = tpu.memref_slice %arg9[%rem3A_0, %dma_wait3A_85, %dma_wait3A_86, %dma_wait3A_87] : memref<2x1x512x768xf32, #tpu.memory_space<vmem>> -> memref<1x1x512x768xf32, #tpu.memory_space<vmem>>
      %dma_wait3A_89 = tpu.memref_squeeze %dma_wait3A_88 : memref<1x1x512x768xf32, #tpu.memory_space<vmem>> -> memref<1x512x768xf32, #tpu.memory_space<vmem>>
      tpu.wait_dma2 semaphore(%dma_wait3A_81 : memref<!tpu.dma_semaphore, #tpu.memory_space<semaphore_mem>>) src(%dma_wait3A_89 : memref<1x512x768xf32, #tpu.memory_space<vmem>>) dst(%dma_wait3A_84 : memref<1x512x768xf32, #tpu.memory_space<any>>)
    } else {
    }
    %get3A = arith.constant 0 : index
    %get3A_3 = arith.constant 0 : index
    %get3A_4 = arith.constant 0 : index
    %get3A_5 = vector.load %arg2[%get3A, %get3A_3, %get3A_4] : memref<1x512x768xf32, #tpu.memory_space<vmem>>, vector<1x512x768xf32>
    %get3A_6 = vector.shape_cast %get3A_5 : vector<1x512x768xf32> to vector<512x768xf32>
    %get3A_7 = arith.constant 0 : index
    %get3A_8 = arith.constant 0 : index
    %get3A_9 = arith.constant 0 : index
    %get3A_10 = vector.load %arg1[%get3A_7, %get3A_8, %get3A_9] : memref<1x1x512xi32, #tpu.memory_space<vmem>>, vector<1x1x512xi32>
    %get3A_11 = vector.shape_cast %get3A_10 : vector<1x1x512xi32> to vector<512xi32>
    %iota3A = tpu.iota {dimensions = array<i32: 1>} : vector<1x16xi32>
    %broadcast_in_dim3A = vector.shape_cast %get3A_11 : vector<512xi32> to vector<512x1xi32>
    %eq3A = vector.broadcast %broadcast_in_dim3A : vector<512x1xi32> to vector<512x16xi32>
    %eq3A_12 = vector.broadcast %iota3A : vector<1x16xi32> to vector<512x16xi32>
    %eq3A_13 = arith.cmpi eq, %eq3A, %eq3A_12 : vector<512x16xi32>
    %convert_element_type3A_14 = arith.extui %eq3A_13 : vector<512x16xi1> to vector<512x16xi32>
    %convert_element_type3A_15 = arith.sitofp %convert_element_type3A_14 : vector<512x16xi32> to vector<512x16xf32>
    %get3A_16 = arith.constant 0 : index
    %get3A_17 = arith.constant 0 : index
    %get3A_18 = vector.load %arg3[%get3A_16, %get3A_17] : memref<16x768xf32, #tpu.memory_space<vmem>>, vector<16x768xf32>
    %dot_general3A = arith.constant dense<0.000000e+00> : vector<512x768xf32>
    %dot_general3A_19 = tpu.matmul %convert_element_type3A_15, %get3A_18, %dot_general3A {dimension_numbers = #tpu.dot_dimension_numbers<[1], [0], [0], [1], [0, 0, 1, 1], [], []>, transpose_lhs_hint = false} : vector<512x16xf32>, vector<16x768xf32>, vector<512x768xf32> -> vector<512x768xf32>
    %add3A = arith.addf %get3A_6, %dot_general3A_19 : vector<512x768xf32>
    %get3A_20 = arith.constant 0 : index
    %get3A_21 = arith.constant 0 : index
    %get3A_22 = vector.load %arg4[%get3A_20, %get3A_21] : memref<512x768xf32, #tpu.memory_space<vmem>>, vector<512x768xf32>
    %add3A_23 = arith.addf %add3A, %get3A_22 : vector<512x768xf32>
    %reduce_sum3A = arith.constant dense<0.000000e+00> : vector<512xf32>
    %reduce_sum3A_24 = vector.multi_reduction <add>, %add3A_23, %reduce_sum3A [1] : vector<512x768xf32> to vector<512xf32>
    %broadcast_in_dim3A_25 = vector.shape_cast %reduce_sum3A_24 : vector<512xf32> to vector<512x1xf32>
    %div3A = arith.constant 7.680000e+02 : f32
    %div3A_26 = vector.broadcast %div3A : f32 to vector<512x1xf32>
    %div3A_27 = arith.divf %broadcast_in_dim3A_25, %div3A_26 : vector<512x1xf32>
    %sub3A = vector.broadcast %div3A_27 : vector<512x1xf32> to vector<512x768xf32>
    %sub3A_28 = arith.subf %add3A_23, %sub3A : vector<512x768xf32>
    %mul3A = arith.mulf %sub3A_28, %sub3A_28 : vector<512x768xf32>
    %reduce_sum3A_29 = arith.constant dense<0.000000e+00> : vector<512xf32>
    %reduce_sum3A_30 = vector.multi_reduction <add>, %mul3A, %reduce_sum3A_29 [1] : vector<512x768xf32> to vector<512xf32>
    %broadcast_in_dim3A_31 = vector.shape_cast %reduce_sum3A_30 : vector<512xf32> to vector<512x1xf32>
    %div3A_32 = arith.constant 7.680000e+02 : f32
    %div3A_33 = vector.broadcast %div3A_32 : f32 to vector<512x1xf32>
    %div3A_34 = arith.divf %broadcast_in_dim3A_31, %div3A_33 : vector<512x1xf32>
    %add3A_35 = arith.constant 9.99999996E-13 : f32
    %add3A_36 = vector.broadcast %add3A_35 : f32 to vector<512x1xf32>
    %add3A_37 = arith.addf %div3A_34, %add3A_36 : vector<512x1xf32>
    %rsqrt3A = math.rsqrt %add3A_37 : vector<512x1xf32>
    %mul3A_38 = vector.broadcast %rsqrt3A : vector<512x1xf32> to vector<512x768xf32>
    %mul3A_39 = arith.mulf %sub3A_28, %mul3A_38 : vector<512x768xf32>
    %get3A_40 = arith.constant 0 : index
    %get3A_41 = arith.constant 0 : index
    %get3A_42 = vector.load %arg5[%get3A_40, %get3A_41] : memref<1x768xf32, #tpu.memory_space<vmem>>, vector<1x768xf32>
    %mul3A_43 = vector.broadcast %get3A_42 : vector<1x768xf32> to vector<512x768xf32>
    %mul3A_44 = arith.mulf %mul3A_39, %mul3A_43 : vector<512x768xf32>
    %get3A_45 = arith.constant 0 : index
    %get3A_46 = arith.constant 0 : index
    %get3A_47 = vector.load %arg6[%get3A_45, %get3A_46] : memref<1x768xf32, #tpu.memory_space<vmem>>, vector<1x768xf32>
    %add3A_48 = vector.broadcast %get3A_47 : vector<1x768xf32> to vector<512x768xf32>
    %add3A_49 = arith.addf %mul3A_44, %add3A_48 : vector<512x768xf32>
    %broadcast_in_dim3A_50 = vector.shape_cast %add3A_49 : vector<512x768xf32> to vector<1x512x768xf32>
    %eq3A_51 = arith.constant 0 : i32
    %eq3A_52 = arith.cmpi eq, %rem3A_0, %eq3A_51 : i32
    %convert_element_type3A_53 = arith.extui %eq3A_52 : i1 to i32
    %cond3A_54 = arith.constant 0 : i32
    %cond3A_55 = arith.cmpi ne, %convert_element_type3A_53, %cond3A_54 : i32
    scf.if %cond3A_55 {
      %swap3A = arith.constant 0 : index
      %swap3A_77 = arith.constant 0 : index
      %swap3A_78 = arith.constant 0 : index
      %swap3A_79 = arith.constant 0 : index
      %swap3A_80 = vector.load %arg9[%swap3A, %swap3A_77, %swap3A_78, %swap3A_79] : memref<2x1x512x768xf32, #tpu.memory_space<vmem>>, vector<1x1x512x768xf32>
      %swap3A_81 = vector.shape_cast %swap3A_80 : vector<1x1x512x768xf32> to vector<1x512x768xf32>
      %swap3A_82 = vector.shape_cast %broadcast_in_dim3A_50 : vector<1x512x768xf32> to vector<1x1x512x768xf32>
      tpu.vector_store %arg9[%swap3A, %swap3A_77, %swap3A_78, %swap3A_79], %swap3A_82 {strides = array<i32>} : memref<2x1x512x768xf32, #tpu.memory_space<vmem>>, vector<1x1x512x768xf32>,
    } else {
    }
    %eq3A_56 = arith.constant 1 : i32
    %eq3A_57 = arith.cmpi eq, %rem3A_0, %eq3A_56 : i32
    %convert_element_type3A_58 = arith.extui %eq3A_57 : i1 to i32
    %cond3A_59 = arith.constant 0 : i32
    %cond3A_60 = arith.cmpi ne, %convert_element_type3A_58, %cond3A_59 : i32
    scf.if %cond3A_60 {
      %swap3A = arith.constant 1 : index
      %swap3A_77 = arith.constant 0 : index
      %swap3A_78 = arith.constant 0 : index
      %swap3A_79 = arith.constant 0 : index
      %swap3A_80 = vector.load %arg9[%swap3A, %swap3A_77, %swap3A_78, %swap3A_79] : memref<2x1x512x768xf32, #tpu.memory_space<vmem>>, vector<1x1x512x768xf32>
      %swap3A_81 = vector.shape_cast %swap3A_80 : vector<1x1x512x768xf32> to vector<1x512x768xf32>
      %swap3A_82 = vector.shape_cast %broadcast_in_dim3A_50 : vector<1x512x768xf32> to vector<1x1x512x768xf32>
      tpu.vector_store %arg9[%swap3A, %swap3A_77, %swap3A_78, %swap3A_79], %swap3A_82 {strides = array<i32>} : memref<2x1x512x768xf32, #tpu.memory_space<vmem>>, vector<1x1x512x768xf32>,
    } else {
    }
    %add3A_61 = arith.constant 80 : i32
    %add3A_62 = arith.addi %add3A_61, %arg0 : i32
    %dma_start3A = tpu.memref_slice %arg10[%rem3A_0] : memref<2x!tpu.dma_semaphore, #tpu.memory_space<semaphore_mem>> -> memref<1x!tpu.dma_semaphore, #tpu.memory_space<semaphore_mem>>
    %dma_start3A_63 = tpu.memref_squeeze %dma_start3A : memref<1x!tpu.dma_semaphore, #tpu.memory_space<semaphore_mem>> -> memref<!tpu.dma_semaphore, #tpu.memory_space<semaphore_mem>>
    %dma_start3A_64 = arith.constant 0 : i32
    %dma_start3A_65 = arith.constant 0 : i32
    %dma_start3A_66 = tpu.memref_slice %arg8[%add3A_62, %dma_start3A_64, %dma_start3A_65] : memref<128x512x768xf32, #tpu.memory_space<any>> -> memref<1x512x768xf32, #tpu.memory_space<any>>
    %dma_start3A_67 = arith.constant 0 : i32
    %dma_start3A_68 = arith.constant 0 : i32
    %dma_start3A_69 = arith.constant 0 : i32
    %dma_start3A_70 = tpu.memref_slice %arg9[%rem3A_0, %dma_start3A_67, %dma_start3A_68, %dma_start3A_69] : memref<2x1x512x768xf32, #tpu.memory_space<vmem>> -> memref<1x1x512x768xf32, #tpu.memory_space<vmem>>
    %dma_start3A_71 = tpu.memref_squeeze %dma_start3A_70 : memref<1x1x512x768xf32, #tpu.memory_space<vmem>> -> memref<1x512x768xf32, #tpu.memory_space<vmem>>
    tpu.enqueue_dma source(%dma_start3A_71 : memref<1x512x768xf32, #tpu.memory_space<vmem>>) target(%dma_start3A_66 : memref<1x512x768xf32, #tpu.memory_space<any>>) target_semaphore(%dma_start3A_63 : memref<!tpu.dma_semaphore, #tpu.memory_space<semaphore_mem>>)
    %eq3A_72 = arith.constant 15 : i32
    %eq3A_73 = arith.cmpi eq, %arg0, %eq3A_72 : i32
    %convert_element_type3A_74 = arith.extui %eq3A_73 : i1 to i32
    %cond3A_75 = arith.constant 0 : i32
    %cond3A_76 = arith.cmpi ne, %convert_element_type3A_74, %cond3A_75 : i32
    scf.if %cond3A_76 {
      %ge3A_77 = arith.constant 16 : i32
      %ge3A_78 = arith.constant 2 : i32
      %ge3A_79 = arith.cmpi sge, %ge3A_77, %ge3A_78 : i32
      %convert_element_type3A_80 = arith.extui %ge3A_79 : i1 to i32
      %cond3A_81 = arith.constant 0 : i32
      %cond3A_82 = arith.cmpi ne, %convert_element_type3A_80, %cond3A_81 : i32
      scf.if %cond3A_82 {
        %sub3A_94 = arith.constant 1 : i32
        %sub3A_95 = arith.subi %arg0, %sub3A_94 : i32
        %sub3A_96 = arith.constant 1 : i32
        %sub3A_97 = arith.subi %sub3A_96, %rem3A_0 : i32
        %add3A_98 = arith.constant 80 : i32
        %add3A_99 = arith.addi %add3A_98, %sub3A_95 : i32
        %dma_wait3A_100 = tpu.memref_slice %arg10[%sub3A_97] : memref<2x!tpu.dma_semaphore, #tpu.memory_space<semaphore_mem>> -> memref<1x!tpu.dma_semaphore, #tpu.memory_space<semaphore_mem>>
        %dma_wait3A_101 = tpu.memref_squeeze %dma_wait3A_100 : memref<1x!tpu.dma_semaphore, #tpu.memory_space<semaphore_mem>> -> memref<!tpu.dma_semaphore, #tpu.memory_space<semaphore_mem>>
        %dma_wait3A_102 = arith.constant 0 : i32
        %dma_wait3A_103 = arith.constant 0 : i32
        %dma_wait3A_104 = tpu.memref_slice %arg8[%add3A_99, %dma_wait3A_102, %dma_wait3A_103] : memref<128x512x768xf32, #tpu.memory_space<any>> -> memref<1x512x768xf32, #tpu.memory_space<any>>
        %dma_wait3A_105 = arith.constant 0 : i32
        %dma_wait3A_106 = arith.constant 0 : i32
        %dma_wait3A_107 = arith.constant 0 : i32
        %dma_wait3A_108 = tpu.memref_slice %arg9[%sub3A_97, %dma_wait3A_105, %dma_wait3A_106, %dma_wait3A_107] : memref<2x1x512x768xf32, #tpu.memory_space<vmem>> -> memref<1x1x512x768xf32, #tpu.memory_space<vmem>>
        %dma_wait3A_109 = tpu.memref_squeeze %dma_wait3A_108 : memref<1x1x512x768xf32, #tpu.memory_space<vmem>> -> memref<1x512x768xf32, #tpu.memory_space<vmem>>
        tpu.wait_dma2 semaphore(%dma_wait3A_101 : memref<!tpu.dma_semaphore, #tpu.memory_space<semaphore_mem>>) src(%dma_wait3A_109 : memref<1x512x768xf32, #tpu.memory_space<vmem>>) dst(%dma_wait3A_104 : memref<1x512x768xf32, #tpu.memory_space<any>>)
      } else {
      }
      %add3A_83 = arith.constant 80 : i32
      %add3A_84 = arith.addi %add3A_83, %arg0 : i32
      %dma_wait3A = tpu.memref_slice %arg10[%rem3A_0] : memref<2x!tpu.dma_semaphore, #tpu.memory_space<semaphore_mem>> -> memref<1x!tpu.dma_semaphore, #tpu.memory_space<semaphore_mem>>
      %dma_wait3A_85 = tpu.memref_squeeze %dma_wait3A : memref<1x!tpu.dma_semaphore, #tpu.memory_space<semaphore_mem>> -> memref<!tpu.dma_semaphore, #tpu.memory_space<semaphore_mem>>
      %dma_wait3A_86 = arith.constant 0 : i32
      %dma_wait3A_87 = arith.constant 0 : i32
      %dma_wait3A_88 = tpu.memref_slice %arg8[%add3A_84, %dma_wait3A_86, %dma_wait3A_87] : memref<128x512x768xf32, #tpu.memory_space<any>> -> memref<1x512x768xf32, #tpu.memory_space<any>>
      %dma_wait3A_89 = arith.constant 0 : i32
      %dma_wait3A_90 = arith.constant 0 : i32
      %dma_wait3A_91 = arith.constant 0 : i32
      %dma_wait3A_92 = tpu.memref_slice %arg9[%rem3A_0, %dma_wait3A_89, %dma_wait3A_90, %dma_wait3A_91] : memref<2x1x512x768xf32, #tpu.memory_space<vmem>> -> memref<1x1x512x768xf32, #tpu.memory_space<vmem>>
      %dma_wait3A_93 = tpu.memref_squeeze %dma_wait3A_92 : memref<1x1x512x768xf32, #tpu.memory_space<vmem>> -> memref<1x512x768xf32, #tpu.memory_space<vmem>>
      tpu.wait_dma2 semaphore(%dma_wait3A_85 : memref<!tpu.dma_semaphore, #tpu.memory_space<semaphore_mem>>) src(%dma_wait3A_93 : memref<1x512x768xf32, #tpu.memory_space<vmem>>) dst(%dma_wait3A_88 : memref<1x512x768xf32, #tpu.memory_space<any>>)
    } else {
    }
    return
  }
  func.func @transform_0(%arg0: i32) -> (i32, i32, i32) {
    %c0_i32 = arith.constant 0 : i32
    %c0_i32_0 = arith.constant 0 : i32
    %c0_i32_1 = arith.constant 0 : i32
    return %arg0, %c0_i32, %c0_i32_0 : i32, i32, i32
  }
  func.func @transform_1(%arg0: i32) -> (i32, i32, i32) {
    %c0_i32 = arith.constant 0 : i32
    %c0_i32_0 = arith.constant 0 : i32
    %c0_i32_1 = arith.constant 0 : i32
    return %arg0, %c0_i32, %c0_i32_0 : i32, i32, i32
  }
  func.func @transform_2(%arg0: i32) -> (i32, i32) {
    %c0_i32 = arith.constant 0 : i32
    %c0_i32_0 = arith.constant 0 : i32
    %c0_i32_1 = arith.constant 0 : i32
    return %c0_i32, %c0_i32_0 : i32, i32
  }
  func.func @transform_3(%arg0: i32) -> (i32, i32) {
    %c0_i32 = arith.constant 0 : i32
    %c0_i32_0 = arith.constant 0 : i32
    %c0_i32_1 = arith.constant 0 : i32
    return %c0_i32, %c0_i32_0 : i32, i32
  }
  func.func @transform_4(%arg0: i32) -> (i32, i32) {
    %c0_i32 = arith.constant 0 : i32
    %c0_i32_0 = arith.constant 0 : i32
    %c0_i32_1 = arith.constant 0 : i32
    return %c0_i32, %c0_i32_0 : i32, i32
  }
  func.func @transform_5(%arg0: i32) -> (i32, i32) {
    %c0_i32 = arith.constant 0 : i32
    %c0_i32_0 = arith.constant 0 : i32
    %c0_i32_1 = arith.constant 0 : i32
    return %c0_i32, %c0_i32_0 : i32, i32
  }
}

module attributes {stable_mosaic.version = 14 : i64} {
  func.func @body(%arg0: i32, %arg1: memref<1x1x512xi32, #tpu.memory_space<vmem>>, %arg2: memref<1x512x768xf32, #tpu.memory_space<vmem>>, %arg3: memref<16x768xf32, #tpu.memory_space<vmem>>, %arg4: memref<512x768xf32, #tpu.memory_space<vmem>>, %arg5: memref<1x768xf32, #tpu.memory_space<vmem>>, %arg6: memref<1x768xf32, #tpu.memory_space<vmem>>, %arg7: memref<128x512x768xf32, #tpu.memory_space<any>>, %arg8: memref<128x512x768xf32, #tpu.memory_space<any>>, %arg9: memref<2x1x512x768xf32, #tpu.memory_space<vmem>>, %arg10: memref<2x!tpu.dma_semaphore, #tpu.memory_space<semaphore_mem>>) attributes {dimension_semantics = [#tpu.dimension_semantics<arbitrary>], iteration_bounds = array<i64: 16>, scalar_prefetch = 0 : i64, scratch_operands = 2 : i64, tpu.core_type = #tpu.core_type<tc>, window_params = [{transform_indices = @transform_0, window_bounds = array<i64: 1, 1, 512>}, {transform_indices = @transform_1, window_bounds = array<i64: 1, 512, 768>}, {pipeline_mode = #tpu.pipeline_mode<synchronous>, transform_indices = @transform_2, window_bounds = array<i64: 16, 768>}, {pipeline_mode = #tpu.pipeline_mode<synchronous>, transform_indices = @transform_3, window_bounds = array<i64: 512, 768>}, {pipeline_mode = #tpu.pipeline_mode<synchronous>, transform_indices = @transform_4, window_bounds = array<i64: 1, 768>}, {pipeline_mode = #tpu.pipeline_mode<synchronous>, transform_indices = @transform_5, window_bounds = array<i64: 1, 768>}, {}, {}]} {
    %rem3A = arith.constant 2 : i32
    %rem3A_0 = arith.remsi %arg0, %rem3A : i32
    %ge3A = arith.constant 2 : i32
    %ge3A_1 = arith.cmpi sge, %arg0, %ge3A : i32
    %convert_element_type3A = arith.extui %ge3A_1 : i1 to i32
    %cond3A = arith.constant 0 : i32
    %cond3A_2 = arith.cmpi ne, %convert_element_type3A, %cond3A : i32
    scf.if %cond3A_2 {
      %sub3A_77 = arith.constant 2 : i32
      %sub3A_78 = arith.subi %arg0, %sub3A_77 : i32
      %add3A_79 = arith.constant 96 : i32
      %add3A_80 = arith.addi %add3A_79, %sub3A_78 : i32
      %dma_wait3A = tpu.memref_slice %arg10[%rem3A_0] : memref<2x!tpu.dma_semaphore, #tpu.memory_space<semaphore_mem>> -> memref<1x!tpu.dma_semaphore, #tpu.memory_space<semaphore_mem>>
      %dma_wait3A_81 = tpu.memref_squeeze %dma_wait3A : memref<1x!tpu.dma_semaphore, #tpu.memory_space<semaphore_mem>> -> memref<!tpu.dma_semaphore, #tpu.memory_space<semaphore_mem>>
      %dma_wait3A_82 = arith.constant 0 : i32
      %dma_wait3A_83 = arith.constant 0 : i32
      %dma_wait3A_84 = tpu.memref_slice %arg8[%add3A_80, %dma_wait3A_82, %dma_wait3A_83] : memref<128x512x768xf32, #tpu.memory_space<any>> -> memref<1x512x768xf32, #tpu.memory_space<any>>
      %dma_wait3A_85 = arith.constant 0 : i32
      %dma_wait3A_86 = arith.constant 0 : i32
      %dma_wait3A_87 = arith.constant 0 : i32
      %dma_wait3A_88 = tpu.memref_slice %arg9[%rem3A_0, %dma_wait3A_85, %dma_wait3A_86, %dma_wait3A_87] : memref<2x1x512x768xf32, #tpu.memory_space<vmem>> -> memref<1x1x512x768xf32, #tpu.memory_space<vmem>>
      %dma_wait3A_89 = tpu.memref_squeeze %dma_wait3A_88 : memref<1x1x512x768xf32, #tpu.memory_space<vmem>> -> memref<1x512x768xf32, #tpu.memory_space<vmem>>
      tpu.wait_dma2 semaphore(%dma_wait3A_81 : memref<!tpu.dma_semaphore, #tpu.memory_space<semaphore_mem>>) src(%dma_wait3A_89 : memref<1x512x768xf32, #tpu.memory_space<vmem>>) dst(%dma_wait3A_84 : memref<1x512x768xf32, #tpu.memory_space<any>>)
    } else {
    }
    %get3A = arith.constant 0 : index
    %get3A_3 = arith.constant 0 : index
    %get3A_4 = arith.constant 0 : index
    %get3A_5 = vector.load %arg2[%get3A, %get3A_3, %get3A_4] : memref<1x512x768xf32, #tpu.memory_space<vmem>>, vector<1x512x768xf32>
    %get3A_6 = vector.shape_cast %get3A_5 : vector<1x512x768xf32> to vector<512x768xf32>
    %get3A_7 = arith.constant 0 : index
    %get3A_8 = arith.constant 0 : index
    %get3A_9 = arith.constant 0 : index
    %get3A_10 = vector.load %arg1[%get3A_7, %get3A_8, %get3A_9] : memref<1x1x512xi32, #tpu.memory_space<vmem>>, vector<1x1x512xi32>
    %get3A_11 = vector.shape_cast %get3A_10 : vector<1x1x512xi32> to vector<512xi32>
    %iota3A = tpu.iota {dimensions = array<i32: 1>} : vector<1x16xi32>
    %broadcast_in_dim3A = vector.shape_cast %get3A_11 : vector<512xi32> to vector<512x1xi32>
    %eq3A = vector.broadcast %broadcast_in_dim3A : vector<512x1xi32> to vector<512x16xi32>
    %eq3A_12 = vector.broadcast %iota3A : vector<1x16xi32> to vector<512x16xi32>
    %eq3A_13 = arith.cmpi eq, %eq3A, %eq3A_12 : vector<512x16xi32>
    %convert_element_type3A_14 = arith.extui %eq3A_13 : vector<512x16xi1> to vector<512x16xi32>
    %convert_element_type3A_15 = arith.sitofp %convert_element_type3A_14 : vector<512x16xi32> to vector<512x16xf32>
    %get3A_16 = arith.constant 0 : index
    %get3A_17 = arith.constant 0 : index
    %get3A_18 = vector.load %arg3[%get3A_16, %get3A_17] : memref<16x768xf32, #tpu.memory_space<vmem>>, vector<16x768xf32>
    %dot_general3A = arith.constant dense<0.000000e+00> : vector<512x768xf32>
    %dot_general3A_19 = tpu.matmul %convert_element_type3A_15, %get3A_18, %dot_general3A {dimension_numbers = #tpu.dot_dimension_numbers<[1], [0], [0], [1], [0, 0, 1, 1], [], []>, transpose_lhs_hint = false} : vector<512x16xf32>, vector<16x768xf32>, vector<512x768xf32> -> vector<512x768xf32>
    %add3A = arith.addf %get3A_6, %dot_general3A_19 : vector<512x768xf32>
    %get3A_20 = arith.constant 0 : index
    %get3A_21 = arith.constant 0 : index
    %get3A_22 = vector.load %arg4[%get3A_20, %get3A_21] : memref<512x768xf32, #tpu.memory_space<vmem>>, vector<512x768xf32>
    %add3A_23 = arith.addf %add3A, %get3A_22 : vector<512x768xf32>
    %reduce_sum3A = arith.constant dense<0.000000e+00> : vector<512xf32>
    %reduce_sum3A_24 = vector.multi_reduction <add>, %add3A_23, %reduce_sum3A [1] : vector<512x768xf32> to vector<512xf32>
    %broadcast_in_dim3A_25 = vector.shape_cast %reduce_sum3A_24 : vector<512xf32> to vector<512x1xf32>
    %div3A = arith.constant 7.680000e+02 : f32
    %div3A_26 = vector.broadcast %div3A : f32 to vector<512x1xf32>
    %div3A_27 = arith.divf %broadcast_in_dim3A_25, %div3A_26 : vector<512x1xf32>
    %sub3A = vector.broadcast %div3A_27 : vector<512x1xf32> to vector<512x768xf32>
    %sub3A_28 = arith.subf %add3A_23, %sub3A : vector<512x768xf32>
    %mul3A = arith.mulf %sub3A_28, %sub3A_28 : vector<512x768xf32>
    %reduce_sum3A_29 = arith.constant dense<0.000000e+00> : vector<512xf32>
    %reduce_sum3A_30 = vector.multi_reduction <add>, %mul3A, %reduce_sum3A_29 [1] : vector<512x768xf32> to vector<512xf32>
    %broadcast_in_dim3A_31 = vector.shape_cast %reduce_sum3A_30 : vector<512xf32> to vector<512x1xf32>
    %div3A_32 = arith.constant 7.680000e+02 : f32
    %div3A_33 = vector.broadcast %div3A_32 : f32 to vector<512x1xf32>
    %div3A_34 = arith.divf %broadcast_in_dim3A_31, %div3A_33 : vector<512x1xf32>
    %add3A_35 = arith.constant 9.99999996E-13 : f32
    %add3A_36 = vector.broadcast %add3A_35 : f32 to vector<512x1xf32>
    %add3A_37 = arith.addf %div3A_34, %add3A_36 : vector<512x1xf32>
    %rsqrt3A = math.rsqrt %add3A_37 : vector<512x1xf32>
    %mul3A_38 = vector.broadcast %rsqrt3A : vector<512x1xf32> to vector<512x768xf32>
    %mul3A_39 = arith.mulf %sub3A_28, %mul3A_38 : vector<512x768xf32>
    %get3A_40 = arith.constant 0 : index
    %get3A_41 = arith.constant 0 : index
    %get3A_42 = vector.load %arg5[%get3A_40, %get3A_41] : memref<1x768xf32, #tpu.memory_space<vmem>>, vector<1x768xf32>
    %mul3A_43 = vector.broadcast %get3A_42 : vector<1x768xf32> to vector<512x768xf32>
    %mul3A_44 = arith.mulf %mul3A_39, %mul3A_43 : vector<512x768xf32>
    %get3A_45 = arith.constant 0 : index
    %get3A_46 = arith.constant 0 : index
    %get3A_47 = vector.load %arg6[%get3A_45, %get3A_46] : memref<1x768xf32, #tpu.memory_space<vmem>>, vector<1x768xf32>
    %add3A_48 = vector.broadcast %get3A_47 : vector<1x768xf32> to vector<512x768xf32>
    %add3A_49 = arith.addf %mul3A_44, %add3A_48 : vector<512x768xf32>
    %broadcast_in_dim3A_50 = vector.shape_cast %add3A_49 : vector<512x768xf32> to vector<1x512x768xf32>
    %eq3A_51 = arith.constant 0 : i32
    %eq3A_52 = arith.cmpi eq, %rem3A_0, %eq3A_51 : i32
    %convert_element_type3A_53 = arith.extui %eq3A_52 : i1 to i32
    %cond3A_54 = arith.constant 0 : i32
    %cond3A_55 = arith.cmpi ne, %convert_element_type3A_53, %cond3A_54 : i32
    scf.if %cond3A_55 {
      %swap3A = arith.constant 0 : index
      %swap3A_77 = arith.constant 0 : index
      %swap3A_78 = arith.constant 0 : index
      %swap3A_79 = arith.constant 0 : index
      %swap3A_80 = vector.load %arg9[%swap3A, %swap3A_77, %swap3A_78, %swap3A_79] : memref<2x1x512x768xf32, #tpu.memory_space<vmem>>, vector<1x1x512x768xf32>
      %swap3A_81 = vector.shape_cast %swap3A_80 : vector<1x1x512x768xf32> to vector<1x512x768xf32>
      %swap3A_82 = vector.shape_cast %broadcast_in_dim3A_50 : vector<1x512x768xf32> to vector<1x1x512x768xf32>
      tpu.vector_store %arg9[%swap3A, %swap3A_77, %swap3A_78, %swap3A_79], %swap3A_82 {strides = array<i32>} : memref<2x1x512x768xf32, #tpu.memory_space<vmem>>, vector<1x1x512x768xf32>,
    } else {
    }
    %eq3A_56 = arith.constant 1 : i32
    %eq3A_57 = arith.cmpi eq, %rem3A_0, %eq3A_56 : i32
    %convert_element_type3A_58 = arith.extui %eq3A_57 : i1 to i32
    %cond3A_59 = arith.constant 0 : i32
    %cond3A_60 = arith.cmpi ne, %convert_element_type3A_58, %cond3A_59 : i32
    scf.if %cond3A_60 {
      %swap3A = arith.constant 1 : index
      %swap3A_77 = arith.constant 0 : index
      %swap3A_78 = arith.constant 0 : index
      %swap3A_79 = arith.constant 0 : index
      %swap3A_80 = vector.load %arg9[%swap3A, %swap3A_77, %swap3A_78, %swap3A_79] : memref<2x1x512x768xf32, #tpu.memory_space<vmem>>, vector<1x1x512x768xf32>
      %swap3A_81 = vector.shape_cast %swap3A_80 : vector<1x1x512x768xf32> to vector<1x512x768xf32>
      %swap3A_82 = vector.shape_cast %broadcast_in_dim3A_50 : vector<1x512x768xf32> to vector<1x1x512x768xf32>
      tpu.vector_store %arg9[%swap3A, %swap3A_77, %swap3A_78, %swap3A_79], %swap3A_82 {strides = array<i32>} : memref<2x1x512x768xf32, #tpu.memory_space<vmem>>, vector<1x1x512x768xf32>,
    } else {
    }
    %add3A_61 = arith.constant 96 : i32
    %add3A_62 = arith.addi %add3A_61, %arg0 : i32
    %dma_start3A = tpu.memref_slice %arg10[%rem3A_0] : memref<2x!tpu.dma_semaphore, #tpu.memory_space<semaphore_mem>> -> memref<1x!tpu.dma_semaphore, #tpu.memory_space<semaphore_mem>>
    %dma_start3A_63 = tpu.memref_squeeze %dma_start3A : memref<1x!tpu.dma_semaphore, #tpu.memory_space<semaphore_mem>> -> memref<!tpu.dma_semaphore, #tpu.memory_space<semaphore_mem>>
    %dma_start3A_64 = arith.constant 0 : i32
    %dma_start3A_65 = arith.constant 0 : i32
    %dma_start3A_66 = tpu.memref_slice %arg8[%add3A_62, %dma_start3A_64, %dma_start3A_65] : memref<128x512x768xf32, #tpu.memory_space<any>> -> memref<1x512x768xf32, #tpu.memory_space<any>>
    %dma_start3A_67 = arith.constant 0 : i32
    %dma_start3A_68 = arith.constant 0 : i32
    %dma_start3A_69 = arith.constant 0 : i32
    %dma_start3A_70 = tpu.memref_slice %arg9[%rem3A_0, %dma_start3A_67, %dma_start3A_68, %dma_start3A_69] : memref<2x1x512x768xf32, #tpu.memory_space<vmem>> -> memref<1x1x512x768xf32, #tpu.memory_space<vmem>>
    %dma_start3A_71 = tpu.memref_squeeze %dma_start3A_70 : memref<1x1x512x768xf32, #tpu.memory_space<vmem>> -> memref<1x512x768xf32, #tpu.memory_space<vmem>>
    tpu.enqueue_dma source(%dma_start3A_71 : memref<1x512x768xf32, #tpu.memory_space<vmem>>) target(%dma_start3A_66 : memref<1x512x768xf32, #tpu.memory_space<any>>) target_semaphore(%dma_start3A_63 : memref<!tpu.dma_semaphore, #tpu.memory_space<semaphore_mem>>)
    %eq3A_72 = arith.constant 15 : i32
    %eq3A_73 = arith.cmpi eq, %arg0, %eq3A_72 : i32
    %convert_element_type3A_74 = arith.extui %eq3A_73 : i1 to i32
    %cond3A_75 = arith.constant 0 : i32
    %cond3A_76 = arith.cmpi ne, %convert_element_type3A_74, %cond3A_75 : i32
    scf.if %cond3A_76 {
      %ge3A_77 = arith.constant 16 : i32
      %ge3A_78 = arith.constant 2 : i32
      %ge3A_79 = arith.cmpi sge, %ge3A_77, %ge3A_78 : i32
      %convert_element_type3A_80 = arith.extui %ge3A_79 : i1 to i32
      %cond3A_81 = arith.constant 0 : i32
      %cond3A_82 = arith.cmpi ne, %convert_element_type3A_80, %cond3A_81 : i32
      scf.if %cond3A_82 {
        %sub3A_94 = arith.constant 1 : i32
        %sub3A_95 = arith.subi %arg0, %sub3A_94 : i32
        %sub3A_96 = arith.constant 1 : i32
        %sub3A_97 = arith.subi %sub3A_96, %rem3A_0 : i32
        %add3A_98 = arith.constant 96 : i32
        %add3A_99 = arith.addi %add3A_98, %sub3A_95 : i32
        %dma_wait3A_100 = tpu.memref_slice %arg10[%sub3A_97] : memref<2x!tpu.dma_semaphore, #tpu.memory_space<semaphore_mem>> -> memref<1x!tpu.dma_semaphore, #tpu.memory_space<semaphore_mem>>
        %dma_wait3A_101 = tpu.memref_squeeze %dma_wait3A_100 : memref<1x!tpu.dma_semaphore, #tpu.memory_space<semaphore_mem>> -> memref<!tpu.dma_semaphore, #tpu.memory_space<semaphore_mem>>
        %dma_wait3A_102 = arith.constant 0 : i32
        %dma_wait3A_103 = arith.constant 0 : i32
        %dma_wait3A_104 = tpu.memref_slice %arg8[%add3A_99, %dma_wait3A_102, %dma_wait3A_103] : memref<128x512x768xf32, #tpu.memory_space<any>> -> memref<1x512x768xf32, #tpu.memory_space<any>>
        %dma_wait3A_105 = arith.constant 0 : i32
        %dma_wait3A_106 = arith.constant 0 : i32
        %dma_wait3A_107 = arith.constant 0 : i32
        %dma_wait3A_108 = tpu.memref_slice %arg9[%sub3A_97, %dma_wait3A_105, %dma_wait3A_106, %dma_wait3A_107] : memref<2x1x512x768xf32, #tpu.memory_space<vmem>> -> memref<1x1x512x768xf32, #tpu.memory_space<vmem>>
        %dma_wait3A_109 = tpu.memref_squeeze %dma_wait3A_108 : memref<1x1x512x768xf32, #tpu.memory_space<vmem>> -> memref<1x512x768xf32, #tpu.memory_space<vmem>>
        tpu.wait_dma2 semaphore(%dma_wait3A_101 : memref<!tpu.dma_semaphore, #tpu.memory_space<semaphore_mem>>) src(%dma_wait3A_109 : memref<1x512x768xf32, #tpu.memory_space<vmem>>) dst(%dma_wait3A_104 : memref<1x512x768xf32, #tpu.memory_space<any>>)
      } else {
      }
      %add3A_83 = arith.constant 96 : i32
      %add3A_84 = arith.addi %add3A_83, %arg0 : i32
      %dma_wait3A = tpu.memref_slice %arg10[%rem3A_0] : memref<2x!tpu.dma_semaphore, #tpu.memory_space<semaphore_mem>> -> memref<1x!tpu.dma_semaphore, #tpu.memory_space<semaphore_mem>>
      %dma_wait3A_85 = tpu.memref_squeeze %dma_wait3A : memref<1x!tpu.dma_semaphore, #tpu.memory_space<semaphore_mem>> -> memref<!tpu.dma_semaphore, #tpu.memory_space<semaphore_mem>>
      %dma_wait3A_86 = arith.constant 0 : i32
      %dma_wait3A_87 = arith.constant 0 : i32
      %dma_wait3A_88 = tpu.memref_slice %arg8[%add3A_84, %dma_wait3A_86, %dma_wait3A_87] : memref<128x512x768xf32, #tpu.memory_space<any>> -> memref<1x512x768xf32, #tpu.memory_space<any>>
      %dma_wait3A_89 = arith.constant 0 : i32
      %dma_wait3A_90 = arith.constant 0 : i32
      %dma_wait3A_91 = arith.constant 0 : i32
      %dma_wait3A_92 = tpu.memref_slice %arg9[%rem3A_0, %dma_wait3A_89, %dma_wait3A_90, %dma_wait3A_91] : memref<2x1x512x768xf32, #tpu.memory_space<vmem>> -> memref<1x1x512x768xf32, #tpu.memory_space<vmem>>
      %dma_wait3A_93 = tpu.memref_squeeze %dma_wait3A_92 : memref<1x1x512x768xf32, #tpu.memory_space<vmem>> -> memref<1x512x768xf32, #tpu.memory_space<vmem>>
      tpu.wait_dma2 semaphore(%dma_wait3A_85 : memref<!tpu.dma_semaphore, #tpu.memory_space<semaphore_mem>>) src(%dma_wait3A_93 : memref<1x512x768xf32, #tpu.memory_space<vmem>>) dst(%dma_wait3A_88 : memref<1x512x768xf32, #tpu.memory_space<any>>)
    } else {
    }
    return
  }
  func.func @transform_0(%arg0: i32) -> (i32, i32, i32) {
    %c0_i32 = arith.constant 0 : i32
    %c0_i32_0 = arith.constant 0 : i32
    %c0_i32_1 = arith.constant 0 : i32
    return %arg0, %c0_i32, %c0_i32_0 : i32, i32, i32
  }
  func.func @transform_1(%arg0: i32) -> (i32, i32, i32) {
    %c0_i32 = arith.constant 0 : i32
    %c0_i32_0 = arith.constant 0 : i32
    %c0_i32_1 = arith.constant 0 : i32
    return %arg0, %c0_i32, %c0_i32_0 : i32, i32, i32
  }
  func.func @transform_2(%arg0: i32) -> (i32, i32) {
    %c0_i32 = arith.constant 0 : i32
    %c0_i32_0 = arith.constant 0 : i32
    %c0_i32_1 = arith.constant 0 : i32
    return %c0_i32, %c0_i32_0 : i32, i32
  }
  func.func @transform_3(%arg0: i32) -> (i32, i32) {
    %c0_i32 = arith.constant 0 : i32
    %c0_i32_0 = arith.constant 0 : i32
    %c0_i32_1 = arith.constant 0 : i32
    return %c0_i32, %c0_i32_0 : i32, i32
  }
  func.func @transform_4(%arg0: i32) -> (i32, i32) {
    %c0_i32 = arith.constant 0 : i32
    %c0_i32_0 = arith.constant 0 : i32
    %c0_i32_1 = arith.constant 0 : i32
    return %c0_i32, %c0_i32_0 : i32, i32
  }
  func.func @transform_5(%arg0: i32) -> (i32, i32) {
    %c0_i32 = arith.constant 0 : i32
    %c0_i32_0 = arith.constant 0 : i32
    %c0_i32_1 = arith.constant 0 : i32
    return %c0_i32, %c0_i32_0 : i32, i32
  }
}

module attributes {stable_mosaic.version = 14 : i64} {
  func.func @body(%arg0: i32, %arg1: memref<1x1x512xi32, #tpu.memory_space<vmem>>, %arg2: memref<1x512x768xf32, #tpu.memory_space<vmem>>, %arg3: memref<16x768xf32, #tpu.memory_space<vmem>>, %arg4: memref<512x768xf32, #tpu.memory_space<vmem>>, %arg5: memref<1x768xf32, #tpu.memory_space<vmem>>, %arg6: memref<1x768xf32, #tpu.memory_space<vmem>>, %arg7: memref<128x512x768xf32, #tpu.memory_space<any>>, %arg8: memref<128x512x768xf32, #tpu.memory_space<any>>, %arg9: memref<2x1x512x768xf32, #tpu.memory_space<vmem>>, %arg10: memref<2x!tpu.dma_semaphore, #tpu.memory_space<semaphore_mem>>) attributes {dimension_semantics = [#tpu.dimension_semantics<arbitrary>], iteration_bounds = array<i64: 16>, scalar_prefetch = 0 : i64, scratch_operands = 2 : i64, tpu.core_type = #tpu.core_type<tc>, window_params = [{transform_indices = @transform_0, window_bounds = array<i64: 1, 1, 512>}, {transform_indices = @transform_1, window_bounds = array<i64: 1, 512, 768>}, {pipeline_mode = #tpu.pipeline_mode<synchronous>, transform_indices = @transform_2, window_bounds = array<i64: 16, 768>}, {pipeline_mode = #tpu.pipeline_mode<synchronous>, transform_indices = @transform_3, window_bounds = array<i64: 512, 768>}, {pipeline_mode = #tpu.pipeline_mode<synchronous>, transform_indices = @transform_4, window_bounds = array<i64: 1, 768>}, {pipeline_mode = #tpu.pipeline_mode<synchronous>, transform_indices = @transform_5, window_bounds = array<i64: 1, 768>}, {}, {}]} {
    %rem3A = arith.constant 2 : i32
    %rem3A_0 = arith.remsi %arg0, %rem3A : i32
    %ge3A = arith.constant 2 : i32
    %ge3A_1 = arith.cmpi sge, %arg0, %ge3A : i32
    %convert_element_type3A = arith.extui %ge3A_1 : i1 to i32
    %cond3A = arith.constant 0 : i32
    %cond3A_2 = arith.cmpi ne, %convert_element_type3A, %cond3A : i32
    scf.if %cond3A_2 {
      %sub3A_77 = arith.constant 2 : i32
      %sub3A_78 = arith.subi %arg0, %sub3A_77 : i32
      %add3A_79 = arith.constant 112 : i32
      %add3A_80 = arith.addi %add3A_79, %sub3A_78 : i32
      %dma_wait3A = tpu.memref_slice %arg10[%rem3A_0] : memref<2x!tpu.dma_semaphore, #tpu.memory_space<semaphore_mem>> -> memref<1x!tpu.dma_semaphore, #tpu.memory_space<semaphore_mem>>
      %dma_wait3A_81 = tpu.memref_squeeze %dma_wait3A : memref<1x!tpu.dma_semaphore, #tpu.memory_space<semaphore_mem>> -> memref<!tpu.dma_semaphore, #tpu.memory_space<semaphore_mem>>
      %dma_wait3A_82 = arith.constant 0 : i32
      %dma_wait3A_83 = arith.constant 0 : i32
      %dma_wait3A_84 = tpu.memref_slice %arg8[%add3A_80, %dma_wait3A_82, %dma_wait3A_83] : memref<128x512x768xf32, #tpu.memory_space<any>> -> memref<1x512x768xf32, #tpu.memory_space<any>>
      %dma_wait3A_85 = arith.constant 0 : i32
      %dma_wait3A_86 = arith.constant 0 : i32
      %dma_wait3A_87 = arith.constant 0 : i32
      %dma_wait3A_88 = tpu.memref_slice %arg9[%rem3A_0, %dma_wait3A_85, %dma_wait3A_86, %dma_wait3A_87] : memref<2x1x512x768xf32, #tpu.memory_space<vmem>> -> memref<1x1x512x768xf32, #tpu.memory_space<vmem>>
      %dma_wait3A_89 = tpu.memref_squeeze %dma_wait3A_88 : memref<1x1x512x768xf32, #tpu.memory_space<vmem>> -> memref<1x512x768xf32, #tpu.memory_space<vmem>>
      tpu.wait_dma2 semaphore(%dma_wait3A_81 : memref<!tpu.dma_semaphore, #tpu.memory_space<semaphore_mem>>) src(%dma_wait3A_89 : memref<1x512x768xf32, #tpu.memory_space<vmem>>) dst(%dma_wait3A_84 : memref<1x512x768xf32, #tpu.memory_space<any>>)
    } else {
    }
    %get3A = arith.constant 0 : index
    %get3A_3 = arith.constant 0 : index
    %get3A_4 = arith.constant 0 : index
    %get3A_5 = vector.load %arg2[%get3A, %get3A_3, %get3A_4] : memref<1x512x768xf32, #tpu.memory_space<vmem>>, vector<1x512x768xf32>
    %get3A_6 = vector.shape_cast %get3A_5 : vector<1x512x768xf32> to vector<512x768xf32>
    %get3A_7 = arith.constant 0 : index
    %get3A_8 = arith.constant 0 : index
    %get3A_9 = arith.constant 0 : index
    %get3A_10 = vector.load %arg1[%get3A_7, %get3A_8, %get3A_9] : memref<1x1x512xi32, #tpu.memory_space<vmem>>, vector<1x1x512xi32>
    %get3A_11 = vector.shape_cast %get3A_10 : vector<1x1x512xi32> to vector<512xi32>
    %iota3A = tpu.iota {dimensions = array<i32: 1>} : vector<1x16xi32>
    %broadcast_in_dim3A = vector.shape_cast %get3A_11 : vector<512xi32> to vector<512x1xi32>
    %eq3A = vector.broadcast %broadcast_in_dim3A : vector<512x1xi32> to vector<512x16xi32>
    %eq3A_12 = vector.broadcast %iota3A : vector<1x16xi32> to vector<512x16xi32>
    %eq3A_13 = arith.cmpi eq, %eq3A, %eq3A_12 : vector<512x16xi32>
    %convert_element_type3A_14 = arith.extui %eq3A_13 : vector<512x16xi1> to vector<512x16xi32>
    %convert_element_type3A_15 = arith.sitofp %convert_element_type3A_14 : vector<512x16xi32> to vector<512x16xf32>
    %get3A_16 = arith.constant 0 : index
    %get3A_17 = arith.constant 0 : index
    %get3A_18 = vector.load %arg3[%get3A_16, %get3A_17] : memref<16x768xf32, #tpu.memory_space<vmem>>, vector<16x768xf32>
    %dot_general3A = arith.constant dense<0.000000e+00> : vector<512x768xf32>
    %dot_general3A_19 = tpu.matmul %convert_element_type3A_15, %get3A_18, %dot_general3A {dimension_numbers = #tpu.dot_dimension_numbers<[1], [0], [0], [1], [0, 0, 1, 1], [], []>, transpose_lhs_hint = false} : vector<512x16xf32>, vector<16x768xf32>, vector<512x768xf32> -> vector<512x768xf32>
    %add3A = arith.addf %get3A_6, %dot_general3A_19 : vector<512x768xf32>
    %get3A_20 = arith.constant 0 : index
    %get3A_21 = arith.constant 0 : index
    %get3A_22 = vector.load %arg4[%get3A_20, %get3A_21] : memref<512x768xf32, #tpu.memory_space<vmem>>, vector<512x768xf32>
    %add3A_23 = arith.addf %add3A, %get3A_22 : vector<512x768xf32>
    %reduce_sum3A = arith.constant dense<0.000000e+00> : vector<512xf32>
    %reduce_sum3A_24 = vector.multi_reduction <add>, %add3A_23, %reduce_sum3A [1] : vector<512x768xf32> to vector<512xf32>
    %broadcast_in_dim3A_25 = vector.shape_cast %reduce_sum3A_24 : vector<512xf32> to vector<512x1xf32>
    %div3A = arith.constant 7.680000e+02 : f32
    %div3A_26 = vector.broadcast %div3A : f32 to vector<512x1xf32>
    %div3A_27 = arith.divf %broadcast_in_dim3A_25, %div3A_26 : vector<512x1xf32>
    %sub3A = vector.broadcast %div3A_27 : vector<512x1xf32> to vector<512x768xf32>
    %sub3A_28 = arith.subf %add3A_23, %sub3A : vector<512x768xf32>
    %mul3A = arith.mulf %sub3A_28, %sub3A_28 : vector<512x768xf32>
    %reduce_sum3A_29 = arith.constant dense<0.000000e+00> : vector<512xf32>
    %reduce_sum3A_30 = vector.multi_reduction <add>, %mul3A, %reduce_sum3A_29 [1] : vector<512x768xf32> to vector<512xf32>
    %broadcast_in_dim3A_31 = vector.shape_cast %reduce_sum3A_30 : vector<512xf32> to vector<512x1xf32>
    %div3A_32 = arith.constant 7.680000e+02 : f32
    %div3A_33 = vector.broadcast %div3A_32 : f32 to vector<512x1xf32>
    %div3A_34 = arith.divf %broadcast_in_dim3A_31, %div3A_33 : vector<512x1xf32>
    %add3A_35 = arith.constant 9.99999996E-13 : f32
    %add3A_36 = vector.broadcast %add3A_35 : f32 to vector<512x1xf32>
    %add3A_37 = arith.addf %div3A_34, %add3A_36 : vector<512x1xf32>
    %rsqrt3A = math.rsqrt %add3A_37 : vector<512x1xf32>
    %mul3A_38 = vector.broadcast %rsqrt3A : vector<512x1xf32> to vector<512x768xf32>
    %mul3A_39 = arith.mulf %sub3A_28, %mul3A_38 : vector<512x768xf32>
    %get3A_40 = arith.constant 0 : index
    %get3A_41 = arith.constant 0 : index
    %get3A_42 = vector.load %arg5[%get3A_40, %get3A_41] : memref<1x768xf32, #tpu.memory_space<vmem>>, vector<1x768xf32>
    %mul3A_43 = vector.broadcast %get3A_42 : vector<1x768xf32> to vector<512x768xf32>
    %mul3A_44 = arith.mulf %mul3A_39, %mul3A_43 : vector<512x768xf32>
    %get3A_45 = arith.constant 0 : index
    %get3A_46 = arith.constant 0 : index
    %get3A_47 = vector.load %arg6[%get3A_45, %get3A_46] : memref<1x768xf32, #tpu.memory_space<vmem>>, vector<1x768xf32>
    %add3A_48 = vector.broadcast %get3A_47 : vector<1x768xf32> to vector<512x768xf32>
    %add3A_49 = arith.addf %mul3A_44, %add3A_48 : vector<512x768xf32>
    %broadcast_in_dim3A_50 = vector.shape_cast %add3A_49 : vector<512x768xf32> to vector<1x512x768xf32>
    %eq3A_51 = arith.constant 0 : i32
    %eq3A_52 = arith.cmpi eq, %rem3A_0, %eq3A_51 : i32
    %convert_element_type3A_53 = arith.extui %eq3A_52 : i1 to i32
    %cond3A_54 = arith.constant 0 : i32
    %cond3A_55 = arith.cmpi ne, %convert_element_type3A_53, %cond3A_54 : i32
    scf.if %cond3A_55 {
      %swap3A = arith.constant 0 : index
      %swap3A_77 = arith.constant 0 : index
      %swap3A_78 = arith.constant 0 : index
      %swap3A_79 = arith.constant 0 : index
      %swap3A_80 = vector.load %arg9[%swap3A, %swap3A_77, %swap3A_78, %swap3A_79] : memref<2x1x512x768xf32, #tpu.memory_space<vmem>>, vector<1x1x512x768xf32>
      %swap3A_81 = vector.shape_cast %swap3A_80 : vector<1x1x512x768xf32> to vector<1x512x768xf32>
      %swap3A_82 = vector.shape_cast %broadcast_in_dim3A_50 : vector<1x512x768xf32> to vector<1x1x512x768xf32>
      tpu.vector_store %arg9[%swap3A, %swap3A_77, %swap3A_78, %swap3A_79], %swap3A_82 {strides = array<i32>} : memref<2x1x512x768xf32, #tpu.memory_space<vmem>>, vector<1x1x512x768xf32>,
    } else {
    }
    %eq3A_56 = arith.constant 1 : i32
    %eq3A_57 = arith.cmpi eq, %rem3A_0, %eq3A_56 : i32
    %convert_element_type3A_58 = arith.extui %eq3A_57 : i1 to i32
    %cond3A_59 = arith.constant 0 : i32
    %cond3A_60 = arith.cmpi ne, %convert_element_type3A_58, %cond3A_59 : i32
    scf.if %cond3A_60 {
      %swap3A = arith.constant 1 : index
      %swap3A_77 = arith.constant 0 : index
      %swap3A_78 = arith.constant 0 : index
      %swap3A_79 = arith.constant 0 : index
      %swap3A_80 = vector.load %arg9[%swap3A, %swap3A_77, %swap3A_78, %swap3A_79] : memref<2x1x512x768xf32, #tpu.memory_space<vmem>>, vector<1x1x512x768xf32>
      %swap3A_81 = vector.shape_cast %swap3A_80 : vector<1x1x512x768xf32> to vector<1x512x768xf32>
      %swap3A_82 = vector.shape_cast %broadcast_in_dim3A_50 : vector<1x512x768xf32> to vector<1x1x512x768xf32>
      tpu.vector_store %arg9[%swap3A, %swap3A_77, %swap3A_78, %swap3A_79], %swap3A_82 {strides = array<i32>} : memref<2x1x512x768xf32, #tpu.memory_space<vmem>>, vector<1x1x512x768xf32>,
    } else {
    }
    %add3A_61 = arith.constant 112 : i32
    %add3A_62 = arith.addi %add3A_61, %arg0 : i32
    %dma_start3A = tpu.memref_slice %arg10[%rem3A_0] : memref<2x!tpu.dma_semaphore, #tpu.memory_space<semaphore_mem>> -> memref<1x!tpu.dma_semaphore, #tpu.memory_space<semaphore_mem>>
    %dma_start3A_63 = tpu.memref_squeeze %dma_start3A : memref<1x!tpu.dma_semaphore, #tpu.memory_space<semaphore_mem>> -> memref<!tpu.dma_semaphore, #tpu.memory_space<semaphore_mem>>
    %dma_start3A_64 = arith.constant 0 : i32
    %dma_start3A_65 = arith.constant 0 : i32
    %dma_start3A_66 = tpu.memref_slice %arg8[%add3A_62, %dma_start3A_64, %dma_start3A_65] : memref<128x512x768xf32, #tpu.memory_space<any>> -> memref<1x512x768xf32, #tpu.memory_space<any>>
    %dma_start3A_67 = arith.constant 0 : i32
    %dma_start3A_68 = arith.constant 0 : i32
    %dma_start3A_69 = arith.constant 0 : i32
    %dma_start3A_70 = tpu.memref_slice %arg9[%rem3A_0, %dma_start3A_67, %dma_start3A_68, %dma_start3A_69] : memref<2x1x512x768xf32, #tpu.memory_space<vmem>> -> memref<1x1x512x768xf32, #tpu.memory_space<vmem>>
    %dma_start3A_71 = tpu.memref_squeeze %dma_start3A_70 : memref<1x1x512x768xf32, #tpu.memory_space<vmem>> -> memref<1x512x768xf32, #tpu.memory_space<vmem>>
    tpu.enqueue_dma source(%dma_start3A_71 : memref<1x512x768xf32, #tpu.memory_space<vmem>>) target(%dma_start3A_66 : memref<1x512x768xf32, #tpu.memory_space<any>>) target_semaphore(%dma_start3A_63 : memref<!tpu.dma_semaphore, #tpu.memory_space<semaphore_mem>>)
    %eq3A_72 = arith.constant 15 : i32
    %eq3A_73 = arith.cmpi eq, %arg0, %eq3A_72 : i32
    %convert_element_type3A_74 = arith.extui %eq3A_73 : i1 to i32
    %cond3A_75 = arith.constant 0 : i32
    %cond3A_76 = arith.cmpi ne, %convert_element_type3A_74, %cond3A_75 : i32
    scf.if %cond3A_76 {
      %ge3A_77 = arith.constant 16 : i32
      %ge3A_78 = arith.constant 2 : i32
      %ge3A_79 = arith.cmpi sge, %ge3A_77, %ge3A_78 : i32
      %convert_element_type3A_80 = arith.extui %ge3A_79 : i1 to i32
      %cond3A_81 = arith.constant 0 : i32
      %cond3A_82 = arith.cmpi ne, %convert_element_type3A_80, %cond3A_81 : i32
      scf.if %cond3A_82 {
        %sub3A_94 = arith.constant 1 : i32
        %sub3A_95 = arith.subi %arg0, %sub3A_94 : i32
        %sub3A_96 = arith.constant 1 : i32
        %sub3A_97 = arith.subi %sub3A_96, %rem3A_0 : i32
        %add3A_98 = arith.constant 112 : i32
        %add3A_99 = arith.addi %add3A_98, %sub3A_95 : i32
        %dma_wait3A_100 = tpu.memref_slice %arg10[%sub3A_97] : memref<2x!tpu.dma_semaphore, #tpu.memory_space<semaphore_mem>> -> memref<1x!tpu.dma_semaphore, #tpu.memory_space<semaphore_mem>>
        %dma_wait3A_101 = tpu.memref_squeeze %dma_wait3A_100 : memref<1x!tpu.dma_semaphore, #tpu.memory_space<semaphore_mem>> -> memref<!tpu.dma_semaphore, #tpu.memory_space<semaphore_mem>>
        %dma_wait3A_102 = arith.constant 0 : i32
        %dma_wait3A_103 = arith.constant 0 : i32
        %dma_wait3A_104 = tpu.memref_slice %arg8[%add3A_99, %dma_wait3A_102, %dma_wait3A_103] : memref<128x512x768xf32, #tpu.memory_space<any>> -> memref<1x512x768xf32, #tpu.memory_space<any>>
        %dma_wait3A_105 = arith.constant 0 : i32
        %dma_wait3A_106 = arith.constant 0 : i32
        %dma_wait3A_107 = arith.constant 0 : i32
        %dma_wait3A_108 = tpu.memref_slice %arg9[%sub3A_97, %dma_wait3A_105, %dma_wait3A_106, %dma_wait3A_107] : memref<2x1x512x768xf32, #tpu.memory_space<vmem>> -> memref<1x1x512x768xf32, #tpu.memory_space<vmem>>
        %dma_wait3A_109 = tpu.memref_squeeze %dma_wait3A_108 : memref<1x1x512x768xf32, #tpu.memory_space<vmem>> -> memref<1x512x768xf32, #tpu.memory_space<vmem>>
        tpu.wait_dma2 semaphore(%dma_wait3A_101 : memref<!tpu.dma_semaphore, #tpu.memory_space<semaphore_mem>>) src(%dma_wait3A_109 : memref<1x512x768xf32, #tpu.memory_space<vmem>>) dst(%dma_wait3A_104 : memref<1x512x768xf32, #tpu.memory_space<any>>)
      } else {
      }
      %add3A_83 = arith.constant 112 : i32
      %add3A_84 = arith.addi %add3A_83, %arg0 : i32
      %dma_wait3A = tpu.memref_slice %arg10[%rem3A_0] : memref<2x!tpu.dma_semaphore, #tpu.memory_space<semaphore_mem>> -> memref<1x!tpu.dma_semaphore, #tpu.memory_space<semaphore_mem>>
      %dma_wait3A_85 = tpu.memref_squeeze %dma_wait3A : memref<1x!tpu.dma_semaphore, #tpu.memory_space<semaphore_mem>> -> memref<!tpu.dma_semaphore, #tpu.memory_space<semaphore_mem>>
      %dma_wait3A_86 = arith.constant 0 : i32
      %dma_wait3A_87 = arith.constant 0 : i32
      %dma_wait3A_88 = tpu.memref_slice %arg8[%add3A_84, %dma_wait3A_86, %dma_wait3A_87] : memref<128x512x768xf32, #tpu.memory_space<any>> -> memref<1x512x768xf32, #tpu.memory_space<any>>
      %dma_wait3A_89 = arith.constant 0 : i32
      %dma_wait3A_90 = arith.constant 0 : i32
      %dma_wait3A_91 = arith.constant 0 : i32
      %dma_wait3A_92 = tpu.memref_slice %arg9[%rem3A_0, %dma_wait3A_89, %dma_wait3A_90, %dma_wait3A_91] : memref<2x1x512x768xf32, #tpu.memory_space<vmem>> -> memref<1x1x512x768xf32, #tpu.memory_space<vmem>>
      %dma_wait3A_93 = tpu.memref_squeeze %dma_wait3A_92 : memref<1x1x512x768xf32, #tpu.memory_space<vmem>> -> memref<1x512x768xf32, #tpu.memory_space<vmem>>
      tpu.wait_dma2 semaphore(%dma_wait3A_85 : memref<!tpu.dma_semaphore, #tpu.memory_space<semaphore_mem>>) src(%dma_wait3A_93 : memref<1x512x768xf32, #tpu.memory_space<vmem>>) dst(%dma_wait3A_88 : memref<1x512x768xf32, #tpu.memory_space<any>>)
    } else {
    }
    return
  }
  func.func @transform_0(%arg0: i32) -> (i32, i32, i32) {
    %c0_i32 = arith.constant 0 : i32
    %c0_i32_0 = arith.constant 0 : i32
    %c0_i32_1 = arith.constant 0 : i32
    return %arg0, %c0_i32, %c0_i32_0 : i32, i32, i32
  }
  func.func @transform_1(%arg0: i32) -> (i32, i32, i32) {
    %c0_i32 = arith.constant 0 : i32
    %c0_i32_0 = arith.constant 0 : i32
    %c0_i32_1 = arith.constant 0 : i32
    return %arg0, %c0_i32, %c0_i32_0 : i32, i32, i32
  }
  func.func @transform_2(%arg0: i32) -> (i32, i32) {
    %c0_i32 = arith.constant 0 : i32
    %c0_i32_0 = arith.constant 0 : i32
    %c0_i32_1 = arith.constant 0 : i32
    return %c0_i32, %c0_i32_0 : i32, i32
  }
  func.func @transform_3(%arg0: i32) -> (i32, i32) {
    %c0_i32 = arith.constant 0 : i32
    %c0_i32_0 = arith.constant 0 : i32
    %c0_i32_1 = arith.constant 0 : i32
    return %c0_i32, %c0_i32_0 : i32, i32
  }
  func.func @transform_4(%arg0: i32) -> (i32, i32) {
    %c0_i32 = arith.constant 0 : i32
    %c0_i32_0 = arith.constant 0 : i32
    %c0_i32_1 = arith.constant 0 : i32
    return %c0_i32, %c0_i32_0 : i32, i32
  }
  func.func @transform_5(%arg0: i32) -> (i32, i32) {
    %c0_i32 = arith.constant 0 : i32
    %c0_i32_0 = arith.constant 0 : i32
    %c0_i32_1 = arith.constant 0 : i32
    return %c0_i32, %c0_i32_0 : i32, i32
  }
}

</mosaic_0001>

<sc_bundles>
// kernel: kernel.18.cloned.1.call-start
scs
__scs_entry_jumppad:
0x0: {  	(pc) =	sbr.rel $0x88, $3  }
0x1: {  	(tag) =	ssettag $0x0;
	lr =	simm.s32 $0x1  }
0x2: {  	[smem:$0x3F9A] =	sst lr;
	_ =	strace $0xD0000000  }
0x3: {  	_ = 	snop  }
0x4: {  	_ = 	snop  }
0x5: {  	_ = 	snop  }
0x6: {  	_ = 	snop  }
0x7: {  	_ = 	snop  }
__scs_overlays_trampoline_lowered:
0x8: {  	[smem:$0x3FA9] =	sst s0  }
0x9: {  	[smem:$0x3FAA] =	sst s1  }
0xa: {  	[smem:$0x3FAB] =	sst s2  }
0xb: {  	[smem:$0x3FAC] =	sst s3  }
0xc: {  	[smem:$0x3FAD] =	sst s4  }
0xd: {  	[smem:$0x3FAE] =	sst s5  }
0xe: {  	[smem:$0x3FAF] =	sst s6  }
0xf: {  	[smem:$0x3FB0] =	sst s7  }
0x10: {  	[smem:$0x3FB1] =	sst s8  }
0x11: {  	[smem:$0x3FB2] =	sst s9;
	s0 =	simm.s32 @!p0 $0x0  }
0x12: {  	s1 =	sld [smem:$0x3F98];
	s0 =	simm.s32 @p0 $0x1  }
0x13: {  	[smem:$0x3FB3] =	sst s0;
	s0 =	simm.s32 @!p1 $0x0  }
0x14: {  	s2 =	sld [smem:$0x3F97];
	s0 =	simm.s32 @p1 $0x1  }
0x15: {  	[smem:$0x3FB4] =	sst s0;
	s0 =	simm.s32 @!p2 $0x0  }
0x16: {  	s3 =	sld [smem:$0x3FDB];
	s0 =	simm.s32 @p2 $0x1  }
0x17: {  	s4 =	simm.s32 $0x1BF5;
	[smem:$0x3FB6] =	sst s0  }
0x18: {  	s0 =	sld [smem:$0x3F99];
	_ =	swait.ge [sflag:s4], $0x0  }
0x19: {  	s7 =	sld [smem:$0x3F9A]  }
0x1a: {  	s8 =	sadd.s32 $0xFFFFE003, lr  }
0x1b: {  	s9 =	sadd.s32 $0xFFFFFEF7, lr;
	s5 =	simm.s32 $0xFFFFFFFF;
	p2 =	slt.u32 s8, $0xFFFFF086  }
0x1c: {  	p1 =	slt.u32 s9, $0xF7A;
	s5 =	simm.s32 @!p2 $0x0  }
0x1d: {  	s5 =	simm.s32 @p1 $0x1;
	p0 =	seq.s32 s7, s2  }
0x1e: {  	s7 =	smul.u32 @!p0 $0xF7A, s2;
	p2 =	seq.s32 @!p0 s5, $0x0  }
0x1f: {  	s9 =	smul.u32 $0xF7A, s1;
	s8 =	simm.s32 @!p0 $0x1BF5;
	p2 =	por !p2, p0  }
0x20: {  	[sflag:s8] =	ssyncset.s32 @!p0 $0xFFFFF086;
	s6 =	sadd.s32 @!p0 s3, s7;
	s7 =	simm.s32 @!p0 $0x108  }
0x21: {  	s3 =	sadd.s32 s3, s9;
	s6 =	sadd.s32 @!p0 $0x88, s6;
	s7 =	simm.s32 @p2 $0x1082  }
0x22: {  	[simem:s7], [sflag:s8] =	dma.local @!p0 [hbm:s6], $0xF7A  }
0x23: {  	s9 =	sor.u32 $0xD0000000, s2;
	s6 =	simm.s32 $0x108;
	_ =	swait.ge @!p0 [sflag:s8], $0x0  }
0x24: {  	s3 =	sadd.s32 $0x88, s3;
	s6 =	simm.s32 @!p1 $0x1082;
	[sflag:s4] =	ssyncset.s32 $0xFFFFF086  }
0x25: {  	[simem:s6], [sflag:s4] =	dma.local [hbm:s3], $0xF7A  }
0x26: {  	[smem:$0x3F9A] =	sst s1;
	(tag) =	ssettag s2;
	_ =	strace s9  }
0x27: {  	s1 =	sld [smem:$0x3FAA]  }
0x28: {  	s2 =	sld [smem:$0x3FAB]  }
0x29: {  	s4 =	sld [smem:$0x3FAD]  }
0x2a: {  	p0 =	seq.s32 s5, $0x0;
	s5 =	sld [smem:$0x3FAE]  }
0x2b: {  	s6 =	sld [smem:$0x3FAF]  }
0x2c: {  	s7 =	sld [smem:$0x3FB0]  }
0x2d: {  	s3 =	simm.s32 $0x108;
	s8 =	sld [smem:$0x3FB1]  }
0x2e: {  	s3 =	simm.s32 @!p0 $0x1082;
	s9 =	sld [smem:$0x3FB2]  }
0x2f: {  	lr =	sadd.s32 s0, s3;
	s0 =	sld [smem:$0x3FA9]  }
0x30: {  	s3 =	sld [smem:$0x3FAC]  }
0x31: {  	[smem:$0x3FB5] =	sst s10  }
0x32: {  	s10 =	sld [smem:$0x3FB3];
	_ =	sdelay $0x3  }
0x33: {  	p0 =	seq.s32 s10, $0x1;
	s10 =	sld [smem:$0x3FB5];
	_ =	sdelay $0x3  }
0x34: {  	[smem:$0x3FB5] =	sst s10  }
0x35: {  	s10 =	sld [smem:$0x3FB4];
	_ =	sdelay $0x3  }
0x36: {  	p1 =	seq.s32 s10, $0x1;
	s10 =	sld [smem:$0x3FB5];
	_ =	sdelay $0x3  }
0x37: {  	[smem:$0x3FB5] =	sst s10  }
0x38: {  	s10 =	sld [smem:$0x3FB6]  }
0x39: {  	_ = 	snop;
	(pc) =	sbr.ind lr, $3  }
0x3a: {  	_ = 	snop  }
0x3b: {  	_ = 	snop  }
0x3c: {  	p2 =	seq.s32 s10, $0x1;
	s10 =	sld [smem:$0x3FB5]  }
0x3d: {  	_ =	shalt  }
0x3e: {  	_ =	shalt  }
0x3f: {  	_ =	shalt  }
0x40: {  	_ =	shalt  }
0x41: {  	_ =	shalt  }
0x42: {  	_ =	shalt  }
0x43: {  	_ =	shalt  }
0x44: {  	_ =	shalt  }
0x45: {  	_ =	shalt  }
0x46: {  	_ =	shalt  }
0x47: {  	_ =	shalt  }
0x48: {  	_ =	shalt  }
0x49: {  	_ =	shalt  }
0x4a: {  	_ =	shalt  }
0x4b: {  	_ =	shalt  }
0x4c: {  	_ =	shalt  }
0x4d: {  	_ =	shalt  }
0x4e: {  	_ =	shalt  }
0x4f: {  	_ =	shalt  }
0x50: {  	_ =	shalt  }
0x51: {  	_ =	shalt  }
0x52: {  	_ =	shalt  }
0x53: {  	_ =	shalt  }
0x54: {  	_ =	shalt  }
0x55: {  	_ =	shalt  }
0x56: {  	_ =	shalt  }
0x57: {  	_ =	shalt  }
0x58: {  	_ =	shalt  }
0x59: {  	_ =	shalt  }
0x5a: {  	_ =	shalt  }
0x5b: {  	_ =	shalt  }
0x5c: {  	_ =	shalt  }
0x5d: {  	_ =	shalt  }
0x5e: {  	_ =	shalt  }
0x5f: {  	_ =	shalt  }
0x60: {  	_ =	shalt  }
0x61: {  	_ =	shalt  }
0x62: {  	_ =	shalt  }
0x63: {  	_ =	shalt  }
0x64: {  	_ =	shalt  }
0x65: {  	_ =	shalt  }
0x66: {  	_ =	shalt  }
0x67: {  	_ =	shalt  }
0x68: {  	_ =	shalt  }
0x69: {  	_ =	shalt  }
0x6a: {  	_ =	shalt  }
0x6b: {  	_ =	shalt  }
0x6c: {  	_ =	shalt  }
0x6d: {  	_ =	shalt  }
0x6e: {  	_ =	shalt  }
0x6f: {  	_ =	shalt  }
0x70: {  	_ =	shalt  }
0x71: {  	_ =	shalt  }
0x72: {  	_ =	shalt  }
0x73: {  	_ =	shalt  }
0x74: {  	_ =	shalt  }
0x75: {  	_ =	shalt  }
0x76: {  	_ =	shalt  }
0x77: {  	_ =	shalt  }
0x78: {  	_ =	shalt  }
0x79: {  	_ =	shalt  }
0x7a: {  	_ =	shalt  }
0x7b: {  	_ =	shalt  }
0x7c: {  	_ =	shalt  }
0x7d: {  	_ =	shalt  }
0x7e: {  	_ =	shalt  }
0x7f: {  	_ =	shalt  }
0x80: {  	_ =	shalt  }
0x81: {  	_ =	shalt  }
0x82: {  	_ =	shalt  }
0x83: {  	_ =	shalt  }
0x84: {  	_ =	shalt  }
0x85: {  	_ =	shalt  }
0x86: {  	_ =	shalt  }
0x87: {  	_ =	shalt  }
.Lfunc_end0:
.L_simem_size_0:
called_computation_lowered:
.L_overlay_start_0:
0x88: {  	s2 =	sld [smem:$0x3FD9]  }
0x89: {  	s3 =	sld [smem:$0x3FFE];
	_ =	sdelay $0x1  }
0x8a: {  	s1 =	srdreg.scid  }
0x8b: {  	s0 =	sand.u32 $0x1, s1  }
0x8c: {  	s17 =	sshll.u32 s0, $0xA;
	s2 =	sadd.s32 s3, s2  }
0x8d: {  	s2 =	sadd.s32 s2, s17  }
0x8e: {  	[smem:$0x3FC1] =	sst s2  }
0x8f: {  	_ = 	snop  }
0x90: {  	s2 =	sld [smem:$0x3FC7];
	(tm) =	ssettm $0x1  }
0x91: {  	s18 =	sld [smem:$0x3FFB];
	_ =	sdelay $0x3  }
0x92: {  	_ =	strace s18  }
0x93: {  	s3 =	sld [smem:$0x3FFC];
	_ =	sdelay $0x3  }
0x94: {  	_ =	strace s3  }
0x95: {  	s3 =	sld [smem:$0x3FFD];
	_ =	sdelay $0x3  }
0x96: {  	_ =	strace s3  }
0x97: {  	_ =	strace $0x8FFFFFFF  }
0x98: {  	s19 =	sld [smem:$0x3FDB];
	_ =	sdelay $0x1  }
0x99: {  	s4 =	simm.s32 $_scs_section_size  }
0x9a: {  	s5 =	simm.s32 $_size__tile_overlayer_lowered;
	s6 =	simm.s32 $_tile_overlayer_lowered  }
0x9b: {  	s22 =	simm.s32 $0x1BFF;
	s21 =	sshll.u32 s6, $0x1;
	s3 =	sadd.s32 s4, s19  }
0x9c: {  	s7 =	simm.s32 $0x0;
	s20 =	sshll.u32 s5, $0x1;
	s5 =	sadd.s32 s21, s3  }
0x9d: {  	[timem:s7], [sflag:s22] =	dma.local [hbm:s5], s20  }
0x9e: {  	_ =	swait.ge [sflag:s22], s20  }
0x9f: {  	s4 =	ssub.s32 $0x0, s20;
	[sflag:s22] =	ssyncset.done $0x0  }
0xa0: {  	[sflag:s22] =	ssyncadd.s32 s4;
	_ =	sdelay $0x1  }
0xa1: {  	s23 =	simm.s32 $0x1B8B  }
0xa2: {  	_ =	swait.ge [sflag:s23], $0x1  }
0xa3: {  	[sflag:s23] =	ssyncset.done $0x0  }
0xa4: {  	s25 =	simm.s32 $0x1B8E;
	s24 =	sld [smem:$0x3FFE];
	[sflag:s23] =	ssyncadd.s32 $0xFFFFFFFF  }
0xa5: {  	s26 =	simm.s32 $execute0_lowered;
	[smem:$0x3FD2] =	sst s25  }
0xa6: {  	s5 =	sshll.u32 s26, $0x1;
	_ =	strace $0x80000046;
	[dreg:$0x1] =	wrdreg $0xFFFFFFFF  }
0xa7: {  	s28 =	simm.s32 $_size_execute0_lowered;
	s3 =	sadd.s32 s3, s5;
	[dreg:$0x0] =	wrdreg $0x0  }
0xa8: {  	s5 =	sshll.u32 s28, $0x1;
	[dreg:$0x2] =	wrdreg s3  }
0xa9: {  	[dreg:$0x3] =	wrdreg s5  }
0xaa: {  	[dreg:$0x4] =	wrdreg $0xC0  }
0xab: {  	_ =	task [dreg:s7], $0x5FFFF  }
0xac: {  	[dreg:$0x1] =	wrdreg $0xFFFFFFFF  }
0xad: {  	[dreg:$0x0] =	wrdreg $0x60  }
0xae: {  	[dreg:$0x2] =	wrdreg s24  }
0xaf: {  	[dreg:$0x3] =	wrdreg s2  }
0xb0: {  	[dreg:$0x4] =	wrdreg $0x9  }
0xb1: {  	_ =	task.clear_ibuf [dreg:s7], $0x5FFFF;
	_ =	strace $0x90000046  }
0xb2: {  	s29 =	simm.s32 $0x9;
	_ =	strace $0x80000048  }
0xb3: {  	_ =	swait.ge [sflag:s29], $0x1  }
0xb4: {  	[sflag:s29] =	ssyncadd.s32 $0xFFFFFFFF  }
0xb5: {  	_ =	strace $0x90000048  }
0xb6: {  	_ =	sfence  }
0xb7: {  	s30 =	sld [smem:$0x0];
	_ =	sdelay $0x2  }
0xb8: {  	s31 =	sshll.u32 s1, $0xD;
	s1 =	sshrl.u32 s1, $0x2  }
0xb9: {  	s3 =	sand.u32 $0x4000, s31;
	s1 =	sadd.s32 s1, s30  }
0xba: {  	s0 =	sor.u32 s3, s0;
	s1 =	sshll.u32 s1, $0x11  }
0xbb: {  	s0 =	sor.u32 s1, s0  }
0xbc: {  	s0 =	sadd.s32 $0x8F2B, s0  }
0xbd: {  	[sflag:s0] =	ssyncadd.remote.s32 $0x1  }
0xbe: {  	_ =	sfence.sel $0xFFFF  }
0xbf: {  	[dreg:$0x0] =	wrdreg $0xFFFFFFFF;
	(pc) =	sbr.abs _section_cstart, $3  }
0xc0: {  	[dreg:$0x1] =	wrdreg $0xFFFFFFFF  }
0xc1: {  	_ =	task.clear_ibuf [dreg:s7], $0x2FFFF;
	_ =	strace $0x9FFFFFFF  }
0xc2: {  	(tm) =	ssettm $0x7FFFFFFF  }
0xc3: {  	_ =	shalt  }
tec
execute0_lowered:
.L_overlay_start_1:
0x0: {  	(tag) =	ssettag $0x1  }
0x1: {  	s0 =	rddreg [dreg:$0x0]  }
0x2: {  	s1 =	rddreg [dreg:$0x1];
	s3 =	simm.s32 $0x0;
	s2 =	srdreg.scid  }
0x3: {  	s4 =	stileid.u32;
	s11 =	simm.s32 $0x5;
	s12 =	simm.s32 $0x100  }
0x4: {  	s14 =	simm.s32 $0x1;
	s16 =	simm.s32 $0xC100;
	s28 =	simm.s32 $0x11900  }
0x5: {  	s29 =	simm.s32 $0x12100;
	s30 =	simm.s32 $0x12900;
	s31 =	simm.s32 $0x13100  }
0x6: {  	s10 =	simm.s32 $0x15100;
	s13 =	simm.s32 $0x15900;
	s15 =	simm.s32 $0x16100  }
0x7: {  	s17 =	simm.s32 $0x16900;
	s18 =	simm.s32 $0x17100;
	s19 =	simm.s32 $0x17900  }
0x8: {  	s20 =	simm.s32 $0x2;
	s21 =	simm.s32 $0x3;
	s24 =	simm.s32 $0x0  }
0x9: {  	[smem:$0x7FF] =	sst s3;
	s2 =	sand.u32 $0x1, s2;
	s5 =	sshll.u32 s4, $0x9  }
0xa: {  	s4 =	sadd.s32 $0x6000, s0;
	s8 =	sadd.s32 $0x100, s1;
	s9 =	sadd.s32 $0x200, s1  }
0xb: {  	_ =	strace $0x80000047;
	s6 =	sshll.u32 s2, $0x8;
	s2 =	ssub.s32 $0x2, s2  }
.Ltmp0:
0xc: {  	s5 =	sor.u32 s6, s5;
	s25 =	sshrl.u32 s2, $0x1;
	(pc) =	sbr.rel .LBB2_1-.Ltmp0, $4  }
0xd: {  	s6 =	sadd.s32 $0x6400, s0;
	s7 =	sshrl.u32 s5, $0x3;
	s0 =	ssub.s32 s2, s25  }
0xe: {  	v3 =	vlaneseq.u32;
	s2 =	simm.s32 $0x14100;
	s25 =	simm.s32 $0x80;
	s26 =	sadd.s32 s4, s7  }
0xf: {  	vm0 =	vmmov $0xffff;
	v1 =	vshrl.u32 v3, $0x3;
	v0 =	vand.u32 $0x7, v3;
	s0 =	smax.u32 s0, $0x1;
	s7 =	simm.s32 $0x14900;
	[dreg:$0x3] =	wrdreg s26  }
0x10: {  	v3 =	vor.u32 $0x8, v3;
	v1 =	vmul.u32 $0x8, v1;
	v2 =	vor.u32 $0x8, v0;
	[dreg:$0x4] =	wrdreg s0;
	s26 =	simm.s32 $0x11100;
	s0 =	simm.s32 $0x13900  }
.LBB2_4:
0x11: {  	s23 =	simm.s32 $0x4  }
0x12: {  	_ =	swait.ge [sflag:s23], $0xC000  }
0x13: {  	s24 =	rddreg [dreg:$0x5]  }
0x14: {  	s22 =	rddreg [dreg:$0x4];
	s24 =	sadd.s32 $0x1, s24  }
0x15: {  	p0 =	sne.s32 s24, s22  }
.Ltmp1:
0x16: {  	_ = 	snop;
	(pc) =	sbr.rel @!p0 .LBB2_5-.Ltmp1, $3  }
0x17: {  	_ =	sdelay $0x1  }
0x18: {  	[sflag:s23] =	ssyncset.done $0x0  }
0x19: {  	[sflag:s23] =	ssyncadd.s32 $0xFFFF4000  }
.LBB2_1:
0x1a: {  	[dreg:$0x5] =	wrdreg s24  }
0x1b: {  	s22 =	rddreg [dreg:$0x3]  }
0x1c: {  	[tilespmem:s3], [sflag:$0x5] =	stream.linear.gather [hbm4b:s22+s3], $0x40, $0x38;
	[tilespmem:$0x18100] =	vst v63  }
0x1d: {  	_ =	swait.ge [sflag:s11], $0x40  }
0x1e: {  	[sflag:s11] =	ssyncset.done $0x0  }
0x1f: {  	[sflag:s11] =	ssyncadd.s32 $0xFFFFFFC0  }
0x20: {  	v4 =	vld [tilespmem:$0x0];
	_ =	sdelay $0x4  }
0x21: {  	v5 =	vshrl.u32 v4, $0x3  }
0x22: {  	v5 =	vmul.u32 $0x30, v5  }
0x23: {  	v4 =	vand.u32 $0x7, v4  }
0x24: {  	v4 =	vor.u32 v4, v5  }
0x25: {  	v5 =	vperm.xlane v4, v0;
	_ =	sdelay $0x1  }
0x26: {  	v5 =	vadd.s32 v1, v5;
	_ =	sdelay $0x4  }
0x27: {  	[tilespmem:s12], [sflag:$0x1] =	stream.indirect_vreg.gather [hbm4b:s1+s3], $0x80, v5, vm0, $0xb8;
	[tilespmem:$0x18100] =	vst v63  }
0x28: {  	s24 =	simm.s32 $0x900;
	p0 =	por $0x0, $0x0;
	s22 =	simm.s32 $0x0  }
0x29: {  	[tilespmem:s24], [sflag:$0x1] =	stream.indirect_vreg.gather [hbm4b:s8+s3], $0x80, v5, vm0, $0xb8;
	[tilespmem:$0x18100] =	vst v63  }
.LBB2_2:
0x2a: {  	v4 =	vperm.xlane v4, v2;
	_ =	sdelay $0x1  }
0x2b: {  	v4 =	vadd.s32 v1, v4;
	_ =	sdelay $0x1  }
0x2c: {  	s23 =	simm.s32 $0x1100  }
0x2d: {  	[tilespmem:s23], [sflag:$0x1] =	stream.indirect_vreg.gather [hbm4b:s9+s3], $0x80, v5, vm0, $0xb8;
	[tilespmem:$0x18100] =	vst v63  }
0x2e: {  	s24 =	simm.s32 $0x1900  }
0x2f: {  	[tilespmem:s24], [sflag:$0x1] =	stream.indirect_vreg.gather [hbm4b:s1+s3], $0x80, v4, vm0, $0xb8;
	[tilespmem:$0x18100] =	vst v63  }
0x30: {  	s24 =	simm.s32 $0x2100  }
0x31: {  	[tilespmem:s24], [sflag:$0x1] =	stream.indirect_vreg.gather [hbm4b:s8+s3], $0x80, v4, vm0, $0xb8;
	[tilespmem:$0x18100] =	vst v63  }
0x32: {  	s24 =	simm.s32 $0x2900  }
0x33: {  	[tilespmem:s24], [sflag:$0x1] =	stream.indirect_vreg.gather [hbm4b:s9+s3], $0x80, v4, vm0, $0xb8;
	[tilespmem:$0x18100] =	vst v63  }
0x34: {  	v4 =	vld [tilespmem:$0x10];
	_ =	sdelay $0x4  }
0x35: {  	v5 =	vshrl.u32 v4, $0x3  }
0x36: {  	v5 =	vmul.u32 $0x30, v5  }
0x37: {  	v4 =	vand.u32 $0x7, v4  }
0x38: {  	v4 =	vor.u32 v4, v5  }
0x39: {  	v5 =	vperm.xlane v4, v0;
	_ =	sdelay $0x1  }
0x3a: {  	v5 =	vadd.s32 v1, v5;
	_ =	sdelay $0x3  }
0x3b: {  	s24 =	simm.s32 $0x3100;
	v4 =	vperm.xlane v4, v2  }
0x3c: {  	[tilespmem:s24], [sflag:$0x1] =	stream.indirect_vreg.gather [hbm4b:s1+s3], $0x80, v5, vm0, $0xb8;
	[tilespmem:$0x18100] =	vst v63  }
0x3d: {  	v4 =	vadd.s32 v1, v4;
	s24 =	simm.s32 $0x3900  }
0x3e: {  	[tilespmem:s24], [sflag:$0x1] =	stream.indirect_vreg.gather [hbm4b:s8+s3], $0x80, v5, vm0, $0xb8;
	[tilespmem:$0x18100] =	vst v63  }
0x3f: {  	s24 =	simm.s32 $0x4100  }
0x40: {  	[tilespmem:s24], [sflag:$0x1] =	stream.indirect_vreg.gather [hbm4b:s9+s3], $0x80, v5, vm0, $0xb8;
	[tilespmem:$0x18100] =	vst v63  }
0x41: {  	s24 =	simm.s32 $0x4900  }
0x42: {  	[tilespmem:s24], [sflag:$0x1] =	stream.indirect_vreg.gather [hbm4b:s1+s3], $0x80, v4, vm0, $0xb8;
	[tilespmem:$0x18100] =	vst v63  }
0x43: {  	s24 =	simm.s32 $0x5100  }
0x44: {  	[tilespmem:s24], [sflag:$0x1] =	stream.indirect_vreg.gather [hbm4b:s8+s3], $0x80, v4, vm0, $0xb8;
	[tilespmem:$0x18100] =	vst v63  }
0x45: {  	s24 =	simm.s32 $0x5900  }
0x46: {  	[tilespmem:s24], [sflag:$0x1] =	stream.indirect_vreg.gather [hbm4b:s9+s3], $0x80, v4, vm0, $0xb8;
	[tilespmem:$0x18100] =	vst v63  }
0x47: {  	v4 =	vld [tilespmem:$0x20];
	_ =	sdelay $0x4  }
0x48: {  	v5 =	vshrl.u32 v4, $0x3  }
0x49: {  	v5 =	vmul.u32 $0x30, v5  }
0x4a: {  	v4 =	vand.u32 $0x7, v4  }
0x4b: {  	v4 =	vor.u32 v4, v5  }
0x4c: {  	v5 =	vperm.xlane v4, v0;
	_ =	sdelay $0x1  }
0x4d: {  	v5 =	vadd.s32 v1, v5;
	_ =	sdelay $0x3  }
0x4e: {  	s24 =	simm.s32 $0x6100;
	v4 =	vperm.xlane v4, v2  }
0x4f: {  	[tilespmem:s24], [sflag:$0x1] =	stream.indirect_vreg.gather [hbm4b:s1+s3], $0x80, v5, vm0, $0xb8;
	[tilespmem:$0x18100] =	vst v63  }
0x50: {  	v4 =	vadd.s32 v1, v4;
	s24 =	simm.s32 $0x6900  }
0x51: {  	[tilespmem:s24], [sflag:$0x1] =	stream.indirect_vreg.gather [hbm4b:s8+s3], $0x80, v5, vm0, $0xb8;
	[tilespmem:$0x18100] =	vst v63  }
0x52: {  	s24 =	simm.s32 $0x7100  }
0x53: {  	[tilespmem:s24], [sflag:$0x1] =	stream.indirect_vreg.gather [hbm4b:s9+s3], $0x80, v5, vm0, $0xb8;
	[tilespmem:$0x18100] =	vst v63  }
0x54: {  	s24 =	simm.s32 $0x7900  }
0x55: {  	[tilespmem:s24], [sflag:$0x1] =	stream.indirect_vreg.gather [hbm4b:s1+s3], $0x80, v4, vm0, $0xb8;
	[tilespmem:$0x18100] =	vst v63  }
0x56: {  	s24 =	simm.s32 $0x8100  }
0x57: {  	[tilespmem:s24], [sflag:$0x1] =	stream.indirect_vreg.gather [hbm4b:s8+s3], $0x80, v4, vm0, $0xb8;
	[tilespmem:$0x18100] =	vst v63  }
0x58: {  	s24 =	simm.s32 $0x8900  }
0x59: {  	[tilespmem:s24], [sflag:$0x1] =	stream.indirect_vreg.gather [hbm4b:s9+s3], $0x80, v4, vm0, $0xb8;
	[tilespmem:$0x18100] =	vst v63  }
0x5a: {  	v4 =	vld [tilespmem:$0x30];
	_ =	sdelay $0x4  }
0x5b: {  	v5 =	vshrl.u32 v4, $0x3  }
0x5c: {  	v5 =	vmul.u32 $0x30, v5  }
0x5d: {  	v4 =	vand.u32 $0x7, v4  }
0x5e: {  	v4 =	vor.u32 v4, v5  }
0x5f: {  	v5 =	vperm.xlane v4, v0;
	_ =	sdelay $0x1  }
0x60: {  	v5 =	vadd.s32 v1, v5;
	_ =	sdelay $0x3  }
0x61: {  	s24 =	simm.s32 $0x9100;
	v4 =	vperm.xlane v4, v2  }
0x62: {  	[tilespmem:s24], [sflag:$0x1] =	stream.indirect_vreg.gather [hbm4b:s1+s3], $0x80, v5, vm0, $0xb8;
	[tilespmem:$0x18100] =	vst v63  }
0x63: {  	v4 =	vadd.s32 v1, v4;
	s24 =	simm.s32 $0x9900  }
0x64: {  	[tilespmem:s24], [sflag:$0x1] =	stream.indirect_vreg.gather [hbm4b:s8+s3], $0x80, v5, vm0, $0xb8;
	[tilespmem:$0x18100] =	vst v63  }
0x65: {  	s24 =	simm.s32 $0xA100  }
0x66: {  	[tilespmem:s24], [sflag:$0x1] =	stream.indirect_vreg.gather [hbm4b:s9+s3], $0x80, v5, vm0, $0xb8;
	[tilespmem:$0x18100] =	vst v63  }
0x67: {  	s24 =	simm.s32 $0xA900  }
0x68: {  	[tilespmem:s24], [sflag:$0x1] =	stream.indirect_vreg.gather [hbm4b:s1+s3], $0x80, v4, vm0, $0xb8;
	[tilespmem:$0x18100] =	vst v63  }
0x69: {  	s24 =	simm.s32 $0xB100  }
0x6a: {  	[tilespmem:s24], [sflag:$0x1] =	stream.indirect_vreg.gather [hbm4b:s8+s3], $0x80, v4, vm0, $0xb8;
	[tilespmem:$0x18100] =	vst v63  }
0x6b: {  	s24 =	simm.s32 $0xB900  }
0x6c: {  	[tilespmem:s24], [sflag:$0x1] =	stream.indirect_vreg.gather [hbm4b:s9+s3], $0x80, v4, vm0, $0xb8;
	[tilespmem:$0x18100] =	vst v63  }
0x6d: {  	_ =	swait.ge [sflag:s14], $0xC000  }
0x6e: {  	s22 =	sor.u32 s5, s22;
	[sflag:s14] =	ssyncset.done $0x0  }
0x6f: {  	s23 =	simm.s32 @p0 $0x4;
	s22 =	sshrl.u32 s22, $0x3;
	[sflag:s14] =	ssyncadd.s32 $0xFFFF4000  }
0x70: {  	s24 =	smul.u32 $0x300, s22;
	_ =	swait.ge @p0 [sflag:s23], $0xC000  }
0x71: {  	[sflag:s23] =	ssyncset.done @p0 $0x0  }
0x72: {  	s24 =	sadd.s32 s6, s24;
	[sflag:s23] =	ssyncadd.s32 @p0 $0xFFFF4000;
	s23 =	sor.u32 $0x8, s22  }
0x73: {  	[hbm4b:s24+s3] =	stream.linear.scatter [tilespmem:s12], [sflag:$0x3], $0xC000, $0x38;
	[tilespmem:$0x18100] =	vst v63  }
0x74: {  	s24 =	sadd.s32 s4, s23  }
0x75: {  	[tilespmem:s25], [sflag:$0x5] =	stream.linear.gather [hbm4b:s24+s3], $0x40, $0x38;
	[tilespmem:$0x18100] =	vst v63  }
0x76: {  	_ =	swait.ge [sflag:s11], $0x40  }
0x77: {  	[sflag:s11] =	ssyncset.done $0x0  }
0x78: {  	[sflag:s11] =	ssyncadd.s32 $0xFFFFFFC0  }
0x79: {  	v4 =	vld [tilespmem:$0x80];
	_ =	sdelay $0x4  }
0x7a: {  	v5 =	vshrl.u32 v4, $0x3  }
0x7b: {  	v5 =	vmul.u32 $0x30, v5  }
0x7c: {  	v4 =	vand.u32 $0x7, v4  }
0x7d: {  	v4 =	vor.u32 v4, v5  }
0x7e: {  	v5 =	vperm.xlane v4, v0;
	_ =	sdelay $0x1  }
0x7f: {  	v5 =	vadd.s32 v1, v5;
	_ =	sdelay $0x3  }
0x80: {  	v4 =	vperm.xlane v4, v3  }
0x81: {  	[tilespmem:s16], [sflag:$0x2] =	stream.indirect_vreg.gather [hbm4b:s1+s3], $0x80, v5, vm0, $0xb8;
	[tilespmem:$0x18100] =	vst v63  }
0x82: {  	s24 =	simm.s32 $0xC900;
	v4 =	vadd.s32 v1, v4  }
0x83: {  	[tilespmem:s24], [sflag:$0x2] =	stream.indirect_vreg.gather [hbm4b:s8+s3], $0x80, v5, vm0, $0xb8;
	[tilespmem:$0x18100] =	vst v63  }
0x84: {  	s24 =	simm.s32 $0xD100  }
0x85: {  	[tilespmem:s24], [sflag:$0x2] =	stream.indirect_vreg.gather [hbm4b:s9+s3], $0x80, v5, vm0, $0xb8;
	[tilespmem:$0x18100] =	vst v63  }
0x86: {  	s24 =	simm.s32 $0xD900  }
0x87: {  	[tilespmem:s24], [sflag:$0x2] =	stream.indirect_vreg.gather [hbm4b:s1+s3], $0x80, v4, vm0, $0xb8;
	[tilespmem:$0x18100] =	vst v63  }
0x88: {  	s24 =	simm.s32 $0xE100  }
0x89: {  	[tilespmem:s24], [sflag:$0x2] =	stream.indirect_vreg.gather [hbm4b:s8+s3], $0x80, v4, vm0, $0xb8;
	[tilespmem:$0x18100] =	vst v63  }
0x8a: {  	s24 =	simm.s32 $0xE900  }
0x8b: {  	[tilespmem:s24], [sflag:$0x2] =	stream.indirect_vreg.gather [hbm4b:s9+s3], $0x80, v4, vm0, $0xb8;
	[tilespmem:$0x18100] =	vst v63  }
0x8c: {  	v4 =	vld [tilespmem:$0x90];
	_ =	sdelay $0x4  }
0x8d: {  	v5 =	vshrl.u32 v4, $0x3  }
0x8e: {  	v5 =	vmul.u32 $0x30, v5  }
0x8f: {  	v4 =	vand.u32 $0x7, v4  }
0x90: {  	v4 =	vor.u32 v4, v5  }
0x91: {  	v5 =	vperm.xlane v4, v0;
	_ =	sdelay $0x1  }
0x92: {  	v5 =	vadd.s32 v1, v5;
	_ =	sdelay $0x3  }
0x93: {  	s24 =	simm.s32 $0xF100;
	v4 =	vperm.xlane v4, v3  }
0x94: {  	[tilespmem:s24], [sflag:$0x2] =	stream.indirect_vreg.gather [hbm4b:s1+s3], $0x80, v5, vm0, $0xb8;
	[tilespmem:$0x18100] =	vst v63  }
0x95: {  	v4 =	vadd.s32 v1, v4;
	s24 =	simm.s32 $0xF900  }
0x96: {  	[tilespmem:s24], [sflag:$0x2] =	stream.indirect_vreg.gather [hbm4b:s8+s3], $0x80, v5, vm0, $0xb8;
	[tilespmem:$0x18100] =	vst v63  }
0x97: {  	s24 =	simm.s32 $0x10100  }
0x98: {  	[tilespmem:s24], [sflag:$0x2] =	stream.indirect_vreg.gather [hbm4b:s9+s3], $0x80, v5, vm0, $0xb8;
	[tilespmem:$0x18100] =	vst v63  }
0x99: {  	s24 =	simm.s32 $0x10900  }
0x9a: {  	[tilespmem:s24], [sflag:$0x2] =	stream.indirect_vreg.gather [hbm4b:s1+s3], $0x80, v4, vm0, $0xb8;
	[tilespmem:$0x18100] =	vst v63  }
0x9b: {  	_ = 	snop  }
0x9c: {  	[tilespmem:s26], [sflag:$0x2] =	stream.indirect_vreg.gather [hbm4b:s8+s3], $0x80, v4, vm0, $0xb8;
	[tilespmem:$0x18100] =	vst v63  }
0x9d: {  	_ = 	snop  }
0x9e: {  	[tilespmem:s28], [sflag:$0x2] =	stream.indirect_vreg.gather [hbm4b:s9+s3], $0x80, v4, vm0, $0xb8;
	[tilespmem:$0x18100] =	vst v63  }
0x9f: {  	v4 =	vld [tilespmem:$0xA0];
	_ =	sdelay $0x4  }
0xa0: {  	v5 =	vshrl.u32 v4, $0x3  }
0xa1: {  	v5 =	vmul.u32 $0x30, v5  }
0xa2: {  	v4 =	vand.u32 $0x7, v4  }
0xa3: {  	v4 =	vor.u32 v4, v5  }
0xa4: {  	v5 =	vperm.xlane v4, v0;
	_ =	sdelay $0x1  }
0xa5: {  	v5 =	vadd.s32 v1, v5;
	_ =	sdelay $0x3  }
0xa6: {  	v4 =	vperm.xlane v4, v3  }
0xa7: {  	[tilespmem:s29], [sflag:$0x2] =	stream.indirect_vreg.gather [hbm4b:s1+s3], $0x80, v5, vm0, $0xb8;
	[tilespmem:$0x18100] =	vst v63  }
0xa8: {  	v4 =	vadd.s32 v1, v4  }
0xa9: {  	[tilespmem:s30], [sflag:$0x2] =	stream.indirect_vreg.gather [hbm4b:s8+s3], $0x80, v5, vm0, $0xb8;
	[tilespmem:$0x18100] =	vst v63  }
0xaa: {  	_ = 	snop  }
0xab: {  	[tilespmem:s31], [sflag:$0x2] =	stream.indirect_vreg.gather [hbm4b:s9+s3], $0x80, v5, vm0, $0xb8;
	[tilespmem:$0x18100] =	vst v63  }
0xac: {  	_ = 	snop  }
0xad: {  	[tilespmem:s0], [sflag:$0x2] =	stream.indirect_vreg.gather [hbm4b:s1+s3], $0x80, v4, vm0, $0xb8;
	[tilespmem:$0x18100] =	vst v63  }
0xae: {  	_ = 	snop  }
0xaf: {  	[tilespmem:s2], [sflag:$0x2] =	stream.indirect_vreg.gather [hbm4b:s8+s3], $0x80, v4, vm0, $0xb8;
	[tilespmem:$0x18100] =	vst v63  }
0xb0: {  	_ = 	snop  }
0xb1: {  	[tilespmem:s7], [sflag:$0x2] =	stream.indirect_vreg.gather [hbm4b:s9+s3], $0x80, v4, vm0, $0xb8;
	[tilespmem:$0x18100] =	vst v63  }
0xb2: {  	v4 =	vld [tilespmem:$0xB0];
	_ =	sdelay $0x4  }
0xb3: {  	v5 =	vshrl.u32 v4, $0x3  }
0xb4: {  	v5 =	vmul.u32 $0x30, v5  }
0xb5: {  	v4 =	vand.u32 $0x7, v4  }
0xb6: {  	v4 =	vor.u32 v4, v5  }
0xb7: {  	v5 =	vperm.xlane v4, v0;
	_ =	sdelay $0x1  }
0xb8: {  	v5 =	vadd.s32 v1, v5;
	_ =	sdelay $0x3  }
0xb9: {  	v4 =	vperm.xlane v4, v3  }
0xba: {  	[tilespmem:s10], [sflag:$0x2] =	stream.indirect_vreg.gather [hbm4b:s1+s3], $0x80, v5, vm0, $0xb8;
	[tilespmem:$0x18100] =	vst v63  }
0xbb: {  	v4 =	vadd.s32 v1, v4  }
0xbc: {  	[tilespmem:s13], [sflag:$0x2] =	stream.indirect_vreg.gather [hbm4b:s8+s3], $0x80, v5, vm0, $0xb8;
	[tilespmem:$0x18100] =	vst v63  }
0xbd: {  	_ = 	snop  }
0xbe: {  	[tilespmem:s15], [sflag:$0x2] =	stream.indirect_vreg.gather [hbm4b:s9+s3], $0x80, v5, vm0, $0xb8;
	[tilespmem:$0x18100] =	vst v63  }
0xbf: {  	_ = 	snop  }
0xc0: {  	[tilespmem:s17], [sflag:$0x2] =	stream.indirect_vreg.gather [hbm4b:s1+s3], $0x80, v4, vm0, $0xb8;
	[tilespmem:$0x18100] =	vst v63  }
0xc1: {  	_ = 	snop  }
0xc2: {  	[tilespmem:s18], [sflag:$0x2] =	stream.indirect_vreg.gather [hbm4b:s8+s3], $0x80, v4, vm0, $0xb8;
	[tilespmem:$0x18100] =	vst v63  }
0xc3: {  	_ = 	snop  }
0xc4: {  	[tilespmem:s19], [sflag:$0x2] =	stream.indirect_vreg.gather [hbm4b:s9+s3], $0x80, v4, vm0, $0xb8;
	[tilespmem:$0x18100] =	vst v63  }
0xc5: {  	_ =	swait.ge [sflag:s20], $0xC000  }
0xc6: {  	[sflag:s20] =	ssyncset.done $0x0  }
.Ltmp2:
0xc7: {  	[sflag:s20] =	ssyncadd.s32 $0xFFFF4000;
	(pc) =	sbr.rel @p0 .LBB2_4-.Ltmp2, $4  }
0xc8: {  	s23 =	smul.u32 $0x300, s23;
	_ =	swait.ge [sflag:s21], $0xC000  }
0xc9: {  	[sflag:s21] =	ssyncset.done $0x0  }
0xca: {  	s23 =	sadd.s32 s6, s23;
	[sflag:s21] =	ssyncadd.s32 $0xFFFF4000  }
0xcb: {  	[hbm4b:s23+s3] =	stream.linear.scatter [tilespmem:s16], [sflag:$0x4], $0xC000, $0x38;
	[tilespmem:$0x18100] =	vst v63  }
0xcc: {  	s22 =	sadd.s32 s4, s22  }
0xcd: {  	s22 =	sadd.s32 $0x10, s22  }
0xce: {  	[tilespmem:s3], [sflag:$0x5] =	stream.linear.gather [hbm4b:s22+s3], $0x40, $0x38;
	[tilespmem:$0x18100] =	vst v63  }
0xcf: {  	_ =	swait.ge [sflag:s11], $0x40  }
0xd0: {  	[sflag:s11] =	ssyncset.done $0x0  }
0xd1: {  	[sflag:s11] =	ssyncadd.s32 $0xFFFFFFC0  }
0xd2: {  	v4 =	vld [tilespmem:$0x0];
	_ =	sdelay $0x4  }
0xd3: {  	v5 =	vshrl.u32 v4, $0x3  }
0xd4: {  	v5 =	vmul.u32 $0x30, v5  }
0xd5: {  	v4 =	vand.u32 $0x7, v4  }
0xd6: {  	v4 =	vor.u32 v4, v5  }
0xd7: {  	v5 =	vperm.xlane v4, v0;
	_ =	sdelay $0x1  }
0xd8: {  	v5 =	vadd.s32 v1, v5;
	_ =	sdelay $0x2  }
.Ltmp3:
0xd9: {  	_ = 	snop;
	(pc) =	sbr.rel .LBB2_2-.Ltmp3, $4  }
0xda: {  	_ = 	snop  }
0xdb: {  	[tilespmem:s12], [sflag:$0x1] =	stream.indirect_vreg.gather [hbm4b:s1+s3], $0x80, v5, vm0, $0xb8;
	[tilespmem:$0x18100] =	vst v63  }
0xdc: {  	s24 =	simm.s32 $0x900;
	p0 =	por $0x1, $0x1;
	s22 =	simm.s32 $0x80  }
0xdd: {  	[tilespmem:s24], [sflag:$0x1] =	stream.indirect_vreg.gather [hbm4b:s8+s3], $0x80, v5, vm0, $0xb8;
	[tilespmem:$0x18100] =	vst v63  }
.LBB2_5:
0xde: {  	_ =	sfence.sel $0x180000  }
0xdf: {  	[bflag:$0x0] =	sbarrier.arrive $0xFFFF  }
0xe0: {  	_ =	strace $0x90000047  }
0xe1: {  	s0 =	stileid.u32;
	[bflag:$0x2] =	sbarrier.arrive $0xFFFF  }
0xe2: {  	p0 =	sne.s32 s0, $0x0;
	s0 =	rddreg [dreg:$0x2]  }
0xe3: {  	s0 =	sadd.s32 @!p0 $0x100000, s0  }
0xe4: {  	[sflag:s0] =	ssyncadd.tile.s32 @!p0 $0x1;
	_ =	shalt  }
.Lfunc_end2:
_tile_overlayer_lowered:
.L_overlay_start_2:
0xe5: {  	(tag) =	ssettag $0x2  }
0xe6: {  	s0 =	rddreg [dreg:$0x0];
	s2 =	stileid.u32  }
0xe7: {  	s1 =	rddreg [dreg:$0x1];
	p0 =	sne.s32 s2, $0x0  }
0xe8: {  	s3 =	rddreg [dreg:$0x2];
	[bflag:$0x3] =	sbarrier.arrive $0xFFFF;
	s2 =	simm.s32 @!p0 $0x1C05  }
0xe9: {  	[timem:s3], [sflag:s2] =	dma.local @!p0 [hbm:s0], s1  }
0xea: {  	s0 =	simm.s32 @!p0 $0x5  }
0xeb: {  	_ =	swait.ge @!p0 [sflag:s0], s1  }
0xec: {  	s1 =	ssub.s32 @!p0 $0x0, s1;
	[sflag:s0] =	ssyncset.done @!p0 $0x0  }
0xed: {  	[sflag:s0] =	ssyncadd.s32 @!p0 s1  }
0xee: {  	[bflag:$0x3] =	sbarrier.arrive $0xFFFF  }
0xef: {  	_ =	shalt  }

// kernel: kernel.21.cloned.1.call-start
scs
__scs_entry_jumppad:
0x0: {  	(pc) =	sbr.rel $0x88, $3  }
0x1: {  	(tag) =	ssettag $0x0;
	lr =	simm.s32 $0x1  }
0x2: {  	[smem:$0x3F9A] =	sst lr;
	_ =	strace $0xD0000000  }
0x3: {  	_ = 	snop  }
0x4: {  	_ = 	snop  }
0x5: {  	_ = 	snop  }
0x6: {  	_ = 	snop  }
0x7: {  	_ = 	snop  }
__scs_overlays_trampoline_lowered:
0x8: {  	[smem:$0x3FA9] =	sst s0  }
0x9: {  	[smem:$0x3FAA] =	sst s1  }
0xa: {  	[smem:$0x3FAB] =	sst s2  }
0xb: {  	[smem:$0x3FAC] =	sst s3  }
0xc: {  	[smem:$0x3FAD] =	sst s4  }
0xd: {  	[smem:$0x3FAE] =	sst s5  }
0xe: {  	[smem:$0x3FAF] =	sst s6  }
0xf: {  	[smem:$0x3FB0] =	sst s7  }
0x10: {  	[smem:$0x3FB1] =	sst s8  }
0x11: {  	[smem:$0x3FB2] =	sst s9;
	s0 =	simm.s32 @!p0 $0x0  }
0x12: {  	s1 =	sld [smem:$0x3F98];
	s0 =	simm.s32 @p0 $0x1  }
0x13: {  	[smem:$0x3FB3] =	sst s0;
	s0 =	simm.s32 @!p1 $0x0  }
0x14: {  	s2 =	sld [smem:$0x3F97];
	s0 =	simm.s32 @p1 $0x1  }
0x15: {  	[smem:$0x3FB4] =	sst s0;
	s0 =	simm.s32 @!p2 $0x0  }
0x16: {  	s3 =	sld [smem:$0x3FDB];
	s0 =	simm.s32 @p2 $0x1  }
0x17: {  	s4 =	simm.s32 $0x1BF5;
	[smem:$0x3FB6] =	sst s0  }
0x18: {  	s0 =	sld [smem:$0x3F99];
	_ =	swait.ge [sflag:s4], $0x0  }
0x19: {  	s7 =	sld [smem:$0x3F9A]  }
0x1a: {  	s8 =	sadd.s32 $0xFFFFE003, lr  }
0x1b: {  	s9 =	sadd.s32 $0xFFFFFEF7, lr;
	s5 =	simm.s32 $0xFFFFFFFF;
	p2 =	slt.u32 s8, $0xFFFFF086  }
0x1c: {  	p1 =	slt.u32 s9, $0xF7A;
	s5 =	simm.s32 @!p2 $0x0  }
0x1d: {  	s5 =	simm.s32 @p1 $0x1;
	p0 =	seq.s32 s7, s2  }
0x1e: {  	s7 =	smul.u32 @!p0 $0xF7A, s2;
	p2 =	seq.s32 @!p0 s5, $0x0  }
0x1f: {  	s9 =	smul.u32 $0xF7A, s1;
	s8 =	simm.s32 @!p0 $0x1BF5;
	p2 =	por !p2, p0  }
0x20: {  	[sflag:s8] =	ssyncset.s32 @!p0 $0xFFFFF086;
	s6 =	sadd.s32 @!p0 s3, s7;
	s7 =	simm.s32 @!p0 $0x108  }
0x21: {  	s3 =	sadd.s32 s3, s9;
	s6 =	sadd.s32 @!p0 $0x88, s6;
	s7 =	simm.s32 @p2 $0x1082  }
0x22: {  	[simem:s7], [sflag:s8] =	dma.local @!p0 [hbm:s6], $0xF7A  }
0x23: {  	s9 =	sor.u32 $0xD0000000, s2;
	s6 =	simm.s32 $0x108;
	_ =	swait.ge @!p0 [sflag:s8], $0x0  }
0x24: {  	s3 =	sadd.s32 $0x88, s3;
	s6 =	simm.s32 @!p1 $0x1082;
	[sflag:s4] =	ssyncset.s32 $0xFFFFF086  }
0x25: {  	[simem:s6], [sflag:s4] =	dma.local [hbm:s3], $0xF7A  }
0x26: {  	[smem:$0x3F9A] =	sst s1;
	(tag) =	ssettag s2;
	_ =	strace s9  }
0x27: {  	s1 =	sld [smem:$0x3FAA]  }
0x28: {  	s2 =	sld [smem:$0x3FAB]  }
0x29: {  	s4 =	sld [smem:$0x3FAD]  }
0x2a: {  	p0 =	seq.s32 s5, $0x0;
	s5 =	sld [smem:$0x3FAE]  }
0x2b: {  	s6 =	sld [smem:$0x3FAF]  }
0x2c: {  	s7 =	sld [smem:$0x3FB0]  }
0x2d: {  	s3 =	simm.s32 $0x108;
	s8 =	sld [smem:$0x3FB1]  }
0x2e: {  	s3 =	simm.s32 @!p0 $0x1082;
	s9 =	sld [smem:$0x3FB2]  }
0x2f: {  	lr =	sadd.s32 s0, s3;
	s0 =	sld [smem:$0x3FA9]  }
0x30: {  	s3 =	sld [smem:$0x3FAC]  }
0x31: {  	[smem:$0x3FB5] =	sst s10  }
0x32: {  	s10 =	sld [smem:$0x3FB3];
	_ =	sdelay $0x3  }
0x33: {  	p0 =	seq.s32 s10, $0x1;
	s10 =	sld [smem:$0x3FB5];
	_ =	sdelay $0x3  }
0x34: {  	[smem:$0x3FB5] =	sst s10  }
0x35: {  	s10 =	sld [smem:$0x3FB4];
	_ =	sdelay $0x3  }
0x36: {  	p1 =	seq.s32 s10, $0x1;
	s10 =	sld [smem:$0x3FB5];
	_ =	sdelay $0x3  }
0x37: {  	[smem:$0x3FB5] =	sst s10  }
0x38: {  	s10 =	sld [smem:$0x3FB6]  }
0x39: {  	_ = 	snop;
	(pc) =	sbr.ind lr, $3  }
0x3a: {  	_ = 	snop  }
0x3b: {  	_ = 	snop  }
0x3c: {  	p2 =	seq.s32 s10, $0x1;
	s10 =	sld [smem:$0x3FB5]  }
0x3d: {  	_ =	shalt  }
0x3e: {  	_ =	shalt  }
0x3f: {  	_ =	shalt  }
0x40: {  	_ =	shalt  }
0x41: {  	_ =	shalt  }
0x42: {  	_ =	shalt  }
0x43: {  	_ =	shalt  }
0x44: {  	_ =	shalt  }
0x45: {  	_ =	shalt  }
0x46: {  	_ =	shalt  }
0x47: {  	_ =	shalt  }
0x48: {  	_ =	shalt  }
0x49: {  	_ =	shalt  }
0x4a: {  	_ =	shalt  }
0x4b: {  	_ =	shalt  }
0x4c: {  	_ =	shalt  }
0x4d: {  	_ =	shalt  }
0x4e: {  	_ =	shalt  }
0x4f: {  	_ =	shalt  }
0x50: {  	_ =	shalt  }
0x51: {  	_ =	shalt  }
0x52: {  	_ =	shalt  }
0x53: {  	_ =	shalt  }
0x54: {  	_ =	shalt  }
0x55: {  	_ =	shalt  }
0x56: {  	_ =	shalt  }
0x57: {  	_ =	shalt  }
0x58: {  	_ =	shalt  }
0x59: {  	_ =	shalt  }
0x5a: {  	_ =	shalt  }
0x5b: {  	_ =	shalt  }
0x5c: {  	_ =	shalt  }
0x5d: {  	_ =	shalt  }
0x5e: {  	_ =	shalt  }
0x5f: {  	_ =	shalt  }
0x60: {  	_ =	shalt  }
0x61: {  	_ =	shalt  }
0x62: {  	_ =	shalt  }
0x63: {  	_ =	shalt  }
0x64: {  	_ =	shalt  }
0x65: {  	_ =	shalt  }
0x66: {  	_ =	shalt  }
0x67: {  	_ =	shalt  }
0x68: {  	_ =	shalt  }
0x69: {  	_ =	shalt  }
0x6a: {  	_ =	shalt  }
0x6b: {  	_ =	shalt  }
0x6c: {  	_ =	shalt  }
0x6d: {  	_ =	shalt  }
0x6e: {  	_ =	shalt  }
0x6f: {  	_ =	shalt  }
0x70: {  	_ =	shalt  }
0x71: {  	_ =	shalt  }
0x72: {  	_ =	shalt  }
0x73: {  	_ =	shalt  }
0x74: {  	_ =	shalt  }
0x75: {  	_ =	shalt  }
0x76: {  	_ =	shalt  }
0x77: {  	_ =	shalt  }
0x78: {  	_ =	shalt  }
0x79: {  	_ =	shalt  }
0x7a: {  	_ =	shalt  }
0x7b: {  	_ =	shalt  }
0x7c: {  	_ =	shalt  }
0x7d: {  	_ =	shalt  }
0x7e: {  	_ =	shalt  }
0x7f: {  	_ =	shalt  }
0x80: {  	_ =	shalt  }
0x81: {  	_ =	shalt  }
0x82: {  	_ =	shalt  }
0x83: {  	_ =	shalt  }
0x84: {  	_ =	shalt  }
0x85: {  	_ =	shalt  }
0x86: {  	_ =	shalt  }
0x87: {  	_ =	shalt  }
.Lfunc_end0:
.L_simem_size_0:
called_computation.1_lowered:
.L_overlay_start_0:
0x88: {  	s2 =	sld [smem:$0x3FD9]  }
0x89: {  	s3 =	sld [smem:$0x3FFE];
	_ =	sdelay $0x1  }
0x8a: {  	s1 =	srdreg.scid  }
0x8b: {  	s0 =	sand.u32 $0x1, s1  }
0x8c: {  	s17 =	sshll.u32 s0, $0xA;
	s2 =	sadd.s32 s3, s2  }
0x8d: {  	s2 =	sadd.s32 s2, s17  }
0x8e: {  	[smem:$0x3FC1] =	sst s2  }
0x8f: {  	_ = 	snop  }
0x90: {  	s18 =	sld [smem:$0x3FC7];
	(tm) =	ssettm $0x1  }
0x91: {  	s19 =	sld [smem:$0x3FFB];
	_ =	sdelay $0x3  }
0x92: {  	_ =	strace s19  }
0x93: {  	s2 =	sld [smem:$0x3FFC];
	_ =	sdelay $0x3  }
0x94: {  	_ =	strace s2  }
0x95: {  	s2 =	sld [smem:$0x3FFD];
	_ =	sdelay $0x3  }
0x96: {  	_ =	strace s2  }
0x97: {  	_ =	strace $0x8FFFFFFF  }
0x98: {  	s20 =	sld [smem:$0x3FDB];
	_ =	sdelay $0x1  }
0x99: {  	s4 =	simm.s32 $_scs_section_size  }
0x9a: {  	s5 =	simm.s32 $_size__tile_overlayer_lowered;
	s6 =	simm.s32 $_tile_overlayer_lowered  }
0x9b: {  	s7 =	simm.s32 $0x1BFF;
	s21 =	sshll.u32 s6, $0x1;
	s4 =	sadd.s32 s4, s20  }
0x9c: {  	s22 =	simm.s32 $0x0;
	s5 =	sshll.u32 s5, $0x1;
	s6 =	sadd.s32 s21, s4  }
0x9d: {  	[timem:s22], [sflag:s7] =	dma.local [hbm:s6], s5  }
0x9e: {  	_ =	swait.ge [sflag:s7], s5  }
0x9f: {  	s5 =	ssub.s32 $0x0, s5;
	[sflag:s7] =	ssyncset.done $0x0  }
0xa0: {  	[sflag:s7] =	ssyncadd.s32 s5;
	_ =	sdelay $0x1  }
0xa1: {  	s23 =	simm.s32 $0x1B8B  }
0xa2: {  	_ =	swait.ge [sflag:s23], $0x1  }
0xa3: {  	[sflag:s23] =	ssyncset.done $0x0  }
0xa4: {  	[sflag:s23] =	ssyncadd.s32 $0xFFFFFFFF  }
0xa5: {  	s5 =	sld [smem:$0x0]  }
0xa6: {  	s6 =	sand.u32 $0xFFFFFFFE, s1  }
0xa7: {  	p0 =	sne.s32 s1, s6  }
0xa8: {  	s6 =	sshll.u32 @p0 s6, $0xE  }
0xa9: {  	s6 =	sadd.s32 @p0 $0x11B8D, s6;
	s7 =	sshll.u32 @p0 s5, $0x11  }
0xaa: {  	s6 =	sor.u32 @p0 s7, s6  }
0xab: {  	[sflag:s6] =	ssyncadd.remote.s32 @p0 $0x1;
	_ =	sdelay $0x1  }
0xac: {  	s6 =	simm.s32 @p0 $0x1B8D  }
0xad: {  	_ =	swait.eq @p0 [sflag:s6], $0x1  }
0xae: {  	[sflag:s6] =	ssyncadd.s32 @p0 $0xFFFFFFFF  }
0xaf: {  	s7 =	sshll.u32 @!p0 s1, $0xE  }
0xb0: {  	s7 =	sor.u32 @!p0 $0x4000, s7;
	s6 =	simm.s32 @!p0 $0x1B8D  }
0xb1: {  	s5 =	sshll.u32 @!p0 s5, $0x11;
	s7 =	sadd.s32 @!p0 $0x11B8D, s7;
	_ =	swait.eq @!p0 [sflag:s6], $0x1  }
0xb2: {  	s5 =	sor.u32 @!p0 s5, s7;
	[sflag:s6] =	ssyncadd.s32 @!p0 $0xFFFFFFFF  }
0xb3: {  	s25 =	simm.s32 $0x1B8E;
	s24 =	sld [smem:$0x3FFE];
	[sflag:s5] =	ssyncadd.remote.s32 @!p0 $0x1  }
0xb4: {  	s26 =	simm.s32 $execute0_lowered;
	[smem:$0x3FD2] =	sst s25  }
0xb5: {  	s6 =	sshll.u32 s26, $0x1;
	_ =	strace $0x80000049;
	[dreg:$0x1] =	wrdreg $0xFFFFFFFF  }
0xb6: {  	s28 =	simm.s32 $_size_execute0_lowered;
	s4 =	sadd.s32 s4, s6;
	[dreg:$0x0] =	wrdreg $0x0  }
0xb7: {  	s6 =	sshll.u32 s28, $0x1;
	[dreg:$0x2] =	wrdreg s4  }
0xb8: {  	[dreg:$0x3] =	wrdreg s6  }
0xb9: {  	[dreg:$0x4] =	wrdreg $0xC0  }
0xba: {  	_ =	task [dreg:s22], $0x5FFFF  }
0xbb: {  	[dreg:$0x1] =	wrdreg $0xFFFFFFFF  }
0xbc: {  	[dreg:$0x0] =	wrdreg $0x60  }
0xbd: {  	[dreg:$0x2] =	wrdreg s24  }
0xbe: {  	[dreg:$0x3] =	wrdreg s18  }
0xbf: {  	[dreg:$0x4] =	wrdreg $0xA  }
0xc0: {  	_ =	task.clear_ibuf [dreg:s22], $0x5FFFF;
	_ =	strace $0x90000049  }
0xc1: {  	s29 =	simm.s32 $0xA;
	_ =	strace $0x8000004B  }
0xc2: {  	_ =	swait.ge [sflag:s29], $0x1  }
0xc3: {  	[sflag:s29] =	ssyncadd.s32 $0xFFFFFFFF  }
0xc4: {  	_ =	strace $0x9000004B  }
0xc5: {  	_ =	sfence  }
0xc6: {  	s30 =	sld [smem:$0x0];
	_ =	sdelay $0x2  }
0xc7: {  	s31 =	sshll.u32 s1, $0xD;
	s1 =	sshrl.u32 s1, $0x2  }
0xc8: {  	s4 =	sand.u32 $0x4000, s31;
	s1 =	sadd.s32 s1, s30  }
0xc9: {  	s0 =	sor.u32 s4, s0;
	s1 =	sshll.u32 s1, $0x11  }
0xca: {  	s0 =	sor.u32 s1, s0  }
0xcb: {  	s0 =	sadd.s32 $0x8F2B, s0  }
0xcc: {  	[sflag:s0] =	ssyncadd.remote.s32 $0x1  }
0xcd: {  	_ =	sfence.sel $0xFFFF  }
0xce: {  	[dreg:$0x0] =	wrdreg $0xFFFFFFFF;
	(pc) =	sbr.abs _section_cstart, $3  }
0xcf: {  	[dreg:$0x1] =	wrdreg $0xFFFFFFFF  }
0xd0: {  	_ =	task.clear_ibuf [dreg:s22], $0x2FFFF;
	_ =	strace $0x9FFFFFFF  }
0xd1: {  	(tm) =	ssettm $0x7FFFFFFF  }
tec
execute0_lowered:
.L_overlay_start_1:
0x0: {  	(tag) =	ssettag $0x1  }
0x1: {  	s0 =	rddreg [dreg:$0x0]  }
0x2: {  	s1 =	rddreg [dreg:$0x1];
	s3 =	simm.s32 $0x0;
	s2 =	srdreg.scid  }
0x3: {  	s4 =	stileid.u32;
	s11 =	simm.s32 $0x5;
	s12 =	simm.s32 $0x100  }
0x4: {  	s14 =	simm.s32 $0x1;
	s16 =	simm.s32 $0xC100;
	s28 =	simm.s32 $0x11900  }
0x5: {  	s29 =	simm.s32 $0x12100;
	s30 =	simm.s32 $0x12900;
	s31 =	simm.s32 $0x13100  }
0x6: {  	s10 =	simm.s32 $0x15100;
	s13 =	simm.s32 $0x15900;
	s15 =	simm.s32 $0x16100  }
0x7: {  	s17 =	simm.s32 $0x16900;
	s18 =	simm.s32 $0x17100;
	s19 =	simm.s32 $0x17900  }
0x8: {  	s20 =	simm.s32 $0x2;
	s21 =	simm.s32 $0x3;
	s24 =	simm.s32 $0x0  }
0x9: {  	[smem:$0x7FF] =	sst s3;
	s2 =	sand.u32 $0x1, s2;
	s5 =	sshll.u32 s4, $0x9  }
0xa: {  	s4 =	sadd.s32 $0xC6400, s0;
	s8 =	sadd.s32 $0x100, s1;
	s9 =	sadd.s32 $0x200, s1  }
0xb: {  	_ =	strace $0x8000004A;
	s6 =	sshll.u32 s2, $0x8;
	s2 =	ssub.s32 $0x2, s2  }
.Ltmp0:
0xc: {  	s5 =	sor.u32 s6, s5;
	s25 =	sshrl.u32 s2, $0x1;
	(pc) =	sbr.rel .LBB2_1-.Ltmp0, $4  }
0xd: {  	s6 =	sadd.s32 $0xC6800, s0;
	s7 =	sshrl.u32 s5, $0x3;
	s0 =	ssub.s32 s2, s25  }
0xe: {  	v3 =	vlaneseq.u32;
	s2 =	simm.s32 $0x14100;
	s25 =	simm.s32 $0x80;
	s26 =	sadd.s32 s4, s7  }
0xf: {  	vm0 =	vmmov $0xffff;
	v1 =	vshrl.u32 v3, $0x3;
	v0 =	vand.u32 $0x7, v3;
	s0 =	smax.u32 s0, $0x1;
	s7 =	simm.s32 $0x14900;
	[dreg:$0x3] =	wrdreg s26  }
0x10: {  	v3 =	vor.u32 $0x8, v3;
	v1 =	vmul.u32 $0x8, v1;
	v2 =	vor.u32 $0x8, v0;
	[dreg:$0x4] =	wrdreg s0;
	s26 =	simm.s32 $0x11100;
	s0 =	simm.s32 $0x13900  }
.LBB2_4:
0x11: {  	s23 =	simm.s32 $0x4  }
0x12: {  	_ =	swait.ge [sflag:s23], $0xC000  }
0x13: {  	s24 =	rddreg [dreg:$0x5]  }
0x14: {  	s22 =	rddreg [dreg:$0x4];
	s24 =	sadd.s32 $0x1, s24  }
0x15: {  	p0 =	sne.s32 s24, s22  }
.Ltmp1:
0x16: {  	_ = 	snop;
	(pc) =	sbr.rel @!p0 .LBB2_5-.Ltmp1, $3  }
0x17: {  	_ =	sdelay $0x1  }
0x18: {  	[sflag:s23] =	ssyncset.done $0x0  }
0x19: {  	[sflag:s23] =	ssyncadd.s32 $0xFFFF4000  }
.LBB2_1:
0x1a: {  	[dreg:$0x5] =	wrdreg s24  }
0x1b: {  	s22 =	rddreg [dreg:$0x3]  }
0x1c: {  	[tilespmem:s3], [sflag:$0x5] =	stream.linear.gather [hbm4b:s22+s3], $0x40, $0x38;
	[tilespmem:$0x18100] =	vst v63  }
0x1d: {  	_ =	swait.ge [sflag:s11], $0x40  }
0x1e: {  	[sflag:s11] =	ssyncset.done $0x0  }
0x1f: {  	[sflag:s11] =	ssyncadd.s32 $0xFFFFFFC0  }
0x20: {  	v4 =	vld [tilespmem:$0x0];
	_ =	sdelay $0x4  }
0x21: {  	v5 =	vshrl.u32 v4, $0x3  }
0x22: {  	v5 =	vmul.u32 $0x30, v5  }
0x23: {  	v4 =	vand.u32 $0x7, v4  }
0x24: {  	v4 =	vor.u32 v4, v5  }
0x25: {  	v5 =	vperm.xlane v4, v0;
	_ =	sdelay $0x1  }
0x26: {  	v5 =	vadd.s32 v1, v5;
	_ =	sdelay $0x4  }
0x27: {  	[tilespmem:s12], [sflag:$0x1] =	stream.indirect_vreg.gather [hbm4b:s1+s3], $0x80, v5, vm0, $0xb8;
	[tilespmem:$0x18100] =	vst v63  }
0x28: {  	s24 =	simm.s32 $0x900;
	p0 =	por $0x0, $0x0;
	s22 =	simm.s32 $0x0  }
0x29: {  	[tilespmem:s24], [sflag:$0x1] =	stream.indirect_vreg.gather [hbm4b:s8+s3], $0x80, v5, vm0, $0xb8;
	[tilespmem:$0x18100] =	vst v63  }
.LBB2_2:
0x2a: {  	v4 =	vperm.xlane v4, v2;
	_ =	sdelay $0x1  }
0x2b: {  	v4 =	vadd.s32 v1, v4;
	_ =	sdelay $0x1  }
0x2c: {  	s23 =	simm.s32 $0x1100  }
0x2d: {  	[tilespmem:s23], [sflag:$0x1] =	stream.indirect_vreg.gather [hbm4b:s9+s3], $0x80, v5, vm0, $0xb8;
	[tilespmem:$0x18100] =	vst v63  }
0x2e: {  	s24 =	simm.s32 $0x1900  }
0x2f: {  	[tilespmem:s24], [sflag:$0x1] =	stream.indirect_vreg.gather [hbm4b:s1+s3], $0x80, v4, vm0, $0xb8;
	[tilespmem:$0x18100] =	vst v63  }
0x30: {  	s24 =	simm.s32 $0x2100  }
0x31: {  	[tilespmem:s24], [sflag:$0x1] =	stream.indirect_vreg.gather [hbm4b:s8+s3], $0x80, v4, vm0, $0xb8;
	[tilespmem:$0x18100] =	vst v63  }
0x32: {  	s24 =	simm.s32 $0x2900  }
0x33: {  	[tilespmem:s24], [sflag:$0x1] =	stream.indirect_vreg.gather [hbm4b:s9+s3], $0x80, v4, vm0, $0xb8;
	[tilespmem:$0x18100] =	vst v63  }
0x34: {  	v4 =	vld [tilespmem:$0x10];
	_ =	sdelay $0x4  }
0x35: {  	v5 =	vshrl.u32 v4, $0x3  }
0x36: {  	v5 =	vmul.u32 $0x30, v5  }
0x37: {  	v4 =	vand.u32 $0x7, v4  }
0x38: {  	v4 =	vor.u32 v4, v5  }
0x39: {  	v5 =	vperm.xlane v4, v0;
	_ =	sdelay $0x1  }
0x3a: {  	v5 =	vadd.s32 v1, v5;
	_ =	sdelay $0x3  }
0x3b: {  	s24 =	simm.s32 $0x3100;
	v4 =	vperm.xlane v4, v2  }
0x3c: {  	[tilespmem:s24], [sflag:$0x1] =	stream.indirect_vreg.gather [hbm4b:s1+s3], $0x80, v5, vm0, $0xb8;
	[tilespmem:$0x18100] =	vst v63  }
0x3d: {  	v4 =	vadd.s32 v1, v4;
	s24 =	simm.s32 $0x3900  }
0x3e: {  	[tilespmem:s24], [sflag:$0x1] =	stream.indirect_vreg.gather [hbm4b:s8+s3], $0x80, v5, vm0, $0xb8;
	[tilespmem:$0x18100] =	vst v63  }
0x3f: {  	s24 =	simm.s32 $0x4100  }
0x40: {  	[tilespmem:s24], [sflag:$0x1] =	stream.indirect_vreg.gather [hbm4b:s9+s3], $0x80, v5, vm0, $0xb8;
	[tilespmem:$0x18100] =	vst v63  }
0x41: {  	s24 =	simm.s32 $0x4900  }
0x42: {  	[tilespmem:s24], [sflag:$0x1] =	stream.indirect_vreg.gather [hbm4b:s1+s3], $0x80, v4, vm0, $0xb8;
	[tilespmem:$0x18100] =	vst v63  }
0x43: {  	s24 =	simm.s32 $0x5100  }
0x44: {  	[tilespmem:s24], [sflag:$0x1] =	stream.indirect_vreg.gather [hbm4b:s8+s3], $0x80, v4, vm0, $0xb8;
	[tilespmem:$0x18100] =	vst v63  }
0x45: {  	s24 =	simm.s32 $0x5900  }
0x46: {  	[tilespmem:s24], [sflag:$0x1] =	stream.indirect_vreg.gather [hbm4b:s9+s3], $0x80, v4, vm0, $0xb8;
	[tilespmem:$0x18100] =	vst v63  }
0x47: {  	v4 =	vld [tilespmem:$0x20];
	_ =	sdelay $0x4  }
0x48: {  	v5 =	vshrl.u32 v4, $0x3  }
0x49: {  	v5 =	vmul.u32 $0x30, v5  }
0x4a: {  	v4 =	vand.u32 $0x7, v4  }
0x4b: {  	v4 =	vor.u32 v4, v5  }
0x4c: {  	v5 =	vperm.xlane v4, v0;
	_ =	sdelay $0x1  }
0x4d: {  	v5 =	vadd.s32 v1, v5;
	_ =	sdelay $0x3  }
0x4e: {  	s24 =	simm.s32 $0x6100;
	v4 =	vperm.xlane v4, v2  }
0x4f: {  	[tilespmem:s24], [sflag:$0x1] =	stream.indirect_vreg.gather [hbm4b:s1+s3], $0x80, v5, vm0, $0xb8;
	[tilespmem:$0x18100] =	vst v63  }
0x50: {  	v4 =	vadd.s32 v1, v4;
	s24 =	simm.s32 $0x6900  }
0x51: {  	[tilespmem:s24], [sflag:$0x1] =	stream.indirect_vreg.gather [hbm4b:s8+s3], $0x80, v5, vm0, $0xb8;
	[tilespmem:$0x18100] =	vst v63  }
0x52: {  	s24 =	simm.s32 $0x7100  }
0x53: {  	[tilespmem:s24], [sflag:$0x1] =	stream.indirect_vreg.gather [hbm4b:s9+s3], $0x80, v5, vm0, $0xb8;
	[tilespmem:$0x18100] =	vst v63  }
0x54: {  	s24 =	simm.s32 $0x7900  }
0x55: {  	[tilespmem:s24], [sflag:$0x1] =	stream.indirect_vreg.gather [hbm4b:s1+s3], $0x80, v4, vm0, $0xb8;
	[tilespmem:$0x18100] =	vst v63  }
0x56: {  	s24 =	simm.s32 $0x8100  }
0x57: {  	[tilespmem:s24], [sflag:$0x1] =	stream.indirect_vreg.gather [hbm4b:s8+s3], $0x80, v4, vm0, $0xb8;
	[tilespmem:$0x18100] =	vst v63  }
0x58: {  	s24 =	simm.s32 $0x8900  }
0x59: {  	[tilespmem:s24], [sflag:$0x1] =	stream.indirect_vreg.gather [hbm4b:s9+s3], $0x80, v4, vm0, $0xb8;
	[tilespmem:$0x18100] =	vst v63  }
0x5a: {  	v4 =	vld [tilespmem:$0x30];
	_ =	sdelay $0x4  }
0x5b: {  	v5 =	vshrl.u32 v4, $0x3  }
0x5c: {  	v5 =	vmul.u32 $0x30, v5  }
0x5d: {  	v4 =	vand.u32 $0x7, v4  }
0x5e: {  	v4 =	vor.u32 v4, v5  }
0x5f: {  	v5 =	vperm.xlane v4, v0;
	_ =	sdelay $0x1  }
0x60: {  	v5 =	vadd.s32 v1, v5;
	_ =	sdelay $0x3  }
0x61: {  	s24 =	simm.s32 $0x9100;
	v4 =	vperm.xlane v4, v2  }
0x62: {  	[tilespmem:s24], [sflag:$0x1] =	stream.indirect_vreg.gather [hbm4b:s1+s3], $0x80, v5, vm0, $0xb8;
	[tilespmem:$0x18100] =	vst v63  }
0x63: {  	v4 =	vadd.s32 v1, v4;
	s24 =	simm.s32 $0x9900  }
0x64: {  	[tilespmem:s24], [sflag:$0x1] =	stream.indirect_vreg.gather [hbm4b:s8+s3], $0x80, v5, vm0, $0xb8;
	[tilespmem:$0x18100] =	vst v63  }
0x65: {  	s24 =	simm.s32 $0xA100  }
0x66: {  	[tilespmem:s24], [sflag:$0x1] =	stream.indirect_vreg.gather [hbm4b:s9+s3], $0x80, v5, vm0, $0xb8;
	[tilespmem:$0x18100] =	vst v63  }
0x67: {  	s24 =	simm.s32 $0xA900  }
0x68: {  	[tilespmem:s24], [sflag:$0x1] =	stream.indirect_vreg.gather [hbm4b:s1+s3], $0x80, v4, vm0, $0xb8;
	[tilespmem:$0x18100] =	vst v63  }
0x69: {  	s24 =	simm.s32 $0xB100  }
0x6a: {  	[tilespmem:s24], [sflag:$0x1] =	stream.indirect_vreg.gather [hbm4b:s8+s3], $0x80, v4, vm0, $0xb8;
	[tilespmem:$0x18100] =	vst v63  }
0x6b: {  	s24 =	simm.s32 $0xB900  }
0x6c: {  	[tilespmem:s24], [sflag:$0x1] =	stream.indirect_vreg.gather [hbm4b:s9+s3], $0x80, v4, vm0, $0xb8;
	[tilespmem:$0x18100] =	vst v63  }
0x6d: {  	_ =	swait.ge [sflag:s14], $0xC000  }
0x6e: {  	s22 =	sor.u32 s5, s22;
	[sflag:s14] =	ssyncset.done $0x0  }
0x6f: {  	s23 =	simm.s32 @p0 $0x4;
	s22 =	sshrl.u32 s22, $0x3;
	[sflag:s14] =	ssyncadd.s32 $0xFFFF4000  }
0x70: {  	s24 =	smul.u32 $0x300, s22;
	_ =	swait.ge @p0 [sflag:s23], $0xC000  }
0x71: {  	[sflag:s23] =	ssyncset.done @p0 $0x0  }
0x72: {  	s24 =	sadd.s32 s6, s24;
	[sflag:s23] =	ssyncadd.s32 @p0 $0xFFFF4000;
	s23 =	sor.u32 $0x8, s22  }
0x73: {  	[hbm4b:s24+s3] =	stream.linear.scatter [tilespmem:s12], [sflag:$0x3], $0xC000, $0x38;
	[tilespmem:$0x18100] =	vst v63  }
0x74: {  	s24 =	sadd.s32 s4, s23  }
0x75: {  	[tilespmem:s25], [sflag:$0x5] =	stream.linear.gather [hbm4b:s24+s3], $0x40, $0x38;
	[tilespmem:$0x18100] =	vst v63  }
0x76: {  	_ =	swait.ge [sflag:s11], $0x40  }
0x77: {  	[sflag:s11] =	ssyncset.done $0x0  }
0x78: {  	[sflag:s11] =	ssyncadd.s32 $0xFFFFFFC0  }
0x79: {  	v4 =	vld [tilespmem:$0x80];
	_ =	sdelay $0x4  }
0x7a: {  	v5 =	vshrl.u32 v4, $0x3  }
0x7b: {  	v5 =	vmul.u32 $0x30, v5  }
0x7c: {  	v4 =	vand.u32 $0x7, v4  }
0x7d: {  	v4 =	vor.u32 v4, v5  }
0x7e: {  	v5 =	vperm.xlane v4, v0;
	_ =	sdelay $0x1  }
0x7f: {  	v5 =	vadd.s32 v1, v5;
	_ =	sdelay $0x3  }
0x80: {  	v4 =	vperm.xlane v4, v3  }
0x81: {  	[tilespmem:s16], [sflag:$0x2] =	stream.indirect_vreg.gather [hbm4b:s1+s3], $0x80, v5, vm0, $0xb8;
	[tilespmem:$0x18100] =	vst v63  }
0x82: {  	s24 =	simm.s32 $0xC900;
	v4 =	vadd.s32 v1, v4  }
0x83: {  	[tilespmem:s24], [sflag:$0x2] =	stream.indirect_vreg.gather [hbm4b:s8+s3], $0x80, v5, vm0, $0xb8;
	[tilespmem:$0x18100] =	vst v63  }
0x84: {  	s24 =	simm.s32 $0xD100  }
0x85: {  	[tilespmem:s24], [sflag:$0x2] =	stream.indirect_vreg.gather [hbm4b:s9+s3], $0x80, v5, vm0, $0xb8;
	[tilespmem:$0x18100] =	vst v63  }
0x86: {  	s24 =	simm.s32 $0xD900  }
0x87: {  	[tilespmem:s24], [sflag:$0x2] =	stream.indirect_vreg.gather [hbm4b:s1+s3], $0x80, v4, vm0, $0xb8;
	[tilespmem:$0x18100] =	vst v63  }
0x88: {  	s24 =	simm.s32 $0xE100  }
0x89: {  	[tilespmem:s24], [sflag:$0x2] =	stream.indirect_vreg.gather [hbm4b:s8+s3], $0x80, v4, vm0, $0xb8;
	[tilespmem:$0x18100] =	vst v63  }
0x8a: {  	s24 =	simm.s32 $0xE900  }
0x8b: {  	[tilespmem:s24], [sflag:$0x2] =	stream.indirect_vreg.gather [hbm4b:s9+s3], $0x80, v4, vm0, $0xb8;
	[tilespmem:$0x18100] =	vst v63  }
0x8c: {  	v4 =	vld [tilespmem:$0x90];
	_ =	sdelay $0x4  }
0x8d: {  	v5 =	vshrl.u32 v4, $0x3  }
0x8e: {  	v5 =	vmul.u32 $0x30, v5  }
0x8f: {  	v4 =	vand.u32 $0x7, v4  }
0x90: {  	v4 =	vor.u32 v4, v5  }
0x91: {  	v5 =	vperm.xlane v4, v0;
	_ =	sdelay $0x1  }
0x92: {  	v5 =	vadd.s32 v1, v5;
	_ =	sdelay $0x3  }
0x93: {  	s24 =	simm.s32 $0xF100;
	v4 =	vperm.xlane v4, v3  }
0x94: {  	[tilespmem:s24], [sflag:$0x2] =	stream.indirect_vreg.gather [hbm4b:s1+s3], $0x80, v5, vm0, $0xb8;
	[tilespmem:$0x18100] =	vst v63  }
0x95: {  	v4 =	vadd.s32 v1, v4;
	s24 =	simm.s32 $0xF900  }
0x96: {  	[tilespmem:s24], [sflag:$0x2] =	stream.indirect_vreg.gather [hbm4b:s8+s3], $0x80, v5, vm0, $0xb8;
	[tilespmem:$0x18100] =	vst v63  }
0x97: {  	s24 =	simm.s32 $0x10100  }
0x98: {  	[tilespmem:s24], [sflag:$0x2] =	stream.indirect_vreg.gather [hbm4b:s9+s3], $0x80, v5, vm0, $0xb8;
	[tilespmem:$0x18100] =	vst v63  }
0x99: {  	s24 =	simm.s32 $0x10900  }
0x9a: {  	[tilespmem:s24], [sflag:$0x2] =	stream.indirect_vreg.gather [hbm4b:s1+s3], $0x80, v4, vm0, $0xb8;
	[tilespmem:$0x18100] =	vst v63  }
0x9b: {  	_ = 	snop  }
0x9c: {  	[tilespmem:s26], [sflag:$0x2] =	stream.indirect_vreg.gather [hbm4b:s8+s3], $0x80, v4, vm0, $0xb8;
	[tilespmem:$0x18100] =	vst v63  }
0x9d: {  	_ = 	snop  }
0x9e: {  	[tilespmem:s28], [sflag:$0x2] =	stream.indirect_vreg.gather [hbm4b:s9+s3], $0x80, v4, vm0, $0xb8;
	[tilespmem:$0x18100] =	vst v63  }
0x9f: {  	v4 =	vld [tilespmem:$0xA0];
	_ =	sdelay $0x4  }
0xa0: {  	v5 =	vshrl.u32 v4, $0x3  }
0xa1: {  	v5 =	vmul.u32 $0x30, v5  }
0xa2: {  	v4 =	vand.u32 $0x7, v4  }
0xa3: {  	v4 =	vor.u32 v4, v5  }
0xa4: {  	v5 =	vperm.xlane v4, v0;
	_ =	sdelay $0x1  }
0xa5: {  	v5 =	vadd.s32 v1, v5;
	_ =	sdelay $0x3  }
0xa6: {  	v4 =	vperm.xlane v4, v3  }
0xa7: {  	[tilespmem:s29], [sflag:$0x2] =	stream.indirect_vreg.gather [hbm4b:s1+s3], $0x80, v5, vm0, $0xb8;
	[tilespmem:$0x18100] =	vst v63  }
0xa8: {  	v4 =	vadd.s32 v1, v4  }
0xa9: {  	[tilespmem:s30], [sflag:$0x2] =	stream.indirect_vreg.gather [hbm4b:s8+s3], $0x80, v5, vm0, $0xb8;
	[tilespmem:$0x18100] =	vst v63  }
0xaa: {  	_ = 	snop  }
0xab: {  	[tilespmem:s31], [sflag:$0x2] =	stream.indirect_vreg.gather [hbm4b:s9+s3], $0x80, v5, vm0, $0xb8;
	[tilespmem:$0x18100] =	vst v63  }
0xac: {  	_ = 	snop  }
0xad: {  	[tilespmem:s0], [sflag:$0x2] =	stream.indirect_vreg.gather [hbm4b:s1+s3], $0x80, v4, vm0, $0xb8;
	[tilespmem:$0x18100] =	vst v63  }
0xae: {  	_ = 	snop  }
0xaf: {  	[tilespmem:s2], [sflag:$0x2] =	stream.indirect_vreg.gather [hbm4b:s8+s3], $0x80, v4, vm0, $0xb8;
	[tilespmem:$0x18100] =	vst v63  }
0xb0: {  	_ = 	snop  }
0xb1: {  	[tilespmem:s7], [sflag:$0x2] =	stream.indirect_vreg.gather [hbm4b:s9+s3], $0x80, v4, vm0, $0xb8;
	[tilespmem:$0x18100] =	vst v63  }
0xb2: {  	v4 =	vld [tilespmem:$0xB0];
	_ =	sdelay $0x4  }
0xb3: {  	v5 =	vshrl.u32 v4, $0x3  }
0xb4: {  	v5 =	vmul.u32 $0x30, v5  }
0xb5: {  	v4 =	vand.u32 $0x7, v4  }
0xb6: {  	v4 =	vor.u32 v4, v5  }
0xb7: {  	v5 =	vperm.xlane v4, v0;
	_ =	sdelay $0x1  }
0xb8: {  	v5 =	vadd.s32 v1, v5;
	_ =	sdelay $0x3  }
0xb9: {  	v4 =	vperm.xlane v4, v3  }
0xba: {  	[tilespmem:s10], [sflag:$0x2] =	stream.indirect_vreg.gather [hbm4b:s1+s3], $0x80, v5, vm0, $0xb8;
	[tilespmem:$0x18100] =	vst v63  }
0xbb: {  	v4 =	vadd.s32 v1, v4  }
0xbc: {  	[tilespmem:s13], [sflag:$0x2] =	stream.indirect_vreg.gather [hbm4b:s8+s3], $0x80, v5, vm0, $0xb8;
	[tilespmem:$0x18100] =	vst v63  }
0xbd: {  	_ = 	snop  }
0xbe: {  	[tilespmem:s15], [sflag:$0x2] =	stream.indirect_vreg.gather [hbm4b:s9+s3], $0x80, v5, vm0, $0xb8;
	[tilespmem:$0x18100] =	vst v63  }
0xbf: {  	_ = 	snop  }
0xc0: {  	[tilespmem:s17], [sflag:$0x2] =	stream.indirect_vreg.gather [hbm4b:s1+s3], $0x80, v4, vm0, $0xb8;
	[tilespmem:$0x18100] =	vst v63  }
0xc1: {  	_ = 	snop  }
0xc2: {  	[tilespmem:s18], [sflag:$0x2] =	stream.indirect_vreg.gather [hbm4b:s8+s3], $0x80, v4, vm0, $0xb8;
	[tilespmem:$0x18100] =	vst v63  }
0xc3: {  	_ = 	snop  }
0xc4: {  	[tilespmem:s19], [sflag:$0x2] =	stream.indirect_vreg.gather [hbm4b:s9+s3], $0x80, v4, vm0, $0xb8;
	[tilespmem:$0x18100] =	vst v63  }
0xc5: {  	_ =	swait.ge [sflag:s20], $0xC000  }
0xc6: {  	[sflag:s20] =	ssyncset.done $0x0  }
.Ltmp2:
0xc7: {  	[sflag:s20] =	ssyncadd.s32 $0xFFFF4000;
	(pc) =	sbr.rel @p0 .LBB2_4-.Ltmp2, $4  }
0xc8: {  	s23 =	smul.u32 $0x300, s23;
	_ =	swait.ge [sflag:s21], $0xC000  }
0xc9: {  	[sflag:s21] =	ssyncset.done $0x0  }
0xca: {  	s23 =	sadd.s32 s6, s23;
	[sflag:s21] =	ssyncadd.s32 $0xFFFF4000  }
0xcb: {  	[hbm4b:s23+s3] =	stream.linear.scatter [tilespmem:s16], [sflag:$0x4], $0xC000, $0x38;
	[tilespmem:$0x18100] =	vst v63  }
0xcc: {  	s22 =	sadd.s32 s4, s22  }
0xcd: {  	s22 =	sadd.s32 $0x10, s22  }
0xce: {  	[tilespmem:s3], [sflag:$0x5] =	stream.linear.gather [hbm4b:s22+s3], $0x40, $0x38;
	[tilespmem:$0x18100] =	vst v63  }
0xcf: {  	_ =	swait.ge [sflag:s11], $0x40  }
0xd0: {  	[sflag:s11] =	ssyncset.done $0x0  }
0xd1: {  	[sflag:s11] =	ssyncadd.s32 $0xFFFFFFC0  }
0xd2: {  	v4 =	vld [tilespmem:$0x0];
	_ =	sdelay $0x4  }
0xd3: {  	v5 =	vshrl.u32 v4, $0x3  }
0xd4: {  	v5 =	vmul.u32 $0x30, v5  }
0xd5: {  	v4 =	vand.u32 $0x7, v4  }
0xd6: {  	v4 =	vor.u32 v4, v5  }
0xd7: {  	v5 =	vperm.xlane v4, v0;
	_ =	sdelay $0x1  }
0xd8: {  	v5 =	vadd.s32 v1, v5;
	_ =	sdelay $0x2  }
.Ltmp3:
0xd9: {  	_ = 	snop;
	(pc) =	sbr.rel .LBB2_2-.Ltmp3, $4  }
0xda: {  	_ = 	snop  }
0xdb: {  	[tilespmem:s12], [sflag:$0x1] =	stream.indirect_vreg.gather [hbm4b:s1+s3], $0x80, v5, vm0, $0xb8;
	[tilespmem:$0x18100] =	vst v63  }
0xdc: {  	s24 =	simm.s32 $0x900;
	p0 =	por $0x1, $0x1;
	s22 =	simm.s32 $0x80  }
0xdd: {  	[tilespmem:s24], [sflag:$0x1] =	stream.indirect_vreg.gather [hbm4b:s8+s3], $0x80, v5, vm0, $0xb8;
	[tilespmem:$0x18100] =	vst v63  }
.LBB2_5:
0xde: {  	_ =	sfence.sel $0x180000  }
0xdf: {  	[bflag:$0x0] =	sbarrier.arrive $0xFFFF  }
0xe0: {  	_ =	strace $0x9000004A  }
0xe1: {  	s0 =	stileid.u32;
	[bflag:$0x2] =	sbarrier.arrive $0xFFFF  }
0xe2: {  	p0 =	sne.s32 s0, $0x0;
	s0 =	rddreg [dreg:$0x2]  }
0xe3: {  	s0 =	sadd.s32 @!p0 $0x100000, s0  }
0xe4: {  	[sflag:s0] =	ssyncadd.tile.s32 @!p0 $0x1;
	_ =	shalt  }
.Lfunc_end2:
_tile_overlayer_lowered:
.L_overlay_start_2:
0xe5: {  	(tag) =	ssettag $0x2  }
0xe6: {  	s0 =	rddreg [dreg:$0x0];
	s2 =	stileid.u32  }
0xe7: {  	s1 =	rddreg [dreg:$0x1];
	p0 =	sne.s32 s2, $0x0  }
0xe8: {  	s3 =	rddreg [dreg:$0x2];
	[bflag:$0x3] =	sbarrier.arrive $0xFFFF;
	s2 =	simm.s32 @!p0 $0x1C05  }
0xe9: {  	[timem:s3], [sflag:s2] =	dma.local @!p0 [hbm:s0], s1  }
0xea: {  	s0 =	simm.s32 @!p0 $0x5  }
0xeb: {  	_ =	swait.ge @!p0 [sflag:s0], s1  }
0xec: {  	s1 =	ssub.s32 @!p0 $0x0, s1;
	[sflag:s0] =	ssyncset.done @!p0 $0x0  }
0xed: {  	[sflag:s0] =	ssyncadd.s32 @!p0 s1  }
0xee: {  	[bflag:$0x3] =	sbarrier.arrive $0xFFFF  }
0xef: {  	_ =	shalt  }

// kernel: kernel.24.cloned.1.call-start
scs
__scs_entry_jumppad:
0x0: {  	(pc) =	sbr.rel $0x88, $3  }
0x1: {  	(tag) =	ssettag $0x0;
	lr =	simm.s32 $0x1  }
0x2: {  	[smem:$0x3F9A] =	sst lr;
	_ =	strace $0xD0000000  }
0x3: {  	_ = 	snop  }
0x4: {  	_ = 	snop  }
0x5: {  	_ = 	snop  }
0x6: {  	_ = 	snop  }
0x7: {  	_ = 	snop  }
__scs_overlays_trampoline_lowered:
0x8: {  	[smem:$0x3FA9] =	sst s0  }
0x9: {  	[smem:$0x3FAA] =	sst s1  }
0xa: {  	[smem:$0x3FAB] =	sst s2  }
0xb: {  	[smem:$0x3FAC] =	sst s3  }
0xc: {  	[smem:$0x3FAD] =	sst s4  }
0xd: {  	[smem:$0x3FAE] =	sst s5  }
0xe: {  	[smem:$0x3FAF] =	sst s6  }
0xf: {  	[smem:$0x3FB0] =	sst s7  }
0x10: {  	[smem:$0x3FB1] =	sst s8  }
0x11: {  	[smem:$0x3FB2] =	sst s9;
	s0 =	simm.s32 @!p0 $0x0  }
0x12: {  	s1 =	sld [smem:$0x3F98];
	s0 =	simm.s32 @p0 $0x1  }
0x13: {  	[smem:$0x3FB3] =	sst s0;
	s0 =	simm.s32 @!p1 $0x0  }
0x14: {  	s2 =	sld [smem:$0x3F97];
	s0 =	simm.s32 @p1 $0x1  }
0x15: {  	[smem:$0x3FB4] =	sst s0;
	s0 =	simm.s32 @!p2 $0x0  }
0x16: {  	s3 =	sld [smem:$0x3FDB];
	s0 =	simm.s32 @p2 $0x1  }
0x17: {  	s4 =	simm.s32 $0x1BF5;
	[smem:$0x3FB6] =	sst s0  }
0x18: {  	s0 =	sld [smem:$0x3F99];
	_ =	swait.ge [sflag:s4], $0x0  }
0x19: {  	s7 =	sld [smem:$0x3F9A]  }
0x1a: {  	s8 =	sadd.s32 $0xFFFFE003, lr  }
0x1b: {  	s9 =	sadd.s32 $0xFFFFFEF7, lr;
	s5 =	simm.s32 $0xFFFFFFFF;
	p2 =	slt.u32 s8, $0xFFFFF086  }
0x1c: {  	p1 =	slt.u32 s9, $0xF7A;
	s5 =	simm.s32 @!p2 $0x0  }
0x1d: {  	s5 =	simm.s32 @p1 $0x1;
	p0 =	seq.s32 s7, s2  }
0x1e: {  	s7 =	smul.u32 @!p0 $0xF7A, s2;
	p2 =	seq.s32 @!p0 s5, $0x0  }
0x1f: {  	s9 =	smul.u32 $0xF7A, s1;
	s8 =	simm.s32 @!p0 $0x1BF5;
	p2 =	por !p2, p0  }
0x20: {  	[sflag:s8] =	ssyncset.s32 @!p0 $0xFFFFF086;
	s6 =	sadd.s32 @!p0 s3, s7;
	s7 =	simm.s32 @!p0 $0x108  }
0x21: {  	s3 =	sadd.s32 s3, s9;
	s6 =	sadd.s32 @!p0 $0x88, s6;
	s7 =	simm.s32 @p2 $0x1082  }
0x22: {  	[simem:s7], [sflag:s8] =	dma.local @!p0 [hbm:s6], $0xF7A  }
0x23: {  	s9 =	sor.u32 $0xD0000000, s2;
	s6 =	simm.s32 $0x108;
	_ =	swait.ge @!p0 [sflag:s8], $0x0  }
0x24: {  	s3 =	sadd.s32 $0x88, s3;
	s6 =	simm.s32 @!p1 $0x1082;
	[sflag:s4] =	ssyncset.s32 $0xFFFFF086  }
0x25: {  	[simem:s6], [sflag:s4] =	dma.local [hbm:s3], $0xF7A  }
0x26: {  	[smem:$0x3F9A] =	sst s1;
	(tag) =	ssettag s2;
	_ =	strace s9  }
0x27: {  	s1 =	sld [smem:$0x3FAA]  }
0x28: {  	s2 =	sld [smem:$0x3FAB]  }
0x29: {  	s4 =	sld [smem:$0x3FAD]  }
0x2a: {  	p0 =	seq.s32 s5, $0x0;
	s5 =	sld [smem:$0x3FAE]  }
0x2b: {  	s6 =	sld [smem:$0x3FAF]  }
0x2c: {  	s7 =	sld [smem:$0x3FB0]  }
0x2d: {  	s3 =	simm.s32 $0x108;
	s8 =	sld [smem:$0x3FB1]  }
0x2e: {  	s3 =	simm.s32 @!p0 $0x1082;
	s9 =	sld [smem:$0x3FB2]  }
0x2f: {  	lr =	sadd.s32 s0, s3;
	s0 =	sld [smem:$0x3FA9]  }
0x30: {  	s3 =	sld [smem:$0x3FAC]  }
0x31: {  	[smem:$0x3FB5] =	sst s10  }
0x32: {  	s10 =	sld [smem:$0x3FB3];
	_ =	sdelay $0x3  }
0x33: {  	p0 =	seq.s32 s10, $0x1;
	s10 =	sld [smem:$0x3FB5];
	_ =	sdelay $0x3  }
0x34: {  	[smem:$0x3FB5] =	sst s10  }
0x35: {  	s10 =	sld [smem:$0x3FB4];
	_ =	sdelay $0x3  }
0x36: {  	p1 =	seq.s32 s10, $0x1;
	s10 =	sld [smem:$0x3FB5];
	_ =	sdelay $0x3  }
0x37: {  	[smem:$0x3FB5] =	sst s10  }
0x38: {  	s10 =	sld [smem:$0x3FB6]  }
0x39: {  	_ = 	snop;
	(pc) =	sbr.ind lr, $3  }
0x3a: {  	_ = 	snop  }
0x3b: {  	_ = 	snop  }
0x3c: {  	p2 =	seq.s32 s10, $0x1;
	s10 =	sld [smem:$0x3FB5]  }
0x3d: {  	_ =	shalt  }
0x3e: {  	_ =	shalt  }
0x3f: {  	_ =	shalt  }
0x40: {  	_ =	shalt  }
0x41: {  	_ =	shalt  }
0x42: {  	_ =	shalt  }
0x43: {  	_ =	shalt  }
0x44: {  	_ =	shalt  }
0x45: {  	_ =	shalt  }
0x46: {  	_ =	shalt  }
0x47: {  	_ =	shalt  }
0x48: {  	_ =	shalt  }
0x49: {  	_ =	shalt  }
0x4a: {  	_ =	shalt  }
0x4b: {  	_ =	shalt  }
0x4c: {  	_ =	shalt  }
0x4d: {  	_ =	shalt  }
0x4e: {  	_ =	shalt  }
0x4f: {  	_ =	shalt  }
0x50: {  	_ =	shalt  }
0x51: {  	_ =	shalt  }
0x52: {  	_ =	shalt  }
0x53: {  	_ =	shalt  }
0x54: {  	_ =	shalt  }
0x55: {  	_ =	shalt  }
0x56: {  	_ =	shalt  }
0x57: {  	_ =	shalt  }
0x58: {  	_ =	shalt  }
0x59: {  	_ =	shalt  }
0x5a: {  	_ =	shalt  }
0x5b: {  	_ =	shalt  }
0x5c: {  	_ =	shalt  }
0x5d: {  	_ =	shalt  }
0x5e: {  	_ =	shalt  }
0x5f: {  	_ =	shalt  }
0x60: {  	_ =	shalt  }
0x61: {  	_ =	shalt  }
0x62: {  	_ =	shalt  }
0x63: {  	_ =	shalt  }
0x64: {  	_ =	shalt  }
0x65: {  	_ =	shalt  }
0x66: {  	_ =	shalt  }
0x67: {  	_ =	shalt  }
0x68: {  	_ =	shalt  }
0x69: {  	_ =	shalt  }
0x6a: {  	_ =	shalt  }
0x6b: {  	_ =	shalt  }
0x6c: {  	_ =	shalt  }
0x6d: {  	_ =	shalt  }
0x6e: {  	_ =	shalt  }
0x6f: {  	_ =	shalt  }
0x70: {  	_ =	shalt  }
0x71: {  	_ =	shalt  }
0x72: {  	_ =	shalt  }
0x73: {  	_ =	shalt  }
0x74: {  	_ =	shalt  }
0x75: {  	_ =	shalt  }
0x76: {  	_ =	shalt  }
0x77: {  	_ =	shalt  }
0x78: {  	_ =	shalt  }
0x79: {  	_ =	shalt  }
0x7a: {  	_ =	shalt  }
0x7b: {  	_ =	shalt  }
0x7c: {  	_ =	shalt  }
0x7d: {  	_ =	shalt  }
0x7e: {  	_ =	shalt  }
0x7f: {  	_ =	shalt  }
0x80: {  	_ =	shalt  }
0x81: {  	_ =	shalt  }
0x82: {  	_ =	shalt  }
0x83: {  	_ =	shalt  }
0x84: {  	_ =	shalt  }
0x85: {  	_ =	shalt  }
0x86: {  	_ =	shalt  }
0x87: {  	_ =	shalt  }
.Lfunc_end0:
.L_simem_size_0:
called_computation.2_lowered:
.L_overlay_start_0:
0x88: {  	s2 =	sld [smem:$0x3FD9]  }
0x89: {  	s3 =	sld [smem:$0x3FFE];
	_ =	sdelay $0x1  }
0x8a: {  	s1 =	srdreg.scid  }
0x8b: {  	s0 =	sand.u32 $0x1, s1  }
0x8c: {  	s17 =	sshll.u32 s0, $0xA;
	s2 =	sadd.s32 s3, s2  }
0x8d: {  	s2 =	sadd.s32 s2, s17  }
0x8e: {  	[smem:$0x3FC1] =	sst s2  }
0x8f: {  	_ = 	snop  }
0x90: {  	s18 =	sld [smem:$0x3FC7];
	(tm) =	ssettm $0x1  }
0x91: {  	s19 =	sld [smem:$0x3FFB];
	_ =	sdelay $0x3  }
0x92: {  	_ =	strace s19  }
0x93: {  	s2 =	sld [smem:$0x3FFC];
	_ =	sdelay $0x3  }
0x94: {  	_ =	strace s2  }
0x95: {  	s2 =	sld [smem:$0x3FFD];
	_ =	sdelay $0x3  }
0x96: {  	_ =	strace s2  }
0x97: {  	_ =	strace $0x8FFFFFFF  }
0x98: {  	s20 =	sld [smem:$0x3FDB];
	_ =	sdelay $0x1  }
0x99: {  	s4 =	simm.s32 $_scs_section_size  }
0x9a: {  	s5 =	simm.s32 $_size__tile_overlayer_lowered;
	s6 =	simm.s32 $_tile_overlayer_lowered  }
0x9b: {  	s7 =	simm.s32 $0x1BFF;
	s21 =	sshll.u32 s6, $0x1;
	s4 =	sadd.s32 s4, s20  }
0x9c: {  	s22 =	simm.s32 $0x0;
	s5 =	sshll.u32 s5, $0x1;
	s6 =	sadd.s32 s21, s4  }
0x9d: {  	[timem:s22], [sflag:s7] =	dma.local [hbm:s6], s5  }
0x9e: {  	_ =	swait.ge [sflag:s7], s5  }
0x9f: {  	s5 =	ssub.s32 $0x0, s5;
	[sflag:s7] =	ssyncset.done $0x0  }
0xa0: {  	[sflag:s7] =	ssyncadd.s32 s5;
	_ =	sdelay $0x1  }
0xa1: {  	s23 =	simm.s32 $0x1B8B  }
0xa2: {  	_ =	swait.ge [sflag:s23], $0x1  }
0xa3: {  	[sflag:s23] =	ssyncset.done $0x0  }
0xa4: {  	[sflag:s23] =	ssyncadd.s32 $0xFFFFFFFF  }
0xa5: {  	s5 =	sld [smem:$0x0]  }
0xa6: {  	s6 =	sand.u32 $0xFFFFFFFE, s1  }
0xa7: {  	p0 =	sne.s32 s1, s6  }
0xa8: {  	s6 =	sshll.u32 @p0 s6, $0xE  }
0xa9: {  	s6 =	sadd.s32 @p0 $0x11B8D, s6;
	s7 =	sshll.u32 @p0 s5, $0x11  }
0xaa: {  	s6 =	sor.u32 @p0 s7, s6  }
0xab: {  	[sflag:s6] =	ssyncadd.remote.s32 @p0 $0x1;
	_ =	sdelay $0x1  }
0xac: {  	s6 =	simm.s32 @p0 $0x1B8D  }
0xad: {  	_ =	swait.eq @p0 [sflag:s6], $0x1  }
0xae: {  	[sflag:s6] =	ssyncadd.s32 @p0 $0xFFFFFFFF  }
0xaf: {  	s7 =	sshll.u32 @!p0 s1, $0xE  }
0xb0: {  	s7 =	sor.u32 @!p0 $0x4000, s7;
	s6 =	simm.s32 @!p0 $0x1B8D  }
0xb1: {  	s5 =	sshll.u32 @!p0 s5, $0x11;
	s7 =	sadd.s32 @!p0 $0x11B8D, s7;
	_ =	swait.eq @!p0 [sflag:s6], $0x1  }
0xb2: {  	s5 =	sor.u32 @!p0 s5, s7;
	[sflag:s6] =	ssyncadd.s32 @!p0 $0xFFFFFFFF  }
0xb3: {  	s25 =	simm.s32 $0x1B8E;
	s24 =	sld [smem:$0x3FFE];
	[sflag:s5] =	ssyncadd.remote.s32 @!p0 $0x1  }
0xb4: {  	s26 =	simm.s32 $execute0_lowered;
	[smem:$0x3FD2] =	sst s25  }
0xb5: {  	s6 =	sshll.u32 s26, $0x1;
	_ =	strace $0x8000004C;
	[dreg:$0x1] =	wrdreg $0xFFFFFFFF  }
0xb6: {  	s28 =	simm.s32 $_size_execute0_lowered;
	s4 =	sadd.s32 s4, s6;
	[dreg:$0x0] =	wrdreg $0x0  }
0xb7: {  	s6 =	sshll.u32 s28, $0x1;
	[dreg:$0x2] =	wrdreg s4  }
0xb8: {  	[dreg:$0x3] =	wrdreg s6  }
0xb9: {  	[dreg:$0x4] =	wrdreg $0xC0  }
0xba: {  	_ =	task [dreg:s22], $0x5FFFF  }
0xbb: {  	[dreg:$0x1] =	wrdreg $0xFFFFFFFF  }
0xbc: {  	[dreg:$0x0] =	wrdreg $0x60  }
0xbd: {  	[dreg:$0x2] =	wrdreg s24  }
0xbe: {  	[dreg:$0x3] =	wrdreg s18  }
0xbf: {  	[dreg:$0x4] =	wrdreg $0xB  }
0xc0: {  	_ =	task.clear_ibuf [dreg:s22], $0x5FFFF;
	_ =	strace $0x9000004C  }
0xc1: {  	s29 =	simm.s32 $0xB;
	_ =	strace $0x8000004E  }
0xc2: {  	_ =	swait.ge [sflag:s29], $0x1  }
0xc3: {  	[sflag:s29] =	ssyncadd.s32 $0xFFFFFFFF  }
0xc4: {  	_ =	strace $0x9000004E  }
0xc5: {  	_ =	sfence  }
0xc6: {  	s30 =	sld [smem:$0x0];
	_ =	sdelay $0x2  }
0xc7: {  	s31 =	sshll.u32 s1, $0xD;
	s1 =	sshrl.u32 s1, $0x2  }
0xc8: {  	s4 =	sand.u32 $0x4000, s31;
	s1 =	sadd.s32 s1, s30  }
0xc9: {  	s0 =	sor.u32 s4, s0;
	s1 =	sshll.u32 s1, $0x11  }
0xca: {  	s0 =	sor.u32 s1, s0  }
0xcb: {  	s0 =	sadd.s32 $0x8F2B, s0  }
0xcc: {  	[sflag:s0] =	ssyncadd.remote.s32 $0x1  }
0xcd: {  	_ =	sfence.sel $0xFFFF  }
0xce: {  	[dreg:$0x0] =	wrdreg $0xFFFFFFFF;
	(pc) =	sbr.abs _section_cstart, $3  }
0xcf: {  	[dreg:$0x1] =	wrdreg $0xFFFFFFFF  }
0xd0: {  	_ =	task.clear_ibuf [dreg:s22], $0x2FFFF;
	_ =	strace $0x9FFFFFFF  }
0xd1: {  	(tm) =	ssettm $0x7FFFFFFF  }
tec
execute0_lowered:
.L_overlay_start_1:
0x0: {  	(tag) =	ssettag $0x1  }
0x1: {  	s0 =	rddreg [dreg:$0x0]  }
0x2: {  	s1 =	rddreg [dreg:$0x1];
	s3 =	simm.s32 $0x0;
	s2 =	srdreg.scid  }
0x3: {  	s4 =	stileid.u32;
	s11 =	simm.s32 $0x5;
	s12 =	simm.s32 $0x100  }
0x4: {  	s14 =	simm.s32 $0x1;
	s16 =	simm.s32 $0xC100;
	s28 =	simm.s32 $0x11900  }
0x5: {  	s29 =	simm.s32 $0x12100;
	s30 =	simm.s32 $0x12900;
	s31 =	simm.s32 $0x13100  }
0x6: {  	s10 =	simm.s32 $0x15100;
	s13 =	simm.s32 $0x15900;
	s15 =	simm.s32 $0x16100  }
0x7: {  	s17 =	simm.s32 $0x16900;
	s18 =	simm.s32 $0x17100;
	s19 =	simm.s32 $0x17900  }
0x8: {  	s20 =	simm.s32 $0x2;
	s21 =	simm.s32 $0x3;
	s24 =	simm.s32 $0x0  }
0x9: {  	[smem:$0x7FF] =	sst s3;
	s2 =	sand.u32 $0x1, s2;
	s5 =	sshll.u32 s4, $0x9  }
0xa: {  	s4 =	sadd.s32 $0x4800, s0;
	s8 =	sadd.s32 $0x100, s1;
	s9 =	sadd.s32 $0x200, s1  }
0xb: {  	_ =	strace $0x8000004D;
	s6 =	sshll.u32 s2, $0x8;
	s2 =	ssub.s32 $0x2, s2  }
.Ltmp0:
0xc: {  	s5 =	sor.u32 s6, s5;
	s25 =	sshrl.u32 s2, $0x1;
	(pc) =	sbr.rel .LBB2_1-.Ltmp0, $4  }
0xd: {  	s6 =	sadd.s32 $0x186800, s0;
	s7 =	sshrl.u32 s5, $0x3;
	s0 =	ssub.s32 s2, s25  }
0xe: {  	v3 =	vlaneseq.u32;
	s2 =	simm.s32 $0x14100;
	s25 =	simm.s32 $0x80;
	s26 =	sadd.s32 s4, s7  }
0xf: {  	vm0 =	vmmov $0xffff;
	v1 =	vshrl.u32 v3, $0x3;
	v0 =	vand.u32 $0x7, v3;
	s0 =	smax.u32 s0, $0x1;
	s7 =	simm.s32 $0x14900;
	[dreg:$0x3] =	wrdreg s26  }
0x10: {  	v3 =	vor.u32 $0x8, v3;
	v1 =	vmul.u32 $0x8, v1;
	v2 =	vor.u32 $0x8, v0;
	[dreg:$0x4] =	wrdreg s0;
	s26 =	simm.s32 $0x11100;
	s0 =	simm.s32 $0x13900  }
.LBB2_4:
0x11: {  	s23 =	simm.s32 $0x4  }
0x12: {  	_ =	swait.ge [sflag:s23], $0xC000  }
0x13: {  	s24 =	rddreg [dreg:$0x5]  }
0x14: {  	s22 =	rddreg [dreg:$0x4];
	s24 =	sadd.s32 $0x1, s24  }
0x15: {  	p0 =	sne.s32 s24, s22  }
.Ltmp1:
0x16: {  	_ = 	snop;
	(pc) =	sbr.rel @!p0 .LBB2_5-.Ltmp1, $3  }
0x17: {  	_ =	sdelay $0x1  }
0x18: {  	[sflag:s23] =	ssyncset.done $0x0  }
0x19: {  	[sflag:s23] =	ssyncadd.s32 $0xFFFF4000  }
.LBB2_1:
0x1a: {  	[dreg:$0x5] =	wrdreg s24  }
0x1b: {  	s22 =	rddreg [dreg:$0x3]  }
0x1c: {  	[tilespmem:s3], [sflag:$0x5] =	stream.linear.gather [hbm4b:s22+s3], $0x40, $0x38;
	[tilespmem:$0x18100] =	vst v63  }
0x1d: {  	_ =	swait.ge [sflag:s11], $0x40  }
0x1e: {  	[sflag:s11] =	ssyncset.done $0x0  }
0x1f: {  	[sflag:s11] =	ssyncadd.s32 $0xFFFFFFC0  }
0x20: {  	v4 =	vld [tilespmem:$0x0];
	_ =	sdelay $0x4  }
0x21: {  	v5 =	vshrl.u32 v4, $0x3  }
0x22: {  	v5 =	vmul.u32 $0x30, v5  }
0x23: {  	v4 =	vand.u32 $0x7, v4  }
0x24: {  	v4 =	vor.u32 v4, v5  }
0x25: {  	v5 =	vperm.xlane v4, v0;
	_ =	sdelay $0x1  }
0x26: {  	v5 =	vadd.s32 v1, v5;
	_ =	sdelay $0x4  }
0x27: {  	[tilespmem:s12], [sflag:$0x1] =	stream.indirect_vreg.gather [hbm4b:s1+s3], $0x80, v5, vm0, $0xb8;
	[tilespmem:$0x18100] =	vst v63  }
0x28: {  	s24 =	simm.s32 $0x900;
	p0 =	por $0x0, $0x0;
	s22 =	simm.s32 $0x0  }
0x29: {  	[tilespmem:s24], [sflag:$0x1] =	stream.indirect_vreg.gather [hbm4b:s8+s3], $0x80, v5, vm0, $0xb8;
	[tilespmem:$0x18100] =	vst v63  }
.LBB2_2:
0x2a: {  	v4 =	vperm.xlane v4, v2;
	_ =	sdelay $0x1  }
0x2b: {  	v4 =	vadd.s32 v1, v4;
	_ =	sdelay $0x1  }
0x2c: {  	s23 =	simm.s32 $0x1100  }
0x2d: {  	[tilespmem:s23], [sflag:$0x1] =	stream.indirect_vreg.gather [hbm4b:s9+s3], $0x80, v5, vm0, $0xb8;
	[tilespmem:$0x18100] =	vst v63  }
0x2e: {  	s24 =	simm.s32 $0x1900  }
0x2f: {  	[tilespmem:s24], [sflag:$0x1] =	stream.indirect_vreg.gather [hbm4b:s1+s3], $0x80, v4, vm0, $0xb8;
	[tilespmem:$0x18100] =	vst v63  }
0x30: {  	s24 =	simm.s32 $0x2100  }
0x31: {  	[tilespmem:s24], [sflag:$0x1] =	stream.indirect_vreg.gather [hbm4b:s8+s3], $0x80, v4, vm0, $0xb8;
	[tilespmem:$0x18100] =	vst v63  }
0x32: {  	s24 =	simm.s32 $0x2900  }
0x33: {  	[tilespmem:s24], [sflag:$0x1] =	stream.indirect_vreg.gather [hbm4b:s9+s3], $0x80, v4, vm0, $0xb8;
	[tilespmem:$0x18100] =	vst v63  }
0x34: {  	v4 =	vld [tilespmem:$0x10];
	_ =	sdelay $0x4  }
0x35: {  	v5 =	vshrl.u32 v4, $0x3  }
0x36: {  	v5 =	vmul.u32 $0x30, v5  }
0x37: {  	v4 =	vand.u32 $0x7, v4  }
0x38: {  	v4 =	vor.u32 v4, v5  }
0x39: {  	v5 =	vperm.xlane v4, v0;
	_ =	sdelay $0x1  }
0x3a: {  	v5 =	vadd.s32 v1, v5;
	_ =	sdelay $0x3  }
0x3b: {  	s24 =	simm.s32 $0x3100;
	v4 =	vperm.xlane v4, v2  }
0x3c: {  	[tilespmem:s24], [sflag:$0x1] =	stream.indirect_vreg.gather [hbm4b:s1+s3], $0x80, v5, vm0, $0xb8;
	[tilespmem:$0x18100] =	vst v63  }
0x3d: {  	v4 =	vadd.s32 v1, v4;
	s24 =	simm.s32 $0x3900  }
0x3e: {  	[tilespmem:s24], [sflag:$0x1] =	stream.indirect_vreg.gather [hbm4b:s8+s3], $0x80, v5, vm0, $0xb8;
	[tilespmem:$0x18100] =	vst v63  }
0x3f: {  	s24 =	simm.s32 $0x4100  }
0x40: {  	[tilespmem:s24], [sflag:$0x1] =	stream.indirect_vreg.gather [hbm4b:s9+s3], $0x80, v5, vm0, $0xb8;
	[tilespmem:$0x18100] =	vst v63  }
0x41: {  	s24 =	simm.s32 $0x4900  }
0x42: {  	[tilespmem:s24], [sflag:$0x1] =	stream.indirect_vreg.gather [hbm4b:s1+s3], $0x80, v4, vm0, $0xb8;
	[tilespmem:$0x18100] =	vst v63  }
0x43: {  	s24 =	simm.s32 $0x5100  }
0x44: {  	[tilespmem:s24], [sflag:$0x1] =	stream.indirect_vreg.gather [hbm4b:s8+s3], $0x80, v4, vm0, $0xb8;
	[tilespmem:$0x18100] =	vst v63  }
0x45: {  	s24 =	simm.s32 $0x5900  }
0x46: {  	[tilespmem:s24], [sflag:$0x1] =	stream.indirect_vreg.gather [hbm4b:s9+s3], $0x80, v4, vm0, $0xb8;
	[tilespmem:$0x18100] =	vst v63  }
0x47: {  	v4 =	vld [tilespmem:$0x20];
	_ =	sdelay $0x4  }
0x48: {  	v5 =	vshrl.u32 v4, $0x3  }
0x49: {  	v5 =	vmul.u32 $0x30, v5  }
0x4a: {  	v4 =	vand.u32 $0x7, v4  }
0x4b: {  	v4 =	vor.u32 v4, v5  }
0x4c: {  	v5 =	vperm.xlane v4, v0;
	_ =	sdelay $0x1  }
0x4d: {  	v5 =	vadd.s32 v1, v5;
	_ =	sdelay $0x3  }
0x4e: {  	s24 =	simm.s32 $0x6100;
	v4 =	vperm.xlane v4, v2  }
0x4f: {  	[tilespmem:s24], [sflag:$0x1] =	stream.indirect_vreg.gather [hbm4b:s1+s3], $0x80, v5, vm0, $0xb8;
	[tilespmem:$0x18100] =	vst v63  }
0x50: {  	v4 =	vadd.s32 v1, v4;
	s24 =	simm.s32 $0x6900  }
0x51: {  	[tilespmem:s24], [sflag:$0x1] =	stream.indirect_vreg.gather [hbm4b:s8+s3], $0x80, v5, vm0, $0xb8;
	[tilespmem:$0x18100] =	vst v63  }
0x52: {  	s24 =	simm.s32 $0x7100  }
0x53: {  	[tilespmem:s24], [sflag:$0x1] =	stream.indirect_vreg.gather [hbm4b:s9+s3], $0x80, v5, vm0, $0xb8;
	[tilespmem:$0x18100] =	vst v63  }
0x54: {  	s24 =	simm.s32 $0x7900  }
0x55: {  	[tilespmem:s24], [sflag:$0x1] =	stream.indirect_vreg.gather [hbm4b:s1+s3], $0x80, v4, vm0, $0xb8;
	[tilespmem:$0x18100] =	vst v63  }
0x56: {  	s24 =	simm.s32 $0x8100  }
0x57: {  	[tilespmem:s24], [sflag:$0x1] =	stream.indirect_vreg.gather [hbm4b:s8+s3], $0x80, v4, vm0, $0xb8;
	[tilespmem:$0x18100] =	vst v63  }
0x58: {  	s24 =	simm.s32 $0x8900  }
0x59: {  	[tilespmem:s24], [sflag:$0x1] =	stream.indirect_vreg.gather [hbm4b:s9+s3], $0x80, v4, vm0, $0xb8;
	[tilespmem:$0x18100] =	vst v63  }
0x5a: {  	v4 =	vld [tilespmem:$0x30];
	_ =	sdelay $0x4  }
0x5b: {  	v5 =	vshrl.u32 v4, $0x3  }
0x5c: {  	v5 =	vmul.u32 $0x30, v5  }
0x5d: {  	v4 =	vand.u32 $0x7, v4  }
0x5e: {  	v4 =	vor.u32 v4, v5  }
0x5f: {  	v5 =	vperm.xlane v4, v0;
	_ =	sdelay $0x1  }
0x60: {  	v5 =	vadd.s32 v1, v5;
	_ =	sdelay $0x3  }
0x61: {  	s24 =	simm.s32 $0x9100;
	v4 =	vperm.xlane v4, v2  }
0x62: {  	[tilespmem:s24], [sflag:$0x1] =	stream.indirect_vreg.gather [hbm4b:s1+s3], $0x80, v5, vm0, $0xb8;
	[tilespmem:$0x18100] =	vst v63  }
0x63: {  	v4 =	vadd.s32 v1, v4;
	s24 =	simm.s32 $0x9900  }
0x64: {  	[tilespmem:s24], [sflag:$0x1] =	stream.indirect_vreg.gather [hbm4b:s8+s3], $0x80, v5, vm0, $0xb8;
	[tilespmem:$0x18100] =	vst v63  }
0x65: {  	s24 =	simm.s32 $0xA100  }
0x66: {  	[tilespmem:s24], [sflag:$0x1] =	stream.indirect_vreg.gather [hbm4b:s9+s3], $0x80, v5, vm0, $0xb8;
	[tilespmem:$0x18100] =	vst v63  }
0x67: {  	s24 =	simm.s32 $0xA900  }
0x68: {  	[tilespmem:s24], [sflag:$0x1] =	stream.indirect_vreg.gather [hbm4b:s1+s3], $0x80, v4, vm0, $0xb8;
	[tilespmem:$0x18100] =	vst v63  }
0x69: {  	s24 =	simm.s32 $0xB100  }
0x6a: {  	[tilespmem:s24], [sflag:$0x1] =	stream.indirect_vreg.gather [hbm4b:s8+s3], $0x80, v4, vm0, $0xb8;
	[tilespmem:$0x18100] =	vst v63  }
0x6b: {  	s24 =	simm.s32 $0xB900  }
0x6c: {  	[tilespmem:s24], [sflag:$0x1] =	stream.indirect_vreg.gather [hbm4b:s9+s3], $0x80, v4, vm0, $0xb8;
	[tilespmem:$0x18100] =	vst v63  }
0x6d: {  	_ =	swait.ge [sflag:s14], $0xC000  }
0x6e: {  	s22 =	sor.u32 s5, s22;
	[sflag:s14] =	ssyncset.done $0x0  }
0x6f: {  	s23 =	simm.s32 @p0 $0x4;
	s22 =	sshrl.u32 s22, $0x3;
	[sflag:s14] =	ssyncadd.s32 $0xFFFF4000  }
0x70: {  	s24 =	smul.u32 $0x300, s22;
	_ =	swait.ge @p0 [sflag:s23], $0xC000  }
0x71: {  	[sflag:s23] =	ssyncset.done @p0 $0x0  }
0x72: {  	s24 =	sadd.s32 s6, s24;
	[sflag:s23] =	ssyncadd.s32 @p0 $0xFFFF4000;
	s23 =	sor.u32 $0x8, s22  }
0x73: {  	[hbm4b:s24+s3] =	stream.linear.scatter [tilespmem:s12], [sflag:$0x3], $0xC000, $0x38;
	[tilespmem:$0x18100] =	vst v63  }
0x74: {  	s24 =	sadd.s32 s4, s23  }
0x75: {  	[tilespmem:s25], [sflag:$0x5] =	stream.linear.gather [hbm4b:s24+s3], $0x40, $0x38;
	[tilespmem:$0x18100] =	vst v63  }
0x76: {  	_ =	swait.ge [sflag:s11], $0x40  }
0x77: {  	[sflag:s11] =	ssyncset.done $0x0  }
0x78: {  	[sflag:s11] =	ssyncadd.s32 $0xFFFFFFC0  }
0x79: {  	v4 =	vld [tilespmem:$0x80];
	_ =	sdelay $0x4  }
0x7a: {  	v5 =	vshrl.u32 v4, $0x3  }
0x7b: {  	v5 =	vmul.u32 $0x30, v5  }
0x7c: {  	v4 =	vand.u32 $0x7, v4  }
0x7d: {  	v4 =	vor.u32 v4, v5  }
0x7e: {  	v5 =	vperm.xlane v4, v0;
	_ =	sdelay $0x1  }
0x7f: {  	v5 =	vadd.s32 v1, v5;
	_ =	sdelay $0x3  }
0x80: {  	v4 =	vperm.xlane v4, v3  }
0x81: {  	[tilespmem:s16], [sflag:$0x2] =	stream.indirect_vreg.gather [hbm4b:s1+s3], $0x80, v5, vm0, $0xb8;
	[tilespmem:$0x18100] =	vst v63  }
0x82: {  	s24 =	simm.s32 $0xC900;
	v4 =	vadd.s32 v1, v4  }
0x83: {  	[tilespmem:s24], [sflag:$0x2] =	stream.indirect_vreg.gather [hbm4b:s8+s3], $0x80, v5, vm0, $0xb8;
	[tilespmem:$0x18100] =	vst v63  }
0x84: {  	s24 =	simm.s32 $0xD100  }
0x85: {  	[tilespmem:s24], [sflag:$0x2] =	stream.indirect_vreg.gather [hbm4b:s9+s3], $0x80, v5, vm0, $0xb8;
	[tilespmem:$0x18100] =	vst v63  }
0x86: {  	s24 =	simm.s32 $0xD900  }
0x87: {  	[tilespmem:s24], [sflag:$0x2] =	stream.indirect_vreg.gather [hbm4b:s1+s3], $0x80, v4, vm0, $0xb8;
	[tilespmem:$0x18100] =	vst v63  }
0x88: {  	s24 =	simm.s32 $0xE100  }
0x89: {  	[tilespmem:s24], [sflag:$0x2] =	stream.indirect_vreg.gather [hbm4b:s8+s3], $0x80, v4, vm0, $0xb8;
	[tilespmem:$0x18100] =	vst v63  }
0x8a: {  	s24 =	simm.s32 $0xE900  }
0x8b: {  	[tilespmem:s24], [sflag:$0x2] =	stream.indirect_vreg.gather [hbm4b:s9+s3], $0x80, v4, vm0, $0xb8;
	[tilespmem:$0x18100] =	vst v63  }
0x8c: {  	v4 =	vld [tilespmem:$0x90];
	_ =	sdelay $0x4  }
0x8d: {  	v5 =	vshrl.u32 v4, $0x3  }
0x8e: {  	v5 =	vmul.u32 $0x30, v5  }
0x8f: {  	v4 =	vand.u32 $0x7, v4  }
0x90: {  	v4 =	vor.u32 v4, v5  }
0x91: {  	v5 =	vperm.xlane v4, v0;
	_ =	sdelay $0x1  }
0x92: {  	v5 =	vadd.s32 v1, v5;
	_ =	sdelay $0x3  }
0x93: {  	s24 =	simm.s32 $0xF100;
	v4 =	vperm.xlane v4, v3  }
0x94: {  	[tilespmem:s24], [sflag:$0x2] =	stream.indirect_vreg.gather [hbm4b:s1+s3], $0x80, v5, vm0, $0xb8;
	[tilespmem:$0x18100] =	vst v63  }
0x95: {  	v4 =	vadd.s32 v1, v4;
	s24 =	simm.s32 $0xF900  }
0x96: {  	[tilespmem:s24], [sflag:$0x2] =	stream.indirect_vreg.gather [hbm4b:s8+s3], $0x80, v5, vm0, $0xb8;
	[tilespmem:$0x18100] =	vst v63  }
0x97: {  	s24 =	simm.s32 $0x10100  }
0x98: {  	[tilespmem:s24], [sflag:$0x2] =	stream.indirect_vreg.gather [hbm4b:s9+s3], $0x80, v5, vm0, $0xb8;
	[tilespmem:$0x18100] =	vst v63  }
0x99: {  	s24 =	simm.s32 $0x10900  }
0x9a: {  	[tilespmem:s24], [sflag:$0x2] =	stream.indirect_vreg.gather [hbm4b:s1+s3], $0x80, v4, vm0, $0xb8;
	[tilespmem:$0x18100] =	vst v63  }
0x9b: {  	_ = 	snop  }
0x9c: {  	[tilespmem:s26], [sflag:$0x2] =	stream.indirect_vreg.gather [hbm4b:s8+s3], $0x80, v4, vm0, $0xb8;
	[tilespmem:$0x18100] =	vst v63  }
0x9d: {  	_ = 	snop  }
0x9e: {  	[tilespmem:s28], [sflag:$0x2] =	stream.indirect_vreg.gather [hbm4b:s9+s3], $0x80, v4, vm0, $0xb8;
	[tilespmem:$0x18100] =	vst v63  }
0x9f: {  	v4 =	vld [tilespmem:$0xA0];
	_ =	sdelay $0x4  }
0xa0: {  	v5 =	vshrl.u32 v4, $0x3  }
0xa1: {  	v5 =	vmul.u32 $0x30, v5  }
0xa2: {  	v4 =	vand.u32 $0x7, v4  }
0xa3: {  	v4 =	vor.u32 v4, v5  }
0xa4: {  	v5 =	vperm.xlane v4, v0;
	_ =	sdelay $0x1  }
0xa5: {  	v5 =	vadd.s32 v1, v5;
	_ =	sdelay $0x3  }
0xa6: {  	v4 =	vperm.xlane v4, v3  }
0xa7: {  	[tilespmem:s29], [sflag:$0x2] =	stream.indirect_vreg.gather [hbm4b:s1+s3], $0x80, v5, vm0, $0xb8;
	[tilespmem:$0x18100] =	vst v63  }
0xa8: {  	v4 =	vadd.s32 v1, v4  }
0xa9: {  	[tilespmem:s30], [sflag:$0x2] =	stream.indirect_vreg.gather [hbm4b:s8+s3], $0x80, v5, vm0, $0xb8;
	[tilespmem:$0x18100] =	vst v63  }
0xaa: {  	_ = 	snop  }
0xab: {  	[tilespmem:s31], [sflag:$0x2] =	stream.indirect_vreg.gather [hbm4b:s9+s3], $0x80, v5, vm0, $0xb8;
	[tilespmem:$0x18100] =	vst v63  }
0xac: {  	_ = 	snop  }
0xad: {  	[tilespmem:s0], [sflag:$0x2] =	stream.indirect_vreg.gather [hbm4b:s1+s3], $0x80, v4, vm0, $0xb8;
	[tilespmem:$0x18100] =	vst v63  }
0xae: {  	_ = 	snop  }
0xaf: {  	[tilespmem:s2], [sflag:$0x2] =	stream.indirect_vreg.gather [hbm4b:s8+s3], $0x80, v4, vm0, $0xb8;
	[tilespmem:$0x18100] =	vst v63  }
0xb0: {  	_ = 	snop  }
0xb1: {  	[tilespmem:s7], [sflag:$0x2] =	stream.indirect_vreg.gather [hbm4b:s9+s3], $0x80, v4, vm0, $0xb8;
	[tilespmem:$0x18100] =	vst v63  }
0xb2: {  	v4 =	vld [tilespmem:$0xB0];
	_ =	sdelay $0x4  }
0xb3: {  	v5 =	vshrl.u32 v4, $0x3  }
0xb4: {  	v5 =	vmul.u32 $0x30, v5  }
0xb5: {  	v4 =	vand.u32 $0x7, v4  }
0xb6: {  	v4 =	vor.u32 v4, v5  }
0xb7: {  	v5 =	vperm.xlane v4, v0;
	_ =	sdelay $0x1  }
0xb8: {  	v5 =	vadd.s32 v1, v5;
	_ =	sdelay $0x3  }
0xb9: {  	v4 =	vperm.xlane v4, v3  }
0xba: {  	[tilespmem:s10], [sflag:$0x2] =	stream.indirect_vreg.gather [hbm4b:s1+s3], $0x80, v5, vm0, $0xb8;
	[tilespmem:$0x18100] =	vst v63  }
0xbb: {  	v4 =	vadd.s32 v1, v4  }
0xbc: {  	[tilespmem:s13], [sflag:$0x2] =	stream.indirect_vreg.gather [hbm4b:s8+s3], $0x80, v5, vm0, $0xb8;
	[tilespmem:$0x18100] =	vst v63  }
0xbd: {  	_ = 	snop  }
0xbe: {  	[tilespmem:s15], [sflag:$0x2] =	stream.indirect_vreg.gather [hbm4b:s9+s3], $0x80, v5, vm0, $0xb8;
	[tilespmem:$0x18100] =	vst v63  }
0xbf: {  	_ = 	snop  }
0xc0: {  	[tilespmem:s17], [sflag:$0x2] =	stream.indirect_vreg.gather [hbm4b:s1+s3], $0x80, v4, vm0, $0xb8;
	[tilespmem:$0x18100] =	vst v63  }
0xc1: {  	_ = 	snop  }
0xc2: {  	[tilespmem:s18], [sflag:$0x2] =	stream.indirect_vreg.gather [hbm4b:s8+s3], $0x80, v4, vm0, $0xb8;
	[tilespmem:$0x18100] =	vst v63  }
0xc3: {  	_ = 	snop  }
0xc4: {  	[tilespmem:s19], [sflag:$0x2] =	stream.indirect_vreg.gather [hbm4b:s9+s3], $0x80, v4, vm0, $0xb8;
	[tilespmem:$0x18100] =	vst v63  }
0xc5: {  	_ =	swait.ge [sflag:s20], $0xC000  }
0xc6: {  	[sflag:s20] =	ssyncset.done $0x0  }
.Ltmp2:
0xc7: {  	[sflag:s20] =	ssyncadd.s32 $0xFFFF4000;
	(pc) =	sbr.rel @p0 .LBB2_4-.Ltmp2, $4  }
0xc8: {  	s23 =	smul.u32 $0x300, s23;
	_ =	swait.ge [sflag:s21], $0xC000  }
0xc9: {  	[sflag:s21] =	ssyncset.done $0x0  }
0xca: {  	s23 =	sadd.s32 s6, s23;
	[sflag:s21] =	ssyncadd.s32 $0xFFFF4000  }
0xcb: {  	[hbm4b:s23+s3] =	stream.linear.scatter [tilespmem:s16], [sflag:$0x4], $0xC000, $0x38;
	[tilespmem:$0x18100] =	vst v63  }
0xcc: {  	s22 =	sadd.s32 s4, s22  }
0xcd: {  	s22 =	sadd.s32 $0x10, s22  }
0xce: {  	[tilespmem:s3], [sflag:$0x5] =	stream.linear.gather [hbm4b:s22+s3], $0x40, $0x38;
	[tilespmem:$0x18100] =	vst v63  }
0xcf: {  	_ =	swait.ge [sflag:s11], $0x40  }
0xd0: {  	[sflag:s11] =	ssyncset.done $0x0  }
0xd1: {  	[sflag:s11] =	ssyncadd.s32 $0xFFFFFFC0  }
0xd2: {  	v4 =	vld [tilespmem:$0x0];
	_ =	sdelay $0x4  }
0xd3: {  	v5 =	vshrl.u32 v4, $0x3  }
0xd4: {  	v5 =	vmul.u32 $0x30, v5  }
0xd5: {  	v4 =	vand.u32 $0x7, v4  }
0xd6: {  	v4 =	vor.u32 v4, v5  }
0xd7: {  	v5 =	vperm.xlane v4, v0;
	_ =	sdelay $0x1  }
0xd8: {  	v5 =	vadd.s32 v1, v5;
	_ =	sdelay $0x2  }
.Ltmp3:
0xd9: {  	_ = 	snop;
	(pc) =	sbr.rel .LBB2_2-.Ltmp3, $4  }
0xda: {  	_ = 	snop  }
0xdb: {  	[tilespmem:s12], [sflag:$0x1] =	stream.indirect_vreg.gather [hbm4b:s1+s3], $0x80, v5, vm0, $0xb8;
	[tilespmem:$0x18100] =	vst v63  }
0xdc: {  	s24 =	simm.s32 $0x900;
	p0 =	por $0x1, $0x1;
	s22 =	simm.s32 $0x80  }
0xdd: {  	[tilespmem:s24], [sflag:$0x1] =	stream.indirect_vreg.gather [hbm4b:s8+s3], $0x80, v5, vm0, $0xb8;
	[tilespmem:$0x18100] =	vst v63  }
.LBB2_5:
0xde: {  	_ =	sfence.sel $0x180000  }
0xdf: {  	[bflag:$0x0] =	sbarrier.arrive $0xFFFF  }
0xe0: {  	_ =	strace $0x9000004D  }
0xe1: {  	s0 =	stileid.u32;
	[bflag:$0x2] =	sbarrier.arrive $0xFFFF  }
0xe2: {  	p0 =	sne.s32 s0, $0x0;
	s0 =	rddreg [dreg:$0x2]  }
0xe3: {  	s0 =	sadd.s32 @!p0 $0x100000, s0  }
0xe4: {  	[sflag:s0] =	ssyncadd.tile.s32 @!p0 $0x1;
	_ =	shalt  }
.Lfunc_end2:
_tile_overlayer_lowered:
.L_overlay_start_2:
0xe5: {  	(tag) =	ssettag $0x2  }
0xe6: {  	s0 =	rddreg [dreg:$0x0];
	s2 =	stileid.u32  }
0xe7: {  	s1 =	rddreg [dreg:$0x1];
	p0 =	sne.s32 s2, $0x0  }
0xe8: {  	s3 =	rddreg [dreg:$0x2];
	[bflag:$0x3] =	sbarrier.arrive $0xFFFF;
	s2 =	simm.s32 @!p0 $0x1C05  }
0xe9: {  	[timem:s3], [sflag:s2] =	dma.local @!p0 [hbm:s0], s1  }
0xea: {  	s0 =	simm.s32 @!p0 $0x5  }
0xeb: {  	_ =	swait.ge @!p0 [sflag:s0], s1  }
0xec: {  	s1 =	ssub.s32 @!p0 $0x0, s1;
	[sflag:s0] =	ssyncset.done @!p0 $0x0  }
0xed: {  	[sflag:s0] =	ssyncadd.s32 @!p0 s1  }
0xee: {  	[bflag:$0x3] =	sbarrier.arrive $0xFFFF  }
0xef: {  	_ =	shalt  }

// kernel: kernel.27.cloned.1.call-start
scs
__scs_entry_jumppad:
0x0: {  	(pc) =	sbr.rel $0x88, $3  }
0x1: {  	(tag) =	ssettag $0x0;
	lr =	simm.s32 $0x1  }
0x2: {  	[smem:$0x3F9A] =	sst lr;
	_ =	strace $0xD0000000  }
0x3: {  	_ = 	snop  }
0x4: {  	_ = 	snop  }
0x5: {  	_ = 	snop  }
0x6: {  	_ = 	snop  }
0x7: {  	_ = 	snop  }
__scs_overlays_trampoline_lowered:
0x8: {  	[smem:$0x3FA9] =	sst s0  }
0x9: {  	[smem:$0x3FAA] =	sst s1  }
0xa: {  	[smem:$0x3FAB] =	sst s2  }
0xb: {  	[smem:$0x3FAC] =	sst s3  }
0xc: {  	[smem:$0x3FAD] =	sst s4  }
0xd: {  	[smem:$0x3FAE] =	sst s5  }
0xe: {  	[smem:$0x3FAF] =	sst s6  }
0xf: {  	[smem:$0x3FB0] =	sst s7  }
0x10: {  	[smem:$0x3FB1] =	sst s8  }
0x11: {  	[smem:$0x3FB2] =	sst s9;
	s0 =	simm.s32 @!p0 $0x0  }
0x12: {  	s1 =	sld [smem:$0x3F98];
	s0 =	simm.s32 @p0 $0x1  }
0x13: {  	[smem:$0x3FB3] =	sst s0;
	s0 =	simm.s32 @!p1 $0x0  }
0x14: {  	s2 =	sld [smem:$0x3F97];
	s0 =	simm.s32 @p1 $0x1  }
0x15: {  	[smem:$0x3FB4] =	sst s0;
	s0 =	simm.s32 @!p2 $0x0  }
0x16: {  	s3 =	sld [smem:$0x3FDB];
	s0 =	simm.s32 @p2 $0x1  }
0x17: {  	s4 =	simm.s32 $0x1BF5;
	[smem:$0x3FB6] =	sst s0  }
0x18: {  	s0 =	sld [smem:$0x3F99];
	_ =	swait.ge [sflag:s4], $0x0  }
0x19: {  	s7 =	sld [smem:$0x3F9A]  }
0x1a: {  	s8 =	sadd.s32 $0xFFFFE003, lr  }
0x1b: {  	s9 =	sadd.s32 $0xFFFFFEF7, lr;
	s5 =	simm.s32 $0xFFFFFFFF;
	p2 =	slt.u32 s8, $0xFFFFF086  }
0x1c: {  	p1 =	slt.u32 s9, $0xF7A;
	s5 =	simm.s32 @!p2 $0x0  }
0x1d: {  	s5 =	simm.s32 @p1 $0x1;
	p0 =	seq.s32 s7, s2  }
0x1e: {  	s7 =	smul.u32 @!p0 $0xF7A, s2;
	p2 =	seq.s32 @!p0 s5, $0x0  }
0x1f: {  	s9 =	smul.u32 $0xF7A, s1;
	s8 =	simm.s32 @!p0 $0x1BF5;
	p2 =	por !p2, p0  }
0x20: {  	[sflag:s8] =	ssyncset.s32 @!p0 $0xFFFFF086;
	s6 =	sadd.s32 @!p0 s3, s7;
	s7 =	simm.s32 @!p0 $0x108  }
0x21: {  	s3 =	sadd.s32 s3, s9;
	s6 =	sadd.s32 @!p0 $0x88, s6;
	s7 =	simm.s32 @p2 $0x1082  }
0x22: {  	[simem:s7], [sflag:s8] =	dma.local @!p0 [hbm:s6], $0xF7A  }
0x23: {  	s9 =	sor.u32 $0xD0000000, s2;
	s6 =	simm.s32 $0x108;
	_ =	swait.ge @!p0 [sflag:s8], $0x0  }
0x24: {  	s3 =	sadd.s32 $0x88, s3;
	s6 =	simm.s32 @!p1 $0x1082;
	[sflag:s4] =	ssyncset.s32 $0xFFFFF086  }
0x25: {  	[simem:s6], [sflag:s4] =	dma.local [hbm:s3], $0xF7A  }
0x26: {  	[smem:$0x3F9A] =	sst s1;
	(tag) =	ssettag s2;
	_ =	strace s9  }
0x27: {  	s1 =	sld [smem:$0x3FAA]  }
0x28: {  	s2 =	sld [smem:$0x3FAB]  }
0x29: {  	s4 =	sld [smem:$0x3FAD]  }
0x2a: {  	p0 =	seq.s32 s5, $0x0;
	s5 =	sld [smem:$0x3FAE]  }
0x2b: {  	s6 =	sld [smem:$0x3FAF]  }
0x2c: {  	s7 =	sld [smem:$0x3FB0]  }
0x2d: {  	s3 =	simm.s32 $0x108;
	s8 =	sld [smem:$0x3FB1]  }
0x2e: {  	s3 =	simm.s32 @!p0 $0x1082;
	s9 =	sld [smem:$0x3FB2]  }
0x2f: {  	lr =	sadd.s32 s0, s3;
	s0 =	sld [smem:$0x3FA9]  }
0x30: {  	s3 =	sld [smem:$0x3FAC]  }
0x31: {  	[smem:$0x3FB5] =	sst s10  }
0x32: {  	s10 =	sld [smem:$0x3FB3];
	_ =	sdelay $0x3  }
0x33: {  	p0 =	seq.s32 s10, $0x1;
	s10 =	sld [smem:$0x3FB5];
	_ =	sdelay $0x3  }
0x34: {  	[smem:$0x3FB5] =	sst s10  }
0x35: {  	s10 =	sld [smem:$0x3FB4];
	_ =	sdelay $0x3  }
0x36: {  	p1 =	seq.s32 s10, $0x1;
	s10 =	sld [smem:$0x3FB5];
	_ =	sdelay $0x3  }
0x37: {  	[smem:$0x3FB5] =	sst s10  }
0x38: {  	s10 =	sld [smem:$0x3FB6]  }
0x39: {  	_ = 	snop;
	(pc) =	sbr.ind lr, $3  }
0x3a: {  	_ = 	snop  }
0x3b: {  	_ = 	snop  }
0x3c: {  	p2 =	seq.s32 s10, $0x1;
	s10 =	sld [smem:$0x3FB5]  }
0x3d: {  	_ =	shalt  }
0x3e: {  	_ =	shalt  }
0x3f: {  	_ =	shalt  }
0x40: {  	_ =	shalt  }
0x41: {  	_ =	shalt  }
0x42: {  	_ =	shalt  }
0x43: {  	_ =	shalt  }
0x44: {  	_ =	shalt  }
0x45: {  	_ =	shalt  }
0x46: {  	_ =	shalt  }
0x47: {  	_ =	shalt  }
0x48: {  	_ =	shalt  }
0x49: {  	_ =	shalt  }
0x4a: {  	_ =	shalt  }
0x4b: {  	_ =	shalt  }
0x4c: {  	_ =	shalt  }
0x4d: {  	_ =	shalt  }
0x4e: {  	_ =	shalt  }
0x4f: {  	_ =	shalt  }
0x50: {  	_ =	shalt  }
0x51: {  	_ =	shalt  }
0x52: {  	_ =	shalt  }
0x53: {  	_ =	shalt  }
0x54: {  	_ =	shalt  }
0x55: {  	_ =	shalt  }
0x56: {  	_ =	shalt  }
0x57: {  	_ =	shalt  }
0x58: {  	_ =	shalt  }
0x59: {  	_ =	shalt  }
0x5a: {  	_ =	shalt  }
0x5b: {  	_ =	shalt  }
0x5c: {  	_ =	shalt  }
0x5d: {  	_ =	shalt  }
0x5e: {  	_ =	shalt  }
0x5f: {  	_ =	shalt  }
0x60: {  	_ =	shalt  }
0x61: {  	_ =	shalt  }
0x62: {  	_ =	shalt  }
0x63: {  	_ =	shalt  }
0x64: {  	_ =	shalt  }
0x65: {  	_ =	shalt  }
0x66: {  	_ =	shalt  }
0x67: {  	_ =	shalt  }
0x68: {  	_ =	shalt  }
0x69: {  	_ =	shalt  }
0x6a: {  	_ =	shalt  }
0x6b: {  	_ =	shalt  }
0x6c: {  	_ =	shalt  }
0x6d: {  	_ =	shalt  }
0x6e: {  	_ =	shalt  }
0x6f: {  	_ =	shalt  }
0x70: {  	_ =	shalt  }
0x71: {  	_ =	shalt  }
0x72: {  	_ =	shalt  }
0x73: {  	_ =	shalt  }
0x74: {  	_ =	shalt  }
0x75: {  	_ =	shalt  }
0x76: {  	_ =	shalt  }
0x77: {  	_ =	shalt  }
0x78: {  	_ =	shalt  }
0x79: {  	_ =	shalt  }
0x7a: {  	_ =	shalt  }
0x7b: {  	_ =	shalt  }
0x7c: {  	_ =	shalt  }
0x7d: {  	_ =	shalt  }
0x7e: {  	_ =	shalt  }
0x7f: {  	_ =	shalt  }
0x80: {  	_ =	shalt  }
0x81: {  	_ =	shalt  }
0x82: {  	_ =	shalt  }
0x83: {  	_ =	shalt  }
0x84: {  	_ =	shalt  }
0x85: {  	_ =	shalt  }
0x86: {  	_ =	shalt  }
0x87: {  	_ =	shalt  }
.Lfunc_end0:
.L_simem_size_0:
called_computation.3_lowered:
.L_overlay_start_0:
0x88: {  	s2 =	sld [smem:$0x3FD9]  }
0x89: {  	s3 =	sld [smem:$0x3FFE];
	_ =	sdelay $0x1  }
0x8a: {  	s1 =	srdreg.scid  }
0x8b: {  	s0 =	sand.u32 $0x1, s1  }
0x8c: {  	s17 =	sshll.u32 s0, $0xA;
	s2 =	sadd.s32 s3, s2  }
0x8d: {  	s2 =	sadd.s32 s2, s17  }
0x8e: {  	[smem:$0x3FC1] =	sst s2  }
0x8f: {  	_ = 	snop  }
0x90: {  	s18 =	sld [smem:$0x3FC7];
	(tm) =	ssettm $0x1  }
0x91: {  	s19 =	sld [smem:$0x3FFB];
	_ =	sdelay $0x3  }
0x92: {  	_ =	strace s19  }
0x93: {  	s2 =	sld [smem:$0x3FFC];
	_ =	sdelay $0x3  }
0x94: {  	_ =	strace s2  }
0x95: {  	s2 =	sld [smem:$0x3FFD];
	_ =	sdelay $0x3  }
0x96: {  	_ =	strace s2  }
0x97: {  	_ =	strace $0x8FFFFFFF  }
0x98: {  	s20 =	sld [smem:$0x3FDB];
	_ =	sdelay $0x1  }
0x99: {  	s4 =	simm.s32 $_scs_section_size  }
0x9a: {  	s5 =	simm.s32 $_size__tile_overlayer_lowered;
	s6 =	simm.s32 $_tile_overlayer_lowered  }
0x9b: {  	s7 =	simm.s32 $0x1BFF;
	s21 =	sshll.u32 s6, $0x1;
	s4 =	sadd.s32 s4, s20  }
0x9c: {  	s22 =	simm.s32 $0x0;
	s5 =	sshll.u32 s5, $0x1;
	s6 =	sadd.s32 s21, s4  }
0x9d: {  	[timem:s22], [sflag:s7] =	dma.local [hbm:s6], s5  }
0x9e: {  	_ =	swait.ge [sflag:s7], s5  }
0x9f: {  	s5 =	ssub.s32 $0x0, s5;
	[sflag:s7] =	ssyncset.done $0x0  }
0xa0: {  	[sflag:s7] =	ssyncadd.s32 s5;
	_ =	sdelay $0x1  }
0xa1: {  	s23 =	simm.s32 $0x1B8B  }
0xa2: {  	_ =	swait.ge [sflag:s23], $0x1  }
0xa3: {  	[sflag:s23] =	ssyncset.done $0x0  }
0xa4: {  	[sflag:s23] =	ssyncadd.s32 $0xFFFFFFFF  }
0xa5: {  	s5 =	sld [smem:$0x0]  }
0xa6: {  	s6 =	sand.u32 $0xFFFFFFFE, s1  }
0xa7: {  	p0 =	sne.s32 s1, s6  }
0xa8: {  	s6 =	sshll.u32 @p0 s6, $0xE  }
0xa9: {  	s6 =	sadd.s32 @p0 $0x11B8D, s6;
	s7 =	sshll.u32 @p0 s5, $0x11  }
0xaa: {  	s6 =	sor.u32 @p0 s7, s6  }
0xab: {  	[sflag:s6] =	ssyncadd.remote.s32 @p0 $0x1;
	_ =	sdelay $0x1  }
0xac: {  	s6 =	simm.s32 @p0 $0x1B8D  }
0xad: {  	_ =	swait.eq @p0 [sflag:s6], $0x1  }
0xae: {  	[sflag:s6] =	ssyncadd.s32 @p0 $0xFFFFFFFF  }
0xaf: {  	s7 =	sshll.u32 @!p0 s1, $0xE  }
0xb0: {  	s7 =	sor.u32 @!p0 $0x4000, s7;
	s6 =	simm.s32 @!p0 $0x1B8D  }
0xb1: {  	s5 =	sshll.u32 @!p0 s5, $0x11;
	s7 =	sadd.s32 @!p0 $0x11B8D, s7;
	_ =	swait.eq @!p0 [sflag:s6], $0x1  }
0xb2: {  	s5 =	sor.u32 @!p0 s5, s7;
	[sflag:s6] =	ssyncadd.s32 @!p0 $0xFFFFFFFF  }
0xb3: {  	s25 =	simm.s32 $0x1B8E;
	s24 =	sld [smem:$0x3FFE];
	[sflag:s5] =	ssyncadd.remote.s32 @!p0 $0x1  }
0xb4: {  	s26 =	simm.s32 $execute0_lowered;
	[smem:$0x3FD2] =	sst s25  }
0xb5: {  	s6 =	sshll.u32 s26, $0x1;
	_ =	strace $0x8000004F;
	[dreg:$0x1] =	wrdreg $0xFFFFFFFF  }
0xb6: {  	s28 =	simm.s32 $_size_execute0_lowered;
	s4 =	sadd.s32 s4, s6;
	[dreg:$0x0] =	wrdreg $0x0  }
0xb7: {  	s6 =	sshll.u32 s28, $0x1;
	[dreg:$0x2] =	wrdreg s4  }
0xb8: {  	[dreg:$0x3] =	wrdreg s6  }
0xb9: {  	[dreg:$0x4] =	wrdreg $0xC0  }
0xba: {  	_ =	task [dreg:s22], $0x5FFFF  }
0xbb: {  	[dreg:$0x1] =	wrdreg $0xFFFFFFFF  }
0xbc: {  	[dreg:$0x0] =	wrdreg $0x60  }
0xbd: {  	[dreg:$0x2] =	wrdreg s24  }
0xbe: {  	[dreg:$0x3] =	wrdreg s18  }
0xbf: {  	[dreg:$0x4] =	wrdreg $0xC  }
0xc0: {  	_ =	task.clear_ibuf [dreg:s22], $0x5FFFF;
	_ =	strace $0x9000004F  }
0xc1: {  	s29 =	simm.s32 $0xC;
	_ =	strace $0x80000051  }
0xc2: {  	_ =	swait.ge [sflag:s29], $0x1  }
0xc3: {  	[sflag:s29] =	ssyncadd.s32 $0xFFFFFFFF  }
0xc4: {  	_ =	strace $0x90000051  }
0xc5: {  	_ =	sfence  }
0xc6: {  	s30 =	sld [smem:$0x0];
	_ =	sdelay $0x2  }
0xc7: {  	s31 =	sshll.u32 s1, $0xD;
	s1 =	sshrl.u32 s1, $0x2  }
0xc8: {  	s4 =	sand.u32 $0x4000, s31;
	s1 =	sadd.s32 s1, s30  }
0xc9: {  	s0 =	sor.u32 s4, s0;
	s1 =	sshll.u32 s1, $0x11  }
0xca: {  	s0 =	sor.u32 s1, s0  }
0xcb: {  	s0 =	sadd.s32 $0x8F2B, s0  }
0xcc: {  	[sflag:s0] =	ssyncadd.remote.s32 $0x1  }
0xcd: {  	_ =	sfence.sel $0xFFFF  }
0xce: {  	[dreg:$0x0] =	wrdreg $0xFFFFFFFF;
	(pc) =	sbr.abs _section_cstart, $3  }
0xcf: {  	[dreg:$0x1] =	wrdreg $0xFFFFFFFF  }
0xd0: {  	_ =	task.clear_ibuf [dreg:s22], $0x2FFFF;
	_ =	strace $0x9FFFFFFF  }
0xd1: {  	(tm) =	ssettm $0x7FFFFFFF  }
tec
execute0_lowered:
.L_overlay_start_1:
0x0: {  	(tag) =	ssettag $0x1  }
0x1: {  	s0 =	rddreg [dreg:$0x0]  }
0x2: {  	s1 =	rddreg [dreg:$0x1];
	s3 =	simm.s32 $0x0;
	s2 =	srdreg.scid  }
0x3: {  	s4 =	stileid.u32;
	s11 =	simm.s32 $0x5;
	s12 =	simm.s32 $0x100  }
0x4: {  	s14 =	simm.s32 $0x1;
	s16 =	simm.s32 $0xC100;
	s28 =	simm.s32 $0x11900  }
0x5: {  	s29 =	simm.s32 $0x12100;
	s30 =	simm.s32 $0x12900;
	s31 =	simm.s32 $0x13100  }
0x6: {  	s10 =	simm.s32 $0x15100;
	s13 =	simm.s32 $0x15900;
	s15 =	simm.s32 $0x16100  }
0x7: {  	s17 =	simm.s32 $0x16900;
	s18 =	simm.s32 $0x17100;
	s19 =	simm.s32 $0x17900  }
0x8: {  	s20 =	simm.s32 $0x2;
	s21 =	simm.s32 $0x3;
	s24 =	simm.s32 $0x0  }
0x9: {  	[smem:$0x7FF] =	sst s3;
	s2 =	sand.u32 $0x1, s2;
	s5 =	sshll.u32 s4, $0x9  }
0xa: {  	s4 =	sadd.s32 $0x4C00, s0;
	s8 =	sadd.s32 $0x100, s1;
	s9 =	sadd.s32 $0x200, s1  }
0xb: {  	_ =	strace $0x80000050;
	s6 =	sshll.u32 s2, $0x8;
	s2 =	ssub.s32 $0x2, s2  }
.Ltmp0:
0xc: {  	s5 =	sor.u32 s6, s5;
	s25 =	sshrl.u32 s2, $0x1;
	(pc) =	sbr.rel .LBB2_1-.Ltmp0, $4  }
0xd: {  	s6 =	sadd.s32 $0x246800, s0;
	s7 =	sshrl.u32 s5, $0x3;
	s0 =	ssub.s32 s2, s25  }
0xe: {  	v3 =	vlaneseq.u32;
	s2 =	simm.s32 $0x14100;
	s25 =	simm.s32 $0x80;
	s26 =	sadd.s32 s4, s7  }
0xf: {  	vm0 =	vmmov $0xffff;
	v1 =	vshrl.u32 v3, $0x3;
	v0 =	vand.u32 $0x7, v3;
	s0 =	smax.u32 s0, $0x1;
	s7 =	simm.s32 $0x14900;
	[dreg:$0x3] =	wrdreg s26  }
0x10: {  	v3 =	vor.u32 $0x8, v3;
	v1 =	vmul.u32 $0x8, v1;
	v2 =	vor.u32 $0x8, v0;
	[dreg:$0x4] =	wrdreg s0;
	s26 =	simm.s32 $0x11100;
	s0 =	simm.s32 $0x13900  }
.LBB2_4:
0x11: {  	s23 =	simm.s32 $0x4  }
0x12: {  	_ =	swait.ge [sflag:s23], $0xC000  }
0x13: {  	s24 =	rddreg [dreg:$0x5]  }
0x14: {  	s22 =	rddreg [dreg:$0x4];
	s24 =	sadd.s32 $0x1, s24  }
0x15: {  	p0 =	sne.s32 s24, s22  }
.Ltmp1:
0x16: {  	_ = 	snop;
	(pc) =	sbr.rel @!p0 .LBB2_5-.Ltmp1, $3  }
0x17: {  	_ =	sdelay $0x1  }
0x18: {  	[sflag:s23] =	ssyncset.done $0x0  }
0x19: {  	[sflag:s23] =	ssyncadd.s32 $0xFFFF4000  }
.LBB2_1:
0x1a: {  	[dreg:$0x5] =	wrdreg s24  }
0x1b: {  	s22 =	rddreg [dreg:$0x3]  }
0x1c: {  	[tilespmem:s3], [sflag:$0x5] =	stream.linear.gather [hbm4b:s22+s3], $0x40, $0x38;
	[tilespmem:$0x18100] =	vst v63  }
0x1d: {  	_ =	swait.ge [sflag:s11], $0x40  }
0x1e: {  	[sflag:s11] =	ssyncset.done $0x0  }
0x1f: {  	[sflag:s11] =	ssyncadd.s32 $0xFFFFFFC0  }
0x20: {  	v4 =	vld [tilespmem:$0x0];
	_ =	sdelay $0x4  }
0x21: {  	v5 =	vshrl.u32 v4, $0x3  }
0x22: {  	v5 =	vmul.u32 $0x30, v5  }
0x23: {  	v4 =	vand.u32 $0x7, v4  }
0x24: {  	v4 =	vor.u32 v4, v5  }
0x25: {  	v5 =	vperm.xlane v4, v0;
	_ =	sdelay $0x1  }
0x26: {  	v5 =	vadd.s32 v1, v5;
	_ =	sdelay $0x4  }
0x27: {  	[tilespmem:s12], [sflag:$0x1] =	stream.indirect_vreg.gather [hbm4b:s1+s3], $0x80, v5, vm0, $0xb8;
	[tilespmem:$0x18100] =	vst v63  }
0x28: {  	s24 =	simm.s32 $0x900;
	p0 =	por $0x0, $0x0;
	s22 =	simm.s32 $0x0  }
0x29: {  	[tilespmem:s24], [sflag:$0x1] =	stream.indirect_vreg.gather [hbm4b:s8+s3], $0x80, v5, vm0, $0xb8;
	[tilespmem:$0x18100] =	vst v63  }
.LBB2_2:
0x2a: {  	v4 =	vperm.xlane v4, v2;
	_ =	sdelay $0x1  }
0x2b: {  	v4 =	vadd.s32 v1, v4;
	_ =	sdelay $0x1  }
0x2c: {  	s23 =	simm.s32 $0x1100  }
0x2d: {  	[tilespmem:s23], [sflag:$0x1] =	stream.indirect_vreg.gather [hbm4b:s9+s3], $0x80, v5, vm0, $0xb8;
	[tilespmem:$0x18100] =	vst v63  }
0x2e: {  	s24 =	simm.s32 $0x1900  }
0x2f: {  	[tilespmem:s24], [sflag:$0x1] =	stream.indirect_vreg.gather [hbm4b:s1+s3], $0x80, v4, vm0, $0xb8;
	[tilespmem:$0x18100] =	vst v63  }
0x30: {  	s24 =	simm.s32 $0x2100  }
0x31: {  	[tilespmem:s24], [sflag:$0x1] =	stream.indirect_vreg.gather [hbm4b:s8+s3], $0x80, v4, vm0, $0xb8;
	[tilespmem:$0x18100] =	vst v63  }
0x32: {  	s24 =	simm.s32 $0x2900  }
0x33: {  	[tilespmem:s24], [sflag:$0x1] =	stream.indirect_vreg.gather [hbm4b:s9+s3], $0x80, v4, vm0, $0xb8;
	[tilespmem:$0x18100] =	vst v63  }
0x34: {  	v4 =	vld [tilespmem:$0x10];
	_ =	sdelay $0x4  }
0x35: {  	v5 =	vshrl.u32 v4, $0x3  }
0x36: {  	v5 =	vmul.u32 $0x30, v5  }
0x37: {  	v4 =	vand.u32 $0x7, v4  }
0x38: {  	v4 =	vor.u32 v4, v5  }
0x39: {  	v5 =	vperm.xlane v4, v0;
	_ =	sdelay $0x1  }
0x3a: {  	v5 =	vadd.s32 v1, v5;
	_ =	sdelay $0x3  }
0x3b: {  	s24 =	simm.s32 $0x3100;
	v4 =	vperm.xlane v4, v2  }
0x3c: {  	[tilespmem:s24], [sflag:$0x1] =	stream.indirect_vreg.gather [hbm4b:s1+s3], $0x80, v5, vm0, $0xb8;
	[tilespmem:$0x18100] =	vst v63  }
0x3d: {  	v4 =	vadd.s32 v1, v4;
	s24 =	simm.s32 $0x3900  }
0x3e: {  	[tilespmem:s24], [sflag:$0x1] =	stream.indirect_vreg.gather [hbm4b:s8+s3], $0x80, v5, vm0, $0xb8;
	[tilespmem:$0x18100] =	vst v63  }
0x3f: {  	s24 =	simm.s32 $0x4100  }
0x40: {  	[tilespmem:s24], [sflag:$0x1] =	stream.indirect_vreg.gather [hbm4b:s9+s3], $0x80, v5, vm0, $0xb8;
	[tilespmem:$0x18100] =	vst v63  }
0x41: {  	s24 =	simm.s32 $0x4900  }
0x42: {  	[tilespmem:s24], [sflag:$0x1] =	stream.indirect_vreg.gather [hbm4b:s1+s3], $0x80, v4, vm0, $0xb8;
	[tilespmem:$0x18100] =	vst v63  }
0x43: {  	s24 =	simm.s32 $0x5100  }
0x44: {  	[tilespmem:s24], [sflag:$0x1] =	stream.indirect_vreg.gather [hbm4b:s8+s3], $0x80, v4, vm0, $0xb8;
	[tilespmem:$0x18100] =	vst v63  }
0x45: {  	s24 =	simm.s32 $0x5900  }
0x46: {  	[tilespmem:s24], [sflag:$0x1] =	stream.indirect_vreg.gather [hbm4b:s9+s3], $0x80, v4, vm0, $0xb8;
	[tilespmem:$0x18100] =	vst v63  }
0x47: {  	v4 =	vld [tilespmem:$0x20];
	_ =	sdelay $0x4  }
0x48: {  	v5 =	vshrl.u32 v4, $0x3  }
0x49: {  	v5 =	vmul.u32 $0x30, v5  }
0x4a: {  	v4 =	vand.u32 $0x7, v4  }
0x4b: {  	v4 =	vor.u32 v4, v5  }
0x4c: {  	v5 =	vperm.xlane v4, v0;
	_ =	sdelay $0x1  }
0x4d: {  	v5 =	vadd.s32 v1, v5;
	_ =	sdelay $0x3  }
0x4e: {  	s24 =	simm.s32 $0x6100;
	v4 =	vperm.xlane v4, v2  }
0x4f: {  	[tilespmem:s24], [sflag:$0x1] =	stream.indirect_vreg.gather [hbm4b:s1+s3], $0x80, v5, vm0, $0xb8;
	[tilespmem:$0x18100] =	vst v63  }
0x50: {  	v4 =	vadd.s32 v1, v4;
	s24 =	simm.s32 $0x6900  }
0x51: {  	[tilespmem:s24], [sflag:$0x1] =	stream.indirect_vreg.gather [hbm4b:s8+s3], $0x80, v5, vm0, $0xb8;
	[tilespmem:$0x18100] =	vst v63  }
0x52: {  	s24 =	simm.s32 $0x7100  }
0x53: {  	[tilespmem:s24], [sflag:$0x1] =	stream.indirect_vreg.gather [hbm4b:s9+s3], $0x80, v5, vm0, $0xb8;
	[tilespmem:$0x18100] =	vst v63  }
0x54: {  	s24 =	simm.s32 $0x7900  }
0x55: {  	[tilespmem:s24], [sflag:$0x1] =	stream.indirect_vreg.gather [hbm4b:s1+s3], $0x80, v4, vm0, $0xb8;
	[tilespmem:$0x18100] =	vst v63  }
0x56: {  	s24 =	simm.s32 $0x8100  }
0x57: {  	[tilespmem:s24], [sflag:$0x1] =	stream.indirect_vreg.gather [hbm4b:s8+s3], $0x80, v4, vm0, $0xb8;
	[tilespmem:$0x18100] =	vst v63  }
0x58: {  	s24 =	simm.s32 $0x8900  }
0x59: {  	[tilespmem:s24], [sflag:$0x1] =	stream.indirect_vreg.gather [hbm4b:s9+s3], $0x80, v4, vm0, $0xb8;
	[tilespmem:$0x18100] =	vst v63  }
0x5a: {  	v4 =	vld [tilespmem:$0x30];
	_ =	sdelay $0x4  }
0x5b: {  	v5 =	vshrl.u32 v4, $0x3  }
0x5c: {  	v5 =	vmul.u32 $0x30, v5  }
0x5d: {  	v4 =	vand.u32 $0x7, v4  }
0x5e: {  	v4 =	vor.u32 v4, v5  }
0x5f: {  	v5 =	vperm.xlane v4, v0;
	_ =	sdelay $0x1  }
0x60: {  	v5 =	vadd.s32 v1, v5;
	_ =	sdelay $0x3  }
0x61: {  	s24 =	simm.s32 $0x9100;
	v4 =	vperm.xlane v4, v2  }
0x62: {  	[tilespmem:s24], [sflag:$0x1] =	stream.indirect_vreg.gather [hbm4b:s1+s3], $0x80, v5, vm0, $0xb8;
	[tilespmem:$0x18100] =	vst v63  }
0x63: {  	v4 =	vadd.s32 v1, v4;
	s24 =	simm.s32 $0x9900  }
0x64: {  	[tilespmem:s24], [sflag:$0x1] =	stream.indirect_vreg.gather [hbm4b:s8+s3], $0x80, v5, vm0, $0xb8;
	[tilespmem:$0x18100] =	vst v63  }
0x65: {  	s24 =	simm.s32 $0xA100  }
0x66: {  	[tilespmem:s24], [sflag:$0x1] =	stream.indirect_vreg.gather [hbm4b:s9+s3], $0x80, v5, vm0, $0xb8;
	[tilespmem:$0x18100] =	vst v63  }
0x67: {  	s24 =	simm.s32 $0xA900  }
0x68: {  	[tilespmem:s24], [sflag:$0x1] =	stream.indirect_vreg.gather [hbm4b:s1+s3], $0x80, v4, vm0, $0xb8;
	[tilespmem:$0x18100] =	vst v63  }
0x69: {  	s24 =	simm.s32 $0xB100  }
0x6a: {  	[tilespmem:s24], [sflag:$0x1] =	stream.indirect_vreg.gather [hbm4b:s8+s3], $0x80, v4, vm0, $0xb8;
	[tilespmem:$0x18100] =	vst v63  }
0x6b: {  	s24 =	simm.s32 $0xB900  }
0x6c: {  	[tilespmem:s24], [sflag:$0x1] =	stream.indirect_vreg.gather [hbm4b:s9+s3], $0x80, v4, vm0, $0xb8;
	[tilespmem:$0x18100] =	vst v63  }
0x6d: {  	_ =	swait.ge [sflag:s14], $0xC000  }
0x6e: {  	s22 =	sor.u32 s5, s22;
	[sflag:s14] =	ssyncset.done $0x0  }
0x6f: {  	s23 =	simm.s32 @p0 $0x4;
	s22 =	sshrl.u32 s22, $0x3;
	[sflag:s14] =	ssyncadd.s32 $0xFFFF4000  }
0x70: {  	s24 =	smul.u32 $0x300, s22;
	_ =	swait.ge @p0 [sflag:s23], $0xC000  }
0x71: {  	[sflag:s23] =	ssyncset.done @p0 $0x0  }
0x72: {  	s24 =	sadd.s32 s6, s24;
	[sflag:s23] =	ssyncadd.s32 @p0 $0xFFFF4000;
	s23 =	sor.u32 $0x8, s22  }
0x73: {  	[hbm4b:s24+s3] =	stream.linear.scatter [tilespmem:s12], [sflag:$0x3], $0xC000, $0x38;
	[tilespmem:$0x18100] =	vst v63  }
0x74: {  	s24 =	sadd.s32 s4, s23  }
0x75: {  	[tilespmem:s25], [sflag:$0x5] =	stream.linear.gather [hbm4b:s24+s3], $0x40, $0x38;
	[tilespmem:$0x18100] =	vst v63  }
0x76: {  	_ =	swait.ge [sflag:s11], $0x40  }
0x77: {  	[sflag:s11] =	ssyncset.done $0x0  }
0x78: {  	[sflag:s11] =	ssyncadd.s32 $0xFFFFFFC0  }
0x79: {  	v4 =	vld [tilespmem:$0x80];
	_ =	sdelay $0x4  }
0x7a: {  	v5 =	vshrl.u32 v4, $0x3  }
0x7b: {  	v5 =	vmul.u32 $0x30, v5  }
0x7c: {  	v4 =	vand.u32 $0x7, v4  }
0x7d: {  	v4 =	vor.u32 v4, v5  }
0x7e: {  	v5 =	vperm.xlane v4, v0;
	_ =	sdelay $0x1  }
0x7f: {  	v5 =	vadd.s32 v1, v5;
	_ =	sdelay $0x3  }
0x80: {  	v4 =	vperm.xlane v4, v3  }
0x81: {  	[tilespmem:s16], [sflag:$0x2] =	stream.indirect_vreg.gather [hbm4b:s1+s3], $0x80, v5, vm0, $0xb8;
	[tilespmem:$0x18100] =	vst v63  }
0x82: {  	s24 =	simm.s32 $0xC900;
	v4 =	vadd.s32 v1, v4  }
0x83: {  	[tilespmem:s24], [sflag:$0x2] =	stream.indirect_vreg.gather [hbm4b:s8+s3], $0x80, v5, vm0, $0xb8;
	[tilespmem:$0x18100] =	vst v63  }
0x84: {  	s24 =	simm.s32 $0xD100  }
0x85: {  	[tilespmem:s24], [sflag:$0x2] =	stream.indirect_vreg.gather [hbm4b:s9+s3], $0x80, v5, vm0, $0xb8;
	[tilespmem:$0x18100] =	vst v63  }
0x86: {  	s24 =	simm.s32 $0xD900  }
0x87: {  	[tilespmem:s24], [sflag:$0x2] =	stream.indirect_vreg.gather [hbm4b:s1+s3], $0x80, v4, vm0, $0xb8;
	[tilespmem:$0x18100] =	vst v63  }
0x88: {  	s24 =	simm.s32 $0xE100  }
0x89: {  	[tilespmem:s24], [sflag:$0x2] =	stream.indirect_vreg.gather [hbm4b:s8+s3], $0x80, v4, vm0, $0xb8;
	[tilespmem:$0x18100] =	vst v63  }
0x8a: {  	s24 =	simm.s32 $0xE900  }
0x8b: {  	[tilespmem:s24], [sflag:$0x2] =	stream.indirect_vreg.gather [hbm4b:s9+s3], $0x80, v4, vm0, $0xb8;
	[tilespmem:$0x18100] =	vst v63  }
0x8c: {  	v4 =	vld [tilespmem:$0x90];
	_ =	sdelay $0x4  }
0x8d: {  	v5 =	vshrl.u32 v4, $0x3  }
0x8e: {  	v5 =	vmul.u32 $0x30, v5  }
0x8f: {  	v4 =	vand.u32 $0x7, v4  }
0x90: {  	v4 =	vor.u32 v4, v5  }
0x91: {  	v5 =	vperm.xlane v4, v0;
	_ =	sdelay $0x1  }
0x92: {  	v5 =	vadd.s32 v1, v5;
	_ =	sdelay $0x3  }
0x93: {  	s24 =	simm.s32 $0xF100;
	v4 =	vperm.xlane v4, v3  }
0x94: {  	[tilespmem:s24], [sflag:$0x2] =	stream.indirect_vreg.gather [hbm4b:s1+s3], $0x80, v5, vm0, $0xb8;
	[tilespmem:$0x18100] =	vst v63  }
0x95: {  	v4 =	vadd.s32 v1, v4;
	s24 =	simm.s32 $0xF900  }
0x96: {  	[tilespmem:s24], [sflag:$0x2] =	stream.indirect_vreg.gather [hbm4b:s8+s3], $0x80, v5, vm0, $0xb8;
	[tilespmem:$0x18100] =	vst v63  }
0x97: {  	s24 =	simm.s32 $0x10100  }
0x98: {  	[tilespmem:s24], [sflag:$0x2] =	stream.indirect_vreg.gather [hbm4b:s9+s3], $0x80, v5, vm0, $0xb8;
	[tilespmem:$0x18100] =	vst v63  }
0x99: {  	s24 =	simm.s32 $0x10900  }
0x9a: {  	[tilespmem:s24], [sflag:$0x2] =	stream.indirect_vreg.gather [hbm4b:s1+s3], $0x80, v4, vm0, $0xb8;
	[tilespmem:$0x18100] =	vst v63  }
0x9b: {  	_ = 	snop  }
0x9c: {  	[tilespmem:s26], [sflag:$0x2] =	stream.indirect_vreg.gather [hbm4b:s8+s3], $0x80, v4, vm0, $0xb8;
	[tilespmem:$0x18100] =	vst v63  }
0x9d: {  	_ = 	snop  }
0x9e: {  	[tilespmem:s28], [sflag:$0x2] =	stream.indirect_vreg.gather [hbm4b:s9+s3], $0x80, v4, vm0, $0xb8;
	[tilespmem:$0x18100] =	vst v63  }
0x9f: {  	v4 =	vld [tilespmem:$0xA0];
	_ =	sdelay $0x4  }
0xa0: {  	v5 =	vshrl.u32 v4, $0x3  }
0xa1: {  	v5 =	vmul.u32 $0x30, v5  }
0xa2: {  	v4 =	vand.u32 $0x7, v4  }
0xa3: {  	v4 =	vor.u32 v4, v5  }
0xa4: {  	v5 =	vperm.xlane v4, v0;
	_ =	sdelay $0x1  }
0xa5: {  	v5 =	vadd.s32 v1, v5;
	_ =	sdelay $0x3  }
0xa6: {  	v4 =	vperm.xlane v4, v3  }
0xa7: {  	[tilespmem:s29], [sflag:$0x2] =	stream.indirect_vreg.gather [hbm4b:s1+s3], $0x80, v5, vm0, $0xb8;
	[tilespmem:$0x18100] =	vst v63  }
0xa8: {  	v4 =	vadd.s32 v1, v4  }
0xa9: {  	[tilespmem:s30], [sflag:$0x2] =	stream.indirect_vreg.gather [hbm4b:s8+s3], $0x80, v5, vm0, $0xb8;
	[tilespmem:$0x18100] =	vst v63  }
0xaa: {  	_ = 	snop  }
0xab: {  	[tilespmem:s31], [sflag:$0x2] =	stream.indirect_vreg.gather [hbm4b:s9+s3], $0x80, v5, vm0, $0xb8;
	[tilespmem:$0x18100] =	vst v63  }
0xac: {  	_ = 	snop  }
0xad: {  	[tilespmem:s0], [sflag:$0x2] =	stream.indirect_vreg.gather [hbm4b:s1+s3], $0x80, v4, vm0, $0xb8;
	[tilespmem:$0x18100] =	vst v63  }
0xae: {  	_ = 	snop  }
0xaf: {  	[tilespmem:s2], [sflag:$0x2] =	stream.indirect_vreg.gather [hbm4b:s8+s3], $0x80, v4, vm0, $0xb8;
	[tilespmem:$0x18100] =	vst v63  }
0xb0: {  	_ = 	snop  }
0xb1: {  	[tilespmem:s7], [sflag:$0x2] =	stream.indirect_vreg.gather [hbm4b:s9+s3], $0x80, v4, vm0, $0xb8;
	[tilespmem:$0x18100] =	vst v63  }
0xb2: {  	v4 =	vld [tilespmem:$0xB0];
	_ =	sdelay $0x4  }
0xb3: {  	v5 =	vshrl.u32 v4, $0x3  }
0xb4: {  	v5 =	vmul.u32 $0x30, v5  }
0xb5: {  	v4 =	vand.u32 $0x7, v4  }
0xb6: {  	v4 =	vor.u32 v4, v5  }
0xb7: {  	v5 =	vperm.xlane v4, v0;
	_ =	sdelay $0x1  }
0xb8: {  	v5 =	vadd.s32 v1, v5;
	_ =	sdelay $0x3  }
0xb9: {  	v4 =	vperm.xlane v4, v3  }
0xba: {  	[tilespmem:s10], [sflag:$0x2] =	stream.indirect_vreg.gather [hbm4b:s1+s3], $0x80, v5, vm0, $0xb8;
	[tilespmem:$0x18100] =	vst v63  }
0xbb: {  	v4 =	vadd.s32 v1, v4  }
0xbc: {  	[tilespmem:s13], [sflag:$0x2] =	stream.indirect_vreg.gather [hbm4b:s8+s3], $0x80, v5, vm0, $0xb8;
	[tilespmem:$0x18100] =	vst v63  }
0xbd: {  	_ = 	snop  }
0xbe: {  	[tilespmem:s15], [sflag:$0x2] =	stream.indirect_vreg.gather [hbm4b:s9+s3], $0x80, v5, vm0, $0xb8;
	[tilespmem:$0x18100] =	vst v63  }
0xbf: {  	_ = 	snop  }
0xc0: {  	[tilespmem:s17], [sflag:$0x2] =	stream.indirect_vreg.gather [hbm4b:s1+s3], $0x80, v4, vm0, $0xb8;
	[tilespmem:$0x18100] =	vst v63  }
0xc1: {  	_ = 	snop  }
0xc2: {  	[tilespmem:s18], [sflag:$0x2] =	stream.indirect_vreg.gather [hbm4b:s8+s3], $0x80, v4, vm0, $0xb8;
	[tilespmem:$0x18100] =	vst v63  }
0xc3: {  	_ = 	snop  }
0xc4: {  	[tilespmem:s19], [sflag:$0x2] =	stream.indirect_vreg.gather [hbm4b:s9+s3], $0x80, v4, vm0, $0xb8;
	[tilespmem:$0x18100] =	vst v63  }
0xc5: {  	_ =	swait.ge [sflag:s20], $0xC000  }
0xc6: {  	[sflag:s20] =	ssyncset.done $0x0  }
.Ltmp2:
0xc7: {  	[sflag:s20] =	ssyncadd.s32 $0xFFFF4000;
	(pc) =	sbr.rel @p0 .LBB2_4-.Ltmp2, $4  }
0xc8: {  	s23 =	smul.u32 $0x300, s23;
	_ =	swait.ge [sflag:s21], $0xC000  }
0xc9: {  	[sflag:s21] =	ssyncset.done $0x0  }
0xca: {  	s23 =	sadd.s32 s6, s23;
	[sflag:s21] =	ssyncadd.s32 $0xFFFF4000  }
0xcb: {  	[hbm4b:s23+s3] =	stream.linear.scatter [tilespmem:s16], [sflag:$0x4], $0xC000, $0x38;
	[tilespmem:$0x18100] =	vst v63  }
0xcc: {  	s22 =	sadd.s32 s4, s22  }
0xcd: {  	s22 =	sadd.s32 $0x10, s22  }
0xce: {  	[tilespmem:s3], [sflag:$0x5] =	stream.linear.gather [hbm4b:s22+s3], $0x40, $0x38;
	[tilespmem:$0x18100] =	vst v63  }
0xcf: {  	_ =	swait.ge [sflag:s11], $0x40  }
0xd0: {  	[sflag:s11] =	ssyncset.done $0x0  }
0xd1: {  	[sflag:s11] =	ssyncadd.s32 $0xFFFFFFC0  }
0xd2: {  	v4 =	vld [tilespmem:$0x0];
	_ =	sdelay $0x4  }
0xd3: {  	v5 =	vshrl.u32 v4, $0x3  }
0xd4: {  	v5 =	vmul.u32 $0x30, v5  }
0xd5: {  	v4 =	vand.u32 $0x7, v4  }
0xd6: {  	v4 =	vor.u32 v4, v5  }
0xd7: {  	v5 =	vperm.xlane v4, v0;
	_ =	sdelay $0x1  }
0xd8: {  	v5 =	vadd.s32 v1, v5;
	_ =	sdelay $0x2  }
.Ltmp3:
0xd9: {  	_ = 	snop;
	(pc) =	sbr.rel .LBB2_2-.Ltmp3, $4  }
0xda: {  	_ = 	snop  }
0xdb: {  	[tilespmem:s12], [sflag:$0x1] =	stream.indirect_vreg.gather [hbm4b:s1+s3], $0x80, v5, vm0, $0xb8;
	[tilespmem:$0x18100] =	vst v63  }
0xdc: {  	s24 =	simm.s32 $0x900;
	p0 =	por $0x1, $0x1;
	s22 =	simm.s32 $0x80  }
0xdd: {  	[tilespmem:s24], [sflag:$0x1] =	stream.indirect_vreg.gather [hbm4b:s8+s3], $0x80, v5, vm0, $0xb8;
	[tilespmem:$0x18100] =	vst v63  }
.LBB2_5:
0xde: {  	_ =	sfence.sel $0x180000  }
0xdf: {  	[bflag:$0x0] =	sbarrier.arrive $0xFFFF  }
0xe0: {  	_ =	strace $0x90000050  }
0xe1: {  	s0 =	stileid.u32;
	[bflag:$0x2] =	sbarrier.arrive $0xFFFF  }
0xe2: {  	p0 =	sne.s32 s0, $0x0;
	s0 =	rddreg [dreg:$0x2]  }
0xe3: {  	s0 =	sadd.s32 @!p0 $0x100000, s0  }
0xe4: {  	[sflag:s0] =	ssyncadd.tile.s32 @!p0 $0x1;
	_ =	shalt  }
.Lfunc_end2:
_tile_overlayer_lowered:
.L_overlay_start_2:
0xe5: {  	(tag) =	ssettag $0x2  }
0xe6: {  	s0 =	rddreg [dreg:$0x0];
	s2 =	stileid.u32  }
0xe7: {  	s1 =	rddreg [dreg:$0x1];
	p0 =	sne.s32 s2, $0x0  }
0xe8: {  	s3 =	rddreg [dreg:$0x2];
	[bflag:$0x3] =	sbarrier.arrive $0xFFFF;
	s2 =	simm.s32 @!p0 $0x1C05  }
0xe9: {  	[timem:s3], [sflag:s2] =	dma.local @!p0 [hbm:s0], s1  }
0xea: {  	s0 =	simm.s32 @!p0 $0x5  }
0xeb: {  	_ =	swait.ge @!p0 [sflag:s0], s1  }
0xec: {  	s1 =	ssub.s32 @!p0 $0x0, s1;
	[sflag:s0] =	ssyncset.done @!p0 $0x0  }
0xed: {  	[sflag:s0] =	ssyncadd.s32 @!p0 s1  }
0xee: {  	[bflag:$0x3] =	sbarrier.arrive $0xFFFF  }
0xef: {  	_ =	shalt  }

// kernel: kernel.30.cloned.1.call-start
scs
__scs_entry_jumppad:
0x0: {  	(pc) =	sbr.rel $0x88, $3  }
0x1: {  	(tag) =	ssettag $0x0;
	lr =	simm.s32 $0x1  }
0x2: {  	[smem:$0x3F9A] =	sst lr;
	_ =	strace $0xD0000000  }
0x3: {  	_ = 	snop  }
0x4: {  	_ = 	snop  }
0x5: {  	_ = 	snop  }
0x6: {  	_ = 	snop  }
0x7: {  	_ = 	snop  }
__scs_overlays_trampoline_lowered:
0x8: {  	[smem:$0x3FA9] =	sst s0  }
0x9: {  	[smem:$0x3FAA] =	sst s1  }
0xa: {  	[smem:$0x3FAB] =	sst s2  }
0xb: {  	[smem:$0x3FAC] =	sst s3  }
0xc: {  	[smem:$0x3FAD] =	sst s4  }
0xd: {  	[smem:$0x3FAE] =	sst s5  }
0xe: {  	[smem:$0x3FAF] =	sst s6  }
0xf: {  	[smem:$0x3FB0] =	sst s7  }
0x10: {  	[smem:$0x3FB1] =	sst s8  }
0x11: {  	[smem:$0x3FB2] =	sst s9;
	s0 =	simm.s32 @!p0 $0x0  }
0x12: {  	s1 =	sld [smem:$0x3F98];
	s0 =	simm.s32 @p0 $0x1  }
0x13: {  	[smem:$0x3FB3] =	sst s0;
	s0 =	simm.s32 @!p1 $0x0  }
0x14: {  	s2 =	sld [smem:$0x3F97];
	s0 =	simm.s32 @p1 $0x1  }
0x15: {  	[smem:$0x3FB4] =	sst s0;
	s0 =	simm.s32 @!p2 $0x0  }
0x16: {  	s3 =	sld [smem:$0x3FDB];
	s0 =	simm.s32 @p2 $0x1  }
0x17: {  	s4 =	simm.s32 $0x1BF5;
	[smem:$0x3FB6] =	sst s0  }
0x18: {  	s0 =	sld [smem:$0x3F99];
	_ =	swait.ge [sflag:s4], $0x0  }
0x19: {  	s7 =	sld [smem:$0x3F9A]  }
0x1a: {  	s8 =	sadd.s32 $0xFFFFE003, lr  }
0x1b: {  	s9 =	sadd.s32 $0xFFFFFEF7, lr;
	s5 =	simm.s32 $0xFFFFFFFF;
	p2 =	slt.u32 s8, $0xFFFFF086  }
0x1c: {  	p1 =	slt.u32 s9, $0xF7A;
	s5 =	simm.s32 @!p2 $0x0  }
0x1d: {  	s5 =	simm.s32 @p1 $0x1;
	p0 =	seq.s32 s7, s2  }
0x1e: {  	s7 =	smul.u32 @!p0 $0xF7A, s2;
	p2 =	seq.s32 @!p0 s5, $0x0  }
0x1f: {  	s9 =	smul.u32 $0xF7A, s1;
	s8 =	simm.s32 @!p0 $0x1BF5;
	p2 =	por !p2, p0  }
0x20: {  	[sflag:s8] =	ssyncset.s32 @!p0 $0xFFFFF086;
	s6 =	sadd.s32 @!p0 s3, s7;
	s7 =	simm.s32 @!p0 $0x108  }
0x21: {  	s3 =	sadd.s32 s3, s9;
	s6 =	sadd.s32 @!p0 $0x88, s6;
	s7 =	simm.s32 @p2 $0x1082  }
0x22: {  	[simem:s7], [sflag:s8] =	dma.local @!p0 [hbm:s6], $0xF7A  }
0x23: {  	s9 =	sor.u32 $0xD0000000, s2;
	s6 =	simm.s32 $0x108;
	_ =	swait.ge @!p0 [sflag:s8], $0x0  }
0x24: {  	s3 =	sadd.s32 $0x88, s3;
	s6 =	simm.s32 @!p1 $0x1082;
	[sflag:s4] =	ssyncset.s32 $0xFFFFF086  }
0x25: {  	[simem:s6], [sflag:s4] =	dma.local [hbm:s3], $0xF7A  }
0x26: {  	[smem:$0x3F9A] =	sst s1;
	(tag) =	ssettag s2;
	_ =	strace s9  }
0x27: {  	s1 =	sld [smem:$0x3FAA]  }
0x28: {  	s2 =	sld [smem:$0x3FAB]  }
0x29: {  	s4 =	sld [smem:$0x3FAD]  }
0x2a: {  	p0 =	seq.s32 s5, $0x0;
	s5 =	sld [smem:$0x3FAE]  }
0x2b: {  	s6 =	sld [smem:$0x3FAF]  }
0x2c: {  	s7 =	sld [smem:$0x3FB0]  }
0x2d: {  	s3 =	simm.s32 $0x108;
	s8 =	sld [smem:$0x3FB1]  }
0x2e: {  	s3 =	simm.s32 @!p0 $0x1082;
	s9 =	sld [smem:$0x3FB2]  }
0x2f: {  	lr =	sadd.s32 s0, s3;
	s0 =	sld [smem:$0x3FA9]  }
0x30: {  	s3 =	sld [smem:$0x3FAC]  }
0x31: {  	[smem:$0x3FB5] =	sst s10  }
0x32: {  	s10 =	sld [smem:$0x3FB3];
	_ =	sdelay $0x3  }
0x33: {  	p0 =	seq.s32 s10, $0x1;
	s10 =	sld [smem:$0x3FB5];
	_ =	sdelay $0x3  }
0x34: {  	[smem:$0x3FB5] =	sst s10  }
0x35: {  	s10 =	sld [smem:$0x3FB4];
	_ =	sdelay $0x3  }
0x36: {  	p1 =	seq.s32 s10, $0x1;
	s10 =	sld [smem:$0x3FB5];
	_ =	sdelay $0x3  }
0x37: {  	[smem:$0x3FB5] =	sst s10  }
0x38: {  	s10 =	sld [smem:$0x3FB6]  }
0x39: {  	_ = 	snop;
	(pc) =	sbr.ind lr, $3  }
0x3a: {  	_ = 	snop  }
0x3b: {  	_ = 	snop  }
0x3c: {  	p2 =	seq.s32 s10, $0x1;
	s10 =	sld [smem:$0x3FB5]  }
0x3d: {  	_ =	shalt  }
0x3e: {  	_ =	shalt  }
0x3f: {  	_ =	shalt  }
0x40: {  	_ =	shalt  }
0x41: {  	_ =	shalt  }
0x42: {  	_ =	shalt  }
0x43: {  	_ =	shalt  }
0x44: {  	_ =	shalt  }
0x45: {  	_ =	shalt  }
0x46: {  	_ =	shalt  }
0x47: {  	_ =	shalt  }
0x48: {  	_ =	shalt  }
0x49: {  	_ =	shalt  }
0x4a: {  	_ =	shalt  }
0x4b: {  	_ =	shalt  }
0x4c: {  	_ =	shalt  }
0x4d: {  	_ =	shalt  }
0x4e: {  	_ =	shalt  }
0x4f: {  	_ =	shalt  }
0x50: {  	_ =	shalt  }
0x51: {  	_ =	shalt  }
0x52: {  	_ =	shalt  }
0x53: {  	_ =	shalt  }
0x54: {  	_ =	shalt  }
0x55: {  	_ =	shalt  }
0x56: {  	_ =	shalt  }
0x57: {  	_ =	shalt  }
0x58: {  	_ =	shalt  }
0x59: {  	_ =	shalt  }
0x5a: {  	_ =	shalt  }
0x5b: {  	_ =	shalt  }
0x5c: {  	_ =	shalt  }
0x5d: {  	_ =	shalt  }
0x5e: {  	_ =	shalt  }
0x5f: {  	_ =	shalt  }
0x60: {  	_ =	shalt  }
0x61: {  	_ =	shalt  }
0x62: {  	_ =	shalt  }
0x63: {  	_ =	shalt  }
0x64: {  	_ =	shalt  }
0x65: {  	_ =	shalt  }
0x66: {  	_ =	shalt  }
0x67: {  	_ =	shalt  }
0x68: {  	_ =	shalt  }
0x69: {  	_ =	shalt  }
0x6a: {  	_ =	shalt  }
0x6b: {  	_ =	shalt  }
0x6c: {  	_ =	shalt  }
0x6d: {  	_ =	shalt  }
0x6e: {  	_ =	shalt  }
0x6f: {  	_ =	shalt  }
0x70: {  	_ =	shalt  }
0x71: {  	_ =	shalt  }
0x72: {  	_ =	shalt  }
0x73: {  	_ =	shalt  }
0x74: {  	_ =	shalt  }
0x75: {  	_ =	shalt  }
0x76: {  	_ =	shalt  }
0x77: {  	_ =	shalt  }
0x78: {  	_ =	shalt  }
0x79: {  	_ =	shalt  }
0x7a: {  	_ =	shalt  }
0x7b: {  	_ =	shalt  }
0x7c: {  	_ =	shalt  }
0x7d: {  	_ =	shalt  }
0x7e: {  	_ =	shalt  }
0x7f: {  	_ =	shalt  }
0x80: {  	_ =	shalt  }
0x81: {  	_ =	shalt  }
0x82: {  	_ =	shalt  }
0x83: {  	_ =	shalt  }
0x84: {  	_ =	shalt  }
0x85: {  	_ =	shalt  }
0x86: {  	_ =	shalt  }
0x87: {  	_ =	shalt  }
.Lfunc_end0:
.L_simem_size_0:
called_computation.4_lowered:
.L_overlay_start_0:
0x88: {  	s2 =	sld [smem:$0x3FD9]  }
0x89: {  	s3 =	sld [smem:$0x3FFE];
	_ =	sdelay $0x1  }
0x8a: {  	s1 =	srdreg.scid  }
0x8b: {  	s0 =	sand.u32 $0x1, s1  }
0x8c: {  	s17 =	sshll.u32 s0, $0xA;
	s2 =	sadd.s32 s3, s2  }
0x8d: {  	s2 =	sadd.s32 s2, s17  }
0x8e: {  	[smem:$0x3FC1] =	sst s2  }
0x8f: {  	_ = 	snop  }
0x90: {  	s18 =	sld [smem:$0x3FC7];
	(tm) =	ssettm $0x1  }
0x91: {  	s19 =	sld [smem:$0x3FFB];
	_ =	sdelay $0x3  }
0x92: {  	_ =	strace s19  }
0x93: {  	s2 =	sld [smem:$0x3FFC];
	_ =	sdelay $0x3  }
0x94: {  	_ =	strace s2  }
0x95: {  	s2 =	sld [smem:$0x3FFD];
	_ =	sdelay $0x3  }
0x96: {  	_ =	strace s2  }
0x97: {  	_ =	strace $0x8FFFFFFF  }
0x98: {  	s20 =	sld [smem:$0x3FDB];
	_ =	sdelay $0x1  }
0x99: {  	s4 =	simm.s32 $_scs_section_size  }
0x9a: {  	s5 =	simm.s32 $_size__tile_overlayer_lowered;
	s6 =	simm.s32 $_tile_overlayer_lowered  }
0x9b: {  	s7 =	simm.s32 $0x1BFF;
	s21 =	sshll.u32 s6, $0x1;
	s4 =	sadd.s32 s4, s20  }
0x9c: {  	s22 =	simm.s32 $0x0;
	s5 =	sshll.u32 s5, $0x1;
	s6 =	sadd.s32 s21, s4  }
0x9d: {  	[timem:s22], [sflag:s7] =	dma.local [hbm:s6], s5  }
0x9e: {  	_ =	swait.ge [sflag:s7], s5  }
0x9f: {  	s5 =	ssub.s32 $0x0, s5;
	[sflag:s7] =	ssyncset.done $0x0  }
0xa0: {  	[sflag:s7] =	ssyncadd.s32 s5;
	_ =	sdelay $0x1  }
0xa1: {  	s23 =	simm.s32 $0x1B8B  }
0xa2: {  	_ =	swait.ge [sflag:s23], $0x1  }
0xa3: {  	[sflag:s23] =	ssyncset.done $0x0  }
0xa4: {  	[sflag:s23] =	ssyncadd.s32 $0xFFFFFFFF  }
0xa5: {  	s5 =	sld [smem:$0x0]  }
0xa6: {  	s6 =	sand.u32 $0xFFFFFFFE, s1  }
0xa7: {  	p0 =	sne.s32 s1, s6  }
0xa8: {  	s6 =	sshll.u32 @p0 s6, $0xE  }
0xa9: {  	s6 =	sadd.s32 @p0 $0x11B8D, s6;
	s7 =	sshll.u32 @p0 s5, $0x11  }
0xaa: {  	s6 =	sor.u32 @p0 s7, s6  }
0xab: {  	[sflag:s6] =	ssyncadd.remote.s32 @p0 $0x1;
	_ =	sdelay $0x1  }
0xac: {  	s6 =	simm.s32 @p0 $0x1B8D  }
0xad: {  	_ =	swait.eq @p0 [sflag:s6], $0x1  }
0xae: {  	[sflag:s6] =	ssyncadd.s32 @p0 $0xFFFFFFFF  }
0xaf: {  	s7 =	sshll.u32 @!p0 s1, $0xE  }
0xb0: {  	s7 =	sor.u32 @!p0 $0x4000, s7;
	s6 =	simm.s32 @!p0 $0x1B8D  }
0xb1: {  	s5 =	sshll.u32 @!p0 s5, $0x11;
	s7 =	sadd.s32 @!p0 $0x11B8D, s7;
	_ =	swait.eq @!p0 [sflag:s6], $0x1  }
0xb2: {  	s5 =	sor.u32 @!p0 s5, s7;
	[sflag:s6] =	ssyncadd.s32 @!p0 $0xFFFFFFFF  }
0xb3: {  	s25 =	simm.s32 $0x1B8E;
	s24 =	sld [smem:$0x3FFE];
	[sflag:s5] =	ssyncadd.remote.s32 @!p0 $0x1  }
0xb4: {  	s26 =	simm.s32 $execute0_lowered;
	[smem:$0x3FD2] =	sst s25  }
0xb5: {  	s6 =	sshll.u32 s26, $0x1;
	_ =	strace $0x80000052;
	[dreg:$0x1] =	wrdreg $0xFFFFFFFF  }
0xb6: {  	s28 =	simm.s32 $_size_execute0_lowered;
	s4 =	sadd.s32 s4, s6;
	[dreg:$0x0] =	wrdreg $0x0  }
0xb7: {  	s6 =	sshll.u32 s28, $0x1;
	[dreg:$0x2] =	wrdreg s4  }
0xb8: {  	[dreg:$0x3] =	wrdreg s6  }
0xb9: {  	[dreg:$0x4] =	wrdreg $0xC0  }
0xba: {  	_ =	task [dreg:s22], $0x5FFFF  }
0xbb: {  	[dreg:$0x1] =	wrdreg $0xFFFFFFFF  }
0xbc: {  	[dreg:$0x0] =	wrdreg $0x60  }
0xbd: {  	[dreg:$0x2] =	wrdreg s24  }
0xbe: {  	[dreg:$0x3] =	wrdreg s18  }
0xbf: {  	[dreg:$0x4] =	wrdreg $0xD  }
0xc0: {  	_ =	task.clear_ibuf [dreg:s22], $0x5FFFF;
	_ =	strace $0x90000052  }
0xc1: {  	s29 =	simm.s32 $0xD;
	_ =	strace $0x80000054  }
0xc2: {  	_ =	swait.ge [sflag:s29], $0x1  }
0xc3: {  	[sflag:s29] =	ssyncadd.s32 $0xFFFFFFFF  }
0xc4: {  	_ =	strace $0x90000054  }
0xc5: {  	_ =	sfence  }
0xc6: {  	s30 =	sld [smem:$0x0];
	_ =	sdelay $0x2  }
0xc7: {  	s31 =	sshll.u32 s1, $0xD;
	s1 =	sshrl.u32 s1, $0x2  }
0xc8: {  	s4 =	sand.u32 $0x4000, s31;
	s1 =	sadd.s32 s1, s30  }
0xc9: {  	s0 =	sor.u32 s4, s0;
	s1 =	sshll.u32 s1, $0x11  }
0xca: {  	s0 =	sor.u32 s1, s0  }
0xcb: {  	s0 =	sadd.s32 $0x8F2B, s0  }
0xcc: {  	[sflag:s0] =	ssyncadd.remote.s32 $0x1  }
0xcd: {  	_ =	sfence.sel $0xFFFF  }
0xce: {  	[dreg:$0x0] =	wrdreg $0xFFFFFFFF;
	(pc) =	sbr.abs _section_cstart, $3  }
0xcf: {  	[dreg:$0x1] =	wrdreg $0xFFFFFFFF  }
0xd0: {  	_ =	task.clear_ibuf [dreg:s22], $0x2FFFF;
	_ =	strace $0x9FFFFFFF  }
0xd1: {  	(tm) =	ssettm $0x7FFFFFFF  }
tec
execute0_lowered:
.L_overlay_start_1:
0x0: {  	(tag) =	ssettag $0x1  }
0x1: {  	s0 =	rddreg [dreg:$0x0]  }
0x2: {  	s1 =	rddreg [dreg:$0x1];
	s3 =	simm.s32 $0x0;
	s2 =	srdreg.scid  }
0x3: {  	s4 =	stileid.u32;
	s11 =	simm.s32 $0x5;
	s12 =	simm.s32 $0x100  }
0x4: {  	s14 =	simm.s32 $0x1;
	s16 =	simm.s32 $0xC100;
	s28 =	simm.s32 $0x11900  }
0x5: {  	s29 =	simm.s32 $0x12100;
	s30 =	simm.s32 $0x12900;
	s31 =	simm.s32 $0x13100  }
0x6: {  	s10 =	simm.s32 $0x15100;
	s13 =	simm.s32 $0x15900;
	s15 =	simm.s32 $0x16100  }
0x7: {  	s17 =	simm.s32 $0x16900;
	s18 =	simm.s32 $0x17100;
	s19 =	simm.s32 $0x17900  }
0x8: {  	s20 =	simm.s32 $0x2;
	s21 =	simm.s32 $0x3;
	s24 =	simm.s32 $0x0  }
0x9: {  	[smem:$0x7FF] =	sst s3;
	s2 =	sand.u32 $0x1, s2;
	s5 =	sshll.u32 s4, $0x9  }
0xa: {  	s4 =	sadd.s32 $0x5000, s0;
	s8 =	sadd.s32 $0x100, s1;
	s9 =	sadd.s32 $0x200, s1  }
0xb: {  	_ =	strace $0x80000053;
	s6 =	sshll.u32 s2, $0x8;
	s2 =	ssub.s32 $0x2, s2  }
.Ltmp0:
0xc: {  	s5 =	sor.u32 s6, s5;
	s25 =	sshrl.u32 s2, $0x1;
	(pc) =	sbr.rel .LBB2_1-.Ltmp0, $4  }
0xd: {  	s6 =	sadd.s32 $0x306800, s0;
	s7 =	sshrl.u32 s5, $0x3;
	s0 =	ssub.s32 s2, s25  }
0xe: {  	v3 =	vlaneseq.u32;
	s2 =	simm.s32 $0x14100;
	s25 =	simm.s32 $0x80;
	s26 =	sadd.s32 s4, s7  }
0xf: {  	vm0 =	vmmov $0xffff;
	v1 =	vshrl.u32 v3, $0x3;
	v0 =	vand.u32 $0x7, v3;
	s0 =	smax.u32 s0, $0x1;
	s7 =	simm.s32 $0x14900;
	[dreg:$0x3] =	wrdreg s26  }
0x10: {  	v3 =	vor.u32 $0x8, v3;
	v1 =	vmul.u32 $0x8, v1;
	v2 =	vor.u32 $0x8, v0;
	[dreg:$0x4] =	wrdreg s0;
	s26 =	simm.s32 $0x11100;
	s0 =	simm.s32 $0x13900  }
.LBB2_4:
0x11: {  	s23 =	simm.s32 $0x4  }
0x12: {  	_ =	swait.ge [sflag:s23], $0xC000  }
0x13: {  	s24 =	rddreg [dreg:$0x5]  }
0x14: {  	s22 =	rddreg [dreg:$0x4];
	s24 =	sadd.s32 $0x1, s24  }
0x15: {  	p0 =	sne.s32 s24, s22  }
.Ltmp1:
0x16: {  	_ = 	snop;
	(pc) =	sbr.rel @!p0 .LBB2_5-.Ltmp1, $3  }
0x17: {  	_ =	sdelay $0x1  }
0x18: {  	[sflag:s23] =	ssyncset.done $0x0  }
0x19: {  	[sflag:s23] =	ssyncadd.s32 $0xFFFF4000  }
.LBB2_1:
0x1a: {  	[dreg:$0x5] =	wrdreg s24  }
0x1b: {  	s22 =	rddreg [dreg:$0x3]  }
0x1c: {  	[tilespmem:s3], [sflag:$0x5] =	stream.linear.gather [hbm4b:s22+s3], $0x40, $0x38;
	[tilespmem:$0x18100] =	vst v63  }
0x1d: {  	_ =	swait.ge [sflag:s11], $0x40  }
0x1e: {  	[sflag:s11] =	ssyncset.done $0x0  }
0x1f: {  	[sflag:s11] =	ssyncadd.s32 $0xFFFFFFC0  }
0x20: {  	v4 =	vld [tilespmem:$0x0];
	_ =	sdelay $0x4  }
0x21: {  	v5 =	vshrl.u32 v4, $0x3  }
0x22: {  	v5 =	vmul.u32 $0x30, v5  }
0x23: {  	v4 =	vand.u32 $0x7, v4  }
0x24: {  	v4 =	vor.u32 v4, v5  }
0x25: {  	v5 =	vperm.xlane v4, v0;
	_ =	sdelay $0x1  }
0x26: {  	v5 =	vadd.s32 v1, v5;
	_ =	sdelay $0x4  }
0x27: {  	[tilespmem:s12], [sflag:$0x1] =	stream.indirect_vreg.gather [hbm4b:s1+s3], $0x80, v5, vm0, $0xb8;
	[tilespmem:$0x18100] =	vst v63  }
0x28: {  	s24 =	simm.s32 $0x900;
	p0 =	por $0x0, $0x0;
	s22 =	simm.s32 $0x0  }
0x29: {  	[tilespmem:s24], [sflag:$0x1] =	stream.indirect_vreg.gather [hbm4b:s8+s3], $0x80, v5, vm0, $0xb8;
	[tilespmem:$0x18100] =	vst v63  }
.LBB2_2:
0x2a: {  	v4 =	vperm.xlane v4, v2;
	_ =	sdelay $0x1  }
0x2b: {  	v4 =	vadd.s32 v1, v4;
	_ =	sdelay $0x1  }
0x2c: {  	s23 =	simm.s32 $0x1100  }
0x2d: {  	[tilespmem:s23], [sflag:$0x1] =	stream.indirect_vreg.gather [hbm4b:s9+s3], $0x80, v5, vm0, $0xb8;
	[tilespmem:$0x18100] =	vst v63  }
0x2e: {  	s24 =	simm.s32 $0x1900  }
0x2f: {  	[tilespmem:s24], [sflag:$0x1] =	stream.indirect_vreg.gather [hbm4b:s1+s3], $0x80, v4, vm0, $0xb8;
	[tilespmem:$0x18100] =	vst v63  }
0x30: {  	s24 =	simm.s32 $0x2100  }
0x31: {  	[tilespmem:s24], [sflag:$0x1] =	stream.indirect_vreg.gather [hbm4b:s8+s3], $0x80, v4, vm0, $0xb8;
	[tilespmem:$0x18100] =	vst v63  }
0x32: {  	s24 =	simm.s32 $0x2900  }
0x33: {  	[tilespmem:s24], [sflag:$0x1] =	stream.indirect_vreg.gather [hbm4b:s9+s3], $0x80, v4, vm0, $0xb8;
	[tilespmem:$0x18100] =	vst v63  }
0x34: {  	v4 =	vld [tilespmem:$0x10];
	_ =	sdelay $0x4  }
0x35: {  	v5 =	vshrl.u32 v4, $0x3  }
0x36: {  	v5 =	vmul.u32 $0x30, v5  }
0x37: {  	v4 =	vand.u32 $0x7, v4  }
0x38: {  	v4 =	vor.u32 v4, v5  }
0x39: {  	v5 =	vperm.xlane v4, v0;
	_ =	sdelay $0x1  }
0x3a: {  	v5 =	vadd.s32 v1, v5;
	_ =	sdelay $0x3  }
0x3b: {  	s24 =	simm.s32 $0x3100;
	v4 =	vperm.xlane v4, v2  }
0x3c: {  	[tilespmem:s24], [sflag:$0x1] =	stream.indirect_vreg.gather [hbm4b:s1+s3], $0x80, v5, vm0, $0xb8;
	[tilespmem:$0x18100] =	vst v63  }
0x3d: {  	v4 =	vadd.s32 v1, v4;
	s24 =	simm.s32 $0x3900  }
0x3e: {  	[tilespmem:s24], [sflag:$0x1] =	stream.indirect_vreg.gather [hbm4b:s8+s3], $0x80, v5, vm0, $0xb8;
	[tilespmem:$0x18100] =	vst v63  }
0x3f: {  	s24 =	simm.s32 $0x4100  }
0x40: {  	[tilespmem:s24], [sflag:$0x1] =	stream.indirect_vreg.gather [hbm4b:s9+s3], $0x80, v5, vm0, $0xb8;
	[tilespmem:$0x18100] =	vst v63  }
0x41: {  	s24 =	simm.s32 $0x4900  }
0x42: {  	[tilespmem:s24], [sflag:$0x1] =	stream.indirect_vreg.gather [hbm4b:s1+s3], $0x80, v4, vm0, $0xb8;
	[tilespmem:$0x18100] =	vst v63  }
0x43: {  	s24 =	simm.s32 $0x5100  }
0x44: {  	[tilespmem:s24], [sflag:$0x1] =	stream.indirect_vreg.gather [hbm4b:s8+s3], $0x80, v4, vm0, $0xb8;
	[tilespmem:$0x18100] =	vst v63  }
0x45: {  	s24 =	simm.s32 $0x5900  }
0x46: {  	[tilespmem:s24], [sflag:$0x1] =	stream.indirect_vreg.gather [hbm4b:s9+s3], $0x80, v4, vm0, $0xb8;
	[tilespmem:$0x18100] =	vst v63  }
0x47: {  	v4 =	vld [tilespmem:$0x20];
	_ =	sdelay $0x4  }
0x48: {  	v5 =	vshrl.u32 v4, $0x3  }
0x49: {  	v5 =	vmul.u32 $0x30, v5  }
0x4a: {  	v4 =	vand.u32 $0x7, v4  }
0x4b: {  	v4 =	vor.u32 v4, v5  }
0x4c: {  	v5 =	vperm.xlane v4, v0;
	_ =	sdelay $0x1  }
0x4d: {  	v5 =	vadd.s32 v1, v5;
	_ =	sdelay $0x3  }
0x4e: {  	s24 =	simm.s32 $0x6100;
	v4 =	vperm.xlane v4, v2  }
0x4f: {  	[tilespmem:s24], [sflag:$0x1] =	stream.indirect_vreg.gather [hbm4b:s1+s3], $0x80, v5, vm0, $0xb8;
	[tilespmem:$0x18100] =	vst v63  }
0x50: {  	v4 =	vadd.s32 v1, v4;
	s24 =	simm.s32 $0x6900  }
0x51: {  	[tilespmem:s24], [sflag:$0x1] =	stream.indirect_vreg.gather [hbm4b:s8+s3], $0x80, v5, vm0, $0xb8;
	[tilespmem:$0x18100] =	vst v63  }
0x52: {  	s24 =	simm.s32 $0x7100  }
0x53: {  	[tilespmem:s24], [sflag:$0x1] =	stream.indirect_vreg.gather [hbm4b:s9+s3], $0x80, v5, vm0, $0xb8;
	[tilespmem:$0x18100] =	vst v63  }
0x54: {  	s24 =	simm.s32 $0x7900  }
0x55: {  	[tilespmem:s24], [sflag:$0x1] =	stream.indirect_vreg.gather [hbm4b:s1+s3], $0x80, v4, vm0, $0xb8;
	[tilespmem:$0x18100] =	vst v63  }
0x56: {  	s24 =	simm.s32 $0x8100  }
0x57: {  	[tilespmem:s24], [sflag:$0x1] =	stream.indirect_vreg.gather [hbm4b:s8+s3], $0x80, v4, vm0, $0xb8;
	[tilespmem:$0x18100] =	vst v63  }
0x58: {  	s24 =	simm.s32 $0x8900  }
0x59: {  	[tilespmem:s24], [sflag:$0x1] =	stream.indirect_vreg.gather [hbm4b:s9+s3], $0x80, v4, vm0, $0xb8;
	[tilespmem:$0x18100] =	vst v63  }
0x5a: {  	v4 =	vld [tilespmem:$0x30];
	_ =	sdelay $0x4  }
0x5b: {  	v5 =	vshrl.u32 v4, $0x3  }
0x5c: {  	v5 =	vmul.u32 $0x30, v5  }
0x5d: {  	v4 =	vand.u32 $0x7, v4  }
0x5e: {  	v4 =	vor.u32 v4, v5  }
0x5f: {  	v5 =	vperm.xlane v4, v0;
	_ =	sdelay $0x1  }
0x60: {  	v5 =	vadd.s32 v1, v5;
	_ =	sdelay $0x3  }
0x61: {  	s24 =	simm.s32 $0x9100;
	v4 =	vperm.xlane v4, v2  }
0x62: {  	[tilespmem:s24], [sflag:$0x1] =	stream.indirect_vreg.gather [hbm4b:s1+s3], $0x80, v5, vm0, $0xb8;
	[tilespmem:$0x18100] =	vst v63  }
0x63: {  	v4 =	vadd.s32 v1, v4;
	s24 =	simm.s32 $0x9900  }
0x64: {  	[tilespmem:s24], [sflag:$0x1] =	stream.indirect_vreg.gather [hbm4b:s8+s3], $0x80, v5, vm0, $0xb8;
	[tilespmem:$0x18100] =	vst v63  }
0x65: {  	s24 =	simm.s32 $0xA100  }
0x66: {  	[tilespmem:s24], [sflag:$0x1] =	stream.indirect_vreg.gather [hbm4b:s9+s3], $0x80, v5, vm0, $0xb8;
	[tilespmem:$0x18100] =	vst v63  }
0x67: {  	s24 =	simm.s32 $0xA900  }
0x68: {  	[tilespmem:s24], [sflag:$0x1] =	stream.indirect_vreg.gather [hbm4b:s1+s3], $0x80, v4, vm0, $0xb8;
	[tilespmem:$0x18100] =	vst v63  }
0x69: {  	s24 =	simm.s32 $0xB100  }
0x6a: {  	[tilespmem:s24], [sflag:$0x1] =	stream.indirect_vreg.gather [hbm4b:s8+s3], $0x80, v4, vm0, $0xb8;
	[tilespmem:$0x18100] =	vst v63  }
0x6b: {  	s24 =	simm.s32 $0xB900  }
0x6c: {  	[tilespmem:s24], [sflag:$0x1] =	stream.indirect_vreg.gather [hbm4b:s9+s3], $0x80, v4, vm0, $0xb8;
	[tilespmem:$0x18100] =	vst v63  }
0x6d: {  	_ =	swait.ge [sflag:s14], $0xC000  }
0x6e: {  	s22 =	sor.u32 s5, s22;
	[sflag:s14] =	ssyncset.done $0x0  }
0x6f: {  	s23 =	simm.s32 @p0 $0x4;
	s22 =	sshrl.u32 s22, $0x3;
	[sflag:s14] =	ssyncadd.s32 $0xFFFF4000  }
0x70: {  	s24 =	smul.u32 $0x300, s22;
	_ =	swait.ge @p0 [sflag:s23], $0xC000  }
0x71: {  	[sflag:s23] =	ssyncset.done @p0 $0x0  }
0x72: {  	s24 =	sadd.s32 s6, s24;
	[sflag:s23] =	ssyncadd.s32 @p0 $0xFFFF4000;
	s23 =	sor.u32 $0x8, s22  }
0x73: {  	[hbm4b:s24+s3] =	stream.linear.scatter [tilespmem:s12], [sflag:$0x3], $0xC000, $0x38;
	[tilespmem:$0x18100] =	vst v63  }
0x74: {  	s24 =	sadd.s32 s4, s23  }
0x75: {  	[tilespmem:s25], [sflag:$0x5] =	stream.linear.gather [hbm4b:s24+s3], $0x40, $0x38;
	[tilespmem:$0x18100] =	vst v63  }
0x76: {  	_ =	swait.ge [sflag:s11], $0x40  }
0x77: {  	[sflag:s11] =	ssyncset.done $0x0  }
0x78: {  	[sflag:s11] =	ssyncadd.s32 $0xFFFFFFC0  }
0x79: {  	v4 =	vld [tilespmem:$0x80];
	_ =	sdelay $0x4  }
0x7a: {  	v5 =	vshrl.u32 v4, $0x3  }
0x7b: {  	v5 =	vmul.u32 $0x30, v5  }
0x7c: {  	v4 =	vand.u32 $0x7, v4  }
0x7d: {  	v4 =	vor.u32 v4, v5  }
0x7e: {  	v5 =	vperm.xlane v4, v0;
	_ =	sdelay $0x1  }
0x7f: {  	v5 =	vadd.s32 v1, v5;
	_ =	sdelay $0x3  }
0x80: {  	v4 =	vperm.xlane v4, v3  }
0x81: {  	[tilespmem:s16], [sflag:$0x2] =	stream.indirect_vreg.gather [hbm4b:s1+s3], $0x80, v5, vm0, $0xb8;
	[tilespmem:$0x18100] =	vst v63  }
0x82: {  	s24 =	simm.s32 $0xC900;
	v4 =	vadd.s32 v1, v4  }
0x83: {  	[tilespmem:s24], [sflag:$0x2] =	stream.indirect_vreg.gather [hbm4b:s8+s3], $0x80, v5, vm0, $0xb8;
	[tilespmem:$0x18100] =	vst v63  }
0x84: {  	s24 =	simm.s32 $0xD100  }
0x85: {  	[tilespmem:s24], [sflag:$0x2] =	stream.indirect_vreg.gather [hbm4b:s9+s3], $0x80, v5, vm0, $0xb8;
	[tilespmem:$0x18100] =	vst v63  }
0x86: {  	s24 =	simm.s32 $0xD900  }
0x87: {  	[tilespmem:s24], [sflag:$0x2] =	stream.indirect_vreg.gather [hbm4b:s1+s3], $0x80, v4, vm0, $0xb8;
	[tilespmem:$0x18100] =	vst v63  }
0x88: {  	s24 =	simm.s32 $0xE100  }
0x89: {  	[tilespmem:s24], [sflag:$0x2] =	stream.indirect_vreg.gather [hbm4b:s8+s3], $0x80, v4, vm0, $0xb8;
	[tilespmem:$0x18100] =	vst v63  }
0x8a: {  	s24 =	simm.s32 $0xE900  }
0x8b: {  	[tilespmem:s24], [sflag:$0x2] =	stream.indirect_vreg.gather [hbm4b:s9+s3], $0x80, v4, vm0, $0xb8;
	[tilespmem:$0x18100] =	vst v63  }
0x8c: {  	v4 =	vld [tilespmem:$0x90];
	_ =	sdelay $0x4  }
0x8d: {  	v5 =	vshrl.u32 v4, $0x3  }
0x8e: {  	v5 =	vmul.u32 $0x30, v5  }
0x8f: {  	v4 =	vand.u32 $0x7, v4  }
0x90: {  	v4 =	vor.u32 v4, v5  }
0x91: {  	v5 =	vperm.xlane v4, v0;
	_ =	sdelay $0x1  }
0x92: {  	v5 =	vadd.s32 v1, v5;
	_ =	sdelay $0x3  }
0x93: {  	s24 =	simm.s32 $0xF100;
	v4 =	vperm.xlane v4, v3  }
0x94: {  	[tilespmem:s24], [sflag:$0x2] =	stream.indirect_vreg.gather [hbm4b:s1+s3], $0x80, v5, vm0, $0xb8;
	[tilespmem:$0x18100] =	vst v63  }
0x95: {  	v4 =	vadd.s32 v1, v4;
	s24 =	simm.s32 $0xF900  }
0x96: {  	[tilespmem:s24], [sflag:$0x2] =	stream.indirect_vreg.gather [hbm4b:s8+s3], $0x80, v5, vm0, $0xb8;
	[tilespmem:$0x18100] =	vst v63  }
0x97: {  	s24 =	simm.s32 $0x10100  }
0x98: {  	[tilespmem:s24], [sflag:$0x2] =	stream.indirect_vreg.gather [hbm4b:s9+s3], $0x80, v5, vm0, $0xb8;
	[tilespmem:$0x18100] =	vst v63  }
0x99: {  	s24 =	simm.s32 $0x10900  }
0x9a: {  	[tilespmem:s24], [sflag:$0x2] =	stream.indirect_vreg.gather [hbm4b:s1+s3], $0x80, v4, vm0, $0xb8;
	[tilespmem:$0x18100] =	vst v63  }
0x9b: {  	_ = 	snop  }
0x9c: {  	[tilespmem:s26], [sflag:$0x2] =	stream.indirect_vreg.gather [hbm4b:s8+s3], $0x80, v4, vm0, $0xb8;
	[tilespmem:$0x18100] =	vst v63  }
0x9d: {  	_ = 	snop  }
0x9e: {  	[tilespmem:s28], [sflag:$0x2] =	stream.indirect_vreg.gather [hbm4b:s9+s3], $0x80, v4, vm0, $0xb8;
	[tilespmem:$0x18100] =	vst v63  }
0x9f: {  	v4 =	vld [tilespmem:$0xA0];
	_ =	sdelay $0x4  }
0xa0: {  	v5 =	vshrl.u32 v4, $0x3  }
0xa1: {  	v5 =	vmul.u32 $0x30, v5  }
0xa2: {  	v4 =	vand.u32 $0x7, v4  }
0xa3: {  	v4 =	vor.u32 v4, v5  }
0xa4: {  	v5 =	vperm.xlane v4, v0;
	_ =	sdelay $0x1  }
0xa5: {  	v5 =	vadd.s32 v1, v5;
	_ =	sdelay $0x3  }
0xa6: {  	v4 =	vperm.xlane v4, v3  }
0xa7: {  	[tilespmem:s29], [sflag:$0x2] =	stream.indirect_vreg.gather [hbm4b:s1+s3], $0x80, v5, vm0, $0xb8;
	[tilespmem:$0x18100] =	vst v63  }
0xa8: {  	v4 =	vadd.s32 v1, v4  }
0xa9: {  	[tilespmem:s30], [sflag:$0x2] =	stream.indirect_vreg.gather [hbm4b:s8+s3], $0x80, v5, vm0, $0xb8;
	[tilespmem:$0x18100] =	vst v63  }
0xaa: {  	_ = 	snop  }
0xab: {  	[tilespmem:s31], [sflag:$0x2] =	stream.indirect_vreg.gather [hbm4b:s9+s3], $0x80, v5, vm0, $0xb8;
	[tilespmem:$0x18100] =	vst v63  }
0xac: {  	_ = 	snop  }
0xad: {  	[tilespmem:s0], [sflag:$0x2] =	stream.indirect_vreg.gather [hbm4b:s1+s3], $0x80, v4, vm0, $0xb8;
	[tilespmem:$0x18100] =	vst v63  }
0xae: {  	_ = 	snop  }
0xaf: {  	[tilespmem:s2], [sflag:$0x2] =	stream.indirect_vreg.gather [hbm4b:s8+s3], $0x80, v4, vm0, $0xb8;
	[tilespmem:$0x18100] =	vst v63  }
0xb0: {  	_ = 	snop  }
0xb1: {  	[tilespmem:s7], [sflag:$0x2] =	stream.indirect_vreg.gather [hbm4b:s9+s3], $0x80, v4, vm0, $0xb8;
	[tilespmem:$0x18100] =	vst v63  }
0xb2: {  	v4 =	vld [tilespmem:$0xB0];
	_ =	sdelay $0x4  }
0xb3: {  	v5 =	vshrl.u32 v4, $0x3  }
0xb4: {  	v5 =	vmul.u32 $0x30, v5  }
0xb5: {  	v4 =	vand.u32 $0x7, v4  }
0xb6: {  	v4 =	vor.u32 v4, v5  }
0xb7: {  	v5 =	vperm.xlane v4, v0;
	_ =	sdelay $0x1  }
0xb8: {  	v5 =	vadd.s32 v1, v5;
	_ =	sdelay $0x3  }
0xb9: {  	v4 =	vperm.xlane v4, v3  }
0xba: {  	[tilespmem:s10], [sflag:$0x2] =	stream.indirect_vreg.gather [hbm4b:s1+s3], $0x80, v5, vm0, $0xb8;
	[tilespmem:$0x18100] =	vst v63  }
0xbb: {  	v4 =	vadd.s32 v1, v4  }
0xbc: {  	[tilespmem:s13], [sflag:$0x2] =	stream.indirect_vreg.gather [hbm4b:s8+s3], $0x80, v5, vm0, $0xb8;
	[tilespmem:$0x18100] =	vst v63  }
0xbd: {  	_ = 	snop  }
0xbe: {  	[tilespmem:s15], [sflag:$0x2] =	stream.indirect_vreg.gather [hbm4b:s9+s3], $0x80, v5, vm0, $0xb8;
	[tilespmem:$0x18100] =	vst v63  }
0xbf: {  	_ = 	snop  }
0xc0: {  	[tilespmem:s17], [sflag:$0x2] =	stream.indirect_vreg.gather [hbm4b:s1+s3], $0x80, v4, vm0, $0xb8;
	[tilespmem:$0x18100] =	vst v63  }
0xc1: {  	_ = 	snop  }
0xc2: {  	[tilespmem:s18], [sflag:$0x2] =	stream.indirect_vreg.gather [hbm4b:s8+s3], $0x80, v4, vm0, $0xb8;
	[tilespmem:$0x18100] =	vst v63  }
0xc3: {  	_ = 	snop  }
0xc4: {  	[tilespmem:s19], [sflag:$0x2] =	stream.indirect_vreg.gather [hbm4b:s9+s3], $0x80, v4, vm0, $0xb8;
	[tilespmem:$0x18100] =	vst v63  }
0xc5: {  	_ =	swait.ge [sflag:s20], $0xC000  }
0xc6: {  	[sflag:s20] =	ssyncset.done $0x0  }
.Ltmp2:
0xc7: {  	[sflag:s20] =	ssyncadd.s32 $0xFFFF4000;
	(pc) =	sbr.rel @p0 .LBB2_4-.Ltmp2, $4  }
0xc8: {  	s23 =	smul.u32 $0x300, s23;
	_ =	swait.ge [sflag:s21], $0xC000  }
0xc9: {  	[sflag:s21] =	ssyncset.done $0x0  }
0xca: {  	s23 =	sadd.s32 s6, s23;
	[sflag:s21] =	ssyncadd.s32 $0xFFFF4000  }
0xcb: {  	[hbm4b:s23+s3] =	stream.linear.scatter [tilespmem:s16], [sflag:$0x4], $0xC000, $0x38;
	[tilespmem:$0x18100] =	vst v63  }
0xcc: {  	s22 =	sadd.s32 s4, s22  }
0xcd: {  	s22 =	sadd.s32 $0x10, s22  }
0xce: {  	[tilespmem:s3], [sflag:$0x5] =	stream.linear.gather [hbm4b:s22+s3], $0x40, $0x38;
	[tilespmem:$0x18100] =	vst v63  }
0xcf: {  	_ =	swait.ge [sflag:s11], $0x40  }
0xd0: {  	[sflag:s11] =	ssyncset.done $0x0  }
0xd1: {  	[sflag:s11] =	ssyncadd.s32 $0xFFFFFFC0  }
0xd2: {  	v4 =	vld [tilespmem:$0x0];
	_ =	sdelay $0x4  }
0xd3: {  	v5 =	vshrl.u32 v4, $0x3  }
0xd4: {  	v5 =	vmul.u32 $0x30, v5  }
0xd5: {  	v4 =	vand.u32 $0x7, v4  }
0xd6: {  	v4 =	vor.u32 v4, v5  }
0xd7: {  	v5 =	vperm.xlane v4, v0;
	_ =	sdelay $0x1  }
0xd8: {  	v5 =	vadd.s32 v1, v5;
	_ =	sdelay $0x2  }
.Ltmp3:
0xd9: {  	_ = 	snop;
	(pc) =	sbr.rel .LBB2_2-.Ltmp3, $4  }
0xda: {  	_ = 	snop  }
0xdb: {  	[tilespmem:s12], [sflag:$0x1] =	stream.indirect_vreg.gather [hbm4b:s1+s3], $0x80, v5, vm0, $0xb8;
	[tilespmem:$0x18100] =	vst v63  }
0xdc: {  	s24 =	simm.s32 $0x900;
	p0 =	por $0x1, $0x1;
	s22 =	simm.s32 $0x80  }
0xdd: {  	[tilespmem:s24], [sflag:$0x1] =	stream.indirect_vreg.gather [hbm4b:s8+s3], $0x80, v5, vm0, $0xb8;
	[tilespmem:$0x18100] =	vst v63  }
.LBB2_5:
0xde: {  	_ =	sfence.sel $0x180000  }
0xdf: {  	[bflag:$0x0] =	sbarrier.arrive $0xFFFF  }
0xe0: {  	_ =	strace $0x90000053  }
0xe1: {  	s0 =	stileid.u32;
	[bflag:$0x2] =	sbarrier.arrive $0xFFFF  }
0xe2: {  	p0 =	sne.s32 s0, $0x0;
	s0 =	rddreg [dreg:$0x2]  }
0xe3: {  	s0 =	sadd.s32 @!p0 $0x100000, s0  }
0xe4: {  	[sflag:s0] =	ssyncadd.tile.s32 @!p0 $0x1;
	_ =	shalt  }
.Lfunc_end2:
_tile_overlayer_lowered:
.L_overlay_start_2:
0xe5: {  	(tag) =	ssettag $0x2  }
0xe6: {  	s0 =	rddreg [dreg:$0x0];
	s2 =	stileid.u32  }
0xe7: {  	s1 =	rddreg [dreg:$0x1];
	p0 =	sne.s32 s2, $0x0  }
0xe8: {  	s3 =	rddreg [dreg:$0x2];
	[bflag:$0x3] =	sbarrier.arrive $0xFFFF;
	s2 =	simm.s32 @!p0 $0x1C05  }
0xe9: {  	[timem:s3], [sflag:s2] =	dma.local @!p0 [hbm:s0], s1  }
0xea: {  	s0 =	simm.s32 @!p0 $0x5  }
0xeb: {  	_ =	swait.ge @!p0 [sflag:s0], s1  }
0xec: {  	s1 =	ssub.s32 @!p0 $0x0, s1;
	[sflag:s0] =	ssyncset.done @!p0 $0x0  }
0xed: {  	[sflag:s0] =	ssyncadd.s32 @!p0 s1  }
0xee: {  	[bflag:$0x3] =	sbarrier.arrive $0xFFFF  }
0xef: {  	_ =	shalt  }

// kernel: kernel.33.cloned.1.call-start
scs
__scs_entry_jumppad:
0x0: {  	(pc) =	sbr.rel $0x88, $3  }
0x1: {  	(tag) =	ssettag $0x0;
	lr =	simm.s32 $0x1  }
0x2: {  	[smem:$0x3F9A] =	sst lr;
	_ =	strace $0xD0000000  }
0x3: {  	_ = 	snop  }
0x4: {  	_ = 	snop  }
0x5: {  	_ = 	snop  }
0x6: {  	_ = 	snop  }
0x7: {  	_ = 	snop  }
__scs_overlays_trampoline_lowered:
0x8: {  	[smem:$0x3FA9] =	sst s0  }
0x9: {  	[smem:$0x3FAA] =	sst s1  }
0xa: {  	[smem:$0x3FAB] =	sst s2  }
0xb: {  	[smem:$0x3FAC] =	sst s3  }
0xc: {  	[smem:$0x3FAD] =	sst s4  }
0xd: {  	[smem:$0x3FAE] =	sst s5  }
0xe: {  	[smem:$0x3FAF] =	sst s6  }
0xf: {  	[smem:$0x3FB0] =	sst s7  }
0x10: {  	[smem:$0x3FB1] =	sst s8  }
0x11: {  	[smem:$0x3FB2] =	sst s9;
	s0 =	simm.s32 @!p0 $0x0  }
0x12: {  	s1 =	sld [smem:$0x3F98];
	s0 =	simm.s32 @p0 $0x1  }
0x13: {  	[smem:$0x3FB3] =	sst s0;
	s0 =	simm.s32 @!p1 $0x0  }
0x14: {  	s2 =	sld [smem:$0x3F97];
	s0 =	simm.s32 @p1 $0x1  }
0x15: {  	[smem:$0x3FB4] =	sst s0;
	s0 =	simm.s32 @!p2 $0x0  }
0x16: {  	s3 =	sld [smem:$0x3FDB];
	s0 =	simm.s32 @p2 $0x1  }
0x17: {  	s4 =	simm.s32 $0x1BF5;
	[smem:$0x3FB6] =	sst s0  }
0x18: {  	s0 =	sld [smem:$0x3F99];
	_ =	swait.ge [sflag:s4], $0x0  }
0x19: {  	s7 =	sld [smem:$0x3F9A]  }
0x1a: {  	s8 =	sadd.s32 $0xFFFFE003, lr  }
0x1b: {  	s9 =	sadd.s32 $0xFFFFFEF7, lr;
	s5 =	simm.s32 $0xFFFFFFFF;
	p2 =	slt.u32 s8, $0xFFFFF086  }
0x1c: {  	p1 =	slt.u32 s9, $0xF7A;
	s5 =	simm.s32 @!p2 $0x0  }
0x1d: {  	s5 =	simm.s32 @p1 $0x1;
	p0 =	seq.s32 s7, s2  }
0x1e: {  	s7 =	smul.u32 @!p0 $0xF7A, s2;
	p2 =	seq.s32 @!p0 s5, $0x0  }
0x1f: {  	s9 =	smul.u32 $0xF7A, s1;
	s8 =	simm.s32 @!p0 $0x1BF5;
	p2 =	por !p2, p0  }
0x20: {  	[sflag:s8] =	ssyncset.s32 @!p0 $0xFFFFF086;
	s6 =	sadd.s32 @!p0 s3, s7;
	s7 =	simm.s32 @!p0 $0x108  }
0x21: {  	s3 =	sadd.s32 s3, s9;
	s6 =	sadd.s32 @!p0 $0x88, s6;
	s7 =	simm.s32 @p2 $0x1082  }
0x22: {  	[simem:s7], [sflag:s8] =	dma.local @!p0 [hbm:s6], $0xF7A  }
0x23: {  	s9 =	sor.u32 $0xD0000000, s2;
	s6 =	simm.s32 $0x108;
	_ =	swait.ge @!p0 [sflag:s8], $0x0  }
0x24: {  	s3 =	sadd.s32 $0x88, s3;
	s6 =	simm.s32 @!p1 $0x1082;
	[sflag:s4] =	ssyncset.s32 $0xFFFFF086  }
0x25: {  	[simem:s6], [sflag:s4] =	dma.local [hbm:s3], $0xF7A  }
0x26: {  	[smem:$0x3F9A] =	sst s1;
	(tag) =	ssettag s2;
	_ =	strace s9  }
0x27: {  	s1 =	sld [smem:$0x3FAA]  }
0x28: {  	s2 =	sld [smem:$0x3FAB]  }
0x29: {  	s4 =	sld [smem:$0x3FAD]  }
0x2a: {  	p0 =	seq.s32 s5, $0x0;
	s5 =	sld [smem:$0x3FAE]  }
0x2b: {  	s6 =	sld [smem:$0x3FAF]  }
0x2c: {  	s7 =	sld [smem:$0x3FB0]  }
0x2d: {  	s3 =	simm.s32 $0x108;
	s8 =	sld [smem:$0x3FB1]  }
0x2e: {  	s3 =	simm.s32 @!p0 $0x1082;
	s9 =	sld [smem:$0x3FB2]  }
0x2f: {  	lr =	sadd.s32 s0, s3;
	s0 =	sld [smem:$0x3FA9]  }
0x30: {  	s3 =	sld [smem:$0x3FAC]  }
0x31: {  	[smem:$0x3FB5] =	sst s10  }
0x32: {  	s10 =	sld [smem:$0x3FB3];
	_ =	sdelay $0x3  }
0x33: {  	p0 =	seq.s32 s10, $0x1;
	s10 =	sld [smem:$0x3FB5];
	_ =	sdelay $0x3  }
0x34: {  	[smem:$0x3FB5] =	sst s10  }
0x35: {  	s10 =	sld [smem:$0x3FB4];
	_ =	sdelay $0x3  }
0x36: {  	p1 =	seq.s32 s10, $0x1;
	s10 =	sld [smem:$0x3FB5];
	_ =	sdelay $0x3  }
0x37: {  	[smem:$0x3FB5] =	sst s10  }
0x38: {  	s10 =	sld [smem:$0x3FB6]  }
0x39: {  	_ = 	snop;
	(pc) =	sbr.ind lr, $3  }
0x3a: {  	_ = 	snop  }
0x3b: {  	_ = 	snop  }
0x3c: {  	p2 =	seq.s32 s10, $0x1;
	s10 =	sld [smem:$0x3FB5]  }
0x3d: {  	_ =	shalt  }
0x3e: {  	_ =	shalt  }
0x3f: {  	_ =	shalt  }
0x40: {  	_ =	shalt  }
0x41: {  	_ =	shalt  }
0x42: {  	_ =	shalt  }
0x43: {  	_ =	shalt  }
0x44: {  	_ =	shalt  }
0x45: {  	_ =	shalt  }
0x46: {  	_ =	shalt  }
0x47: {  	_ =	shalt  }
0x48: {  	_ =	shalt  }
0x49: {  	_ =	shalt  }
0x4a: {  	_ =	shalt  }
0x4b: {  	_ =	shalt  }
0x4c: {  	_ =	shalt  }
0x4d: {  	_ =	shalt  }
0x4e: {  	_ =	shalt  }
0x4f: {  	_ =	shalt  }
0x50: {  	_ =	shalt  }
0x51: {  	_ =	shalt  }
0x52: {  	_ =	shalt  }
0x53: {  	_ =	shalt  }
0x54: {  	_ =	shalt  }
0x55: {  	_ =	shalt  }
0x56: {  	_ =	shalt  }
0x57: {  	_ =	shalt  }
0x58: {  	_ =	shalt  }
0x59: {  	_ =	shalt  }
0x5a: {  	_ =	shalt  }
0x5b: {  	_ =	shalt  }
0x5c: {  	_ =	shalt  }
0x5d: {  	_ =	shalt  }
0x5e: {  	_ =	shalt  }
0x5f: {  	_ =	shalt  }
0x60: {  	_ =	shalt  }
0x61: {  	_ =	shalt  }
0x62: {  	_ =	shalt  }
0x63: {  	_ =	shalt  }
0x64: {  	_ =	shalt  }
0x65: {  	_ =	shalt  }
0x66: {  	_ =	shalt  }
0x67: {  	_ =	shalt  }
0x68: {  	_ =	shalt  }
0x69: {  	_ =	shalt  }
0x6a: {  	_ =	shalt  }
0x6b: {  	_ =	shalt  }
0x6c: {  	_ =	shalt  }
0x6d: {  	_ =	shalt  }
0x6e: {  	_ =	shalt  }
0x6f: {  	_ =	shalt  }
0x70: {  	_ =	shalt  }
0x71: {  	_ =	shalt  }
0x72: {  	_ =	shalt  }
0x73: {  	_ =	shalt  }
0x74: {  	_ =	shalt  }
0x75: {  	_ =	shalt  }
0x76: {  	_ =	shalt  }
0x77: {  	_ =	shalt  }
0x78: {  	_ =	shalt  }
0x79: {  	_ =	shalt  }
0x7a: {  	_ =	shalt  }
0x7b: {  	_ =	shalt  }
0x7c: {  	_ =	shalt  }
0x7d: {  	_ =	shalt  }
0x7e: {  	_ =	shalt  }
0x7f: {  	_ =	shalt  }
0x80: {  	_ =	shalt  }
0x81: {  	_ =	shalt  }
0x82: {  	_ =	shalt  }
0x83: {  	_ =	shalt  }
0x84: {  	_ =	shalt  }
0x85: {  	_ =	shalt  }
0x86: {  	_ =	shalt  }
0x87: {  	_ =	shalt  }
.Lfunc_end0:
.L_simem_size_0:
called_computation.5_lowered:
.L_overlay_start_0:
0x88: {  	s2 =	sld [smem:$0x3FD9]  }
0x89: {  	s3 =	sld [smem:$0x3FFE];
	_ =	sdelay $0x1  }
0x8a: {  	s1 =	srdreg.scid  }
0x8b: {  	s0 =	sand.u32 $0x1, s1  }
0x8c: {  	s17 =	sshll.u32 s0, $0xA;
	s2 =	sadd.s32 s3, s2  }
0x8d: {  	s2 =	sadd.s32 s2, s17  }
0x8e: {  	[smem:$0x3FC1] =	sst s2  }
0x8f: {  	_ = 	snop  }
0x90: {  	s18 =	sld [smem:$0x3FC7];
	(tm) =	ssettm $0x1  }
0x91: {  	s19 =	sld [smem:$0x3FFB];
	_ =	sdelay $0x3  }
0x92: {  	_ =	strace s19  }
0x93: {  	s2 =	sld [smem:$0x3FFC];
	_ =	sdelay $0x3  }
0x94: {  	_ =	strace s2  }
0x95: {  	s2 =	sld [smem:$0x3FFD];
	_ =	sdelay $0x3  }
0x96: {  	_ =	strace s2  }
0x97: {  	_ =	strace $0x8FFFFFFF  }
0x98: {  	s20 =	sld [smem:$0x3FDB];
	_ =	sdelay $0x1  }
0x99: {  	s4 =	simm.s32 $_scs_section_size  }
0x9a: {  	s5 =	simm.s32 $_size__tile_overlayer_lowered;
	s6 =	simm.s32 $_tile_overlayer_lowered  }
0x9b: {  	s7 =	simm.s32 $0x1BFF;
	s21 =	sshll.u32 s6, $0x1;
	s4 =	sadd.s32 s4, s20  }
0x9c: {  	s22 =	simm.s32 $0x0;
	s5 =	sshll.u32 s5, $0x1;
	s6 =	sadd.s32 s21, s4  }
0x9d: {  	[timem:s22], [sflag:s7] =	dma.local [hbm:s6], s5  }
0x9e: {  	_ =	swait.ge [sflag:s7], s5  }
0x9f: {  	s5 =	ssub.s32 $0x0, s5;
	[sflag:s7] =	ssyncset.done $0x0  }
0xa0: {  	[sflag:s7] =	ssyncadd.s32 s5;
	_ =	sdelay $0x1  }
0xa1: {  	s23 =	simm.s32 $0x1B8B  }
0xa2: {  	_ =	swait.ge [sflag:s23], $0x1  }
0xa3: {  	[sflag:s23] =	ssyncset.done $0x0  }
0xa4: {  	[sflag:s23] =	ssyncadd.s32 $0xFFFFFFFF  }
0xa5: {  	s5 =	sld [smem:$0x0]  }
0xa6: {  	s6 =	sand.u32 $0xFFFFFFFE, s1  }
0xa7: {  	p0 =	sne.s32 s1, s6  }
0xa8: {  	s6 =	sshll.u32 @p0 s6, $0xE  }
0xa9: {  	s6 =	sadd.s32 @p0 $0x11B8D, s6;
	s7 =	sshll.u32 @p0 s5, $0x11  }
0xaa: {  	s6 =	sor.u32 @p0 s7, s6  }
0xab: {  	[sflag:s6] =	ssyncadd.remote.s32 @p0 $0x1;
	_ =	sdelay $0x1  }
0xac: {  	s6 =	simm.s32 @p0 $0x1B8D  }
0xad: {  	_ =	swait.eq @p0 [sflag:s6], $0x1  }
0xae: {  	[sflag:s6] =	ssyncadd.s32 @p0 $0xFFFFFFFF  }
0xaf: {  	s7 =	sshll.u32 @!p0 s1, $0xE  }
0xb0: {  	s7 =	sor.u32 @!p0 $0x4000, s7;
	s6 =	simm.s32 @!p0 $0x1B8D  }
0xb1: {  	s5 =	sshll.u32 @!p0 s5, $0x11;
	s7 =	sadd.s32 @!p0 $0x11B8D, s7;
	_ =	swait.eq @!p0 [sflag:s6], $0x1  }
0xb2: {  	s5 =	sor.u32 @!p0 s5, s7;
	[sflag:s6] =	ssyncadd.s32 @!p0 $0xFFFFFFFF  }
0xb3: {  	s25 =	simm.s32 $0x1B8E;
	s24 =	sld [smem:$0x3FFE];
	[sflag:s5] =	ssyncadd.remote.s32 @!p0 $0x1  }
0xb4: {  	s26 =	simm.s32 $execute0_lowered;
	[smem:$0x3FD2] =	sst s25  }
0xb5: {  	s6 =	sshll.u32 s26, $0x1;
	_ =	strace $0x80000055;
	[dreg:$0x1] =	wrdreg $0xFFFFFFFF  }
0xb6: {  	s28 =	simm.s32 $_size_execute0_lowered;
	s4 =	sadd.s32 s4, s6;
	[dreg:$0x0] =	wrdreg $0x0  }
0xb7: {  	s6 =	sshll.u32 s28, $0x1;
	[dreg:$0x2] =	wrdreg s4  }
0xb8: {  	[dreg:$0x3] =	wrdreg s6  }
0xb9: {  	[dreg:$0x4] =	wrdreg $0xC0  }
0xba: {  	_ =	task [dreg:s22], $0x5FFFF  }
0xbb: {  	[dreg:$0x1] =	wrdreg $0xFFFFFFFF  }
0xbc: {  	[dreg:$0x0] =	wrdreg $0x60  }
0xbd: {  	[dreg:$0x2] =	wrdreg s24  }
0xbe: {  	[dreg:$0x3] =	wrdreg s18  }
0xbf: {  	[dreg:$0x4] =	wrdreg $0xE  }
0xc0: {  	_ =	task.clear_ibuf [dreg:s22], $0x5FFFF;
	_ =	strace $0x90000055  }
0xc1: {  	s29 =	simm.s32 $0xE;
	_ =	strace $0x80000057  }
0xc2: {  	_ =	swait.ge [sflag:s29], $0x1  }
0xc3: {  	[sflag:s29] =	ssyncadd.s32 $0xFFFFFFFF  }
0xc4: {  	_ =	strace $0x90000057  }
0xc5: {  	_ =	sfence  }
0xc6: {  	s30 =	sld [smem:$0x0];
	_ =	sdelay $0x2  }
0xc7: {  	s31 =	sshll.u32 s1, $0xD;
	s1 =	sshrl.u32 s1, $0x2  }
0xc8: {  	s4 =	sand.u32 $0x4000, s31;
	s1 =	sadd.s32 s1, s30  }
0xc9: {  	s0 =	sor.u32 s4, s0;
	s1 =	sshll.u32 s1, $0x11  }
0xca: {  	s0 =	sor.u32 s1, s0  }
0xcb: {  	s0 =	sadd.s32 $0x8F2B, s0  }
0xcc: {  	[sflag:s0] =	ssyncadd.remote.s32 $0x1  }
0xcd: {  	_ =	sfence.sel $0xFFFF  }
0xce: {  	[dreg:$0x0] =	wrdreg $0xFFFFFFFF;
	(pc) =	sbr.abs _section_cstart, $3  }
0xcf: {  	[dreg:$0x1] =	wrdreg $0xFFFFFFFF  }
0xd0: {  	_ =	task.clear_ibuf [dreg:s22], $0x2FFFF;
	_ =	strace $0x9FFFFFFF  }
0xd1: {  	(tm) =	ssettm $0x7FFFFFFF  }
tec
execute0_lowered:
.L_overlay_start_1:
0x0: {  	(tag) =	ssettag $0x1  }
0x1: {  	s0 =	rddreg [dreg:$0x0]  }
0x2: {  	s1 =	rddreg [dreg:$0x1];
	s3 =	simm.s32 $0x0;
	s2 =	srdreg.scid  }
0x3: {  	s4 =	stileid.u32;
	s11 =	simm.s32 $0x5;
	s12 =	simm.s32 $0x100  }
0x4: {  	s14 =	simm.s32 $0x1;
	s16 =	simm.s32 $0xC100;
	s28 =	simm.s32 $0x11900  }
0x5: {  	s29 =	simm.s32 $0x12100;
	s30 =	simm.s32 $0x12900;
	s31 =	simm.s32 $0x13100  }
0x6: {  	s10 =	simm.s32 $0x15100;
	s13 =	simm.s32 $0x15900;
	s15 =	simm.s32 $0x16100  }
0x7: {  	s17 =	simm.s32 $0x16900;
	s18 =	simm.s32 $0x17100;
	s19 =	simm.s32 $0x17900  }
0x8: {  	s20 =	simm.s32 $0x2;
	s21 =	simm.s32 $0x3;
	s24 =	simm.s32 $0x0  }
0x9: {  	[smem:$0x7FF] =	sst s3;
	s2 =	sand.u32 $0x1, s2;
	s5 =	sshll.u32 s4, $0x9  }
0xa: {  	s4 =	sadd.s32 $0x5400, s0;
	s8 =	sadd.s32 $0x100, s1;
	s9 =	sadd.s32 $0x200, s1  }
0xb: {  	_ =	strace $0x80000056;
	s6 =	sshll.u32 s2, $0x8;
	s2 =	ssub.s32 $0x2, s2  }
.Ltmp0:
0xc: {  	s5 =	sor.u32 s6, s5;
	s25 =	sshrl.u32 s2, $0x1;
	(pc) =	sbr.rel .LBB2_1-.Ltmp0, $4  }
0xd: {  	s6 =	sadd.s32 $0x3C6800, s0;
	s7 =	sshrl.u32 s5, $0x3;
	s0 =	ssub.s32 s2, s25  }
0xe: {  	v3 =	vlaneseq.u32;
	s2 =	simm.s32 $0x14100;
	s25 =	simm.s32 $0x80;
	s26 =	sadd.s32 s4, s7  }
0xf: {  	vm0 =	vmmov $0xffff;
	v1 =	vshrl.u32 v3, $0x3;
	v0 =	vand.u32 $0x7, v3;
	s0 =	smax.u32 s0, $0x1;
	s7 =	simm.s32 $0x14900;
	[dreg:$0x3] =	wrdreg s26  }
0x10: {  	v3 =	vor.u32 $0x8, v3;
	v1 =	vmul.u32 $0x8, v1;
	v2 =	vor.u32 $0x8, v0;
	[dreg:$0x4] =	wrdreg s0;
	s26 =	simm.s32 $0x11100;
	s0 =	simm.s32 $0x13900  }
.LBB2_4:
0x11: {  	s23 =	simm.s32 $0x4  }
0x12: {  	_ =	swait.ge [sflag:s23], $0xC000  }
0x13: {  	s24 =	rddreg [dreg:$0x5]  }
0x14: {  	s22 =	rddreg [dreg:$0x4];
	s24 =	sadd.s32 $0x1, s24  }
0x15: {  	p0 =	sne.s32 s24, s22  }
.Ltmp1:
0x16: {  	_ = 	snop;
	(pc) =	sbr.rel @!p0 .LBB2_5-.Ltmp1, $3  }
0x17: {  	_ =	sdelay $0x1  }
0x18: {  	[sflag:s23] =	ssyncset.done $0x0  }
0x19: {  	[sflag:s23] =	ssyncadd.s32 $0xFFFF4000  }
.LBB2_1:
0x1a: {  	[dreg:$0x5] =	wrdreg s24  }
0x1b: {  	s22 =	rddreg [dreg:$0x3]  }
0x1c: {  	[tilespmem:s3], [sflag:$0x5] =	stream.linear.gather [hbm4b:s22+s3], $0x40, $0x38;
	[tilespmem:$0x18100] =	vst v63  }
0x1d: {  	_ =	swait.ge [sflag:s11], $0x40  }
0x1e: {  	[sflag:s11] =	ssyncset.done $0x0  }
0x1f: {  	[sflag:s11] =	ssyncadd.s32 $0xFFFFFFC0  }
0x20: {  	v4 =	vld [tilespmem:$0x0];
	_ =	sdelay $0x4  }
0x21: {  	v5 =	vshrl.u32 v4, $0x3  }
0x22: {  	v5 =	vmul.u32 $0x30, v5  }
0x23: {  	v4 =	vand.u32 $0x7, v4  }
0x24: {  	v4 =	vor.u32 v4, v5  }
0x25: {  	v5 =	vperm.xlane v4, v0;
	_ =	sdelay $0x1  }
0x26: {  	v5 =	vadd.s32 v1, v5;
	_ =	sdelay $0x4  }
0x27: {  	[tilespmem:s12], [sflag:$0x1] =	stream.indirect_vreg.gather [hbm4b:s1+s3], $0x80, v5, vm0, $0xb8;
	[tilespmem:$0x18100] =	vst v63  }
0x28: {  	s24 =	simm.s32 $0x900;
	p0 =	por $0x0, $0x0;
	s22 =	simm.s32 $0x0  }
0x29: {  	[tilespmem:s24], [sflag:$0x1] =	stream.indirect_vreg.gather [hbm4b:s8+s3], $0x80, v5, vm0, $0xb8;
	[tilespmem:$0x18100] =	vst v63  }
.LBB2_2:
0x2a: {  	v4 =	vperm.xlane v4, v2;
	_ =	sdelay $0x1  }
0x2b: {  	v4 =	vadd.s32 v1, v4;
	_ =	sdelay $0x1  }
0x2c: {  	s23 =	simm.s32 $0x1100  }
0x2d: {  	[tilespmem:s23], [sflag:$0x1] =	stream.indirect_vreg.gather [hbm4b:s9+s3], $0x80, v5, vm0, $0xb8;
	[tilespmem:$0x18100] =	vst v63  }
0x2e: {  	s24 =	simm.s32 $0x1900  }
0x2f: {  	[tilespmem:s24], [sflag:$0x1] =	stream.indirect_vreg.gather [hbm4b:s1+s3], $0x80, v4, vm0, $0xb8;
	[tilespmem:$0x18100] =	vst v63  }
0x30: {  	s24 =	simm.s32 $0x2100  }
0x31: {  	[tilespmem:s24], [sflag:$0x1] =	stream.indirect_vreg.gather [hbm4b:s8+s3], $0x80, v4, vm0, $0xb8;
	[tilespmem:$0x18100] =	vst v63  }
0x32: {  	s24 =	simm.s32 $0x2900  }
0x33: {  	[tilespmem:s24], [sflag:$0x1] =	stream.indirect_vreg.gather [hbm4b:s9+s3], $0x80, v4, vm0, $0xb8;
	[tilespmem:$0x18100] =	vst v63  }
0x34: {  	v4 =	vld [tilespmem:$0x10];
	_ =	sdelay $0x4  }
0x35: {  	v5 =	vshrl.u32 v4, $0x3  }
0x36: {  	v5 =	vmul.u32 $0x30, v5  }
0x37: {  	v4 =	vand.u32 $0x7, v4  }
0x38: {  	v4 =	vor.u32 v4, v5  }
0x39: {  	v5 =	vperm.xlane v4, v0;
	_ =	sdelay $0x1  }
0x3a: {  	v5 =	vadd.s32 v1, v5;
	_ =	sdelay $0x3  }
0x3b: {  	s24 =	simm.s32 $0x3100;
	v4 =	vperm.xlane v4, v2  }
0x3c: {  	[tilespmem:s24], [sflag:$0x1] =	stream.indirect_vreg.gather [hbm4b:s1+s3], $0x80, v5, vm0, $0xb8;
	[tilespmem:$0x18100] =	vst v63  }
0x3d: {  	v4 =	vadd.s32 v1, v4;
	s24 =	simm.s32 $0x3900  }
0x3e: {  	[tilespmem:s24], [sflag:$0x1] =	stream.indirect_vreg.gather [hbm4b:s8+s3], $0x80, v5, vm0, $0xb8;
	[tilespmem:$0x18100] =	vst v63  }
0x3f: {  	s24 =	simm.s32 $0x4100  }
0x40: {  	[tilespmem:s24], [sflag:$0x1] =	stream.indirect_vreg.gather [hbm4b:s9+s3], $0x80, v5, vm0, $0xb8;
	[tilespmem:$0x18100] =	vst v63  }
0x41: {  	s24 =	simm.s32 $0x4900  }
0x42: {  	[tilespmem:s24], [sflag:$0x1] =	stream.indirect_vreg.gather [hbm4b:s1+s3], $0x80, v4, vm0, $0xb8;
	[tilespmem:$0x18100] =	vst v63  }
0x43: {  	s24 =	simm.s32 $0x5100  }
0x44: {  	[tilespmem:s24], [sflag:$0x1] =	stream.indirect_vreg.gather [hbm4b:s8+s3], $0x80, v4, vm0, $0xb8;
	[tilespmem:$0x18100] =	vst v63  }
0x45: {  	s24 =	simm.s32 $0x5900  }
0x46: {  	[tilespmem:s24], [sflag:$0x1] =	stream.indirect_vreg.gather [hbm4b:s9+s3], $0x80, v4, vm0, $0xb8;
	[tilespmem:$0x18100] =	vst v63  }
0x47: {  	v4 =	vld [tilespmem:$0x20];
	_ =	sdelay $0x4  }
0x48: {  	v5 =	vshrl.u32 v4, $0x3  }
0x49: {  	v5 =	vmul.u32 $0x30, v5  }
0x4a: {  	v4 =	vand.u32 $0x7, v4  }
0x4b: {  	v4 =	vor.u32 v4, v5  }
0x4c: {  	v5 =	vperm.xlane v4, v0;
	_ =	sdelay $0x1  }
0x4d: {  	v5 =	vadd.s32 v1, v5;
	_ =	sdelay $0x3  }
0x4e: {  	s24 =	simm.s32 $0x6100;
	v4 =	vperm.xlane v4, v2  }
0x4f: {  	[tilespmem:s24], [sflag:$0x1] =	stream.indirect_vreg.gather [hbm4b:s1+s3], $0x80, v5, vm0, $0xb8;
	[tilespmem:$0x18100] =	vst v63  }
0x50: {  	v4 =	vadd.s32 v1, v4;
	s24 =	simm.s32 $0x6900  }
0x51: {  	[tilespmem:s24], [sflag:$0x1] =	stream.indirect_vreg.gather [hbm4b:s8+s3], $0x80, v5, vm0, $0xb8;
	[tilespmem:$0x18100] =	vst v63  }
0x52: {  	s24 =	simm.s32 $0x7100  }
0x53: {  	[tilespmem:s24], [sflag:$0x1] =	stream.indirect_vreg.gather [hbm4b:s9+s3], $0x80, v5, vm0, $0xb8;
	[tilespmem:$0x18100] =	vst v63  }
0x54: {  	s24 =	simm.s32 $0x7900  }
0x55: {  	[tilespmem:s24], [sflag:$0x1] =	stream.indirect_vreg.gather [hbm4b:s1+s3], $0x80, v4, vm0, $0xb8;
	[tilespmem:$0x18100] =	vst v63  }
0x56: {  	s24 =	simm.s32 $0x8100  }
0x57: {  	[tilespmem:s24], [sflag:$0x1] =	stream.indirect_vreg.gather [hbm4b:s8+s3], $0x80, v4, vm0, $0xb8;
	[tilespmem:$0x18100] =	vst v63  }
0x58: {  	s24 =	simm.s32 $0x8900  }
0x59: {  	[tilespmem:s24], [sflag:$0x1] =	stream.indirect_vreg.gather [hbm4b:s9+s3], $0x80, v4, vm0, $0xb8;
	[tilespmem:$0x18100] =	vst v63  }
0x5a: {  	v4 =	vld [tilespmem:$0x30];
	_ =	sdelay $0x4  }
0x5b: {  	v5 =	vshrl.u32 v4, $0x3  }
0x5c: {  	v5 =	vmul.u32 $0x30, v5  }
0x5d: {  	v4 =	vand.u32 $0x7, v4  }
0x5e: {  	v4 =	vor.u32 v4, v5  }
0x5f: {  	v5 =	vperm.xlane v4, v0;
	_ =	sdelay $0x1  }
0x60: {  	v5 =	vadd.s32 v1, v5;
	_ =	sdelay $0x3  }
0x61: {  	s24 =	simm.s32 $0x9100;
	v4 =	vperm.xlane v4, v2  }
0x62: {  	[tilespmem:s24], [sflag:$0x1] =	stream.indirect_vreg.gather [hbm4b:s1+s3], $0x80, v5, vm0, $0xb8;
	[tilespmem:$0x18100] =	vst v63  }
0x63: {  	v4 =	vadd.s32 v1, v4;
	s24 =	simm.s32 $0x9900  }
0x64: {  	[tilespmem:s24], [sflag:$0x1] =	stream.indirect_vreg.gather [hbm4b:s8+s3], $0x80, v5, vm0, $0xb8;
	[tilespmem:$0x18100] =	vst v63  }
0x65: {  	s24 =	simm.s32 $0xA100  }
0x66: {  	[tilespmem:s24], [sflag:$0x1] =	stream.indirect_vreg.gather [hbm4b:s9+s3], $0x80, v5, vm0, $0xb8;
	[tilespmem:$0x18100] =	vst v63  }
0x67: {  	s24 =	simm.s32 $0xA900  }
0x68: {  	[tilespmem:s24], [sflag:$0x1] =	stream.indirect_vreg.gather [hbm4b:s1+s3], $0x80, v4, vm0, $0xb8;
	[tilespmem:$0x18100] =	vst v63  }
0x69: {  	s24 =	simm.s32 $0xB100  }
0x6a: {  	[tilespmem:s24], [sflag:$0x1] =	stream.indirect_vreg.gather [hbm4b:s8+s3], $0x80, v4, vm0, $0xb8;
	[tilespmem:$0x18100] =	vst v63  }
0x6b: {  	s24 =	simm.s32 $0xB900  }
0x6c: {  	[tilespmem:s24], [sflag:$0x1] =	stream.indirect_vreg.gather [hbm4b:s9+s3], $0x80, v4, vm0, $0xb8;
	[tilespmem:$0x18100] =	vst v63  }
0x6d: {  	_ =	swait.ge [sflag:s14], $0xC000  }
0x6e: {  	s22 =	sor.u32 s5, s22;
	[sflag:s14] =	ssyncset.done $0x0  }
0x6f: {  	s23 =	simm.s32 @p0 $0x4;
	s22 =	sshrl.u32 s22, $0x3;
	[sflag:s14] =	ssyncadd.s32 $0xFFFF4000  }
0x70: {  	s24 =	smul.u32 $0x300, s22;
	_ =	swait.ge @p0 [sflag:s23], $0xC000  }
0x71: {  	[sflag:s23] =	ssyncset.done @p0 $0x0  }
0x72: {  	s24 =	sadd.s32 s6, s24;
	[sflag:s23] =	ssyncadd.s32 @p0 $0xFFFF4000;
	s23 =	sor.u32 $0x8, s22  }
0x73: {  	[hbm4b:s24+s3] =	stream.linear.scatter [tilespmem:s12], [sflag:$0x3], $0xC000, $0x38;
	[tilespmem:$0x18100] =	vst v63  }
0x74: {  	s24 =	sadd.s32 s4, s23  }
0x75: {  	[tilespmem:s25], [sflag:$0x5] =	stream.linear.gather [hbm4b:s24+s3], $0x40, $0x38;
	[tilespmem:$0x18100] =	vst v63  }
0x76: {  	_ =	swait.ge [sflag:s11], $0x40  }
0x77: {  	[sflag:s11] =	ssyncset.done $0x0  }
0x78: {  	[sflag:s11] =	ssyncadd.s32 $0xFFFFFFC0  }
0x79: {  	v4 =	vld [tilespmem:$0x80];
	_ =	sdelay $0x4  }
0x7a: {  	v5 =	vshrl.u32 v4, $0x3  }
0x7b: {  	v5 =	vmul.u32 $0x30, v5  }
0x7c: {  	v4 =	vand.u32 $0x7, v4  }
0x7d: {  	v4 =	vor.u32 v4, v5  }
0x7e: {  	v5 =	vperm.xlane v4, v0;
	_ =	sdelay $0x1  }
0x7f: {  	v5 =	vadd.s32 v1, v5;
	_ =	sdelay $0x3  }
0x80: {  	v4 =	vperm.xlane v4, v3  }
0x81: {  	[tilespmem:s16], [sflag:$0x2] =	stream.indirect_vreg.gather [hbm4b:s1+s3], $0x80, v5, vm0, $0xb8;
	[tilespmem:$0x18100] =	vst v63  }
0x82: {  	s24 =	simm.s32 $0xC900;
	v4 =	vadd.s32 v1, v4  }
0x83: {  	[tilespmem:s24], [sflag:$0x2] =	stream.indirect_vreg.gather [hbm4b:s8+s3], $0x80, v5, vm0, $0xb8;
	[tilespmem:$0x18100] =	vst v63  }
0x84: {  	s24 =	simm.s32 $0xD100  }
0x85: {  	[tilespmem:s24], [sflag:$0x2] =	stream.indirect_vreg.gather [hbm4b:s9+s3], $0x80, v5, vm0, $0xb8;
	[tilespmem:$0x18100] =	vst v63  }
0x86: {  	s24 =	simm.s32 $0xD900  }
0x87: {  	[tilespmem:s24], [sflag:$0x2] =	stream.indirect_vreg.gather [hbm4b:s1+s3], $0x80, v4, vm0, $0xb8;
	[tilespmem:$0x18100] =	vst v63  }
0x88: {  	s24 =	simm.s32 $0xE100  }
0x89: {  	[tilespmem:s24], [sflag:$0x2] =	stream.indirect_vreg.gather [hbm4b:s8+s3], $0x80, v4, vm0, $0xb8;
	[tilespmem:$0x18100] =	vst v63  }
0x8a: {  	s24 =	simm.s32 $0xE900  }
0x8b: {  	[tilespmem:s24], [sflag:$0x2] =	stream.indirect_vreg.gather [hbm4b:s9+s3], $0x80, v4, vm0, $0xb8;
	[tilespmem:$0x18100] =	vst v63  }
0x8c: {  	v4 =	vld [tilespmem:$0x90];
	_ =	sdelay $0x4  }
0x8d: {  	v5 =	vshrl.u32 v4, $0x3  }
0x8e: {  	v5 =	vmul.u32 $0x30, v5  }
0x8f: {  	v4 =	vand.u32 $0x7, v4  }
0x90: {  	v4 =	vor.u32 v4, v5  }
0x91: {  	v5 =	vperm.xlane v4, v0;
	_ =	sdelay $0x1  }
0x92: {  	v5 =	vadd.s32 v1, v5;
	_ =	sdelay $0x3  }
0x93: {  	s24 =	simm.s32 $0xF100;
	v4 =	vperm.xlane v4, v3  }
0x94: {  	[tilespmem:s24], [sflag:$0x2] =	stream.indirect_vreg.gather [hbm4b:s1+s3], $0x80, v5, vm0, $0xb8;
	[tilespmem:$0x18100] =	vst v63  }
0x95: {  	v4 =	vadd.s32 v1, v4;
	s24 =	simm.s32 $0xF900  }
0x96: {  	[tilespmem:s24], [sflag:$0x2] =	stream.indirect_vreg.gather [hbm4b:s8+s3], $0x80, v5, vm0, $0xb8;
	[tilespmem:$0x18100] =	vst v63  }
0x97: {  	s24 =	simm.s32 $0x10100  }
0x98: {  	[tilespmem:s24], [sflag:$0x2] =	stream.indirect_vreg.gather [hbm4b:s9+s3], $0x80, v5, vm0, $0xb8;
	[tilespmem:$0x18100] =	vst v63  }
0x99: {  	s24 =	simm.s32 $0x10900  }
0x9a: {  	[tilespmem:s24], [sflag:$0x2] =	stream.indirect_vreg.gather [hbm4b:s1+s3], $0x80, v4, vm0, $0xb8;
	[tilespmem:$0x18100] =	vst v63  }
0x9b: {  	_ = 	snop  }
0x9c: {  	[tilespmem:s26], [sflag:$0x2] =	stream.indirect_vreg.gather [hbm4b:s8+s3], $0x80, v4, vm0, $0xb8;
	[tilespmem:$0x18100] =	vst v63  }
0x9d: {  	_ = 	snop  }
0x9e: {  	[tilespmem:s28], [sflag:$0x2] =	stream.indirect_vreg.gather [hbm4b:s9+s3], $0x80, v4, vm0, $0xb8;
	[tilespmem:$0x18100] =	vst v63  }
0x9f: {  	v4 =	vld [tilespmem:$0xA0];
	_ =	sdelay $0x4  }
0xa0: {  	v5 =	vshrl.u32 v4, $0x3  }
0xa1: {  	v5 =	vmul.u32 $0x30, v5  }
0xa2: {  	v4 =	vand.u32 $0x7, v4  }
0xa3: {  	v4 =	vor.u32 v4, v5  }
0xa4: {  	v5 =	vperm.xlane v4, v0;
	_ =	sdelay $0x1  }
0xa5: {  	v5 =	vadd.s32 v1, v5;
	_ =	sdelay $0x3  }
0xa6: {  	v4 =	vperm.xlane v4, v3  }
0xa7: {  	[tilespmem:s29], [sflag:$0x2] =	stream.indirect_vreg.gather [hbm4b:s1+s3], $0x80, v5, vm0, $0xb8;
	[tilespmem:$0x18100] =	vst v63  }
0xa8: {  	v4 =	vadd.s32 v1, v4  }
0xa9: {  	[tilespmem:s30], [sflag:$0x2] =	stream.indirect_vreg.gather [hbm4b:s8+s3], $0x80, v5, vm0, $0xb8;
	[tilespmem:$0x18100] =	vst v63  }
0xaa: {  	_ = 	snop  }
0xab: {  	[tilespmem:s31], [sflag:$0x2] =	stream.indirect_vreg.gather [hbm4b:s9+s3], $0x80, v5, vm0, $0xb8;
	[tilespmem:$0x18100] =	vst v63  }
0xac: {  	_ = 	snop  }
0xad: {  	[tilespmem:s0], [sflag:$0x2] =	stream.indirect_vreg.gather [hbm4b:s1+s3], $0x80, v4, vm0, $0xb8;
	[tilespmem:$0x18100] =	vst v63  }
0xae: {  	_ = 	snop  }
0xaf: {  	[tilespmem:s2], [sflag:$0x2] =	stream.indirect_vreg.gather [hbm4b:s8+s3], $0x80, v4, vm0, $0xb8;
	[tilespmem:$0x18100] =	vst v63  }
0xb0: {  	_ = 	snop  }
0xb1: {  	[tilespmem:s7], [sflag:$0x2] =	stream.indirect_vreg.gather [hbm4b:s9+s3], $0x80, v4, vm0, $0xb8;
	[tilespmem:$0x18100] =	vst v63  }
0xb2: {  	v4 =	vld [tilespmem:$0xB0];
	_ =	sdelay $0x4  }
0xb3: {  	v5 =	vshrl.u32 v4, $0x3  }
0xb4: {  	v5 =	vmul.u32 $0x30, v5  }
0xb5: {  	v4 =	vand.u32 $0x7, v4  }
0xb6: {  	v4 =	vor.u32 v4, v5  }
0xb7: {  	v5 =	vperm.xlane v4, v0;
	_ =	sdelay $0x1  }
0xb8: {  	v5 =	vadd.s32 v1, v5;
	_ =	sdelay $0x3  }
0xb9: {  	v4 =	vperm.xlane v4, v3  }
0xba: {  	[tilespmem:s10], [sflag:$0x2] =	stream.indirect_vreg.gather [hbm4b:s1+s3], $0x80, v5, vm0, $0xb8;
	[tilespmem:$0x18100] =	vst v63  }
0xbb: {  	v4 =	vadd.s32 v1, v4  }
0xbc: {  	[tilespmem:s13], [sflag:$0x2] =	stream.indirect_vreg.gather [hbm4b:s8+s3], $0x80, v5, vm0, $0xb8;
	[tilespmem:$0x18100] =	vst v63  }
0xbd: {  	_ = 	snop  }
0xbe: {  	[tilespmem:s15], [sflag:$0x2] =	stream.indirect_vreg.gather [hbm4b:s9+s3], $0x80, v5, vm0, $0xb8;
	[tilespmem:$0x18100] =	vst v63  }
0xbf: {  	_ = 	snop  }
0xc0: {  	[tilespmem:s17], [sflag:$0x2] =	stream.indirect_vreg.gather [hbm4b:s1+s3], $0x80, v4, vm0, $0xb8;
	[tilespmem:$0x18100] =	vst v63  }
0xc1: {  	_ = 	snop  }
0xc2: {  	[tilespmem:s18], [sflag:$0x2] =	stream.indirect_vreg.gather [hbm4b:s8+s3], $0x80, v4, vm0, $0xb8;
	[tilespmem:$0x18100] =	vst v63  }
0xc3: {  	_ = 	snop  }
0xc4: {  	[tilespmem:s19], [sflag:$0x2] =	stream.indirect_vreg.gather [hbm4b:s9+s3], $0x80, v4, vm0, $0xb8;
	[tilespmem:$0x18100] =	vst v63  }
0xc5: {  	_ =	swait.ge [sflag:s20], $0xC000  }
0xc6: {  	[sflag:s20] =	ssyncset.done $0x0  }
.Ltmp2:
0xc7: {  	[sflag:s20] =	ssyncadd.s32 $0xFFFF4000;
	(pc) =	sbr.rel @p0 .LBB2_4-.Ltmp2, $4  }
0xc8: {  	s23 =	smul.u32 $0x300, s23;
	_ =	swait.ge [sflag:s21], $0xC000  }
0xc9: {  	[sflag:s21] =	ssyncset.done $0x0  }
0xca: {  	s23 =	sadd.s32 s6, s23;
	[sflag:s21] =	ssyncadd.s32 $0xFFFF4000  }
0xcb: {  	[hbm4b:s23+s3] =	stream.linear.scatter [tilespmem:s16], [sflag:$0x4], $0xC000, $0x38;
	[tilespmem:$0x18100] =	vst v63  }
0xcc: {  	s22 =	sadd.s32 s4, s22  }
0xcd: {  	s22 =	sadd.s32 $0x10, s22  }
0xce: {  	[tilespmem:s3], [sflag:$0x5] =	stream.linear.gather [hbm4b:s22+s3], $0x40, $0x38;
	[tilespmem:$0x18100] =	vst v63  }
0xcf: {  	_ =	swait.ge [sflag:s11], $0x40  }
0xd0: {  	[sflag:s11] =	ssyncset.done $0x0  }
0xd1: {  	[sflag:s11] =	ssyncadd.s32 $0xFFFFFFC0  }
0xd2: {  	v4 =	vld [tilespmem:$0x0];
	_ =	sdelay $0x4  }
0xd3: {  	v5 =	vshrl.u32 v4, $0x3  }
0xd4: {  	v5 =	vmul.u32 $0x30, v5  }
0xd5: {  	v4 =	vand.u32 $0x7, v4  }
0xd6: {  	v4 =	vor.u32 v4, v5  }
0xd7: {  	v5 =	vperm.xlane v4, v0;
	_ =	sdelay $0x1  }
0xd8: {  	v5 =	vadd.s32 v1, v5;
	_ =	sdelay $0x2  }
.Ltmp3:
0xd9: {  	_ = 	snop;
	(pc) =	sbr.rel .LBB2_2-.Ltmp3, $4  }
0xda: {  	_ = 	snop  }
0xdb: {  	[tilespmem:s12], [sflag:$0x1] =	stream.indirect_vreg.gather [hbm4b:s1+s3], $0x80, v5, vm0, $0xb8;
	[tilespmem:$0x18100] =	vst v63  }
0xdc: {  	s24 =	simm.s32 $0x900;
	p0 =	por $0x1, $0x1;
	s22 =	simm.s32 $0x80  }
0xdd: {  	[tilespmem:s24], [sflag:$0x1] =	stream.indirect_vreg.gather [hbm4b:s8+s3], $0x80, v5, vm0, $0xb8;
	[tilespmem:$0x18100] =	vst v63  }
.LBB2_5:
0xde: {  	_ =	sfence.sel $0x180000  }
0xdf: {  	[bflag:$0x0] =	sbarrier.arrive $0xFFFF  }
0xe0: {  	_ =	strace $0x90000056  }
0xe1: {  	s0 =	stileid.u32;
	[bflag:$0x2] =	sbarrier.arrive $0xFFFF  }
0xe2: {  	p0 =	sne.s32 s0, $0x0;
	s0 =	rddreg [dreg:$0x2]  }
0xe3: {  	s0 =	sadd.s32 @!p0 $0x100000, s0  }
0xe4: {  	[sflag:s0] =	ssyncadd.tile.s32 @!p0 $0x1;
	_ =	shalt  }
.Lfunc_end2:
_tile_overlayer_lowered:
.L_overlay_start_2:
0xe5: {  	(tag) =	ssettag $0x2  }
0xe6: {  	s0 =	rddreg [dreg:$0x0];
	s2 =	stileid.u32  }
0xe7: {  	s1 =	rddreg [dreg:$0x1];
	p0 =	sne.s32 s2, $0x0  }
0xe8: {  	s3 =	rddreg [dreg:$0x2];
	[bflag:$0x3] =	sbarrier.arrive $0xFFFF;
	s2 =	simm.s32 @!p0 $0x1C05  }
0xe9: {  	[timem:s3], [sflag:s2] =	dma.local @!p0 [hbm:s0], s1  }
0xea: {  	s0 =	simm.s32 @!p0 $0x5  }
0xeb: {  	_ =	swait.ge @!p0 [sflag:s0], s1  }
0xec: {  	s1 =	ssub.s32 @!p0 $0x0, s1;
	[sflag:s0] =	ssyncset.done @!p0 $0x0  }
0xed: {  	[sflag:s0] =	ssyncadd.s32 @!p0 s1  }
0xee: {  	[bflag:$0x3] =	sbarrier.arrive $0xFFFF  }
0xef: {  	_ =	shalt  }

// kernel: kernel.36.cloned.1.call-start
scs
__scs_entry_jumppad:
0x0: {  	(pc) =	sbr.rel $0x88, $3  }
0x1: {  	(tag) =	ssettag $0x0;
	lr =	simm.s32 $0x1  }
0x2: {  	[smem:$0x3F9A] =	sst lr;
	_ =	strace $0xD0000000  }
0x3: {  	_ = 	snop  }
0x4: {  	_ = 	snop  }
0x5: {  	_ = 	snop  }
0x6: {  	_ = 	snop  }
0x7: {  	_ = 	snop  }
__scs_overlays_trampoline_lowered:
0x8: {  	[smem:$0x3FA9] =	sst s0  }
0x9: {  	[smem:$0x3FAA] =	sst s1  }
0xa: {  	[smem:$0x3FAB] =	sst s2  }
0xb: {  	[smem:$0x3FAC] =	sst s3  }
0xc: {  	[smem:$0x3FAD] =	sst s4  }
0xd: {  	[smem:$0x3FAE] =	sst s5  }
0xe: {  	[smem:$0x3FAF] =	sst s6  }
0xf: {  	[smem:$0x3FB0] =	sst s7  }
0x10: {  	[smem:$0x3FB1] =	sst s8  }
0x11: {  	[smem:$0x3FB2] =	sst s9;
	s0 =	simm.s32 @!p0 $0x0  }
0x12: {  	s1 =	sld [smem:$0x3F98];
	s0 =	simm.s32 @p0 $0x1  }
0x13: {  	[smem:$0x3FB3] =	sst s0;
	s0 =	simm.s32 @!p1 $0x0  }
0x14: {  	s2 =	sld [smem:$0x3F97];
	s0 =	simm.s32 @p1 $0x1  }
0x15: {  	[smem:$0x3FB4] =	sst s0;
	s0 =	simm.s32 @!p2 $0x0  }
0x16: {  	s3 =	sld [smem:$0x3FDB];
	s0 =	simm.s32 @p2 $0x1  }
0x17: {  	s4 =	simm.s32 $0x1BF5;
	[smem:$0x3FB6] =	sst s0  }
0x18: {  	s0 =	sld [smem:$0x3F99];
	_ =	swait.ge [sflag:s4], $0x0  }
0x19: {  	s7 =	sld [smem:$0x3F9A]  }
0x1a: {  	s8 =	sadd.s32 $0xFFFFE003, lr  }
0x1b: {  	s9 =	sadd.s32 $0xFFFFFEF7, lr;
	s5 =	simm.s32 $0xFFFFFFFF;
	p2 =	slt.u32 s8, $0xFFFFF086  }
0x1c: {  	p1 =	slt.u32 s9, $0xF7A;
	s5 =	simm.s32 @!p2 $0x0  }
0x1d: {  	s5 =	simm.s32 @p1 $0x1;
	p0 =	seq.s32 s7, s2  }
0x1e: {  	s7 =	smul.u32 @!p0 $0xF7A, s2;
	p2 =	seq.s32 @!p0 s5, $0x0  }
0x1f: {  	s9 =	smul.u32 $0xF7A, s1;
	s8 =	simm.s32 @!p0 $0x1BF5;
	p2 =	por !p2, p0  }
0x20: {  	[sflag:s8] =	ssyncset.s32 @!p0 $0xFFFFF086;
	s6 =	sadd.s32 @!p0 s3, s7;
	s7 =	simm.s32 @!p0 $0x108  }
0x21: {  	s3 =	sadd.s32 s3, s9;
	s6 =	sadd.s32 @!p0 $0x88, s6;
	s7 =	simm.s32 @p2 $0x1082  }
0x22: {  	[simem:s7], [sflag:s8] =	dma.local @!p0 [hbm:s6], $0xF7A  }
0x23: {  	s9 =	sor.u32 $0xD0000000, s2;
	s6 =	simm.s32 $0x108;
	_ =	swait.ge @!p0 [sflag:s8], $0x0  }
0x24: {  	s3 =	sadd.s32 $0x88, s3;
	s6 =	simm.s32 @!p1 $0x1082;
	[sflag:s4] =	ssyncset.s32 $0xFFFFF086  }
0x25: {  	[simem:s6], [sflag:s4] =	dma.local [hbm:s3], $0xF7A  }
0x26: {  	[smem:$0x3F9A] =	sst s1;
	(tag) =	ssettag s2;
	_ =	strace s9  }
0x27: {  	s1 =	sld [smem:$0x3FAA]  }
0x28: {  	s2 =	sld [smem:$0x3FAB]  }
0x29: {  	s4 =	sld [smem:$0x3FAD]  }
0x2a: {  	p0 =	seq.s32 s5, $0x0;
	s5 =	sld [smem:$0x3FAE]  }
0x2b: {  	s6 =	sld [smem:$0x3FAF]  }
0x2c: {  	s7 =	sld [smem:$0x3FB0]  }
0x2d: {  	s3 =	simm.s32 $0x108;
	s8 =	sld [smem:$0x3FB1]  }
0x2e: {  	s3 =	simm.s32 @!p0 $0x1082;
	s9 =	sld [smem:$0x3FB2]  }
0x2f: {  	lr =	sadd.s32 s0, s3;
	s0 =	sld [smem:$0x3FA9]  }
0x30: {  	s3 =	sld [smem:$0x3FAC]  }
0x31: {  	[smem:$0x3FB5] =	sst s10  }
0x32: {  	s10 =	sld [smem:$0x3FB3];
	_ =	sdelay $0x3  }
0x33: {  	p0 =	seq.s32 s10, $0x1;
	s10 =	sld [smem:$0x3FB5];
	_ =	sdelay $0x3  }
0x34: {  	[smem:$0x3FB5] =	sst s10  }
0x35: {  	s10 =	sld [smem:$0x3FB4];
	_ =	sdelay $0x3  }
0x36: {  	p1 =	seq.s32 s10, $0x1;
	s10 =	sld [smem:$0x3FB5];
	_ =	sdelay $0x3  }
0x37: {  	[smem:$0x3FB5] =	sst s10  }
0x38: {  	s10 =	sld [smem:$0x3FB6]  }
0x39: {  	_ = 	snop;
	(pc) =	sbr.ind lr, $3  }
0x3a: {  	_ = 	snop  }
0x3b: {  	_ = 	snop  }
0x3c: {  	p2 =	seq.s32 s10, $0x1;
	s10 =	sld [smem:$0x3FB5]  }
0x3d: {  	_ =	shalt  }
0x3e: {  	_ =	shalt  }
0x3f: {  	_ =	shalt  }
0x40: {  	_ =	shalt  }
0x41: {  	_ =	shalt  }
0x42: {  	_ =	shalt  }
0x43: {  	_ =	shalt  }
0x44: {  	_ =	shalt  }
0x45: {  	_ =	shalt  }
0x46: {  	_ =	shalt  }
0x47: {  	_ =	shalt  }
0x48: {  	_ =	shalt  }
0x49: {  	_ =	shalt  }
0x4a: {  	_ =	shalt  }
0x4b: {  	_ =	shalt  }
0x4c: {  	_ =	shalt  }
0x4d: {  	_ =	shalt  }
0x4e: {  	_ =	shalt  }
0x4f: {  	_ =	shalt  }
0x50: {  	_ =	shalt  }
0x51: {  	_ =	shalt  }
0x52: {  	_ =	shalt  }
0x53: {  	_ =	shalt  }
0x54: {  	_ =	shalt  }
0x55: {  	_ =	shalt  }
0x56: {  	_ =	shalt  }
0x57: {  	_ =	shalt  }
0x58: {  	_ =	shalt  }
0x59: {  	_ =	shalt  }
0x5a: {  	_ =	shalt  }
0x5b: {  	_ =	shalt  }
0x5c: {  	_ =	shalt  }
0x5d: {  	_ =	shalt  }
0x5e: {  	_ =	shalt  }
0x5f: {  	_ =	shalt  }
0x60: {  	_ =	shalt  }
0x61: {  	_ =	shalt  }
0x62: {  	_ =	shalt  }
0x63: {  	_ =	shalt  }
0x64: {  	_ =	shalt  }
0x65: {  	_ =	shalt  }
0x66: {  	_ =	shalt  }
0x67: {  	_ =	shalt  }
0x68: {  	_ =	shalt  }
0x69: {  	_ =	shalt  }
0x6a: {  	_ =	shalt  }
0x6b: {  	_ =	shalt  }
0x6c: {  	_ =	shalt  }
0x6d: {  	_ =	shalt  }
0x6e: {  	_ =	shalt  }
0x6f: {  	_ =	shalt  }
0x70: {  	_ =	shalt  }
0x71: {  	_ =	shalt  }
0x72: {  	_ =	shalt  }
0x73: {  	_ =	shalt  }
0x74: {  	_ =	shalt  }
0x75: {  	_ =	shalt  }
0x76: {  	_ =	shalt  }
0x77: {  	_ =	shalt  }
0x78: {  	_ =	shalt  }
0x79: {  	_ =	shalt  }
0x7a: {  	_ =	shalt  }
0x7b: {  	_ =	shalt  }
0x7c: {  	_ =	shalt  }
0x7d: {  	_ =	shalt  }
0x7e: {  	_ =	shalt  }
0x7f: {  	_ =	shalt  }
0x80: {  	_ =	shalt  }
0x81: {  	_ =	shalt  }
0x82: {  	_ =	shalt  }
0x83: {  	_ =	shalt  }
0x84: {  	_ =	shalt  }
0x85: {  	_ =	shalt  }
0x86: {  	_ =	shalt  }
0x87: {  	_ =	shalt  }
.Lfunc_end0:
.L_simem_size_0:
called_computation.6_lowered:
.L_overlay_start_0:
0x88: {  	s2 =	sld [smem:$0x3FD9]  }
0x89: {  	s3 =	sld [smem:$0x3FFE];
	_ =	sdelay $0x1  }
0x8a: {  	s1 =	srdreg.scid  }
0x8b: {  	s0 =	sand.u32 $0x1, s1  }
0x8c: {  	s17 =	sshll.u32 s0, $0xA;
	s2 =	sadd.s32 s3, s2  }
0x8d: {  	s2 =	sadd.s32 s2, s17  }
0x8e: {  	[smem:$0x3FC1] =	sst s2  }
0x8f: {  	_ = 	snop  }
0x90: {  	s18 =	sld [smem:$0x3FC7];
	(tm) =	ssettm $0x1  }
0x91: {  	s19 =	sld [smem:$0x3FFB];
	_ =	sdelay $0x3  }
0x92: {  	_ =	strace s19  }
0x93: {  	s2 =	sld [smem:$0x3FFC];
	_ =	sdelay $0x3  }
0x94: {  	_ =	strace s2  }
0x95: {  	s2 =	sld [smem:$0x3FFD];
	_ =	sdelay $0x3  }
0x96: {  	_ =	strace s2  }
0x97: {  	_ =	strace $0x8FFFFFFF  }
0x98: {  	s20 =	sld [smem:$0x3FDB];
	_ =	sdelay $0x1  }
0x99: {  	s4 =	simm.s32 $_scs_section_size  }
0x9a: {  	s5 =	simm.s32 $_size__tile_overlayer_lowered;
	s6 =	simm.s32 $_tile_overlayer_lowered  }
0x9b: {  	s7 =	simm.s32 $0x1BFF;
	s21 =	sshll.u32 s6, $0x1;
	s4 =	sadd.s32 s4, s20  }
0x9c: {  	s22 =	simm.s32 $0x0;
	s5 =	sshll.u32 s5, $0x1;
	s6 =	sadd.s32 s21, s4  }
0x9d: {  	[timem:s22], [sflag:s7] =	dma.local [hbm:s6], s5  }
0x9e: {  	_ =	swait.ge [sflag:s7], s5  }
0x9f: {  	s5 =	ssub.s32 $0x0, s5;
	[sflag:s7] =	ssyncset.done $0x0  }
0xa0: {  	[sflag:s7] =	ssyncadd.s32 s5;
	_ =	sdelay $0x1  }
0xa1: {  	s23 =	simm.s32 $0x1B8B  }
0xa2: {  	_ =	swait.ge [sflag:s23], $0x1  }
0xa3: {  	[sflag:s23] =	ssyncset.done $0x0  }
0xa4: {  	[sflag:s23] =	ssyncadd.s32 $0xFFFFFFFF  }
0xa5: {  	s5 =	sld [smem:$0x0]  }
0xa6: {  	s6 =	sand.u32 $0xFFFFFFFE, s1  }
0xa7: {  	p0 =	sne.s32 s1, s6  }
0xa8: {  	s6 =	sshll.u32 @p0 s6, $0xE  }
0xa9: {  	s6 =	sadd.s32 @p0 $0x11B8D, s6;
	s7 =	sshll.u32 @p0 s5, $0x11  }
0xaa: {  	s6 =	sor.u32 @p0 s7, s6  }
0xab: {  	[sflag:s6] =	ssyncadd.remote.s32 @p0 $0x1;
	_ =	sdelay $0x1  }
0xac: {  	s6 =	simm.s32 @p0 $0x1B8D  }
0xad: {  	_ =	swait.eq @p0 [sflag:s6], $0x1  }
0xae: {  	[sflag:s6] =	ssyncadd.s32 @p0 $0xFFFFFFFF  }
0xaf: {  	s7 =	sshll.u32 @!p0 s1, $0xE  }
0xb0: {  	s7 =	sor.u32 @!p0 $0x4000, s7;
	s6 =	simm.s32 @!p0 $0x1B8D  }
0xb1: {  	s5 =	sshll.u32 @!p0 s5, $0x11;
	s7 =	sadd.s32 @!p0 $0x11B8D, s7;
	_ =	swait.eq @!p0 [sflag:s6], $0x1  }
0xb2: {  	s5 =	sor.u32 @!p0 s5, s7;
	[sflag:s6] =	ssyncadd.s32 @!p0 $0xFFFFFFFF  }
0xb3: {  	s25 =	simm.s32 $0x1B8E;
	s24 =	sld [smem:$0x3FFE];
	[sflag:s5] =	ssyncadd.remote.s32 @!p0 $0x1  }
0xb4: {  	s26 =	simm.s32 $execute0_lowered;
	[smem:$0x3FD2] =	sst s25  }
0xb5: {  	s6 =	sshll.u32 s26, $0x1;
	_ =	strace $0x80000058;
	[dreg:$0x1] =	wrdreg $0xFFFFFFFF  }
0xb6: {  	s28 =	simm.s32 $_size_execute0_lowered;
	s4 =	sadd.s32 s4, s6;
	[dreg:$0x0] =	wrdreg $0x0  }
0xb7: {  	s6 =	sshll.u32 s28, $0x1;
	[dreg:$0x2] =	wrdreg s4  }
0xb8: {  	[dreg:$0x3] =	wrdreg s6  }
0xb9: {  	[dreg:$0x4] =	wrdreg $0xC0  }
0xba: {  	_ =	task [dreg:s22], $0x5FFFF  }
0xbb: {  	[dreg:$0x1] =	wrdreg $0xFFFFFFFF  }
0xbc: {  	[dreg:$0x0] =	wrdreg $0x60  }
0xbd: {  	[dreg:$0x2] =	wrdreg s24  }
0xbe: {  	[dreg:$0x3] =	wrdreg s18  }
0xbf: {  	[dreg:$0x4] =	wrdreg $0xF  }
0xc0: {  	_ =	task.clear_ibuf [dreg:s22], $0x5FFFF;
	_ =	strace $0x90000058  }
0xc1: {  	s29 =	simm.s32 $0xF;
	_ =	strace $0x8000005A  }
0xc2: {  	_ =	swait.ge [sflag:s29], $0x1  }
0xc3: {  	[sflag:s29] =	ssyncadd.s32 $0xFFFFFFFF  }
0xc4: {  	_ =	strace $0x9000005A  }
0xc5: {  	_ =	sfence  }
0xc6: {  	s30 =	sld [smem:$0x0];
	_ =	sdelay $0x2  }
0xc7: {  	s31 =	sshll.u32 s1, $0xD;
	s1 =	sshrl.u32 s1, $0x2  }
0xc8: {  	s4 =	sand.u32 $0x4000, s31;
	s1 =	sadd.s32 s1, s30  }
0xc9: {  	s0 =	sor.u32 s4, s0;
	s1 =	sshll.u32 s1, $0x11  }
0xca: {  	s0 =	sor.u32 s1, s0  }
0xcb: {  	s0 =	sadd.s32 $0x8F2B, s0  }
0xcc: {  	[sflag:s0] =	ssyncadd.remote.s32 $0x1  }
0xcd: {  	_ =	sfence.sel $0xFFFF  }
0xce: {  	[dreg:$0x0] =	wrdreg $0xFFFFFFFF;
	(pc) =	sbr.abs _section_cstart, $3  }
0xcf: {  	[dreg:$0x1] =	wrdreg $0xFFFFFFFF  }
0xd0: {  	_ =	task.clear_ibuf [dreg:s22], $0x2FFFF;
	_ =	strace $0x9FFFFFFF  }
0xd1: {  	(tm) =	ssettm $0x7FFFFFFF  }
tec
execute0_lowered:
.L_overlay_start_1:
0x0: {  	(tag) =	ssettag $0x1  }
0x1: {  	s0 =	rddreg [dreg:$0x0]  }
0x2: {  	s1 =	rddreg [dreg:$0x1];
	s3 =	simm.s32 $0x0;
	s2 =	srdreg.scid  }
0x3: {  	s4 =	stileid.u32;
	s11 =	simm.s32 $0x5;
	s12 =	simm.s32 $0x100  }
0x4: {  	s14 =	simm.s32 $0x1;
	s16 =	simm.s32 $0xC100;
	s28 =	simm.s32 $0x11900  }
0x5: {  	s29 =	simm.s32 $0x12100;
	s30 =	simm.s32 $0x12900;
	s31 =	simm.s32 $0x13100  }
0x6: {  	s10 =	simm.s32 $0x15100;
	s13 =	simm.s32 $0x15900;
	s15 =	simm.s32 $0x16100  }
0x7: {  	s17 =	simm.s32 $0x16900;
	s18 =	simm.s32 $0x17100;
	s19 =	simm.s32 $0x17900  }
0x8: {  	s20 =	simm.s32 $0x2;
	s21 =	simm.s32 $0x3;
	s24 =	simm.s32 $0x0  }
0x9: {  	[smem:$0x7FF] =	sst s3;
	s2 =	sand.u32 $0x1, s2;
	s5 =	sshll.u32 s4, $0x9  }
0xa: {  	s4 =	sadd.s32 $0x5800, s0;
	s8 =	sadd.s32 $0x100, s1;
	s9 =	sadd.s32 $0x200, s1  }
0xb: {  	_ =	strace $0x80000059;
	s6 =	sshll.u32 s2, $0x8;
	s2 =	ssub.s32 $0x2, s2  }
.Ltmp0:
0xc: {  	s5 =	sor.u32 s6, s5;
	s25 =	sshrl.u32 s2, $0x1;
	(pc) =	sbr.rel .LBB2_1-.Ltmp0, $4  }
0xd: {  	s6 =	sadd.s32 $0x486800, s0;
	s7 =	sshrl.u32 s5, $0x3;
	s0 =	ssub.s32 s2, s25  }
0xe: {  	v3 =	vlaneseq.u32;
	s2 =	simm.s32 $0x14100;
	s25 =	simm.s32 $0x80;
	s26 =	sadd.s32 s4, s7  }
0xf: {  	vm0 =	vmmov $0xffff;
	v1 =	vshrl.u32 v3, $0x3;
	v0 =	vand.u32 $0x7, v3;
	s0 =	smax.u32 s0, $0x1;
	s7 =	simm.s32 $0x14900;
	[dreg:$0x3] =	wrdreg s26  }
0x10: {  	v3 =	vor.u32 $0x8, v3;
	v1 =	vmul.u32 $0x8, v1;
	v2 =	vor.u32 $0x8, v0;
	[dreg:$0x4] =	wrdreg s0;
	s26 =	simm.s32 $0x11100;
	s0 =	simm.s32 $0x13900  }
.LBB2_4:
0x11: {  	s23 =	simm.s32 $0x4  }
0x12: {  	_ =	swait.ge [sflag:s23], $0xC000  }
0x13: {  	s24 =	rddreg [dreg:$0x5]  }
0x14: {  	s22 =	rddreg [dreg:$0x4];
	s24 =	sadd.s32 $0x1, s24  }
0x15: {  	p0 =	sne.s32 s24, s22  }
.Ltmp1:
0x16: {  	_ = 	snop;
	(pc) =	sbr.rel @!p0 .LBB2_5-.Ltmp1, $3  }
0x17: {  	_ =	sdelay $0x1  }
0x18: {  	[sflag:s23] =	ssyncset.done $0x0  }
0x19: {  	[sflag:s23] =	ssyncadd.s32 $0xFFFF4000  }
.LBB2_1:
0x1a: {  	[dreg:$0x5] =	wrdreg s24  }
0x1b: {  	s22 =	rddreg [dreg:$0x3]  }
0x1c: {  	[tilespmem:s3], [sflag:$0x5] =	stream.linear.gather [hbm4b:s22+s3], $0x40, $0x38;
	[tilespmem:$0x18100] =	vst v63  }
0x1d: {  	_ =	swait.ge [sflag:s11], $0x40  }
0x1e: {  	[sflag:s11] =	ssyncset.done $0x0  }
0x1f: {  	[sflag:s11] =	ssyncadd.s32 $0xFFFFFFC0  }
0x20: {  	v4 =	vld [tilespmem:$0x0];
	_ =	sdelay $0x4  }
0x21: {  	v5 =	vshrl.u32 v4, $0x3  }
0x22: {  	v5 =	vmul.u32 $0x30, v5  }
0x23: {  	v4 =	vand.u32 $0x7, v4  }
0x24: {  	v4 =	vor.u32 v4, v5  }
0x25: {  	v5 =	vperm.xlane v4, v0;
	_ =	sdelay $0x1  }
0x26: {  	v5 =	vadd.s32 v1, v5;
	_ =	sdelay $0x4  }
0x27: {  	[tilespmem:s12], [sflag:$0x1] =	stream.indirect_vreg.gather [hbm4b:s1+s3], $0x80, v5, vm0, $0xb8;
	[tilespmem:$0x18100] =	vst v63  }
0x28: {  	s24 =	simm.s32 $0x900;
	p0 =	por $0x0, $0x0;
	s22 =	simm.s32 $0x0  }
0x29: {  	[tilespmem:s24], [sflag:$0x1] =	stream.indirect_vreg.gather [hbm4b:s8+s3], $0x80, v5, vm0, $0xb8;
	[tilespmem:$0x18100] =	vst v63  }
.LBB2_2:
0x2a: {  	v4 =	vperm.xlane v4, v2;
	_ =	sdelay $0x1  }
0x2b: {  	v4 =	vadd.s32 v1, v4;
	_ =	sdelay $0x1  }
0x2c: {  	s23 =	simm.s32 $0x1100  }
0x2d: {  	[tilespmem:s23], [sflag:$0x1] =	stream.indirect_vreg.gather [hbm4b:s9+s3], $0x80, v5, vm0, $0xb8;
	[tilespmem:$0x18100] =	vst v63  }
0x2e: {  	s24 =	simm.s32 $0x1900  }
0x2f: {  	[tilespmem:s24], [sflag:$0x1] =	stream.indirect_vreg.gather [hbm4b:s1+s3], $0x80, v4, vm0, $0xb8;
	[tilespmem:$0x18100] =	vst v63  }
0x30: {  	s24 =	simm.s32 $0x2100  }
0x31: {  	[tilespmem:s24], [sflag:$0x1] =	stream.indirect_vreg.gather [hbm4b:s8+s3], $0x80, v4, vm0, $0xb8;
	[tilespmem:$0x18100] =	vst v63  }
0x32: {  	s24 =	simm.s32 $0x2900  }
0x33: {  	[tilespmem:s24], [sflag:$0x1] =	stream.indirect_vreg.gather [hbm4b:s9+s3], $0x80, v4, vm0, $0xb8;
	[tilespmem:$0x18100] =	vst v63  }
0x34: {  	v4 =	vld [tilespmem:$0x10];
	_ =	sdelay $0x4  }
0x35: {  	v5 =	vshrl.u32 v4, $0x3  }
0x36: {  	v5 =	vmul.u32 $0x30, v5  }
0x37: {  	v4 =	vand.u32 $0x7, v4  }
0x38: {  	v4 =	vor.u32 v4, v5  }
0x39: {  	v5 =	vperm.xlane v4, v0;
	_ =	sdelay $0x1  }
0x3a: {  	v5 =	vadd.s32 v1, v5;
	_ =	sdelay $0x3  }
0x3b: {  	s24 =	simm.s32 $0x3100;
	v4 =	vperm.xlane v4, v2  }
0x3c: {  	[tilespmem:s24], [sflag:$0x1] =	stream.indirect_vreg.gather [hbm4b:s1+s3], $0x80, v5, vm0, $0xb8;
	[tilespmem:$0x18100] =	vst v63  }
0x3d: {  	v4 =	vadd.s32 v1, v4;
	s24 =	simm.s32 $0x3900  }
0x3e: {  	[tilespmem:s24], [sflag:$0x1] =	stream.indirect_vreg.gather [hbm4b:s8+s3], $0x80, v5, vm0, $0xb8;
	[tilespmem:$0x18100] =	vst v63  }
0x3f: {  	s24 =	simm.s32 $0x4100  }
0x40: {  	[tilespmem:s24], [sflag:$0x1] =	stream.indirect_vreg.gather [hbm4b:s9+s3], $0x80, v5, vm0, $0xb8;
	[tilespmem:$0x18100] =	vst v63  }
0x41: {  	s24 =	simm.s32 $0x4900  }
0x42: {  	[tilespmem:s24], [sflag:$0x1] =	stream.indirect_vreg.gather [hbm4b:s1+s3], $0x80, v4, vm0, $0xb8;
	[tilespmem:$0x18100] =	vst v63  }
0x43: {  	s24 =	simm.s32 $0x5100  }
0x44: {  	[tilespmem:s24], [sflag:$0x1] =	stream.indirect_vreg.gather [hbm4b:s8+s3], $0x80, v4, vm0, $0xb8;
	[tilespmem:$0x18100] =	vst v63  }
0x45: {  	s24 =	simm.s32 $0x5900  }
0x46: {  	[tilespmem:s24], [sflag:$0x1] =	stream.indirect_vreg.gather [hbm4b:s9+s3], $0x80, v4, vm0, $0xb8;
	[tilespmem:$0x18100] =	vst v63  }
0x47: {  	v4 =	vld [tilespmem:$0x20];
	_ =	sdelay $0x4  }
0x48: {  	v5 =	vshrl.u32 v4, $0x3  }
0x49: {  	v5 =	vmul.u32 $0x30, v5  }
0x4a: {  	v4 =	vand.u32 $0x7, v4  }
0x4b: {  	v4 =	vor.u32 v4, v5  }
0x4c: {  	v5 =	vperm.xlane v4, v0;
	_ =	sdelay $0x1  }
0x4d: {  	v5 =	vadd.s32 v1, v5;
	_ =	sdelay $0x3  }
0x4e: {  	s24 =	simm.s32 $0x6100;
	v4 =	vperm.xlane v4, v2  }
0x4f: {  	[tilespmem:s24], [sflag:$0x1] =	stream.indirect_vreg.gather [hbm4b:s1+s3], $0x80, v5, vm0, $0xb8;
	[tilespmem:$0x18100] =	vst v63  }
0x50: {  	v4 =	vadd.s32 v1, v4;
	s24 =	simm.s32 $0x6900  }
0x51: {  	[tilespmem:s24], [sflag:$0x1] =	stream.indirect_vreg.gather [hbm4b:s8+s3], $0x80, v5, vm0, $0xb8;
	[tilespmem:$0x18100] =	vst v63  }
0x52: {  	s24 =	simm.s32 $0x7100  }
0x53: {  	[tilespmem:s24], [sflag:$0x1] =	stream.indirect_vreg.gather [hbm4b:s9+s3], $0x80, v5, vm0, $0xb8;
	[tilespmem:$0x18100] =	vst v63  }
0x54: {  	s24 =	simm.s32 $0x7900  }
0x55: {  	[tilespmem:s24], [sflag:$0x1] =	stream.indirect_vreg.gather [hbm4b:s1+s3], $0x80, v4, vm0, $0xb8;
	[tilespmem:$0x18100] =	vst v63  }
0x56: {  	s24 =	simm.s32 $0x8100  }
0x57: {  	[tilespmem:s24], [sflag:$0x1] =	stream.indirect_vreg.gather [hbm4b:s8+s3], $0x80, v4, vm0, $0xb8;
	[tilespmem:$0x18100] =	vst v63  }
0x58: {  	s24 =	simm.s32 $0x8900  }
0x59: {  	[tilespmem:s24], [sflag:$0x1] =	stream.indirect_vreg.gather [hbm4b:s9+s3], $0x80, v4, vm0, $0xb8;
	[tilespmem:$0x18100] =	vst v63  }
0x5a: {  	v4 =	vld [tilespmem:$0x30];
	_ =	sdelay $0x4  }
0x5b: {  	v5 =	vshrl.u32 v4, $0x3  }
0x5c: {  	v5 =	vmul.u32 $0x30, v5  }
0x5d: {  	v4 =	vand.u32 $0x7, v4  }
0x5e: {  	v4 =	vor.u32 v4, v5  }
0x5f: {  	v5 =	vperm.xlane v4, v0;
	_ =	sdelay $0x1  }
0x60: {  	v5 =	vadd.s32 v1, v5;
	_ =	sdelay $0x3  }
0x61: {  	s24 =	simm.s32 $0x9100;
	v4 =	vperm.xlane v4, v2  }
0x62: {  	[tilespmem:s24], [sflag:$0x1] =	stream.indirect_vreg.gather [hbm4b:s1+s3], $0x80, v5, vm0, $0xb8;
	[tilespmem:$0x18100] =	vst v63  }
0x63: {  	v4 =	vadd.s32 v1, v4;
	s24 =	simm.s32 $0x9900  }
0x64: {  	[tilespmem:s24], [sflag:$0x1] =	stream.indirect_vreg.gather [hbm4b:s8+s3], $0x80, v5, vm0, $0xb8;
	[tilespmem:$0x18100] =	vst v63  }
0x65: {  	s24 =	simm.s32 $0xA100  }
0x66: {  	[tilespmem:s24], [sflag:$0x1] =	stream.indirect_vreg.gather [hbm4b:s9+s3], $0x80, v5, vm0, $0xb8;
	[tilespmem:$0x18100] =	vst v63  }
0x67: {  	s24 =	simm.s32 $0xA900  }
0x68: {  	[tilespmem:s24], [sflag:$0x1] =	stream.indirect_vreg.gather [hbm4b:s1+s3], $0x80, v4, vm0, $0xb8;
	[tilespmem:$0x18100] =	vst v63  }
0x69: {  	s24 =	simm.s32 $0xB100  }
0x6a: {  	[tilespmem:s24], [sflag:$0x1] =	stream.indirect_vreg.gather [hbm4b:s8+s3], $0x80, v4, vm0, $0xb8;
	[tilespmem:$0x18100] =	vst v63  }
0x6b: {  	s24 =	simm.s32 $0xB900  }
0x6c: {  	[tilespmem:s24], [sflag:$0x1] =	stream.indirect_vreg.gather [hbm4b:s9+s3], $0x80, v4, vm0, $0xb8;
	[tilespmem:$0x18100] =	vst v63  }
0x6d: {  	_ =	swait.ge [sflag:s14], $0xC000  }
0x6e: {  	s22 =	sor.u32 s5, s22;
	[sflag:s14] =	ssyncset.done $0x0  }
0x6f: {  	s23 =	simm.s32 @p0 $0x4;
	s22 =	sshrl.u32 s22, $0x3;
	[sflag:s14] =	ssyncadd.s32 $0xFFFF4000  }
0x70: {  	s24 =	smul.u32 $0x300, s22;
	_ =	swait.ge @p0 [sflag:s23], $0xC000  }
0x71: {  	[sflag:s23] =	ssyncset.done @p0 $0x0  }
0x72: {  	s24 =	sadd.s32 s6, s24;
	[sflag:s23] =	ssyncadd.s32 @p0 $0xFFFF4000;
	s23 =	sor.u32 $0x8, s22  }
0x73: {  	[hbm4b:s24+s3] =	stream.linear.scatter [tilespmem:s12], [sflag:$0x3], $0xC000, $0x38;
	[tilespmem:$0x18100] =	vst v63  }
0x74: {  	s24 =	sadd.s32 s4, s23  }
0x75: {  	[tilespmem:s25], [sflag:$0x5] =	stream.linear.gather [hbm4b:s24+s3], $0x40, $0x38;
	[tilespmem:$0x18100] =	vst v63  }
0x76: {  	_ =	swait.ge [sflag:s11], $0x40  }
0x77: {  	[sflag:s11] =	ssyncset.done $0x0  }
0x78: {  	[sflag:s11] =	ssyncadd.s32 $0xFFFFFFC0  }
0x79: {  	v4 =	vld [tilespmem:$0x80];
	_ =	sdelay $0x4  }
0x7a: {  	v5 =	vshrl.u32 v4, $0x3  }
0x7b: {  	v5 =	vmul.u32 $0x30, v5  }
0x7c: {  	v4 =	vand.u32 $0x7, v4  }
0x7d: {  	v4 =	vor.u32 v4, v5  }
0x7e: {  	v5 =	vperm.xlane v4, v0;
	_ =	sdelay $0x1  }
0x7f: {  	v5 =	vadd.s32 v1, v5;
	_ =	sdelay $0x3  }
0x80: {  	v4 =	vperm.xlane v4, v3  }
0x81: {  	[tilespmem:s16], [sflag:$0x2] =	stream.indirect_vreg.gather [hbm4b:s1+s3], $0x80, v5, vm0, $0xb8;
	[tilespmem:$0x18100] =	vst v63  }
0x82: {  	s24 =	simm.s32 $0xC900;
	v4 =	vadd.s32 v1, v4  }
0x83: {  	[tilespmem:s24], [sflag:$0x2] =	stream.indirect_vreg.gather [hbm4b:s8+s3], $0x80, v5, vm0, $0xb8;
	[tilespmem:$0x18100] =	vst v63  }
0x84: {  	s24 =	simm.s32 $0xD100  }
0x85: {  	[tilespmem:s24], [sflag:$0x2] =	stream.indirect_vreg.gather [hbm4b:s9+s3], $0x80, v5, vm0, $0xb8;
	[tilespmem:$0x18100] =	vst v63  }
0x86: {  	s24 =	simm.s32 $0xD900  }
0x87: {  	[tilespmem:s24], [sflag:$0x2] =	stream.indirect_vreg.gather [hbm4b:s1+s3], $0x80, v4, vm0, $0xb8;
	[tilespmem:$0x18100] =	vst v63  }
0x88: {  	s24 =	simm.s32 $0xE100  }
0x89: {  	[tilespmem:s24], [sflag:$0x2] =	stream.indirect_vreg.gather [hbm4b:s8+s3], $0x80, v4, vm0, $0xb8;
	[tilespmem:$0x18100] =	vst v63  }
0x8a: {  	s24 =	simm.s32 $0xE900  }
0x8b: {  	[tilespmem:s24], [sflag:$0x2] =	stream.indirect_vreg.gather [hbm4b:s9+s3], $0x80, v4, vm0, $0xb8;
	[tilespmem:$0x18100] =	vst v63  }
0x8c: {  	v4 =	vld [tilespmem:$0x90];
	_ =	sdelay $0x4  }
0x8d: {  	v5 =	vshrl.u32 v4, $0x3  }
0x8e: {  	v5 =	vmul.u32 $0x30, v5  }
0x8f: {  	v4 =	vand.u32 $0x7, v4  }
0x90: {  	v4 =	vor.u32 v4, v5  }
0x91: {  	v5 =	vperm.xlane v4, v0;
	_ =	sdelay $0x1  }
0x92: {  	v5 =	vadd.s32 v1, v5;
	_ =	sdelay $0x3  }
0x93: {  	s24 =	simm.s32 $0xF100;
	v4 =	vperm.xlane v4, v3  }
0x94: {  	[tilespmem:s24], [sflag:$0x2] =	stream.indirect_vreg.gather [hbm4b:s1+s3], $0x80, v5, vm0, $0xb8;
	[tilespmem:$0x18100] =	vst v63  }
0x95: {  	v4 =	vadd.s32 v1, v4;
	s24 =	simm.s32 $0xF900  }
0x96: {  	[tilespmem:s24], [sflag:$0x2] =	stream.indirect_vreg.gather [hbm4b:s8+s3], $0x80, v5, vm0, $0xb8;
	[tilespmem:$0x18100] =	vst v63  }
0x97: {  	s24 =	simm.s32 $0x10100  }
0x98: {  	[tilespmem:s24], [sflag:$0x2] =	stream.indirect_vreg.gather [hbm4b:s9+s3], $0x80, v5, vm0, $0xb8;
	[tilespmem:$0x18100] =	vst v63  }
0x99: {  	s24 =	simm.s32 $0x10900  }
0x9a: {  	[tilespmem:s24], [sflag:$0x2] =	stream.indirect_vreg.gather [hbm4b:s1+s3], $0x80, v4, vm0, $0xb8;
	[tilespmem:$0x18100] =	vst v63  }
0x9b: {  	_ = 	snop  }
0x9c: {  	[tilespmem:s26], [sflag:$0x2] =	stream.indirect_vreg.gather [hbm4b:s8+s3], $0x80, v4, vm0, $0xb8;
	[tilespmem:$0x18100] =	vst v63  }
0x9d: {  	_ = 	snop  }
0x9e: {  	[tilespmem:s28], [sflag:$0x2] =	stream.indirect_vreg.gather [hbm4b:s9+s3], $0x80, v4, vm0, $0xb8;
	[tilespmem:$0x18100] =	vst v63  }
0x9f: {  	v4 =	vld [tilespmem:$0xA0];
	_ =	sdelay $0x4  }
0xa0: {  	v5 =	vshrl.u32 v4, $0x3  }
0xa1: {  	v5 =	vmul.u32 $0x30, v5  }
0xa2: {  	v4 =	vand.u32 $0x7, v4  }
0xa3: {  	v4 =	vor.u32 v4, v5  }
0xa4: {  	v5 =	vperm.xlane v4, v0;
	_ =	sdelay $0x1  }
0xa5: {  	v5 =	vadd.s32 v1, v5;
	_ =	sdelay $0x3  }
0xa6: {  	v4 =	vperm.xlane v4, v3  }
0xa7: {  	[tilespmem:s29], [sflag:$0x2] =	stream.indirect_vreg.gather [hbm4b:s1+s3], $0x80, v5, vm0, $0xb8;
	[tilespmem:$0x18100] =	vst v63  }
0xa8: {  	v4 =	vadd.s32 v1, v4  }
0xa9: {  	[tilespmem:s30], [sflag:$0x2] =	stream.indirect_vreg.gather [hbm4b:s8+s3], $0x80, v5, vm0, $0xb8;
	[tilespmem:$0x18100] =	vst v63  }
0xaa: {  	_ = 	snop  }
0xab: {  	[tilespmem:s31], [sflag:$0x2] =	stream.indirect_vreg.gather [hbm4b:s9+s3], $0x80, v5, vm0, $0xb8;
	[tilespmem:$0x18100] =	vst v63  }
0xac: {  	_ = 	snop  }
0xad: {  	[tilespmem:s0], [sflag:$0x2] =	stream.indirect_vreg.gather [hbm4b:s1+s3], $0x80, v4, vm0, $0xb8;
	[tilespmem:$0x18100] =	vst v63  }
0xae: {  	_ = 	snop  }
0xaf: {  	[tilespmem:s2], [sflag:$0x2] =	stream.indirect_vreg.gather [hbm4b:s8+s3], $0x80, v4, vm0, $0xb8;
	[tilespmem:$0x18100] =	vst v63  }
0xb0: {  	_ = 	snop  }
0xb1: {  	[tilespmem:s7], [sflag:$0x2] =	stream.indirect_vreg.gather [hbm4b:s9+s3], $0x80, v4, vm0, $0xb8;
	[tilespmem:$0x18100] =	vst v63  }
0xb2: {  	v4 =	vld [tilespmem:$0xB0];
	_ =	sdelay $0x4  }
0xb3: {  	v5 =	vshrl.u32 v4, $0x3  }
0xb4: {  	v5 =	vmul.u32 $0x30, v5  }
0xb5: {  	v4 =	vand.u32 $0x7, v4  }
0xb6: {  	v4 =	vor.u32 v4, v5  }
0xb7: {  	v5 =	vperm.xlane v4, v0;
	_ =	sdelay $0x1  }
0xb8: {  	v5 =	vadd.s32 v1, v5;
	_ =	sdelay $0x3  }
0xb9: {  	v4 =	vperm.xlane v4, v3  }
0xba: {  	[tilespmem:s10], [sflag:$0x2] =	stream.indirect_vreg.gather [hbm4b:s1+s3], $0x80, v5, vm0, $0xb8;
	[tilespmem:$0x18100] =	vst v63  }
0xbb: {  	v4 =	vadd.s32 v1, v4  }
0xbc: {  	[tilespmem:s13], [sflag:$0x2] =	stream.indirect_vreg.gather [hbm4b:s8+s3], $0x80, v5, vm0, $0xb8;
	[tilespmem:$0x18100] =	vst v63  }
0xbd: {  	_ = 	snop  }
0xbe: {  	[tilespmem:s15], [sflag:$0x2] =	stream.indirect_vreg.gather [hbm4b:s9+s3], $0x80, v5, vm0, $0xb8;
	[tilespmem:$0x18100] =	vst v63  }
0xbf: {  	_ = 	snop  }
0xc0: {  	[tilespmem:s17], [sflag:$0x2] =	stream.indirect_vreg.gather [hbm4b:s1+s3], $0x80, v4, vm0, $0xb8;
	[tilespmem:$0x18100] =	vst v63  }
0xc1: {  	_ = 	snop  }
0xc2: {  	[tilespmem:s18], [sflag:$0x2] =	stream.indirect_vreg.gather [hbm4b:s8+s3], $0x80, v4, vm0, $0xb8;
	[tilespmem:$0x18100] =	vst v63  }
0xc3: {  	_ = 	snop  }
0xc4: {  	[tilespmem:s19], [sflag:$0x2] =	stream.indirect_vreg.gather [hbm4b:s9+s3], $0x80, v4, vm0, $0xb8;
	[tilespmem:$0x18100] =	vst v63  }
0xc5: {  	_ =	swait.ge [sflag:s20], $0xC000  }
0xc6: {  	[sflag:s20] =	ssyncset.done $0x0  }
.Ltmp2:
0xc7: {  	[sflag:s20] =	ssyncadd.s32 $0xFFFF4000;
	(pc) =	sbr.rel @p0 .LBB2_4-.Ltmp2, $4  }
0xc8: {  	s23 =	smul.u32 $0x300, s23;
	_ =	swait.ge [sflag:s21], $0xC000  }
0xc9: {  	[sflag:s21] =	ssyncset.done $0x0  }
0xca: {  	s23 =	sadd.s32 s6, s23;
	[sflag:s21] =	ssyncadd.s32 $0xFFFF4000  }
0xcb: {  	[hbm4b:s23+s3] =	stream.linear.scatter [tilespmem:s16], [sflag:$0x4], $0xC000, $0x38;
	[tilespmem:$0x18100] =	vst v63  }
0xcc: {  	s22 =	sadd.s32 s4, s22  }
0xcd: {  	s22 =	sadd.s32 $0x10, s22  }
0xce: {  	[tilespmem:s3], [sflag:$0x5] =	stream.linear.gather [hbm4b:s22+s3], $0x40, $0x38;
	[tilespmem:$0x18100] =	vst v63  }
0xcf: {  	_ =	swait.ge [sflag:s11], $0x40  }
0xd0: {  	[sflag:s11] =	ssyncset.done $0x0  }
0xd1: {  	[sflag:s11] =	ssyncadd.s32 $0xFFFFFFC0  }
0xd2: {  	v4 =	vld [tilespmem:$0x0];
	_ =	sdelay $0x4  }
0xd3: {  	v5 =	vshrl.u32 v4, $0x3  }
0xd4: {  	v5 =	vmul.u32 $0x30, v5  }
0xd5: {  	v4 =	vand.u32 $0x7, v4  }
0xd6: {  	v4 =	vor.u32 v4, v5  }
0xd7: {  	v5 =	vperm.xlane v4, v0;
	_ =	sdelay $0x1  }
0xd8: {  	v5 =	vadd.s32 v1, v5;
	_ =	sdelay $0x2  }
.Ltmp3:
0xd9: {  	_ = 	snop;
	(pc) =	sbr.rel .LBB2_2-.Ltmp3, $4  }
0xda: {  	_ = 	snop  }
0xdb: {  	[tilespmem:s12], [sflag:$0x1] =	stream.indirect_vreg.gather [hbm4b:s1+s3], $0x80, v5, vm0, $0xb8;
	[tilespmem:$0x18100] =	vst v63  }
0xdc: {  	s24 =	simm.s32 $0x900;
	p0 =	por $0x1, $0x1;
	s22 =	simm.s32 $0x80  }
0xdd: {  	[tilespmem:s24], [sflag:$0x1] =	stream.indirect_vreg.gather [hbm4b:s8+s3], $0x80, v5, vm0, $0xb8;
	[tilespmem:$0x18100] =	vst v63  }
.LBB2_5:
0xde: {  	_ =	sfence.sel $0x180000  }
0xdf: {  	[bflag:$0x0] =	sbarrier.arrive $0xFFFF  }
0xe0: {  	_ =	strace $0x90000059  }
0xe1: {  	s0 =	stileid.u32;
	[bflag:$0x2] =	sbarrier.arrive $0xFFFF  }
0xe2: {  	p0 =	sne.s32 s0, $0x0;
	s0 =	rddreg [dreg:$0x2]  }
0xe3: {  	s0 =	sadd.s32 @!p0 $0x100000, s0  }
0xe4: {  	[sflag:s0] =	ssyncadd.tile.s32 @!p0 $0x1;
	_ =	shalt  }
.Lfunc_end2:
_tile_overlayer_lowered:
.L_overlay_start_2:
0xe5: {  	(tag) =	ssettag $0x2  }
0xe6: {  	s0 =	rddreg [dreg:$0x0];
	s2 =	stileid.u32  }
0xe7: {  	s1 =	rddreg [dreg:$0x1];
	p0 =	sne.s32 s2, $0x0  }
0xe8: {  	s3 =	rddreg [dreg:$0x2];
	[bflag:$0x3] =	sbarrier.arrive $0xFFFF;
	s2 =	simm.s32 @!p0 $0x1C05  }
0xe9: {  	[timem:s3], [sflag:s2] =	dma.local @!p0 [hbm:s0], s1  }
0xea: {  	s0 =	simm.s32 @!p0 $0x5  }
0xeb: {  	_ =	swait.ge @!p0 [sflag:s0], s1  }
0xec: {  	s1 =	ssub.s32 @!p0 $0x0, s1;
	[sflag:s0] =	ssyncset.done @!p0 $0x0  }
0xed: {  	[sflag:s0] =	ssyncadd.s32 @!p0 s1  }
0xee: {  	[bflag:$0x3] =	sbarrier.arrive $0xFFFF  }
0xef: {  	_ =	shalt  }

// kernel: kernel.39.cloned.1.call-start
scs
__scs_entry_jumppad:
0x0: {  	(pc) =	sbr.rel $0x88, $3  }
0x1: {  	(tag) =	ssettag $0x0;
	lr =	simm.s32 $0x1  }
0x2: {  	[smem:$0x3F9A] =	sst lr;
	_ =	strace $0xD0000000  }
0x3: {  	_ = 	snop  }
0x4: {  	_ = 	snop  }
0x5: {  	_ = 	snop  }
0x6: {  	_ = 	snop  }
0x7: {  	_ = 	snop  }
__scs_overlays_trampoline_lowered:
0x8: {  	[smem:$0x3FA9] =	sst s0  }
0x9: {  	[smem:$0x3FAA] =	sst s1  }
0xa: {  	[smem:$0x3FAB] =	sst s2  }
0xb: {  	[smem:$0x3FAC] =	sst s3  }
0xc: {  	[smem:$0x3FAD] =	sst s4  }
0xd: {  	[smem:$0x3FAE] =	sst s5  }
0xe: {  	[smem:$0x3FAF] =	sst s6  }
0xf: {  	[smem:$0x3FB0] =	sst s7  }
0x10: {  	[smem:$0x3FB1] =	sst s8  }
0x11: {  	[smem:$0x3FB2] =	sst s9;
	s0 =	simm.s32 @!p0 $0x0  }
0x12: {  	s1 =	sld [smem:$0x3F98];
	s0 =	simm.s32 @p0 $0x1  }
0x13: {  	[smem:$0x3FB3] =	sst s0;
	s0 =	simm.s32 @!p1 $0x0  }
0x14: {  	s2 =	sld [smem:$0x3F97];
	s0 =	simm.s32 @p1 $0x1  }
0x15: {  	[smem:$0x3FB4] =	sst s0;
	s0 =	simm.s32 @!p2 $0x0  }
0x16: {  	s3 =	sld [smem:$0x3FDB];
	s0 =	simm.s32 @p2 $0x1  }
0x17: {  	s4 =	simm.s32 $0x1BF5;
	[smem:$0x3FB6] =	sst s0  }
0x18: {  	s0 =	sld [smem:$0x3F99];
	_ =	swait.ge [sflag:s4], $0x0  }
0x19: {  	s7 =	sld [smem:$0x3F9A]  }
0x1a: {  	s8 =	sadd.s32 $0xFFFFE003, lr  }
0x1b: {  	s9 =	sadd.s32 $0xFFFFFEF7, lr;
	s5 =	simm.s32 $0xFFFFFFFF;
	p2 =	slt.u32 s8, $0xFFFFF086  }
0x1c: {  	p1 =	slt.u32 s9, $0xF7A;
	s5 =	simm.s32 @!p2 $0x0  }
0x1d: {  	s5 =	simm.s32 @p1 $0x1;
	p0 =	seq.s32 s7, s2  }
0x1e: {  	s7 =	smul.u32 @!p0 $0xF7A, s2;
	p2 =	seq.s32 @!p0 s5, $0x0  }
0x1f: {  	s9 =	smul.u32 $0xF7A, s1;
	s8 =	simm.s32 @!p0 $0x1BF5;
	p2 =	por !p2, p0  }
0x20: {  	[sflag:s8] =	ssyncset.s32 @!p0 $0xFFFFF086;
	s6 =	sadd.s32 @!p0 s3, s7;
	s7 =	simm.s32 @!p0 $0x108  }
0x21: {  	s3 =	sadd.s32 s3, s9;
	s6 =	sadd.s32 @!p0 $0x88, s6;
	s7 =	simm.s32 @p2 $0x1082  }
0x22: {  	[simem:s7], [sflag:s8] =	dma.local @!p0 [hbm:s6], $0xF7A  }
0x23: {  	s9 =	sor.u32 $0xD0000000, s2;
	s6 =	simm.s32 $0x108;
	_ =	swait.ge @!p0 [sflag:s8], $0x0  }
0x24: {  	s3 =	sadd.s32 $0x88, s3;
	s6 =	simm.s32 @!p1 $0x1082;
	[sflag:s4] =	ssyncset.s32 $0xFFFFF086  }
0x25: {  	[simem:s6], [sflag:s4] =	dma.local [hbm:s3], $0xF7A  }
0x26: {  	[smem:$0x3F9A] =	sst s1;
	(tag) =	ssettag s2;
	_ =	strace s9  }
0x27: {  	s1 =	sld [smem:$0x3FAA]  }
0x28: {  	s2 =	sld [smem:$0x3FAB]  }
0x29: {  	s4 =	sld [smem:$0x3FAD]  }
0x2a: {  	p0 =	seq.s32 s5, $0x0;
	s5 =	sld [smem:$0x3FAE]  }
0x2b: {  	s6 =	sld [smem:$0x3FAF]  }
0x2c: {  	s7 =	sld [smem:$0x3FB0]  }
0x2d: {  	s3 =	simm.s32 $0x108;
	s8 =	sld [smem:$0x3FB1]  }
0x2e: {  	s3 =	simm.s32 @!p0 $0x1082;
	s9 =	sld [smem:$0x3FB2]  }
0x2f: {  	lr =	sadd.s32 s0, s3;
	s0 =	sld [smem:$0x3FA9]  }
0x30: {  	s3 =	sld [smem:$0x3FAC]  }
0x31: {  	[smem:$0x3FB5] =	sst s10  }
0x32: {  	s10 =	sld [smem:$0x3FB3];
	_ =	sdelay $0x3  }
0x33: {  	p0 =	seq.s32 s10, $0x1;
	s10 =	sld [smem:$0x3FB5];
	_ =	sdelay $0x3  }
0x34: {  	[smem:$0x3FB5] =	sst s10  }
0x35: {  	s10 =	sld [smem:$0x3FB4];
	_ =	sdelay $0x3  }
0x36: {  	p1 =	seq.s32 s10, $0x1;
	s10 =	sld [smem:$0x3FB5];
	_ =	sdelay $0x3  }
0x37: {  	[smem:$0x3FB5] =	sst s10  }
0x38: {  	s10 =	sld [smem:$0x3FB6]  }
0x39: {  	_ = 	snop;
	(pc) =	sbr.ind lr, $3  }
0x3a: {  	_ = 	snop  }
0x3b: {  	_ = 	snop  }
0x3c: {  	p2 =	seq.s32 s10, $0x1;
	s10 =	sld [smem:$0x3FB5]  }
0x3d: {  	_ =	shalt  }
0x3e: {  	_ =	shalt  }
0x3f: {  	_ =	shalt  }
0x40: {  	_ =	shalt  }
0x41: {  	_ =	shalt  }
0x42: {  	_ =	shalt  }
0x43: {  	_ =	shalt  }
0x44: {  	_ =	shalt  }
0x45: {  	_ =	shalt  }
0x46: {  	_ =	shalt  }
0x47: {  	_ =	shalt  }
0x48: {  	_ =	shalt  }
0x49: {  	_ =	shalt  }
0x4a: {  	_ =	shalt  }
0x4b: {  	_ =	shalt  }
0x4c: {  	_ =	shalt  }
0x4d: {  	_ =	shalt  }
0x4e: {  	_ =	shalt  }
0x4f: {  	_ =	shalt  }
0x50: {  	_ =	shalt  }
0x51: {  	_ =	shalt  }
0x52: {  	_ =	shalt  }
0x53: {  	_ =	shalt  }
0x54: {  	_ =	shalt  }
0x55: {  	_ =	shalt  }
0x56: {  	_ =	shalt  }
0x57: {  	_ =	shalt  }
0x58: {  	_ =	shalt  }
0x59: {  	_ =	shalt  }
0x5a: {  	_ =	shalt  }
0x5b: {  	_ =	shalt  }
0x5c: {  	_ =	shalt  }
0x5d: {  	_ =	shalt  }
0x5e: {  	_ =	shalt  }
0x5f: {  	_ =	shalt  }
0x60: {  	_ =	shalt  }
0x61: {  	_ =	shalt  }
0x62: {  	_ =	shalt  }
0x63: {  	_ =	shalt  }
0x64: {  	_ =	shalt  }
0x65: {  	_ =	shalt  }
0x66: {  	_ =	shalt  }
0x67: {  	_ =	shalt  }
0x68: {  	_ =	shalt  }
0x69: {  	_ =	shalt  }
0x6a: {  	_ =	shalt  }
0x6b: {  	_ =	shalt  }
0x6c: {  	_ =	shalt  }
0x6d: {  	_ =	shalt  }
0x6e: {  	_ =	shalt  }
0x6f: {  	_ =	shalt  }
0x70: {  	_ =	shalt  }
0x71: {  	_ =	shalt  }
0x72: {  	_ =	shalt  }
0x73: {  	_ =	shalt  }
0x74: {  	_ =	shalt  }
0x75: {  	_ =	shalt  }
0x76: {  	_ =	shalt  }
0x77: {  	_ =	shalt  }
0x78: {  	_ =	shalt  }
0x79: {  	_ =	shalt  }
0x7a: {  	_ =	shalt  }
0x7b: {  	_ =	shalt  }
0x7c: {  	_ =	shalt  }
0x7d: {  	_ =	shalt  }
0x7e: {  	_ =	shalt  }
0x7f: {  	_ =	shalt  }
0x80: {  	_ =	shalt  }
0x81: {  	_ =	shalt  }
0x82: {  	_ =	shalt  }
0x83: {  	_ =	shalt  }
0x84: {  	_ =	shalt  }
0x85: {  	_ =	shalt  }
0x86: {  	_ =	shalt  }
0x87: {  	_ =	shalt  }
.Lfunc_end0:
.L_simem_size_0:
called_computation.7_lowered:
.L_overlay_start_0:
0x88: {  	s2 =	sld [smem:$0x3FD9]  }
0x89: {  	s3 =	sld [smem:$0x3FFE];
	_ =	sdelay $0x1  }
0x8a: {  	s1 =	srdreg.scid  }
0x8b: {  	s0 =	sand.u32 $0x1, s1  }
0x8c: {  	s17 =	sshll.u32 s0, $0xA;
	s2 =	sadd.s32 s3, s2  }
0x8d: {  	s2 =	sadd.s32 s2, s17  }
0x8e: {  	[smem:$0x3FC1] =	sst s2  }
0x8f: {  	_ = 	snop  }
0x90: {  	s18 =	sld [smem:$0x3FC7];
	(tm) =	ssettm $0x1  }
0x91: {  	s19 =	sld [smem:$0x3FFB];
	_ =	sdelay $0x3  }
0x92: {  	_ =	strace s19  }
0x93: {  	s2 =	sld [smem:$0x3FFC];
	_ =	sdelay $0x3  }
0x94: {  	_ =	strace s2  }
0x95: {  	s2 =	sld [smem:$0x3FFD];
	_ =	sdelay $0x3  }
0x96: {  	_ =	strace s2  }
0x97: {  	_ =	strace $0x8FFFFFFF  }
0x98: {  	s20 =	sld [smem:$0x3FDB];
	_ =	sdelay $0x1  }
0x99: {  	s4 =	simm.s32 $_scs_section_size  }
0x9a: {  	s5 =	simm.s32 $_size__tile_overlayer_lowered;
	s6 =	simm.s32 $_tile_overlayer_lowered  }
0x9b: {  	s7 =	simm.s32 $0x1BFF;
	s21 =	sshll.u32 s6, $0x1;
	s4 =	sadd.s32 s4, s20  }
0x9c: {  	s22 =	simm.s32 $0x0;
	s5 =	sshll.u32 s5, $0x1;
	s6 =	sadd.s32 s21, s4  }
0x9d: {  	[timem:s22], [sflag:s7] =	dma.local [hbm:s6], s5  }
0x9e: {  	_ =	swait.ge [sflag:s7], s5  }
0x9f: {  	s5 =	ssub.s32 $0x0, s5;
	[sflag:s7] =	ssyncset.done $0x0  }
0xa0: {  	[sflag:s7] =	ssyncadd.s32 s5;
	_ =	sdelay $0x1  }
0xa1: {  	s23 =	simm.s32 $0x1B8B  }
0xa2: {  	_ =	swait.ge [sflag:s23], $0x1  }
0xa3: {  	[sflag:s23] =	ssyncset.done $0x0  }
0xa4: {  	[sflag:s23] =	ssyncadd.s32 $0xFFFFFFFF  }
0xa5: {  	s5 =	sld [smem:$0x0]  }
0xa6: {  	s6 =	sand.u32 $0xFFFFFFFE, s1  }
0xa7: {  	p0 =	sne.s32 s1, s6  }
0xa8: {  	s6 =	sshll.u32 @p0 s6, $0xE  }
0xa9: {  	s6 =	sadd.s32 @p0 $0x11B8D, s6;
	s7 =	sshll.u32 @p0 s5, $0x11  }
0xaa: {  	s6 =	sor.u32 @p0 s7, s6  }
0xab: {  	[sflag:s6] =	ssyncadd.remote.s32 @p0 $0x1;
	_ =	sdelay $0x1  }
0xac: {  	s6 =	simm.s32 @p0 $0x1B8D  }
0xad: {  	_ =	swait.eq @p0 [sflag:s6], $0x1  }
0xae: {  	[sflag:s6] =	ssyncadd.s32 @p0 $0xFFFFFFFF  }
0xaf: {  	s7 =	sshll.u32 @!p0 s1, $0xE  }
0xb0: {  	s7 =	sor.u32 @!p0 $0x4000, s7;
	s6 =	simm.s32 @!p0 $0x1B8D  }
0xb1: {  	s5 =	sshll.u32 @!p0 s5, $0x11;
	s7 =	sadd.s32 @!p0 $0x11B8D, s7;
	_ =	swait.eq @!p0 [sflag:s6], $0x1  }
0xb2: {  	s5 =	sor.u32 @!p0 s5, s7;
	[sflag:s6] =	ssyncadd.s32 @!p0 $0xFFFFFFFF  }
0xb3: {  	s25 =	simm.s32 $0x1B8E;
	s24 =	sld [smem:$0x3FFE];
	[sflag:s5] =	ssyncadd.remote.s32 @!p0 $0x1  }
0xb4: {  	s26 =	simm.s32 $execute0_lowered;
	[smem:$0x3FD2] =	sst s25  }
0xb5: {  	s6 =	sshll.u32 s26, $0x1;
	_ =	strace $0x8000005B;
	[dreg:$0x1] =	wrdreg $0xFFFFFFFF  }
0xb6: {  	s28 =	simm.s32 $_size_execute0_lowered;
	s4 =	sadd.s32 s4, s6;
	[dreg:$0x0] =	wrdreg $0x0  }
0xb7: {  	s6 =	sshll.u32 s28, $0x1;
	[dreg:$0x2] =	wrdreg s4  }
0xb8: {  	[dreg:$0x3] =	wrdreg s6  }
0xb9: {  	[dreg:$0x4] =	wrdreg $0xC0  }
0xba: {  	_ =	task [dreg:s22], $0x5FFFF  }
0xbb: {  	[dreg:$0x1] =	wrdreg $0xFFFFFFFF  }
0xbc: {  	[dreg:$0x0] =	wrdreg $0x60  }
0xbd: {  	[dreg:$0x2] =	wrdreg s24  }
0xbe: {  	[dreg:$0x3] =	wrdreg s18  }
0xbf: {  	[dreg:$0x4] =	wrdreg $0x10  }
0xc0: {  	_ =	task.clear_ibuf [dreg:s22], $0x5FFFF;
	_ =	strace $0x9000005B  }
0xc1: {  	s29 =	simm.s32 $0x10;
	_ =	strace $0x8000005D  }
0xc2: {  	_ =	swait.ge [sflag:s29], $0x1  }
0xc3: {  	[sflag:s29] =	ssyncadd.s32 $0xFFFFFFFF  }
0xc4: {  	_ =	strace $0x9000005D  }
0xc5: {  	_ =	sfence  }
0xc6: {  	s30 =	sld [smem:$0x0];
	_ =	sdelay $0x2  }
0xc7: {  	s31 =	sshll.u32 s1, $0xD;
	s1 =	sshrl.u32 s1, $0x2  }
0xc8: {  	s4 =	sand.u32 $0x4000, s31;
	s1 =	sadd.s32 s1, s30  }
0xc9: {  	s0 =	sor.u32 s4, s0;
	s1 =	sshll.u32 s1, $0x11  }
0xca: {  	s0 =	sor.u32 s1, s0  }
0xcb: {  	s0 =	sadd.s32 $0x8F2B, s0  }
0xcc: {  	[sflag:s0] =	ssyncadd.remote.s32 $0x1  }
0xcd: {  	_ =	sfence.sel $0xFFFF  }
0xce: {  	[dreg:$0x0] =	wrdreg $0xFFFFFFFF;
	(pc) =	sbr.abs _section_cstart, $3  }
0xcf: {  	[dreg:$0x1] =	wrdreg $0xFFFFFFFF  }
0xd0: {  	_ =	task.clear_ibuf [dreg:s22], $0x2FFFF;
	_ =	strace $0x9FFFFFFF  }
0xd1: {  	(tm) =	ssettm $0x7FFFFFFF  }
tec
execute0_lowered:
.L_overlay_start_1:
0x0: {  	(tag) =	ssettag $0x1  }
0x1: {  	s0 =	rddreg [dreg:$0x0]  }
0x2: {  	s1 =	rddreg [dreg:$0x1];
	s3 =	simm.s32 $0x0;
	s2 =	srdreg.scid  }
0x3: {  	s4 =	stileid.u32;
	s11 =	simm.s32 $0x5;
	s12 =	simm.s32 $0x100  }
0x4: {  	s14 =	simm.s32 $0x1;
	s16 =	simm.s32 $0xC100;
	s28 =	simm.s32 $0x11900  }
0x5: {  	s29 =	simm.s32 $0x12100;
	s30 =	simm.s32 $0x12900;
	s31 =	simm.s32 $0x13100  }
0x6: {  	s10 =	simm.s32 $0x15100;
	s13 =	simm.s32 $0x15900;
	s15 =	simm.s32 $0x16100  }
0x7: {  	s17 =	simm.s32 $0x16900;
	s18 =	simm.s32 $0x17100;
	s19 =	simm.s32 $0x17900  }
0x8: {  	s20 =	simm.s32 $0x2;
	s21 =	simm.s32 $0x3;
	s24 =	simm.s32 $0x0  }
0x9: {  	[smem:$0x7FF] =	sst s3;
	s2 =	sand.u32 $0x1, s2;
	s5 =	sshll.u32 s4, $0x9  }
0xa: {  	s4 =	sadd.s32 $0x5C00, s0;
	s8 =	sadd.s32 $0x100, s1;
	s9 =	sadd.s32 $0x200, s1  }
0xb: {  	_ =	strace $0x8000005C;
	s6 =	sshll.u32 s2, $0x8;
	s2 =	ssub.s32 $0x2, s2  }
.Ltmp0:
0xc: {  	s5 =	sor.u32 s6, s5;
	s25 =	sshrl.u32 s2, $0x1;
	(pc) =	sbr.rel .LBB2_1-.Ltmp0, $4  }
0xd: {  	s6 =	sadd.s32 $0x546800, s0;
	s7 =	sshrl.u32 s5, $0x3;
	s0 =	ssub.s32 s2, s25  }
0xe: {  	v3 =	vlaneseq.u32;
	s2 =	simm.s32 $0x14100;
	s25 =	simm.s32 $0x80;
	s26 =	sadd.s32 s4, s7  }
0xf: {  	vm0 =	vmmov $0xffff;
	v1 =	vshrl.u32 v3, $0x3;
	v0 =	vand.u32 $0x7, v3;
	s0 =	smax.u32 s0, $0x1;
	s7 =	simm.s32 $0x14900;
	[dreg:$0x3] =	wrdreg s26  }
0x10: {  	v3 =	vor.u32 $0x8, v3;
	v1 =	vmul.u32 $0x8, v1;
	v2 =	vor.u32 $0x8, v0;
	[dreg:$0x4] =	wrdreg s0;
	s26 =	simm.s32 $0x11100;
	s0 =	simm.s32 $0x13900  }
.LBB2_4:
0x11: {  	s23 =	simm.s32 $0x4  }
0x12: {  	_ =	swait.ge [sflag:s23], $0xC000  }
0x13: {  	s24 =	rddreg [dreg:$0x5]  }
0x14: {  	s22 =	rddreg [dreg:$0x4];
	s24 =	sadd.s32 $0x1, s24  }
0x15: {  	p0 =	sne.s32 s24, s22  }
.Ltmp1:
0x16: {  	_ = 	snop;
	(pc) =	sbr.rel @!p0 .LBB2_5-.Ltmp1, $3  }
0x17: {  	_ =	sdelay $0x1  }
0x18: {  	[sflag:s23] =	ssyncset.done $0x0  }
0x19: {  	[sflag:s23] =	ssyncadd.s32 $0xFFFF4000  }
.LBB2_1:
0x1a: {  	[dreg:$0x5] =	wrdreg s24  }
0x1b: {  	s22 =	rddreg [dreg:$0x3]  }
0x1c: {  	[tilespmem:s3], [sflag:$0x5] =	stream.linear.gather [hbm4b:s22+s3], $0x40, $0x38;
	[tilespmem:$0x18100] =	vst v63  }
0x1d: {  	_ =	swait.ge [sflag:s11], $0x40  }
0x1e: {  	[sflag:s11] =	ssyncset.done $0x0  }
0x1f: {  	[sflag:s11] =	ssyncadd.s32 $0xFFFFFFC0  }
0x20: {  	v4 =	vld [tilespmem:$0x0];
	_ =	sdelay $0x4  }
0x21: {  	v5 =	vshrl.u32 v4, $0x3  }
0x22: {  	v5 =	vmul.u32 $0x30, v5  }
0x23: {  	v4 =	vand.u32 $0x7, v4  }
0x24: {  	v4 =	vor.u32 v4, v5  }
0x25: {  	v5 =	vperm.xlane v4, v0;
	_ =	sdelay $0x1  }
0x26: {  	v5 =	vadd.s32 v1, v5;
	_ =	sdelay $0x4  }
0x27: {  	[tilespmem:s12], [sflag:$0x1] =	stream.indirect_vreg.gather [hbm4b:s1+s3], $0x80, v5, vm0, $0xb8;
	[tilespmem:$0x18100] =	vst v63  }
0x28: {  	s24 =	simm.s32 $0x900;
	p0 =	por $0x0, $0x0;
	s22 =	simm.s32 $0x0  }
0x29: {  	[tilespmem:s24], [sflag:$0x1] =	stream.indirect_vreg.gather [hbm4b:s8+s3], $0x80, v5, vm0, $0xb8;
	[tilespmem:$0x18100] =	vst v63  }
.LBB2_2:
0x2a: {  	v4 =	vperm.xlane v4, v2;
	_ =	sdelay $0x1  }
0x2b: {  	v4 =	vadd.s32 v1, v4;
	_ =	sdelay $0x1  }
0x2c: {  	s23 =	simm.s32 $0x1100  }
0x2d: {  	[tilespmem:s23], [sflag:$0x1] =	stream.indirect_vreg.gather [hbm4b:s9+s3], $0x80, v5, vm0, $0xb8;
	[tilespmem:$0x18100] =	vst v63  }
0x2e: {  	s24 =	simm.s32 $0x1900  }
0x2f: {  	[tilespmem:s24], [sflag:$0x1] =	stream.indirect_vreg.gather [hbm4b:s1+s3], $0x80, v4, vm0, $0xb8;
	[tilespmem:$0x18100] =	vst v63  }
0x30: {  	s24 =	simm.s32 $0x2100  }
0x31: {  	[tilespmem:s24], [sflag:$0x1] =	stream.indirect_vreg.gather [hbm4b:s8+s3], $0x80, v4, vm0, $0xb8;
	[tilespmem:$0x18100] =	vst v63  }
0x32: {  	s24 =	simm.s32 $0x2900  }
0x33: {  	[tilespmem:s24], [sflag:$0x1] =	stream.indirect_vreg.gather [hbm4b:s9+s3], $0x80, v4, vm0, $0xb8;
	[tilespmem:$0x18100] =	vst v63  }
0x34: {  	v4 =	vld [tilespmem:$0x10];
	_ =	sdelay $0x4  }
0x35: {  	v5 =	vshrl.u32 v4, $0x3  }
0x36: {  	v5 =	vmul.u32 $0x30, v5  }
0x37: {  	v4 =	vand.u32 $0x7, v4  }
0x38: {  	v4 =	vor.u32 v4, v5  }
0x39: {  	v5 =	vperm.xlane v4, v0;
	_ =	sdelay $0x1  }
0x3a: {  	v5 =	vadd.s32 v1, v5;
	_ =	sdelay $0x3  }
0x3b: {  	s24 =	simm.s32 $0x3100;
	v4 =	vperm.xlane v4, v2  }
0x3c: {  	[tilespmem:s24], [sflag:$0x1] =	stream.indirect_vreg.gather [hbm4b:s1+s3], $0x80, v5, vm0, $0xb8;
	[tilespmem:$0x18100] =	vst v63  }
0x3d: {  	v4 =	vadd.s32 v1, v4;
	s24 =	simm.s32 $0x3900  }
0x3e: {  	[tilespmem:s24], [sflag:$0x1] =	stream.indirect_vreg.gather [hbm4b:s8+s3], $0x80, v5, vm0, $0xb8;
	[tilespmem:$0x18100] =	vst v63  }
0x3f: {  	s24 =	simm.s32 $0x4100  }
0x40: {  	[tilespmem:s24], [sflag:$0x1] =	stream.indirect_vreg.gather [hbm4b:s9+s3], $0x80, v5, vm0, $0xb8;
	[tilespmem:$0x18100] =	vst v63  }
0x41: {  	s24 =	simm.s32 $0x4900  }
0x42: {  	[tilespmem:s24], [sflag:$0x1] =	stream.indirect_vreg.gather [hbm4b:s1+s3], $0x80, v4, vm0, $0xb8;
	[tilespmem:$0x18100] =	vst v63  }
0x43: {  	s24 =	simm.s32 $0x5100  }
0x44: {  	[tilespmem:s24], [sflag:$0x1] =	stream.indirect_vreg.gather [hbm4b:s8+s3], $0x80, v4, vm0, $0xb8;
	[tilespmem:$0x18100] =	vst v63  }
0x45: {  	s24 =	simm.s32 $0x5900  }
0x46: {  	[tilespmem:s24], [sflag:$0x1] =	stream.indirect_vreg.gather [hbm4b:s9+s3], $0x80, v4, vm0, $0xb8;
	[tilespmem:$0x18100] =	vst v63  }
0x47: {  	v4 =	vld [tilespmem:$0x20];
	_ =	sdelay $0x4  }
0x48: {  	v5 =	vshrl.u32 v4, $0x3  }
0x49: {  	v5 =	vmul.u32 $0x30, v5  }
0x4a: {  	v4 =	vand.u32 $0x7, v4  }
0x4b: {  	v4 =	vor.u32 v4, v5  }
0x4c: {  	v5 =	vperm.xlane v4, v0;
	_ =	sdelay $0x1  }
0x4d: {  	v5 =	vadd.s32 v1, v5;
	_ =	sdelay $0x3  }
0x4e: {  	s24 =	simm.s32 $0x6100;
	v4 =	vperm.xlane v4, v2  }
0x4f: {  	[tilespmem:s24], [sflag:$0x1] =	stream.indirect_vreg.gather [hbm4b:s1+s3], $0x80, v5, vm0, $0xb8;
	[tilespmem:$0x18100] =	vst v63  }
0x50: {  	v4 =	vadd.s32 v1, v4;
	s24 =	simm.s32 $0x6900  }
0x51: {  	[tilespmem:s24], [sflag:$0x1] =	stream.indirect_vreg.gather [hbm4b:s8+s3], $0x80, v5, vm0, $0xb8;
	[tilespmem:$0x18100] =	vst v63  }
0x52: {  	s24 =	simm.s32 $0x7100  }
0x53: {  	[tilespmem:s24], [sflag:$0x1] =	stream.indirect_vreg.gather [hbm4b:s9+s3], $0x80, v5, vm0, $0xb8;
	[tilespmem:$0x18100] =	vst v63  }
0x54: {  	s24 =	simm.s32 $0x7900  }
0x55: {  	[tilespmem:s24], [sflag:$0x1] =	stream.indirect_vreg.gather [hbm4b:s1+s3], $0x80, v4, vm0, $0xb8;
	[tilespmem:$0x18100] =	vst v63  }
0x56: {  	s24 =	simm.s32 $0x8100  }
0x57: {  	[tilespmem:s24], [sflag:$0x1] =	stream.indirect_vreg.gather [hbm4b:s8+s3], $0x80, v4, vm0, $0xb8;
	[tilespmem:$0x18100] =	vst v63  }
0x58: {  	s24 =	simm.s32 $0x8900  }
0x59: {  	[tilespmem:s24], [sflag:$0x1] =	stream.indirect_vreg.gather [hbm4b:s9+s3], $0x80, v4, vm0, $0xb8;
	[tilespmem:$0x18100] =	vst v63  }
0x5a: {  	v4 =	vld [tilespmem:$0x30];
	_ =	sdelay $0x4  }
0x5b: {  	v5 =	vshrl.u32 v4, $0x3  }
0x5c: {  	v5 =	vmul.u32 $0x30, v5  }
0x5d: {  	v4 =	vand.u32 $0x7, v4  }
0x5e: {  	v4 =	vor.u32 v4, v5  }
0x5f: {  	v5 =	vperm.xlane v4, v0;
	_ =	sdelay $0x1  }
0x60: {  	v5 =	vadd.s32 v1, v5;
	_ =	sdelay $0x3  }
0x61: {  	s24 =	simm.s32 $0x9100;
	v4 =	vperm.xlane v4, v2  }
0x62: {  	[tilespmem:s24], [sflag:$0x1] =	stream.indirect_vreg.gather [hbm4b:s1+s3], $0x80, v5, vm0, $0xb8;
	[tilespmem:$0x18100] =	vst v63  }
0x63: {  	v4 =	vadd.s32 v1, v4;
	s24 =	simm.s32 $0x9900  }
0x64: {  	[tilespmem:s24], [sflag:$0x1] =	stream.indirect_vreg.gather [hbm4b:s8+s3], $0x80, v5, vm0, $0xb8;
	[tilespmem:$0x18100] =	vst v63  }
0x65: {  	s24 =	simm.s32 $0xA100  }
0x66: {  	[tilespmem:s24], [sflag:$0x1] =	stream.indirect_vreg.gather [hbm4b:s9+s3], $0x80, v5, vm0, $0xb8;
	[tilespmem:$0x18100] =	vst v63  }
0x67: {  	s24 =	simm.s32 $0xA900  }
0x68: {  	[tilespmem:s24], [sflag:$0x1] =	stream.indirect_vreg.gather [hbm4b:s1+s3], $0x80, v4, vm0, $0xb8;
	[tilespmem:$0x18100] =	vst v63  }
0x69: {  	s24 =	simm.s32 $0xB100  }
0x6a: {  	[tilespmem:s24], [sflag:$0x1] =	stream.indirect_vreg.gather [hbm4b:s8+s3], $0x80, v4, vm0, $0xb8;
	[tilespmem:$0x18100] =	vst v63  }
0x6b: {  	s24 =	simm.s32 $0xB900  }
0x6c: {  	[tilespmem:s24], [sflag:$0x1] =	stream.indirect_vreg.gather [hbm4b:s9+s3], $0x80, v4, vm0, $0xb8;
	[tilespmem:$0x18100] =	vst v63  }
0x6d: {  	_ =	swait.ge [sflag:s14], $0xC000  }
0x6e: {  	s22 =	sor.u32 s5, s22;
	[sflag:s14] =	ssyncset.done $0x0  }
0x6f: {  	s23 =	simm.s32 @p0 $0x4;
	s22 =	sshrl.u32 s22, $0x3;
	[sflag:s14] =	ssyncadd.s32 $0xFFFF4000  }
0x70: {  	s24 =	smul.u32 $0x300, s22;
	_ =	swait.ge @p0 [sflag:s23], $0xC000  }
0x71: {  	[sflag:s23] =	ssyncset.done @p0 $0x0  }
0x72: {  	s24 =	sadd.s32 s6, s24;
	[sflag:s23] =	ssyncadd.s32 @p0 $0xFFFF4000;
	s23 =	sor.u32 $0x8, s22  }
0x73: {  	[hbm4b:s24+s3] =	stream.linear.scatter [tilespmem:s12], [sflag:$0x3], $0xC000, $0x38;
	[tilespmem:$0x18100] =	vst v63  }
0x74: {  	s24 =	sadd.s32 s4, s23  }
0x75: {  	[tilespmem:s25], [sflag:$0x5] =	stream.linear.gather [hbm4b:s24+s3], $0x40, $0x38;
	[tilespmem:$0x18100] =	vst v63  }
0x76: {  	_ =	swait.ge [sflag:s11], $0x40  }
0x77: {  	[sflag:s11] =	ssyncset.done $0x0  }
0x78: {  	[sflag:s11] =	ssyncadd.s32 $0xFFFFFFC0  }
0x79: {  	v4 =	vld [tilespmem:$0x80];
	_ =	sdelay $0x4  }
0x7a: {  	v5 =	vshrl.u32 v4, $0x3  }
0x7b: {  	v5 =	vmul.u32 $0x30, v5  }
0x7c: {  	v4 =	vand.u32 $0x7, v4  }
0x7d: {  	v4 =	vor.u32 v4, v5  }
0x7e: {  	v5 =	vperm.xlane v4, v0;
	_ =	sdelay $0x1  }
0x7f: {  	v5 =	vadd.s32 v1, v5;
	_ =	sdelay $0x3  }
0x80: {  	v4 =	vperm.xlane v4, v3  }
0x81: {  	[tilespmem:s16], [sflag:$0x2] =	stream.indirect_vreg.gather [hbm4b:s1+s3], $0x80, v5, vm0, $0xb8;
	[tilespmem:$0x18100] =	vst v63  }
0x82: {  	s24 =	simm.s32 $0xC900;
	v4 =	vadd.s32 v1, v4  }
0x83: {  	[tilespmem:s24], [sflag:$0x2] =	stream.indirect_vreg.gather [hbm4b:s8+s3], $0x80, v5, vm0, $0xb8;
	[tilespmem:$0x18100] =	vst v63  }
0x84: {  	s24 =	simm.s32 $0xD100  }
0x85: {  	[tilespmem:s24], [sflag:$0x2] =	stream.indirect_vreg.gather [hbm4b:s9+s3], $0x80, v5, vm0, $0xb8;
	[tilespmem:$0x18100] =	vst v63  }
0x86: {  	s24 =	simm.s32 $0xD900  }
0x87: {  	[tilespmem:s24], [sflag:$0x2] =	stream.indirect_vreg.gather [hbm4b:s1+s3], $0x80, v4, vm0, $0xb8;
	[tilespmem:$0x18100] =	vst v63  }
0x88: {  	s24 =	simm.s32 $0xE100  }
0x89: {  	[tilespmem:s24], [sflag:$0x2] =	stream.indirect_vreg.gather [hbm4b:s8+s3], $0x80, v4, vm0, $0xb8;
	[tilespmem:$0x18100] =	vst v63  }
0x8a: {  	s24 =	simm.s32 $0xE900  }
0x8b: {  	[tilespmem:s24], [sflag:$0x2] =	stream.indirect_vreg.gather [hbm4b:s9+s3], $0x80, v4, vm0, $0xb8;
	[tilespmem:$0x18100] =	vst v63  }
0x8c: {  	v4 =	vld [tilespmem:$0x90];
	_ =	sdelay $0x4  }
0x8d: {  	v5 =	vshrl.u32 v4, $0x3  }
0x8e: {  	v5 =	vmul.u32 $0x30, v5  }
0x8f: {  	v4 =	vand.u32 $0x7, v4  }
0x90: {  	v4 =	vor.u32 v4, v5  }
0x91: {  	v5 =	vperm.xlane v4, v0;
	_ =	sdelay $0x1  }
0x92: {  	v5 =	vadd.s32 v1, v5;
	_ =	sdelay $0x3  }
0x93: {  	s24 =	simm.s32 $0xF100;
	v4 =	vperm.xlane v4, v3  }
0x94: {  	[tilespmem:s24], [sflag:$0x2] =	stream.indirect_vreg.gather [hbm4b:s1+s3], $0x80, v5, vm0, $0xb8;
	[tilespmem:$0x18100] =	vst v63  }
0x95: {  	v4 =	vadd.s32 v1, v4;
	s24 =	simm.s32 $0xF900  }
0x96: {  	[tilespmem:s24], [sflag:$0x2] =	stream.indirect_vreg.gather [hbm4b:s8+s3], $0x80, v5, vm0, $0xb8;
	[tilespmem:$0x18100] =	vst v63  }
0x97: {  	s24 =	simm.s32 $0x10100  }
0x98: {  	[tilespmem:s24], [sflag:$0x2] =	stream.indirect_vreg.gather [hbm4b:s9+s3], $0x80, v5, vm0, $0xb8;
	[tilespmem:$0x18100] =	vst v63  }
0x99: {  	s24 =	simm.s32 $0x10900  }
0x9a: {  	[tilespmem:s24], [sflag:$0x2] =	stream.indirect_vreg.gather [hbm4b:s1+s3], $0x80, v4, vm0, $0xb8;
	[tilespmem:$0x18100] =	vst v63  }
0x9b: {  	_ = 	snop  }
0x9c: {  	[tilespmem:s26], [sflag:$0x2] =	stream.indirect_vreg.gather [hbm4b:s8+s3], $0x80, v4, vm0, $0xb8;
	[tilespmem:$0x18100] =	vst v63  }
0x9d: {  	_ = 	snop  }
0x9e: {  	[tilespmem:s28], [sflag:$0x2] =	stream.indirect_vreg.gather [hbm4b:s9+s3], $0x80, v4, vm0, $0xb8;
	[tilespmem:$0x18100] =	vst v63  }
0x9f: {  	v4 =	vld [tilespmem:$0xA0];
	_ =	sdelay $0x4  }
0xa0: {  	v5 =	vshrl.u32 v4, $0x3  }
0xa1: {  	v5 =	vmul.u32 $0x30, v5  }
0xa2: {  	v4 =	vand.u32 $0x7, v4  }
0xa3: {  	v4 =	vor.u32 v4, v5  }
0xa4: {  	v5 =	vperm.xlane v4, v0;
	_ =	sdelay $0x1  }
0xa5: {  	v5 =	vadd.s32 v1, v5;
	_ =	sdelay $0x3  }
0xa6: {  	v4 =	vperm.xlane v4, v3  }
0xa7: {  	[tilespmem:s29], [sflag:$0x2] =	stream.indirect_vreg.gather [hbm4b:s1+s3], $0x80, v5, vm0, $0xb8;
	[tilespmem:$0x18100] =	vst v63  }
0xa8: {  	v4 =	vadd.s32 v1, v4  }
0xa9: {  	[tilespmem:s30], [sflag:$0x2] =	stream.indirect_vreg.gather [hbm4b:s8+s3], $0x80, v5, vm0, $0xb8;
	[tilespmem:$0x18100] =	vst v63  }
0xaa: {  	_ = 	snop  }
0xab: {  	[tilespmem:s31], [sflag:$0x2] =	stream.indirect_vreg.gather [hbm4b:s9+s3], $0x80, v5, vm0, $0xb8;
	[tilespmem:$0x18100] =	vst v63  }
0xac: {  	_ = 	snop  }
0xad: {  	[tilespmem:s0], [sflag:$0x2] =	stream.indirect_vreg.gather [hbm4b:s1+s3], $0x80, v4, vm0, $0xb8;
	[tilespmem:$0x18100] =	vst v63  }
0xae: {  	_ = 	snop  }
0xaf: {  	[tilespmem:s2], [sflag:$0x2] =	stream.indirect_vreg.gather [hbm4b:s8+s3], $0x80, v4, vm0, $0xb8;
	[tilespmem:$0x18100] =	vst v63  }
0xb0: {  	_ = 	snop  }
0xb1: {  	[tilespmem:s7], [sflag:$0x2] =	stream.indirect_vreg.gather [hbm4b:s9+s3], $0x80, v4, vm0, $0xb8;
	[tilespmem:$0x18100] =	vst v63  }
0xb2: {  	v4 =	vld [tilespmem:$0xB0];
	_ =	sdelay $0x4  }
0xb3: {  	v5 =	vshrl.u32 v4, $0x3  }
0xb4: {  	v5 =	vmul.u32 $0x30, v5  }
0xb5: {  	v4 =	vand.u32 $0x7, v4  }
0xb6: {  	v4 =	vor.u32 v4, v5  }
0xb7: {  	v5 =	vperm.xlane v4, v0;
	_ =	sdelay $0x1  }
0xb8: {  	v5 =	vadd.s32 v1, v5;
	_ =	sdelay $0x3  }
0xb9: {  	v4 =	vperm.xlane v4, v3  }
0xba: {  	[tilespmem:s10], [sflag:$0x2] =	stream.indirect_vreg.gather [hbm4b:s1+s3], $0x80, v5, vm0, $0xb8;
	[tilespmem:$0x18100] =	vst v63  }
0xbb: {  	v4 =	vadd.s32 v1, v4  }
0xbc: {  	[tilespmem:s13], [sflag:$0x2] =	stream.indirect_vreg.gather [hbm4b:s8+s3], $0x80, v5, vm0, $0xb8;
	[tilespmem:$0x18100] =	vst v63  }
0xbd: {  	_ = 	snop  }
0xbe: {  	[tilespmem:s15], [sflag:$0x2] =	stream.indirect_vreg.gather [hbm4b:s9+s3], $0x80, v5, vm0, $0xb8;
	[tilespmem:$0x18100] =	vst v63  }
0xbf: {  	_ = 	snop  }
0xc0: {  	[tilespmem:s17], [sflag:$0x2] =	stream.indirect_vreg.gather [hbm4b:s1+s3], $0x80, v4, vm0, $0xb8;
	[tilespmem:$0x18100] =	vst v63  }
0xc1: {  	_ = 	snop  }
0xc2: {  	[tilespmem:s18], [sflag:$0x2] =	stream.indirect_vreg.gather [hbm4b:s8+s3], $0x80, v4, vm0, $0xb8;
	[tilespmem:$0x18100] =	vst v63  }
0xc3: {  	_ = 	snop  }
0xc4: {  	[tilespmem:s19], [sflag:$0x2] =	stream.indirect_vreg.gather [hbm4b:s9+s3], $0x80, v4, vm0, $0xb8;
	[tilespmem:$0x18100] =	vst v63  }
0xc5: {  	_ =	swait.ge [sflag:s20], $0xC000  }
0xc6: {  	[sflag:s20] =	ssyncset.done $0x0  }
.Ltmp2:
0xc7: {  	[sflag:s20] =	ssyncadd.s32 $0xFFFF4000;
	(pc) =	sbr.rel @p0 .LBB2_4-.Ltmp2, $4  }
0xc8: {  	s23 =	smul.u32 $0x300, s23;
	_ =	swait.ge [sflag:s21], $0xC000  }
0xc9: {  	[sflag:s21] =	ssyncset.done $0x0  }
0xca: {  	s23 =	sadd.s32 s6, s23;
	[sflag:s21] =	ssyncadd.s32 $0xFFFF4000  }
0xcb: {  	[hbm4b:s23+s3] =	stream.linear.scatter [tilespmem:s16], [sflag:$0x4], $0xC000, $0x38;
	[tilespmem:$0x18100] =	vst v63  }
0xcc: {  	s22 =	sadd.s32 s4, s22  }
0xcd: {  	s22 =	sadd.s32 $0x10, s22  }
0xce: {  	[tilespmem:s3], [sflag:$0x5] =	stream.linear.gather [hbm4b:s22+s3], $0x40, $0x38;
	[tilespmem:$0x18100] =	vst v63  }
0xcf: {  	_ =	swait.ge [sflag:s11], $0x40  }
0xd0: {  	[sflag:s11] =	ssyncset.done $0x0  }
0xd1: {  	[sflag:s11] =	ssyncadd.s32 $0xFFFFFFC0  }
0xd2: {  	v4 =	vld [tilespmem:$0x0];
	_ =	sdelay $0x4  }
0xd3: {  	v5 =	vshrl.u32 v4, $0x3  }
0xd4: {  	v5 =	vmul.u32 $0x30, v5  }
0xd5: {  	v4 =	vand.u32 $0x7, v4  }
0xd6: {  	v4 =	vor.u32 v4, v5  }
0xd7: {  	v5 =	vperm.xlane v4, v0;
	_ =	sdelay $0x1  }
0xd8: {  	v5 =	vadd.s32 v1, v5;
	_ =	sdelay $0x2  }
.Ltmp3:
0xd9: {  	_ = 	snop;
	(pc) =	sbr.rel .LBB2_2-.Ltmp3, $4  }
0xda: {  	_ = 	snop  }
0xdb: {  	[tilespmem:s12], [sflag:$0x1] =	stream.indirect_vreg.gather [hbm4b:s1+s3], $0x80, v5, vm0, $0xb8;
	[tilespmem:$0x18100] =	vst v63  }
0xdc: {  	s24 =	simm.s32 $0x900;
	p0 =	por $0x1, $0x1;
	s22 =	simm.s32 $0x80  }
0xdd: {  	[tilespmem:s24], [sflag:$0x1] =	stream.indirect_vreg.gather [hbm4b:s8+s3], $0x80, v5, vm0, $0xb8;
	[tilespmem:$0x18100] =	vst v63  }
.LBB2_5:
0xde: {  	_ =	sfence.sel $0x180000  }
0xdf: {  	[bflag:$0x0] =	sbarrier.arrive $0xFFFF  }
0xe0: {  	_ =	strace $0x9000005C  }
0xe1: {  	s0 =	stileid.u32;
	[bflag:$0x2] =	sbarrier.arrive $0xFFFF  }
0xe2: {  	p0 =	sne.s32 s0, $0x0;
	s0 =	rddreg [dreg:$0x2]  }
0xe3: {  	s0 =	sadd.s32 @!p0 $0x100000, s0  }
0xe4: {  	[sflag:s0] =	ssyncadd.tile.s32 @!p0 $0x1;
	_ =	shalt  }
.Lfunc_end2:
_tile_overlayer_lowered:
.L_overlay_start_2:
0xe5: {  	(tag) =	ssettag $0x2  }
0xe6: {  	s0 =	rddreg [dreg:$0x0];
	s2 =	stileid.u32  }
0xe7: {  	s1 =	rddreg [dreg:$0x1];
	p0 =	sne.s32 s2, $0x0  }
0xe8: {  	s3 =	rddreg [dreg:$0x2];
	[bflag:$0x3] =	sbarrier.arrive $0xFFFF;
	s2 =	simm.s32 @!p0 $0x1C05  }
0xe9: {  	[timem:s3], [sflag:s2] =	dma.local @!p0 [hbm:s0], s1  }
0xea: {  	s0 =	simm.s32 @!p0 $0x5  }
0xeb: {  	_ =	swait.ge @!p0 [sflag:s0], s1  }
0xec: {  	s1 =	ssub.s32 @!p0 $0x0, s1;
	[sflag:s0] =	ssyncset.done @!p0 $0x0  }
0xed: {  	[sflag:s0] =	ssyncadd.s32 @!p0 s1  }
0xee: {  	[bflag:$0x3] =	sbarrier.arrive $0xFFFF  }
0xef: {  	_ =	shalt  }

</sc_bundles>
